<compile_context>
chip_gen: v7x
topology: tpu7x:2x2x1
jax: 0.10.2.dev20260603
libtpu: 0.0.44.dev20260713+nightly
codegen_flags: <defaults>
</compile_context>

<pallas_src>
import functools

import jax
import jax.numpy as jnp
from jax import lax
from jax.experimental import pallas as pl
from jax.experimental.pallas import tpu as pltpu
from jax.experimental.pallas import tpu_sc as plsc

N_SRC0 = 10000
N_DST0 = 4000
N_DST1 = 2000
HID = 64
HEADS = 4
OUT = 128
D = HID * HEADS

NC = 2
NS = 16
NW = NC * NS
B = 128

f32 = jnp.float32
i32 = jnp.int32



def _tc1_body(img_ref, txt_ref, wimgT_ref, wblkT_ref, wv_ref, bv_ref, we_ref,
              be_ref, wfc1T_ref, a1_ref, z1_ref, s_ref, smax_ref):
    i = pl.program_id(0)
    fi = jnp.dot(img_ref[...], wimgT_ref[...], preferred_element_type=f32)
    ti = jnp.dot(txt_ref[...], wblkT_ref[...], preferred_element_type=f32)
    av = jax.nn.sigmoid(jnp.dot(fi, wv_ref[...], preferred_element_type=f32)
                        + bv_ref[...])
    ae = jax.nn.sigmoid(jnp.dot(ti, we_ref[...], preferred_element_type=f32)
                        + be_ref[...])
    fused = av * fi + ae * ti
    z1 = jnp.dot(fused, wfc1T_ref[...], preferred_element_type=f32)
    s = jnp.dot(z1, a1_ref[...], preferred_element_type=f32)
    z1_ref[...] = z1.astype(jnp.bfloat16)
    s_ref[...] = s
    cm = jnp.max(s, axis=0, keepdims=True)
    col = lax.broadcasted_iota(i32, (1, 8), 1)
    cm = jnp.where((col < 4) | (i < N_DST0 // 400), cm, -3.0e38)

    @pl.when(i == 0)
    def _():
        smax_ref[...] = cm

    @pl.when(i > 0)
    def _():
        smax_ref[...] = jnp.maximum(smax_ref[...], cm)


def _tc1(img, txt, wimgT, wblkT, wv, bv2, we, be2, wfc1T, a1):
    R = 400
    grid = (N_SRC0 // R,)
    full = lambda shape: pl.BlockSpec(shape, lambda i: (0, 0))
    return pl.pallas_call(
        _tc1_body,
        grid=grid,
        in_specs=[
            pl.BlockSpec((R, 256), lambda i: (i, 0)),
            pl.BlockSpec((R, 256), lambda i: (i, 0)),
            full((256, 256)), full((256, 256)), full((256, 256)),
            full((1, 256)), full((256, 256)), full((1, 256)),
            full((256, 256)), full((256, 8)),
        ],
        out_specs=[
            pl.BlockSpec((R, 256), lambda i: (i, 0)),
            pl.BlockSpec((R, 8), lambda i: (i, 0)),
            pl.BlockSpec((1, 8), lambda i: (0, 0)),
        ],
        out_shape=[
            jax.ShapeDtypeStruct((N_SRC0, 256), jnp.bfloat16),
            jax.ShapeDtypeStruct((N_SRC0, 8), f32),
            jax.ShapeDtypeStruct((1, 8), f32),
        ],
    )(img, txt, wimgT, wblkT, wv, bv2, we, be2, wfc1T, a1)



def _make_sc_edge(n_src, dz, hid, heads, n_dst_pad, nb_per):
    rows_pt = n_dst_pad // NS
    waug = dz // 2 + 8
    mesh = plsc.VectorSubcoreMesh(core_axis_name="c", subcore_axis_name="s")

    @functools.partial(
        pl.kernel,
        out_type=[
            jax.ShapeDtypeStruct((NC, n_dst_pad, dz), f32),
            jax.ShapeDtypeStruct((NC, n_dst_pad, 16), f32),
        ],
        mesh=mesh,
        scratch_types=[
            pltpu.VMEM((2, B), i32),
            pltpu.VMEM((B, 16), f32),
            pltpu.VMEM((B, waug), i32),
            pltpu.VMEM((B, dz), f32),
            pltpu.VMEM((B, 16), f32),
            pltpu.VMEM((16,), f32),
            pltpu.VMEM_SHARED((n_dst_pad, dz), f32),
            pltpu.VMEM_SHARED((n_dst_pad, 16), f32),
        ],
        compiler_params=pltpu.CompilerParams(needs_layout_passes=False,
                                             use_tc_tiling_on_sc=False),
    )
    def sc_edge(z_hbm, stab_hbm, m_hbm, eidx_hbm, zrows_hbm, zden_hbm,
                num_out, den_out, eidx_v, drows_v, rows_v, stage_v, wexp_v,
                m_v, acc_sh, den_sh):
        c = lax.axis_index("c")
        s = lax.axis_index("s")
        w = s * NC + c

        pltpu.sync_copy(zrows_hbm, acc_sh.at[pl.ds(s * rows_pt, rows_pt)])
        pltpu.sync_copy(zden_hbm, den_sh.at[pl.ds(s * rows_pt, rows_pt)])
        pltpu.sync_copy(zden_hbm.at[pl.ds(0, B)], wexp_v)
        pltpu.sync_copy(m_hbm, m_v)
        plsc.subcore_barrier()

        lane = lax.iota(i32, 16)
        m_vec = m_v[...]
        ms = [m_vec[h] for h in range(heads)]
        mask_hi = jnp.full((16,), -65536, i32)

        def batch(jb, carry):
            pltpu.sync_copy(eidx_hbm.at[w, jb], eidx_v)
            pltpu.sync_copy(z_hbm.at[eidx_v.at[0]], rows_v)
            pltpu.sync_copy(stab_hbm.at[eidx_v.at[1]], drows_v)
            for k in range(B // 16):
                ev = lane + k * 16
                for h in range(heads):
                    ss = plsc.bitcast(
                        plsc.load_gather(rows_v,
                                         [ev, lane * 0 + dz // 2 + h]), f32)
                    sd = plsc.load_gather(drows_v, [ev, lane * 0 + 4 + h])
                    x = ss + sd
                    e = jnp.where(x > 0, x, x * 0.01)
                    wv = jnp.exp(e - ms[h])
                    plsc.store_scatter(wexp_v, [ev, lane * 0 + h], wv)

            @plsc.parallel_loop(0, B, 1, unroll=4)
            def scale(e):
                wrow = wexp_v[e, pl.ds(0, 16)]
                wh = [wrow[h] for h in range(heads)]
                for c2 in range(dz // 32):
                    h = (c2 * 32) // hid
                    v = rows_v[e, pl.ds(c2 * 16, 16)]
                    evenf = plsc.bitcast(lax.shift_left(v, 16), f32)
                    oddf = plsc.bitcast(lax.bitwise_and(v, mask_hi), f32)
                    stage_v[e, pl.ds(c2 * 32, 16)] = evenf * wh[h]
                    stage_v[e, pl.ds(c2 * 32 + 16, 16)] = oddf * wh[h]

            pltpu.sync_copy(stage_v, acc_sh.at[eidx_v.at[1]], add=True)
            pltpu.sync_copy(wexp_v, den_sh.at[eidx_v.at[1]], add=True)
            return carry

        lax.fori_loop(0, nb_per, batch, 0)
        plsc.subcore_barrier()

        pltpu.sync_copy(acc_sh.at[pl.ds(s * rows_pt, rows_pt)],
                        num_out.at[c, pl.ds(s * rows_pt, rows_pt)])
        pltpu.sync_copy(den_sh.at[pl.ds(s * rows_pt, rows_pt)],
                        den_out.at[c, pl.ds(s * rows_pt, rows_pt)])

    return sc_edge



def _tc2_body(num_ref, den_ref, r1_ref, wfc2T_ref, a2_ref, z2_ref, s2_ref,
              smax2_ref):
    i = pl.program_id(0)
    num = num_ref[0] + num_ref[1]
    den16 = den_ref[0] + den_ref[1]
    denf = jnp.dot(den16, r1_ref[...], preferred_element_type=f32)
    denf = jnp.where(denf == 0.0, 1.0, denf)
    h1 = num / denf
    h1 = jnp.where(h1 > 0, h1, jnp.exp(jnp.minimum(h1, 0.0)) - 1.0)
    z2 = jnp.dot(h1, wfc2T_ref[...], preferred_element_type=f32)
    s2 = jnp.dot(z2, a2_ref[...], preferred_element_type=f32)
    z2_ref[...] = z2.astype(jnp.bfloat16)
    s2_ref[...] = s2
    cm = jnp.max(s2, axis=0, keepdims=True)
    col = lax.broadcasted_iota(i32, (1, 8), 1)
    cm = jnp.where((col < 4) | (i < N_DST1 // 400), cm, -3.0e38)

    @pl.when(i == 0)
    def _():
        smax2_ref[...] = cm

    @pl.when(i > 0)
    def _():
        smax2_ref[...] = jnp.maximum(smax2_ref[...], cm)


def _tc2(num1, den1, r1, wfc2T, a2):
    R = 400
    full = lambda shape: pl.BlockSpec(shape, lambda i: tuple(0 for _ in shape))
    return pl.pallas_call(
        _tc2_body,
        grid=(N_DST0 // R,),
        in_specs=[
            pl.BlockSpec((2, R, 256), lambda i: (0, i, 0)),
            pl.BlockSpec((2, R, 16), lambda i: (0, i, 0)),
            full((16, 256)), full((256, 128)), full((128, 8)),
        ],
        out_specs=[
            pl.BlockSpec((R, 128), lambda i: (i, 0)),
            pl.BlockSpec((R, 8), lambda i: (i, 0)),
            pl.BlockSpec((1, 8), lambda i: (0, 0)),
        ],
        out_shape=[
            jax.ShapeDtypeStruct((N_DST0, 128), jnp.bfloat16),
            jax.ShapeDtypeStruct((N_DST0, 8), f32),
            jax.ShapeDtypeStruct((1, 8), f32),
        ],
    )(num1, den1, r1, wfc2T, a2)



def _tc3_body(num_ref, den_ref, r2_ref, punp_ref, out_ref):
    num = num_ref[0] + num_ref[1]
    den16 = den_ref[0] + den_ref[1]
    denf = jnp.dot(den16, r2_ref[...], preferred_element_type=f32)
    denf = jnp.where(denf == 0.0, 1.0, denf)
    out_ref[...] = jnp.dot(num / denf, punp_ref[...],
                           preferred_element_type=f32)


def _tc3(num2, den2, r2, punp):
    R = 400
    return pl.pallas_call(
        _tc3_body,
        grid=(N_DST1 // R,),
        in_specs=[
            pl.BlockSpec((2, R, 128), lambda i: (0, i, 0)),
            pl.BlockSpec((2, R, 16), lambda i: (0, i, 0)),
            pl.BlockSpec((16, 128), lambda i: (0, 0)),
            pl.BlockSpec((128, 128), lambda i: (0, 0)),
        ],
        out_specs=pl.BlockSpec((R, 128), lambda i: (i, 0)),
        out_shape=jax.ShapeDtypeStruct((N_DST1, 128), f32),
    )(num2, den2, r2, punp)



def _prep_edges(src, dst, e_total, nb_per, dummy_dst, n_garbage, n_src):
    e_pad = NW * nb_per * B
    pad_n = e_pad - e_total
    pad_i = jnp.arange(pad_n, dtype=i32)
    src_p = jnp.concatenate([src, pad_i % n_src])
    dst_p = jnp.concatenate([dst, dummy_dst + (pad_i % n_garbage)])
    return jnp.stack([src_p.reshape(NW, nb_per, B),
                      dst_p.reshape(NW, nb_per, B)], axis=2)


def _head_matrix(att, heads, hid):
    d = heads * hid
    rows = jnp.arange(d)
    hod = rows // hid
    a = jnp.zeros((d, 8), f32)
    a = a.at[rows, hod].set(att[:, :hid].reshape(-1))
    a = a.at[rows, 4 + hod].set(att[:, hid:].reshape(-1))
    return a


def _evenodd_perm(dz):
    j = jnp.arange(dz)
    base = (j // 32) * 32
    within = j % 32
    return base + jnp.where(within < 16, 2 * within, 2 * (within - 16) + 1)


def _expand_matrix(heads, hid, dz):
    r = jnp.zeros((16, dz), f32)
    cols = jnp.arange(dz)
    r = r.at[cols // hid, cols].set(1.0)
    return r


_NB1 = 40
_NB2 = 16

_sc_edge1 = _make_sc_edge(N_SRC0, 256, HID, HEADS, 4096, _NB1)
_sc_edge2 = _make_sc_edge(N_DST0, 128, OUT, 1, 2048, _NB2)


def kernel(image_features, text_features, edge_src0, edge_dst0, edge_src1,
           edge_dst1, W_img, W_blk, Wv, bv, We, be, Wfc1, Wattn1, Wfc2,
           Wattn2):
    a1 = _head_matrix(Wattn1, HEADS, HID)
    a2 = _head_matrix(Wattn2[None, :], 1, OUT)
    r1 = _expand_matrix(HEADS, HID, 256)
    r2 = _expand_matrix(1, OUT, 128)

    z1, s1, smax1 = _tc1(image_features, text_features, W_img.T, W_blk.T, Wv,
                         bv[None, :], We, be[None, :],
                         Wfc1.reshape(D, D).T, a1)

    m4 = jnp.maximum(smax1[0, :4] + smax1[0, 4:8], 0.0)
    m16 = jnp.zeros((16,), f32).at[:4].set(m4)
    eidx1 = _prep_edges(edge_src0, edge_dst0, 160000, _NB1, N_DST0, 96, N_SRC0)
    stab1 = jnp.pad(s1, ((0, 0), (0, 8)))
    z1aug = jnp.concatenate(
        [lax.bitcast_convert_type(z1.reshape(N_SRC0, 128, 2), i32),
         lax.bitcast_convert_type(s1, i32)], axis=1)
    num1, den1 = _sc_edge1(z1aug, stab1, m16, eidx1,
                           jnp.zeros((4096 // NS, 256), f32),
                           jnp.zeros((4096 // NS, 16), f32))

    wfc2T_perm = Wfc2.T[_evenodd_perm(256), :]
    z2, s2, smax2 = _tc2(num1, den1, r1, wfc2T_perm, a2)

    m16b = jnp.zeros((16,), f32).at[0].set(
        jnp.maximum(smax2[0, 0] + smax2[0, 4], 0.0))
    eidx2 = _prep_edges(edge_src1, edge_dst1, 64000, _NB2, N_DST1, 48, N_DST0)
    stab2 = jnp.pad(s2, ((0, 0), (0, 8)))
    z2aug = jnp.concatenate(
        [lax.bitcast_convert_type(z2.reshape(N_DST0, 64, 2), i32),
         lax.bitcast_convert_type(s2, i32)], axis=1)
    num2, den2 = _sc_edge2(z2aug, stab2, m16b, eidx2,
                           jnp.zeros((2048 // NS, 128), f32),
                           jnp.zeros((2048 // NS, 16), f32))

    p2 = _evenodd_perm(128)
    punp = jnp.zeros((128, 128), f32).at[jnp.arange(128), p2].set(1.0)
    return _tc3(num2, den2, r2, punp)

# --- scband reference (transcript-rebuilt; emitter-appended) ---
"""Pipeline reference for scband-gat-28149215658569 (READ-ONLY COPY).

The authoritative reference and input builder live on the scoring server;
editing this copy changes nothing except your own understanding.
"""

import jax, jax.numpy as jnp
import numpy as np

N_SRC0 = 10000
N_DST0 = 4000
N_DST1 = 2000
E0 = 160000
E1 = 64000
IMG_DIM = 256
BLK_DIM = 256
HID = 64
HEADS = 4
OUT = 128
D = HID * HEADS


def setup_inputs(seed: int = 0) -> dict:
    key = jax.random.key(seed)
    ks = jax.random.split(key, 20)
    inp = {}
    inp['image_features'] = jax.random.normal(ks[0], (N_SRC0, IMG_DIM), jnp.float32)
    inp['text_features'] = jax.random.normal(ks[1], (N_SRC0, BLK_DIM), jnp.float32)
    inp['edge_src0'] = jax.random.randint(ks[2], (E0,), 0, N_SRC0, jnp.int32)
    inp['edge_dst0'] = jax.random.randint(ks[3], (E0,), 0, N_DST0, jnp.int32)
    inp['edge_src1'] = jax.random.randint(ks[4], (E1,), 0, N_DST0, jnp.int32)
    inp['edge_dst1'] = jax.random.randint(ks[5], (E1,), 0, N_DST1, jnp.int32)
    # CrossAttentionLayer params (xavier-normal-like scaling)
    inp['W_img'] = jax.random.normal(ks[6], (D, IMG_DIM), jnp.float32) * float(np.sqrt(2.0 / (D + IMG_DIM)))
    inp['W_blk'] = jax.random.normal(ks[7], (D, BLK_DIM), jnp.float32) * float(np.sqrt(2.0 / (D + BLK_DIM)))
    inp['Wv'] = jax.random.normal(ks[8], (D, D), jnp.float32) * float(np.sqrt(2.0 / (D + D)))
    inp['bv'] = jnp.zeros((D,), jnp.float32)
    inp['We'] = jax.random.normal(ks[9], (D, D), jnp.float32) * float(np.sqrt(2.0 / (D + D)))
    inp['be'] = jnp.zeros((D,), jnp.float32)
    # layer1: 4 GAT heads, each fc: [HID, D], attn_fc: [2*HID]
    inp['Wfc1'] = jax.random.normal(ks[10], (HEADS, HID, D), jnp.float32) * float(np.sqrt(2.0) * np.sqrt(2.0 / (HID + D)))
    inp['Wattn1'] = jax.random.normal(ks[11], (HEADS, 2 * HID), jnp.float32) * float(np.sqrt(2.0) * np.sqrt(2.0 / (1 + 2 * HID)))
    # layer2: 1 GAT head, fc: [OUT, D], attn_fc: [2*OUT]
    inp['Wfc2'] = jax.random.normal(ks[12], (OUT, D), jnp.float32) * float(np.sqrt(2.0) * np.sqrt(2.0 / (OUT + D)))
    inp['Wattn2'] = jax.random.normal(ks[13], (2 * OUT,), jnp.float32) * float(np.sqrt(2.0) * np.sqrt(2.0 / (1 + 2 * OUT)))
    return inp


def _gat_head(h, Wfc, Wattn, src, dst, n_dst):
    z = h @ Wfc.T  # [N_src, out]
    z_src = z[src]  # gather
    z_dst = z[dst]  # dst ids < n_dst, z_dst view of z[:n_dst]
    e = jax.nn.leaky_relu(jnp.concatenate([z_src, z_dst], axis=1) @ Wattn)  # [E]
    m = jax.ops.segment_max(e, dst, num_segments=n_dst)
    m = jnp.where(jnp.isfinite(m), m, 0.0)
    m = jax.lax.stop_gradient(m)
    ex = jnp.exp(e - m[dst])
    den = jax.ops.segment_sum(ex, dst, num_segments=n_dst)
    alpha = ex / jnp.where(den == 0, 1.0, den)[dst]
    return jax.ops.segment_sum(alpha[:, None] * z_src, dst, num_segments=n_dst)


def reference(image_features, text_features, edge_src0, edge_dst0, edge_src1, edge_dst1, W_img, W_blk, Wv, bv, We, be, Wfc1, Wattn1, Wfc2, Wattn2):
    # CrossAttentionLayer
    fi = image_features @ W_img.T
    ti = text_features @ W_blk.T
    alpha_v = jax.nn.sigmoid(fi @ Wv + bv)
    alpha_e = jax.nn.sigmoid(ti @ We + be)
    fused = alpha_v * fi + alpha_e * ti  # [N_SRC0, D]
    # layer1: multi-head GAT on block0, merge='cat'
    heads = [_gat_head(fused, Wfc1[i], Wattn1[i], edge_src0, edge_dst0, N_DST0) for i in range(HEADS)]
    h = jnp.concatenate(heads, axis=1)  # [N_DST0, D]
    h = jax.nn.elu(h)
    h = h[:N_DST0]  # truncate to blocks[1].num_src_nodes
    # layer2: single-head GAT on block1
    h2 = _gat_head(h, Wfc2, Wattn2, edge_src1, edge_dst1, N_DST1)  # [N_DST1, OUT]
    return h2

if __name__ == "__main__":
    import jax
    _d = setup_inputs()
    print(jax.jit(kernel)(*tuple(_d.values())))

</pallas_src>

<mosaic_0001>
#map = affine_map<(d0, d1) -> (0, 0)>
#map1 = affine_map<(d0, d1) -> (0)>
#map2 = affine_map<(d0, d1) -> (0, 0, 0, 0)>
#map3 = affine_map<(d0, d1) -> (0, 0, 0)>
module attributes {stable_mosaic.version = 14 : i64} {
  func.func @sc_edge(%arg0: i32, %arg1: i32, %arg2: memref<10000x136xi32, #tpu.memory_space<hbm>>, %arg3: memref<10000x16xf32, #tpu.memory_space<hbm>>, %arg4: memref<16xf32, #tpu.memory_space<hbm>>, %arg5: memref<32x40x2x128xi32, #tpu.memory_space<hbm>>, %arg6: memref<256x256xf32, #tpu.memory_space<hbm>>, %arg7: memref<256x16xf32, #tpu.memory_space<hbm>>, %arg8: memref<2x4096x256xf32, #tpu.memory_space<hbm>>, %arg9: memref<2x4096x16xf32, #tpu.memory_space<hbm>>, %arg10: memref<2x128xi32, #tpu.memory_space<vmem>>, %arg11: memref<128x16xf32, #tpu.memory_space<vmem>>, %arg12: memref<128x136xi32, #tpu.memory_space<vmem>>, %arg13: memref<128x256xf32, #tpu.memory_space<vmem>>, %arg14: memref<128x16xf32, #tpu.memory_space<vmem>>, %arg15: memref<16xf32, #tpu.memory_space<vmem>>, %arg16: memref<4096x256xf32, #tpu.memory_space<vmem_shared>>, %arg17: memref<4096x16xf32, #tpu.memory_space<vmem_shared>>) attributes {dimension_semantics = [#tpu.dimension_semantics<core_parallel>, #tpu.dimension_semantics<subcore_parallel>], iteration_bounds = array<i64: 2, 16>, scalar_prefetch = 0 : i64, scratch_operands = 8 : i64, tpu.core_type = #tpu.core_type<sc_vector_subcore>, window_params = [{transform_indices = #map}, {transform_indices = #map}, {transform_indices = #map1}, {transform_indices = #map2}, {transform_indices = #map}, {transform_indices = #map}, {transform_indices = #map3}, {transform_indices = #map3}]} {
    %mul3A = arith.constant 2 : i32
    %mul3A_0 = arith.muli %arg1, %mul3A : i32
    %add3A = arith.addi %mul3A_0, %arg0 : i32
    %mul3A_1 = arith.constant 256 : i32
    %mul3A_2 = arith.muli %arg1, %mul3A_1 : i32
    "tpu.region"() ({
      %run_scoped3A = tpu.sem_alloc : memref<!tpu.dma_semaphore, #tpu.memory_space<semaphore_mem>>
      %dma_start3A = arith.constant 0 : i32
      %dma_start3A_27 = tpu.memref_slice %arg16[%mul3A_2, %dma_start3A] : memref<4096x256xf32, #tpu.memory_space<vmem_shared>> -> memref<256x256xf32, #tpu.memory_space<vmem_shared>>
      tpu.enqueue_dma source(%arg6 : memref<256x256xf32, #tpu.memory_space<hbm>>) target(%dma_start3A_27 : memref<256x256xf32, #tpu.memory_space<vmem_shared>>) target_semaphore(%run_scoped3A : memref<!tpu.dma_semaphore, #tpu.memory_space<semaphore_mem>>)
      %dma_wait3A = arith.constant 0 : i32
      %dma_wait3A_28 = tpu.memref_slice %arg16[%mul3A_2, %dma_wait3A] : memref<4096x256xf32, #tpu.memory_space<vmem_shared>> -> memref<256x256xf32, #tpu.memory_space<vmem_shared>>
      tpu.wait_dma2 semaphore(%run_scoped3A : memref<!tpu.dma_semaphore, #tpu.memory_space<semaphore_mem>>) src(%arg6 : memref<256x256xf32, #tpu.memory_space<hbm>>) dst(%dma_wait3A_28 : memref<256x256xf32, #tpu.memory_space<vmem_shared>>)
      tpu.yield
    }) : () -> ()
    %mul3A_3 = arith.constant 256 : i32
    %mul3A_4 = arith.muli %arg1, %mul3A_3 : i32
    "tpu.region"() ({
      %run_scoped3A = tpu.sem_alloc : memref<!tpu.dma_semaphore, #tpu.memory_space<semaphore_mem>>
      %dma_start3A = arith.constant 0 : i32
      %dma_start3A_27 = tpu.memref_slice %arg17[%mul3A_4, %dma_start3A] : memref<4096x16xf32, #tpu.memory_space<vmem_shared>> -> memref<256x16xf32, #tpu.memory_space<vmem_shared>>
      tpu.enqueue_dma source(%arg7 : memref<256x16xf32, #tpu.memory_space<hbm>>) target(%dma_start3A_27 : memref<256x16xf32, #tpu.memory_space<vmem_shared>>) target_semaphore(%run_scoped3A : memref<!tpu.dma_semaphore, #tpu.memory_space<semaphore_mem>>)
      %dma_wait3A = arith.constant 0 : i32
      %dma_wait3A_28 = tpu.memref_slice %arg17[%mul3A_4, %dma_wait3A] : memref<4096x16xf32, #tpu.memory_space<vmem_shared>> -> memref<256x16xf32, #tpu.memory_space<vmem_shared>>
      tpu.wait_dma2 semaphore(%run_scoped3A : memref<!tpu.dma_semaphore, #tpu.memory_space<semaphore_mem>>) src(%arg7 : memref<256x16xf32, #tpu.memory_space<hbm>>) dst(%dma_wait3A_28 : memref<256x16xf32, #tpu.memory_space<vmem_shared>>)
      tpu.yield
    }) : () -> ()
    "tpu.region"() ({
      %run_scoped3A = tpu.sem_alloc : memref<!tpu.dma_semaphore, #tpu.memory_space<semaphore_mem>>
      %dma_start3A = arith.constant 0 : i32
      %dma_start3A_27 = arith.constant 0 : i32
      %dma_start3A_28 = tpu.memref_slice %arg7[%dma_start3A, %dma_start3A_27] : memref<256x16xf32, #tpu.memory_space<hbm>> -> memref<128x16xf32, #tpu.memory_space<hbm>>
      %dma_start3A_29 = arith.constant 0 : i32
      %dma_start3A_30 = arith.constant 0 : i32
      %dma_start3A_31 = tpu.memref_slice %arg7[%dma_start3A_29, %dma_start3A_30] : memref<256x16xf32, #tpu.memory_space<hbm>> -> memref<128x16xf32, #tpu.memory_space<hbm>>
      tpu.enqueue_dma source(%dma_start3A_31 : memref<128x16xf32, #tpu.memory_space<hbm>>) target(%arg14 : memref<128x16xf32, #tpu.memory_space<vmem>>) target_semaphore(%run_scoped3A : memref<!tpu.dma_semaphore, #tpu.memory_space<semaphore_mem>>)
      %dma_wait3A = arith.constant 0 : i32
      %dma_wait3A_32 = arith.constant 0 : i32
      %dma_wait3A_33 = tpu.memref_slice %arg7[%dma_wait3A, %dma_wait3A_32] : memref<256x16xf32, #tpu.memory_space<hbm>> -> memref<128x16xf32, #tpu.memory_space<hbm>>
      %dma_wait3A_34 = arith.constant 0 : i32
      %dma_wait3A_35 = arith.constant 0 : i32
      %dma_wait3A_36 = tpu.memref_slice %arg7[%dma_wait3A_34, %dma_wait3A_35] : memref<256x16xf32, #tpu.memory_space<hbm>> -> memref<128x16xf32, #tpu.memory_space<hbm>>
      tpu.wait_dma2 semaphore(%run_scoped3A : memref<!tpu.dma_semaphore, #tpu.memory_space<semaphore_mem>>) src(%dma_wait3A_36 : memref<128x16xf32, #tpu.memory_space<hbm>>) dst(%arg14 : memref<128x16xf32, #tpu.memory_space<vmem>>)
      tpu.yield
    }) : () -> ()
    "tpu.region"() ({
      %run_scoped3A = tpu.sem_alloc : memref<!tpu.dma_semaphore, #tpu.memory_space<semaphore_mem>>
      tpu.enqueue_dma source(%arg4 : memref<16xf32, #tpu.memory_space<hbm>>) target(%arg15 : memref<16xf32, #tpu.memory_space<vmem>>) target_semaphore(%run_scoped3A : memref<!tpu.dma_semaphore, #tpu.memory_space<semaphore_mem>>)
      tpu.wait_dma2 semaphore(%run_scoped3A : memref<!tpu.dma_semaphore, #tpu.memory_space<semaphore_mem>>) src(%arg4 : memref<16xf32, #tpu.memory_space<hbm>>) dst(%arg15 : memref<16xf32, #tpu.memory_space<vmem>>)
      tpu.yield
    }) : () -> ()
    %barrier3A = arith.constant 0 : index
    tpu.barrier barrier_id(%barrier3A)
    %iota3A = tpu.iota {dimensions = array<i32: 0>} : vector<16xi32>
    %get3A = arith.constant 0 : index
    %get3A_5 = tpu.vector_load %arg15[%get3A] {strides = array<i32>} : memref<16xf32, #tpu.memory_space<vmem>>, vector<16xf32>,
    %slice3A = vector.extract_strided_slice %get3A_5 {offsets = [0], sizes = [1], strides = [1]} : vector<16xf32> to vector<1xf32>
    %squeeze3A = vector.extract %slice3A[0] : f32 from vector<1xf32>
    %slice3A_6 = vector.extract_strided_slice %get3A_5 {offsets = [1], sizes = [1], strides = [1]} : vector<16xf32> to vector<1xf32>
    %squeeze3A_7 = vector.extract %slice3A_6[0] : f32 from vector<1xf32>
    %slice3A_8 = vector.extract_strided_slice %get3A_5 {offsets = [2], sizes = [1], strides = [1]} : vector<16xf32> to vector<1xf32>
    %squeeze3A_9 = vector.extract %slice3A_8[0] : f32 from vector<1xf32>
    %slice3A_10 = vector.extract_strided_slice %get3A_5 {offsets = [3], sizes = [1], strides = [1]} : vector<16xf32> to vector<1xf32>
    %squeeze3A_11 = vector.extract %slice3A_10[0] : f32 from vector<1xf32>
    %broadcast_in_dim3A = arith.constant -65536 : i32
    %broadcast_in_dim3A_12 = vector.broadcast %broadcast_in_dim3A : i32 to vector<16xi32>
    %scan3A = arith.constant 0 : i32
    %scan3A_13 = arith.constant 0 : i32
    %scan3A_14 = arith.constant 40 : i32
    %scan3A_15 = arith.addi %scan3A_13, %scan3A_14 : i32
    %scan3A_16 = arith.constant 1 : i32
    scf.for %scan3A_27 = %scan3A_13 to %scan3A_15 step %scan3A_16  : i32 {
      "tpu.region"() ({
        %run_scoped3A_1267 = tpu.sem_alloc : memref<!tpu.dma_semaphore, #tpu.memory_space<semaphore_mem>>
        %dma_start3A = arith.constant 0 : i32
        %dma_start3A_1268 = arith.constant 0 : i32
        %dma_start3A_1269 = tpu.memref_slice %arg5[%add3A, %scan3A_27, %dma_start3A, %dma_start3A_1268] : memref<32x40x2x128xi32, #tpu.memory_space<hbm>> -> memref<1x1x2x128xi32, #tpu.memory_space<hbm>>
        %dma_start3A_1270 = tpu.memref_squeeze %dma_start3A_1269 : memref<1x1x2x128xi32, #tpu.memory_space<hbm>> -> memref<2x128xi32, #tpu.memory_space<hbm>>
        %dma_start3A_1271 = arith.constant 0 : i32
        %dma_start3A_1272 = arith.constant 0 : i32
        %dma_start3A_1273 = tpu.memref_slice %arg5[%add3A, %scan3A_27, %dma_start3A_1271, %dma_start3A_1272] : memref<32x40x2x128xi32, #tpu.memory_space<hbm>> -> memref<1x1x2x128xi32, #tpu.memory_space<hbm>>
        %dma_start3A_1274 = tpu.memref_squeeze %dma_start3A_1273 : memref<1x1x2x128xi32, #tpu.memory_space<hbm>> -> memref<2x128xi32, #tpu.memory_space<hbm>>
        tpu.enqueue_dma source(%dma_start3A_1274 : memref<2x128xi32, #tpu.memory_space<hbm>>) target(%arg10 : memref<2x128xi32, #tpu.memory_space<vmem>>) target_semaphore(%run_scoped3A_1267 : memref<!tpu.dma_semaphore, #tpu.memory_space<semaphore_mem>>)
        %dma_wait3A = arith.constant 0 : i32
        %dma_wait3A_1275 = arith.constant 0 : i32
        %dma_wait3A_1276 = tpu.memref_slice %arg5[%add3A, %scan3A_27, %dma_wait3A, %dma_wait3A_1275] : memref<32x40x2x128xi32, #tpu.memory_space<hbm>> -> memref<1x1x2x128xi32, #tpu.memory_space<hbm>>
        %dma_wait3A_1277 = tpu.memref_squeeze %dma_wait3A_1276 : memref<1x1x2x128xi32, #tpu.memory_space<hbm>> -> memref<2x128xi32, #tpu.memory_space<hbm>>
        %dma_wait3A_1278 = arith.constant 0 : i32
        %dma_wait3A_1279 = arith.constant 0 : i32
        %dma_wait3A_1280 = tpu.memref_slice %arg5[%add3A, %scan3A_27, %dma_wait3A_1278, %dma_wait3A_1279] : memref<32x40x2x128xi32, #tpu.memory_space<hbm>> -> memref<1x1x2x128xi32, #tpu.memory_space<hbm>>
        %dma_wait3A_1281 = tpu.memref_squeeze %dma_wait3A_1280 : memref<1x1x2x128xi32, #tpu.memory_space<hbm>> -> memref<2x128xi32, #tpu.memory_space<hbm>>
        tpu.wait_dma2 semaphore(%run_scoped3A_1267 : memref<!tpu.dma_semaphore, #tpu.memory_space<semaphore_mem>>) src(%dma_wait3A_1281 : memref<2x128xi32, #tpu.memory_space<hbm>>) dst(%arg10 : memref<2x128xi32, #tpu.memory_space<vmem>>)
        tpu.yield
      }) : () -> ()
      %run_scoped3A = arith.constant 0 : i32
      "tpu.region"() ({
        %run_scoped3A_1267 = tpu.sem_alloc : memref<!tpu.dma_semaphore, #tpu.memory_space<semaphore_mem>>
        %dma_start3A = arith.constant 0 : i32
        %dma_start3A_1268 = tpu.memref_slice %arg10[%run_scoped3A, %dma_start3A] : memref<2x128xi32, #tpu.memory_space<vmem>> -> memref<1x128xi32, #tpu.memory_space<vmem>>
        %dma_start3A_1269 = tpu.memref_squeeze %dma_start3A_1268 : memref<1x128xi32, #tpu.memory_space<vmem>> -> memref<128xi32, #tpu.memory_space<vmem>>
        %dma_start3A_1270 = arith.constant 0 : i32
        %dma_start3A_1271 = arith.constant 0 : i32
        %dma_start3A_1272 = tpu.memref_slice %arg2[%dma_start3A_1270, %dma_start3A_1271] : memref<10000x136xi32, #tpu.memory_space<hbm>> -> memref<10000x136xi32, #tpu.memory_space<hbm>>
        tpu.enqueue_indirect_dma source(%dma_start3A_1272 : memref<10000x136xi32, #tpu.memory_space<hbm>>) target(%arg12 : memref<128x136xi32, #tpu.memory_space<vmem>>) offsets(%dma_start3A_1269 : memref<128xi32, #tpu.memory_space<vmem>>) semaphore(%run_scoped3A_1267 : memref<!tpu.dma_semaphore, #tpu.memory_space<semaphore_mem>>)
        %dma_wait3A = arith.constant 0 : i32
        %dma_wait3A_1273 = tpu.memref_slice %arg10[%run_scoped3A, %dma_wait3A] : memref<2x128xi32, #tpu.memory_space<vmem>> -> memref<1x128xi32, #tpu.memory_space<vmem>>
        %dma_wait3A_1274 = tpu.memref_squeeze %dma_wait3A_1273 : memref<1x128xi32, #tpu.memory_space<vmem>> -> memref<128xi32, #tpu.memory_space<vmem>>
        %dma_wait3A_1275 = arith.constant 0 : i32
        %dma_wait3A_1276 = arith.constant 0 : i32
        %dma_wait3A_1277 = tpu.memref_slice %arg2[%dma_wait3A_1275, %dma_wait3A_1276] : memref<10000x136xi32, #tpu.memory_space<hbm>> -> memref<10000x136xi32, #tpu.memory_space<hbm>>
        tpu.wait_indirect_dma semaphore(%run_scoped3A_1267 : memref<!tpu.dma_semaphore, #tpu.memory_space<semaphore_mem>>) src(%dma_wait3A_1277 : memref<10000x136xi32, #tpu.memory_space<hbm>>) dst(%arg12 : memref<128x136xi32, #tpu.memory_space<vmem>>)
        tpu.yield
      }) : () -> ()
      %run_scoped3A_28 = arith.constant 1 : i32
      "tpu.region"() ({
        %run_scoped3A_1267 = tpu.sem_alloc : memref<!tpu.dma_semaphore, #tpu.memory_space<semaphore_mem>>
        %dma_start3A = arith.constant 0 : i32
        %dma_start3A_1268 = tpu.memref_slice %arg10[%run_scoped3A_28, %dma_start3A] : memref<2x128xi32, #tpu.memory_space<vmem>> -> memref<1x128xi32, #tpu.memory_space<vmem>>
        %dma_start3A_1269 = tpu.memref_squeeze %dma_start3A_1268 : memref<1x128xi32, #tpu.memory_space<vmem>> -> memref<128xi32, #tpu.memory_space<vmem>>
        %dma_start3A_1270 = arith.constant 0 : i32
        %dma_start3A_1271 = arith.constant 0 : i32
        %dma_start3A_1272 = tpu.memref_slice %arg3[%dma_start3A_1270, %dma_start3A_1271] : memref<10000x16xf32, #tpu.memory_space<hbm>> -> memref<10000x16xf32, #tpu.memory_space<hbm>>
        tpu.enqueue_indirect_dma source(%dma_start3A_1272 : memref<10000x16xf32, #tpu.memory_space<hbm>>) target(%arg11 : memref<128x16xf32, #tpu.memory_space<vmem>>) offsets(%dma_start3A_1269 : memref<128xi32, #tpu.memory_space<vmem>>) semaphore(%run_scoped3A_1267 : memref<!tpu.dma_semaphore, #tpu.memory_space<semaphore_mem>>)
        %dma_wait3A = arith.constant 0 : i32
        %dma_wait3A_1273 = tpu.memref_slice %arg10[%run_scoped3A_28, %dma_wait3A] : memref<2x128xi32, #tpu.memory_space<vmem>> -> memref<1x128xi32, #tpu.memory_space<vmem>>
        %dma_wait3A_1274 = tpu.memref_squeeze %dma_wait3A_1273 : memref<1x128xi32, #tpu.memory_space<vmem>> -> memref<128xi32, #tpu.memory_space<vmem>>
        %dma_wait3A_1275 = arith.constant 0 : i32
        %dma_wait3A_1276 = arith.constant 0 : i32
        %dma_wait3A_1277 = tpu.memref_slice %arg3[%dma_wait3A_1275, %dma_wait3A_1276] : memref<10000x16xf32, #tpu.memory_space<hbm>> -> memref<10000x16xf32, #tpu.memory_space<hbm>>
        tpu.wait_indirect_dma semaphore(%run_scoped3A_1267 : memref<!tpu.dma_semaphore, #tpu.memory_space<semaphore_mem>>) src(%dma_wait3A_1277 : memref<10000x16xf32, #tpu.memory_space<hbm>>) dst(%arg11 : memref<128x16xf32, #tpu.memory_space<vmem>>)
        tpu.yield
      }) : () -> ()
      %add3A_29 = arith.constant 0 : i32
      %add3A_30 = vector.broadcast %add3A_29 : i32 to vector<16xi32>
      %add3A_31 = arith.addi %iota3A, %add3A_30 : vector<16xi32>
      %mul3A_32 = arith.constant 0 : i32
      %mul3A_33 = vector.broadcast %mul3A_32 : i32 to vector<16xi32>
      %mul3A_34 = arith.muli %iota3A, %mul3A_33 : vector<16xi32>
      %add3A_35 = arith.constant 128 : i32
      %add3A_36 = vector.broadcast %add3A_35 : i32 to vector<16xi32>
      %add3A_37 = arith.addi %mul3A_34, %add3A_36 : vector<16xi32>
      %add3A_38 = arith.constant 0 : i32
      %add3A_39 = vector.broadcast %add3A_38 : i32 to vector<16xi32>
      %add3A_40 = arith.addi %add3A_37, %add3A_39 : vector<16xi32>
      %gather3A = tpu.vector_load_idx %arg12[%add3A_31, %add3A_40] : memref<128x136xi32, #tpu.memory_space<vmem>>[vector<16xi32>, vector<16xi32>], vector<16xi32>,
      %bitcast3A = vector.bitcast %gather3A : vector<16xi32> to vector<16xf32>
      %mul3A_41 = arith.constant 0 : i32
      %mul3A_42 = vector.broadcast %mul3A_41 : i32 to vector<16xi32>
      %mul3A_43 = arith.muli %iota3A, %mul3A_42 : vector<16xi32>
      %add3A_44 = arith.constant 4 : i32
      %add3A_45 = vector.broadcast %add3A_44 : i32 to vector<16xi32>
      %add3A_46 = arith.addi %mul3A_43, %add3A_45 : vector<16xi32>
      %add3A_47 = arith.constant 0 : i32
      %add3A_48 = vector.broadcast %add3A_47 : i32 to vector<16xi32>
      %add3A_49 = arith.addi %add3A_46, %add3A_48 : vector<16xi32>
      %gather3A_50 = tpu.vector_load_idx %arg11[%add3A_31, %add3A_49] : memref<128x16xf32, #tpu.memory_space<vmem>>[vector<16xi32>, vector<16xi32>], vector<16xf32>,
      %add3A_51 = arith.addf %bitcast3A, %gather3A_50 : vector<16xf32>
      %gt3A = arith.constant 0.000000e+00 : f32
      %gt3A_52 = vector.broadcast %gt3A : f32 to vector<16xf32>
      %gt3A_53 = arith.cmpf ogt, %add3A_51, %gt3A_52 : vector<16xf32>
      %mul3A_54 = arith.constant 0.00999999977 : f32
      %mul3A_55 = vector.broadcast %mul3A_54 : f32 to vector<16xf32>
      %mul3A_56 = arith.mulf %add3A_51, %mul3A_55 : vector<16xf32>
      %select_n3A = arith.select %gt3A_53, %add3A_51, %mul3A_56 : vector<16xi1>, vector<16xf32>
      %sub3A = vector.broadcast %squeeze3A : f32 to vector<16xf32>
      %sub3A_57 = arith.subf %select_n3A, %sub3A : vector<16xf32>
      %exp3A = math.exp %sub3A_57 : vector<16xf32>
      %mul3A_58 = arith.constant 0 : i32
      %mul3A_59 = vector.broadcast %mul3A_58 : i32 to vector<16xi32>
      %mul3A_60 = arith.muli %iota3A, %mul3A_59 : vector<16xi32>
      %add3A_61 = arith.constant 0 : i32
      %add3A_62 = vector.broadcast %add3A_61 : i32 to vector<16xi32>
      %add3A_63 = arith.addi %mul3A_60, %add3A_62 : vector<16xi32>
      tpu.vector_store_idx %arg14[%add3A_31, %add3A_63], %exp3A : memref<128x16xf32, #tpu.memory_space<vmem>>[vector<16xi32>, vector<16xi32>], vector<16xf32>,
      %mul3A_64 = arith.constant 0 : i32
      %mul3A_65 = vector.broadcast %mul3A_64 : i32 to vector<16xi32>
      %mul3A_66 = arith.muli %iota3A, %mul3A_65 : vector<16xi32>
      %add3A_67 = arith.constant 128 : i32
      %add3A_68 = vector.broadcast %add3A_67 : i32 to vector<16xi32>
      %add3A_69 = arith.addi %mul3A_66, %add3A_68 : vector<16xi32>
      %add3A_70 = arith.constant 1 : i32
      %add3A_71 = vector.broadcast %add3A_70 : i32 to vector<16xi32>
      %add3A_72 = arith.addi %add3A_69, %add3A_71 : vector<16xi32>
      %gather3A_73 = tpu.vector_load_idx %arg12[%add3A_31, %add3A_72] : memref<128x136xi32, #tpu.memory_space<vmem>>[vector<16xi32>, vector<16xi32>], vector<16xi32>,
      %bitcast3A_74 = vector.bitcast %gather3A_73 : vector<16xi32> to vector<16xf32>
      %mul3A_75 = arith.constant 0 : i32
      %mul3A_76 = vector.broadcast %mul3A_75 : i32 to vector<16xi32>
      %mul3A_77 = arith.muli %iota3A, %mul3A_76 : vector<16xi32>
      %add3A_78 = arith.constant 4 : i32
      %add3A_79 = vector.broadcast %add3A_78 : i32 to vector<16xi32>
      %add3A_80 = arith.addi %mul3A_77, %add3A_79 : vector<16xi32>
      %add3A_81 = arith.constant 1 : i32
      %add3A_82 = vector.broadcast %add3A_81 : i32 to vector<16xi32>
      %add3A_83 = arith.addi %add3A_80, %add3A_82 : vector<16xi32>
      %gather3A_84 = tpu.vector_load_idx %arg11[%add3A_31, %add3A_83] : memref<128x16xf32, #tpu.memory_space<vmem>>[vector<16xi32>, vector<16xi32>], vector<16xf32>,
      %add3A_85 = arith.addf %bitcast3A_74, %gather3A_84 : vector<16xf32>
      %gt3A_86 = arith.constant 0.000000e+00 : f32
      %gt3A_87 = vector.broadcast %gt3A_86 : f32 to vector<16xf32>
      %gt3A_88 = arith.cmpf ogt, %add3A_85, %gt3A_87 : vector<16xf32>
      %mul3A_89 = arith.constant 0.00999999977 : f32
      %mul3A_90 = vector.broadcast %mul3A_89 : f32 to vector<16xf32>
      %mul3A_91 = arith.mulf %add3A_85, %mul3A_90 : vector<16xf32>
      %select_n3A_92 = arith.select %gt3A_88, %add3A_85, %mul3A_91 : vector<16xi1>, vector<16xf32>
      %sub3A_93 = vector.broadcast %squeeze3A_7 : f32 to vector<16xf32>
      %sub3A_94 = arith.subf %select_n3A_92, %sub3A_93 : vector<16xf32>
      %exp3A_95 = math.exp %sub3A_94 : vector<16xf32>
      %mul3A_96 = arith.constant 0 : i32
      %mul3A_97 = vector.broadcast %mul3A_96 : i32 to vector<16xi32>
      %mul3A_98 = arith.muli %iota3A, %mul3A_97 : vector<16xi32>
      %add3A_99 = arith.constant 1 : i32
      %add3A_100 = vector.broadcast %add3A_99 : i32 to vector<16xi32>
      %add3A_101 = arith.addi %mul3A_98, %add3A_100 : vector<16xi32>
      tpu.vector_store_idx %arg14[%add3A_31, %add3A_101], %exp3A_95 : memref<128x16xf32, #tpu.memory_space<vmem>>[vector<16xi32>, vector<16xi32>], vector<16xf32>,
      %mul3A_102 = arith.constant 0 : i32
      %mul3A_103 = vector.broadcast %mul3A_102 : i32 to vector<16xi32>
      %mul3A_104 = arith.muli %iota3A, %mul3A_103 : vector<16xi32>
      %add3A_105 = arith.constant 128 : i32
      %add3A_106 = vector.broadcast %add3A_105 : i32 to vector<16xi32>
      %add3A_107 = arith.addi %mul3A_104, %add3A_106 : vector<16xi32>
      %add3A_108 = arith.constant 2 : i32
      %add3A_109 = vector.broadcast %add3A_108 : i32 to vector<16xi32>
      %add3A_110 = arith.addi %add3A_107, %add3A_109 : vector<16xi32>
      %gather3A_111 = tpu.vector_load_idx %arg12[%add3A_31, %add3A_110] : memref<128x136xi32, #tpu.memory_space<vmem>>[vector<16xi32>, vector<16xi32>], vector<16xi32>,
      %bitcast3A_112 = vector.bitcast %gather3A_111 : vector<16xi32> to vector<16xf32>
      %mul3A_113 = arith.constant 0 : i32
      %mul3A_114 = vector.broadcast %mul3A_113 : i32 to vector<16xi32>
      %mul3A_115 = arith.muli %iota3A, %mul3A_114 : vector<16xi32>
      %add3A_116 = arith.constant 4 : i32
      %add3A_117 = vector.broadcast %add3A_116 : i32 to vector<16xi32>
      %add3A_118 = arith.addi %mul3A_115, %add3A_117 : vector<16xi32>
      %add3A_119 = arith.constant 2 : i32
      %add3A_120 = vector.broadcast %add3A_119 : i32 to vector<16xi32>
      %add3A_121 = arith.addi %add3A_118, %add3A_120 : vector<16xi32>
      %gather3A_122 = tpu.vector_load_idx %arg11[%add3A_31, %add3A_121] : memref<128x16xf32, #tpu.memory_space<vmem>>[vector<16xi32>, vector<16xi32>], vector<16xf32>,
      %add3A_123 = arith.addf %bitcast3A_112, %gather3A_122 : vector<16xf32>
      %gt3A_124 = arith.constant 0.000000e+00 : f32
      %gt3A_125 = vector.broadcast %gt3A_124 : f32 to vector<16xf32>
      %gt3A_126 = arith.cmpf ogt, %add3A_123, %gt3A_125 : vector<16xf32>
      %mul3A_127 = arith.constant 0.00999999977 : f32
      %mul3A_128 = vector.broadcast %mul3A_127 : f32 to vector<16xf32>
      %mul3A_129 = arith.mulf %add3A_123, %mul3A_128 : vector<16xf32>
      %select_n3A_130 = arith.select %gt3A_126, %add3A_123, %mul3A_129 : vector<16xi1>, vector<16xf32>
      %sub3A_131 = vector.broadcast %squeeze3A_9 : f32 to vector<16xf32>
      %sub3A_132 = arith.subf %select_n3A_130, %sub3A_131 : vector<16xf32>
      %exp3A_133 = math.exp %sub3A_132 : vector<16xf32>
      %mul3A_134 = arith.constant 0 : i32
      %mul3A_135 = vector.broadcast %mul3A_134 : i32 to vector<16xi32>
      %mul3A_136 = arith.muli %iota3A, %mul3A_135 : vector<16xi32>
      %add3A_137 = arith.constant 2 : i32
      %add3A_138 = vector.broadcast %add3A_137 : i32 to vector<16xi32>
      %add3A_139 = arith.addi %mul3A_136, %add3A_138 : vector<16xi32>
      tpu.vector_store_idx %arg14[%add3A_31, %add3A_139], %exp3A_133 : memref<128x16xf32, #tpu.memory_space<vmem>>[vector<16xi32>, vector<16xi32>], vector<16xf32>,
      %mul3A_140 = arith.constant 0 : i32
      %mul3A_141 = vector.broadcast %mul3A_140 : i32 to vector<16xi32>
      %mul3A_142 = arith.muli %iota3A, %mul3A_141 : vector<16xi32>
      %add3A_143 = arith.constant 128 : i32
      %add3A_144 = vector.broadcast %add3A_143 : i32 to vector<16xi32>
      %add3A_145 = arith.addi %mul3A_142, %add3A_144 : vector<16xi32>
      %add3A_146 = arith.constant 3 : i32
      %add3A_147 = vector.broadcast %add3A_146 : i32 to vector<16xi32>
      %add3A_148 = arith.addi %add3A_145, %add3A_147 : vector<16xi32>
      %gather3A_149 = tpu.vector_load_idx %arg12[%add3A_31, %add3A_148] : memref<128x136xi32, #tpu.memory_space<vmem>>[vector<16xi32>, vector<16xi32>], vector<16xi32>,
      %bitcast3A_150 = vector.bitcast %gather3A_149 : vector<16xi32> to vector<16xf32>
      %mul3A_151 = arith.constant 0 : i32
      %mul3A_152 = vector.broadcast %mul3A_151 : i32 to vector<16xi32>
      %mul3A_153 = arith.muli %iota3A, %mul3A_152 : vector<16xi32>
      %add3A_154 = arith.constant 4 : i32
      %add3A_155 = vector.broadcast %add3A_154 : i32 to vector<16xi32>
      %add3A_156 = arith.addi %mul3A_153, %add3A_155 : vector<16xi32>
      %add3A_157 = arith.constant 3 : i32
      %add3A_158 = vector.broadcast %add3A_157 : i32 to vector<16xi32>
      %add3A_159 = arith.addi %add3A_156, %add3A_158 : vector<16xi32>
      %gather3A_160 = tpu.vector_load_idx %arg11[%add3A_31, %add3A_159] : memref<128x16xf32, #tpu.memory_space<vmem>>[vector<16xi32>, vector<16xi32>], vector<16xf32>,
      %add3A_161 = arith.addf %bitcast3A_150, %gather3A_160 : vector<16xf32>
      %gt3A_162 = arith.constant 0.000000e+00 : f32
      %gt3A_163 = vector.broadcast %gt3A_162 : f32 to vector<16xf32>
      %gt3A_164 = arith.cmpf ogt, %add3A_161, %gt3A_163 : vector<16xf32>
      %mul3A_165 = arith.constant 0.00999999977 : f32
      %mul3A_166 = vector.broadcast %mul3A_165 : f32 to vector<16xf32>
      %mul3A_167 = arith.mulf %add3A_161, %mul3A_166 : vector<16xf32>
      %select_n3A_168 = arith.select %gt3A_164, %add3A_161, %mul3A_167 : vector<16xi1>, vector<16xf32>
      %sub3A_169 = vector.broadcast %squeeze3A_11 : f32 to vector<16xf32>
      %sub3A_170 = arith.subf %select_n3A_168, %sub3A_169 : vector<16xf32>
      %exp3A_171 = math.exp %sub3A_170 : vector<16xf32>
      %mul3A_172 = arith.constant 0 : i32
      %mul3A_173 = vector.broadcast %mul3A_172 : i32 to vector<16xi32>
      %mul3A_174 = arith.muli %iota3A, %mul3A_173 : vector<16xi32>
      %add3A_175 = arith.constant 3 : i32
      %add3A_176 = vector.broadcast %add3A_175 : i32 to vector<16xi32>
      %add3A_177 = arith.addi %mul3A_174, %add3A_176 : vector<16xi32>
      tpu.vector_store_idx %arg14[%add3A_31, %add3A_177], %exp3A_171 : memref<128x16xf32, #tpu.memory_space<vmem>>[vector<16xi32>, vector<16xi32>], vector<16xf32>,
      %add3A_178 = arith.constant 16 : i32
      %add3A_179 = vector.broadcast %add3A_178 : i32 to vector<16xi32>
      %add3A_180 = arith.addi %iota3A, %add3A_179 : vector<16xi32>
      %mul3A_181 = arith.constant 0 : i32
      %mul3A_182 = vector.broadcast %mul3A_181 : i32 to vector<16xi32>
      %mul3A_183 = arith.muli %iota3A, %mul3A_182 : vector<16xi32>
      %add3A_184 = arith.constant 128 : i32
      %add3A_185 = vector.broadcast %add3A_184 : i32 to vector<16xi32>
      %add3A_186 = arith.addi %mul3A_183, %add3A_185 : vector<16xi32>
      %add3A_187 = arith.constant 0 : i32
      %add3A_188 = vector.broadcast %add3A_187 : i32 to vector<16xi32>
      %add3A_189 = arith.addi %add3A_186, %add3A_188 : vector<16xi32>
      %gather3A_190 = tpu.vector_load_idx %arg12[%add3A_180, %add3A_189] : memref<128x136xi32, #tpu.memory_space<vmem>>[vector<16xi32>, vector<16xi32>], vector<16xi32>,
      %bitcast3A_191 = vector.bitcast %gather3A_190 : vector<16xi32> to vector<16xf32>
      %mul3A_192 = arith.constant 0 : i32
      %mul3A_193 = vector.broadcast %mul3A_192 : i32 to vector<16xi32>
      %mul3A_194 = arith.muli %iota3A, %mul3A_193 : vector<16xi32>
      %add3A_195 = arith.constant 4 : i32
      %add3A_196 = vector.broadcast %add3A_195 : i32 to vector<16xi32>
      %add3A_197 = arith.addi %mul3A_194, %add3A_196 : vector<16xi32>
      %add3A_198 = arith.constant 0 : i32
      %add3A_199 = vector.broadcast %add3A_198 : i32 to vector<16xi32>
      %add3A_200 = arith.addi %add3A_197, %add3A_199 : vector<16xi32>
      %gather3A_201 = tpu.vector_load_idx %arg11[%add3A_180, %add3A_200] : memref<128x16xf32, #tpu.memory_space<vmem>>[vector<16xi32>, vector<16xi32>], vector<16xf32>,
      %add3A_202 = arith.addf %bitcast3A_191, %gather3A_201 : vector<16xf32>
      %gt3A_203 = arith.constant 0.000000e+00 : f32
      %gt3A_204 = vector.broadcast %gt3A_203 : f32 to vector<16xf32>
      %gt3A_205 = arith.cmpf ogt, %add3A_202, %gt3A_204 : vector<16xf32>
      %mul3A_206 = arith.constant 0.00999999977 : f32
      %mul3A_207 = vector.broadcast %mul3A_206 : f32 to vector<16xf32>
      %mul3A_208 = arith.mulf %add3A_202, %mul3A_207 : vector<16xf32>
      %select_n3A_209 = arith.select %gt3A_205, %add3A_202, %mul3A_208 : vector<16xi1>, vector<16xf32>
      %sub3A_210 = vector.broadcast %squeeze3A : f32 to vector<16xf32>
      %sub3A_211 = arith.subf %select_n3A_209, %sub3A_210 : vector<16xf32>
      %exp3A_212 = math.exp %sub3A_211 : vector<16xf32>
      %mul3A_213 = arith.constant 0 : i32
      %mul3A_214 = vector.broadcast %mul3A_213 : i32 to vector<16xi32>
      %mul3A_215 = arith.muli %iota3A, %mul3A_214 : vector<16xi32>
      %add3A_216 = arith.constant 0 : i32
      %add3A_217 = vector.broadcast %add3A_216 : i32 to vector<16xi32>
      %add3A_218 = arith.addi %mul3A_215, %add3A_217 : vector<16xi32>
      tpu.vector_store_idx %arg14[%add3A_180, %add3A_218], %exp3A_212 : memref<128x16xf32, #tpu.memory_space<vmem>>[vector<16xi32>, vector<16xi32>], vector<16xf32>,
      %mul3A_219 = arith.constant 0 : i32
      %mul3A_220 = vector.broadcast %mul3A_219 : i32 to vector<16xi32>
      %mul3A_221 = arith.muli %iota3A, %mul3A_220 : vector<16xi32>
      %add3A_222 = arith.constant 128 : i32
      %add3A_223 = vector.broadcast %add3A_222 : i32 to vector<16xi32>
      %add3A_224 = arith.addi %mul3A_221, %add3A_223 : vector<16xi32>
      %add3A_225 = arith.constant 1 : i32
      %add3A_226 = vector.broadcast %add3A_225 : i32 to vector<16xi32>
      %add3A_227 = arith.addi %add3A_224, %add3A_226 : vector<16xi32>
      %gather3A_228 = tpu.vector_load_idx %arg12[%add3A_180, %add3A_227] : memref<128x136xi32, #tpu.memory_space<vmem>>[vector<16xi32>, vector<16xi32>], vector<16xi32>,
      %bitcast3A_229 = vector.bitcast %gather3A_228 : vector<16xi32> to vector<16xf32>
      %mul3A_230 = arith.constant 0 : i32
      %mul3A_231 = vector.broadcast %mul3A_230 : i32 to vector<16xi32>
      %mul3A_232 = arith.muli %iota3A, %mul3A_231 : vector<16xi32>
      %add3A_233 = arith.constant 4 : i32
      %add3A_234 = vector.broadcast %add3A_233 : i32 to vector<16xi32>
      %add3A_235 = arith.addi %mul3A_232, %add3A_234 : vector<16xi32>
      %add3A_236 = arith.constant 1 : i32
      %add3A_237 = vector.broadcast %add3A_236 : i32 to vector<16xi32>
      %add3A_238 = arith.addi %add3A_235, %add3A_237 : vector<16xi32>
      %gather3A_239 = tpu.vector_load_idx %arg11[%add3A_180, %add3A_238] : memref<128x16xf32, #tpu.memory_space<vmem>>[vector<16xi32>, vector<16xi32>], vector<16xf32>,
      %add3A_240 = arith.addf %bitcast3A_229, %gather3A_239 : vector<16xf32>
      %gt3A_241 = arith.constant 0.000000e+00 : f32
      %gt3A_242 = vector.broadcast %gt3A_241 : f32 to vector<16xf32>
      %gt3A_243 = arith.cmpf ogt, %add3A_240, %gt3A_242 : vector<16xf32>
      %mul3A_244 = arith.constant 0.00999999977 : f32
      %mul3A_245 = vector.broadcast %mul3A_244 : f32 to vector<16xf32>
      %mul3A_246 = arith.mulf %add3A_240, %mul3A_245 : vector<16xf32>
      %select_n3A_247 = arith.select %gt3A_243, %add3A_240, %mul3A_246 : vector<16xi1>, vector<16xf32>
      %sub3A_248 = vector.broadcast %squeeze3A_7 : f32 to vector<16xf32>
      %sub3A_249 = arith.subf %select_n3A_247, %sub3A_248 : vector<16xf32>
      %exp3A_250 = math.exp %sub3A_249 : vector<16xf32>
      %mul3A_251 = arith.constant 0 : i32
      %mul3A_252 = vector.broadcast %mul3A_251 : i32 to vector<16xi32>
      %mul3A_253 = arith.muli %iota3A, %mul3A_252 : vector<16xi32>
      %add3A_254 = arith.constant 1 : i32
      %add3A_255 = vector.broadcast %add3A_254 : i32 to vector<16xi32>
      %add3A_256 = arith.addi %mul3A_253, %add3A_255 : vector<16xi32>
      tpu.vector_store_idx %arg14[%add3A_180, %add3A_256], %exp3A_250 : memref<128x16xf32, #tpu.memory_space<vmem>>[vector<16xi32>, vector<16xi32>], vector<16xf32>,
      %mul3A_257 = arith.constant 0 : i32
      %mul3A_258 = vector.broadcast %mul3A_257 : i32 to vector<16xi32>
      %mul3A_259 = arith.muli %iota3A, %mul3A_258 : vector<16xi32>
      %add3A_260 = arith.constant 128 : i32
      %add3A_261 = vector.broadcast %add3A_260 : i32 to vector<16xi32>
      %add3A_262 = arith.addi %mul3A_259, %add3A_261 : vector<16xi32>
      %add3A_263 = arith.constant 2 : i32
      %add3A_264 = vector.broadcast %add3A_263 : i32 to vector<16xi32>
      %add3A_265 = arith.addi %add3A_262, %add3A_264 : vector<16xi32>
      %gather3A_266 = tpu.vector_load_idx %arg12[%add3A_180, %add3A_265] : memref<128x136xi32, #tpu.memory_space<vmem>>[vector<16xi32>, vector<16xi32>], vector<16xi32>,
      %bitcast3A_267 = vector.bitcast %gather3A_266 : vector<16xi32> to vector<16xf32>
      %mul3A_268 = arith.constant 0 : i32
      %mul3A_269 = vector.broadcast %mul3A_268 : i32 to vector<16xi32>
      %mul3A_270 = arith.muli %iota3A, %mul3A_269 : vector<16xi32>
      %add3A_271 = arith.constant 4 : i32
      %add3A_272 = vector.broadcast %add3A_271 : i32 to vector<16xi32>
      %add3A_273 = arith.addi %mul3A_270, %add3A_272 : vector<16xi32>
      %add3A_274 = arith.constant 2 : i32
      %add3A_275 = vector.broadcast %add3A_274 : i32 to vector<16xi32>
      %add3A_276 = arith.addi %add3A_273, %add3A_275 : vector<16xi32>
      %gather3A_277 = tpu.vector_load_idx %arg11[%add3A_180, %add3A_276] : memref<128x16xf32, #tpu.memory_space<vmem>>[vector<16xi32>, vector<16xi32>], vector<16xf32>,
      %add3A_278 = arith.addf %bitcast3A_267, %gather3A_277 : vector<16xf32>
      %gt3A_279 = arith.constant 0.000000e+00 : f32
      %gt3A_280 = vector.broadcast %gt3A_279 : f32 to vector<16xf32>
      %gt3A_281 = arith.cmpf ogt, %add3A_278, %gt3A_280 : vector<16xf32>
      %mul3A_282 = arith.constant 0.00999999977 : f32
      %mul3A_283 = vector.broadcast %mul3A_282 : f32 to vector<16xf32>
      %mul3A_284 = arith.mulf %add3A_278, %mul3A_283 : vector<16xf32>
      %select_n3A_285 = arith.select %gt3A_281, %add3A_278, %mul3A_284 : vector<16xi1>, vector<16xf32>
      %sub3A_286 = vector.broadcast %squeeze3A_9 : f32 to vector<16xf32>
      %sub3A_287 = arith.subf %select_n3A_285, %sub3A_286 : vector<16xf32>
      %exp3A_288 = math.exp %sub3A_287 : vector<16xf32>
      %mul3A_289 = arith.constant 0 : i32
      %mul3A_290 = vector.broadcast %mul3A_289 : i32 to vector<16xi32>
      %mul3A_291 = arith.muli %iota3A, %mul3A_290 : vector<16xi32>
      %add3A_292 = arith.constant 2 : i32
      %add3A_293 = vector.broadcast %add3A_292 : i32 to vector<16xi32>
      %add3A_294 = arith.addi %mul3A_291, %add3A_293 : vector<16xi32>
      tpu.vector_store_idx %arg14[%add3A_180, %add3A_294], %exp3A_288 : memref<128x16xf32, #tpu.memory_space<vmem>>[vector<16xi32>, vector<16xi32>], vector<16xf32>,
      %mul3A_295 = arith.constant 0 : i32
      %mul3A_296 = vector.broadcast %mul3A_295 : i32 to vector<16xi32>
      %mul3A_297 = arith.muli %iota3A, %mul3A_296 : vector<16xi32>
      %add3A_298 = arith.constant 128 : i32
      %add3A_299 = vector.broadcast %add3A_298 : i32 to vector<16xi32>
      %add3A_300 = arith.addi %mul3A_297, %add3A_299 : vector<16xi32>
      %add3A_301 = arith.constant 3 : i32
      %add3A_302 = vector.broadcast %add3A_301 : i32 to vector<16xi32>
      %add3A_303 = arith.addi %add3A_300, %add3A_302 : vector<16xi32>
      %gather3A_304 = tpu.vector_load_idx %arg12[%add3A_180, %add3A_303] : memref<128x136xi32, #tpu.memory_space<vmem>>[vector<16xi32>, vector<16xi32>], vector<16xi32>,
      %bitcast3A_305 = vector.bitcast %gather3A_304 : vector<16xi32> to vector<16xf32>
      %mul3A_306 = arith.constant 0 : i32
      %mul3A_307 = vector.broadcast %mul3A_306 : i32 to vector<16xi32>
      %mul3A_308 = arith.muli %iota3A, %mul3A_307 : vector<16xi32>
      %add3A_309 = arith.constant 4 : i32
      %add3A_310 = vector.broadcast %add3A_309 : i32 to vector<16xi32>
      %add3A_311 = arith.addi %mul3A_308, %add3A_310 : vector<16xi32>
      %add3A_312 = arith.constant 3 : i32
      %add3A_313 = vector.broadcast %add3A_312 : i32 to vector<16xi32>
      %add3A_314 = arith.addi %add3A_311, %add3A_313 : vector<16xi32>
      %gather3A_315 = tpu.vector_load_idx %arg11[%add3A_180, %add3A_314] : memref<128x16xf32, #tpu.memory_space<vmem>>[vector<16xi32>, vector<16xi32>], vector<16xf32>,
      %add3A_316 = arith.addf %bitcast3A_305, %gather3A_315 : vector<16xf32>
      %gt3A_317 = arith.constant 0.000000e+00 : f32
      %gt3A_318 = vector.broadcast %gt3A_317 : f32 to vector<16xf32>
      %gt3A_319 = arith.cmpf ogt, %add3A_316, %gt3A_318 : vector<16xf32>
      %mul3A_320 = arith.constant 0.00999999977 : f32
      %mul3A_321 = vector.broadcast %mul3A_320 : f32 to vector<16xf32>
      %mul3A_322 = arith.mulf %add3A_316, %mul3A_321 : vector<16xf32>
      %select_n3A_323 = arith.select %gt3A_319, %add3A_316, %mul3A_322 : vector<16xi1>, vector<16xf32>
      %sub3A_324 = vector.broadcast %squeeze3A_11 : f32 to vector<16xf32>
      %sub3A_325 = arith.subf %select_n3A_323, %sub3A_324 : vector<16xf32>
      %exp3A_326 = math.exp %sub3A_325 : vector<16xf32>
      %mul3A_327 = arith.constant 0 : i32
      %mul3A_328 = vector.broadcast %mul3A_327 : i32 to vector<16xi32>
      %mul3A_329 = arith.muli %iota3A, %mul3A_328 : vector<16xi32>
      %add3A_330 = arith.constant 3 : i32
      %add3A_331 = vector.broadcast %add3A_330 : i32 to vector<16xi32>
      %add3A_332 = arith.addi %mul3A_329, %add3A_331 : vector<16xi32>
      tpu.vector_store_idx %arg14[%add3A_180, %add3A_332], %exp3A_326 : memref<128x16xf32, #tpu.memory_space<vmem>>[vector<16xi32>, vector<16xi32>], vector<16xf32>,
      %add3A_333 = arith.constant 32 : i32
      %add3A_334 = vector.broadcast %add3A_333 : i32 to vector<16xi32>
      %add3A_335 = arith.addi %iota3A, %add3A_334 : vector<16xi32>
      %mul3A_336 = arith.constant 0 : i32
      %mul3A_337 = vector.broadcast %mul3A_336 : i32 to vector<16xi32>
      %mul3A_338 = arith.muli %iota3A, %mul3A_337 : vector<16xi32>
      %add3A_339 = arith.constant 128 : i32
      %add3A_340 = vector.broadcast %add3A_339 : i32 to vector<16xi32>
      %add3A_341 = arith.addi %mul3A_338, %add3A_340 : vector<16xi32>
      %add3A_342 = arith.constant 0 : i32
      %add3A_343 = vector.broadcast %add3A_342 : i32 to vector<16xi32>
      %add3A_344 = arith.addi %add3A_341, %add3A_343 : vector<16xi32>
      %gather3A_345 = tpu.vector_load_idx %arg12[%add3A_335, %add3A_344] : memref<128x136xi32, #tpu.memory_space<vmem>>[vector<16xi32>, vector<16xi32>], vector<16xi32>,
      %bitcast3A_346 = vector.bitcast %gather3A_345 : vector<16xi32> to vector<16xf32>
      %mul3A_347 = arith.constant 0 : i32
      %mul3A_348 = vector.broadcast %mul3A_347 : i32 to vector<16xi32>
      %mul3A_349 = arith.muli %iota3A, %mul3A_348 : vector<16xi32>
      %add3A_350 = arith.constant 4 : i32
      %add3A_351 = vector.broadcast %add3A_350 : i32 to vector<16xi32>
      %add3A_352 = arith.addi %mul3A_349, %add3A_351 : vector<16xi32>
      %add3A_353 = arith.constant 0 : i32
      %add3A_354 = vector.broadcast %add3A_353 : i32 to vector<16xi32>
      %add3A_355 = arith.addi %add3A_352, %add3A_354 : vector<16xi32>
      %gather3A_356 = tpu.vector_load_idx %arg11[%add3A_335, %add3A_355] : memref<128x16xf32, #tpu.memory_space<vmem>>[vector<16xi32>, vector<16xi32>], vector<16xf32>,
      %add3A_357 = arith.addf %bitcast3A_346, %gather3A_356 : vector<16xf32>
      %gt3A_358 = arith.constant 0.000000e+00 : f32
      %gt3A_359 = vector.broadcast %gt3A_358 : f32 to vector<16xf32>
      %gt3A_360 = arith.cmpf ogt, %add3A_357, %gt3A_359 : vector<16xf32>
      %mul3A_361 = arith.constant 0.00999999977 : f32
      %mul3A_362 = vector.broadcast %mul3A_361 : f32 to vector<16xf32>
      %mul3A_363 = arith.mulf %add3A_357, %mul3A_362 : vector<16xf32>
      %select_n3A_364 = arith.select %gt3A_360, %add3A_357, %mul3A_363 : vector<16xi1>, vector<16xf32>
      %sub3A_365 = vector.broadcast %squeeze3A : f32 to vector<16xf32>
      %sub3A_366 = arith.subf %select_n3A_364, %sub3A_365 : vector<16xf32>
      %exp3A_367 = math.exp %sub3A_366 : vector<16xf32>
      %mul3A_368 = arith.constant 0 : i32
      %mul3A_369 = vector.broadcast %mul3A_368 : i32 to vector<16xi32>
      %mul3A_370 = arith.muli %iota3A, %mul3A_369 : vector<16xi32>
      %add3A_371 = arith.constant 0 : i32
      %add3A_372 = vector.broadcast %add3A_371 : i32 to vector<16xi32>
      %add3A_373 = arith.addi %mul3A_370, %add3A_372 : vector<16xi32>
      tpu.vector_store_idx %arg14[%add3A_335, %add3A_373], %exp3A_367 : memref<128x16xf32, #tpu.memory_space<vmem>>[vector<16xi32>, vector<16xi32>], vector<16xf32>,
      %mul3A_374 = arith.constant 0 : i32
      %mul3A_375 = vector.broadcast %mul3A_374 : i32 to vector<16xi32>
      %mul3A_376 = arith.muli %iota3A, %mul3A_375 : vector<16xi32>
      %add3A_377 = arith.constant 128 : i32
      %add3A_378 = vector.broadcast %add3A_377 : i32 to vector<16xi32>
      %add3A_379 = arith.addi %mul3A_376, %add3A_378 : vector<16xi32>
      %add3A_380 = arith.constant 1 : i32
      %add3A_381 = vector.broadcast %add3A_380 : i32 to vector<16xi32>
      %add3A_382 = arith.addi %add3A_379, %add3A_381 : vector<16xi32>
      %gather3A_383 = tpu.vector_load_idx %arg12[%add3A_335, %add3A_382] : memref<128x136xi32, #tpu.memory_space<vmem>>[vector<16xi32>, vector<16xi32>], vector<16xi32>,
      %bitcast3A_384 = vector.bitcast %gather3A_383 : vector<16xi32> to vector<16xf32>
      %mul3A_385 = arith.constant 0 : i32
      %mul3A_386 = vector.broadcast %mul3A_385 : i32 to vector<16xi32>
      %mul3A_387 = arith.muli %iota3A, %mul3A_386 : vector<16xi32>
      %add3A_388 = arith.constant 4 : i32
      %add3A_389 = vector.broadcast %add3A_388 : i32 to vector<16xi32>
      %add3A_390 = arith.addi %mul3A_387, %add3A_389 : vector<16xi32>
      %add3A_391 = arith.constant 1 : i32
      %add3A_392 = vector.broadcast %add3A_391 : i32 to vector<16xi32>
      %add3A_393 = arith.addi %add3A_390, %add3A_392 : vector<16xi32>
      %gather3A_394 = tpu.vector_load_idx %arg11[%add3A_335, %add3A_393] : memref<128x16xf32, #tpu.memory_space<vmem>>[vector<16xi32>, vector<16xi32>], vector<16xf32>,
      %add3A_395 = arith.addf %bitcast3A_384, %gather3A_394 : vector<16xf32>
      %gt3A_396 = arith.constant 0.000000e+00 : f32
      %gt3A_397 = vector.broadcast %gt3A_396 : f32 to vector<16xf32>
      %gt3A_398 = arith.cmpf ogt, %add3A_395, %gt3A_397 : vector<16xf32>
      %mul3A_399 = arith.constant 0.00999999977 : f32
      %mul3A_400 = vector.broadcast %mul3A_399 : f32 to vector<16xf32>
      %mul3A_401 = arith.mulf %add3A_395, %mul3A_400 : vector<16xf32>
      %select_n3A_402 = arith.select %gt3A_398, %add3A_395, %mul3A_401 : vector<16xi1>, vector<16xf32>
      %sub3A_403 = vector.broadcast %squeeze3A_7 : f32 to vector<16xf32>
      %sub3A_404 = arith.subf %select_n3A_402, %sub3A_403 : vector<16xf32>
      %exp3A_405 = math.exp %sub3A_404 : vector<16xf32>
      %mul3A_406 = arith.constant 0 : i32
      %mul3A_407 = vector.broadcast %mul3A_406 : i32 to vector<16xi32>
      %mul3A_408 = arith.muli %iota3A, %mul3A_407 : vector<16xi32>
      %add3A_409 = arith.constant 1 : i32
      %add3A_410 = vector.broadcast %add3A_409 : i32 to vector<16xi32>
      %add3A_411 = arith.addi %mul3A_408, %add3A_410 : vector<16xi32>
      tpu.vector_store_idx %arg14[%add3A_335, %add3A_411], %exp3A_405 : memref<128x16xf32, #tpu.memory_space<vmem>>[vector<16xi32>, vector<16xi32>], vector<16xf32>,
      %mul3A_412 = arith.constant 0 : i32
      %mul3A_413 = vector.broadcast %mul3A_412 : i32 to vector<16xi32>
      %mul3A_414 = arith.muli %iota3A, %mul3A_413 : vector<16xi32>
      %add3A_415 = arith.constant 128 : i32
      %add3A_416 = vector.broadcast %add3A_415 : i32 to vector<16xi32>
      %add3A_417 = arith.addi %mul3A_414, %add3A_416 : vector<16xi32>
      %add3A_418 = arith.constant 2 : i32
      %add3A_419 = vector.broadcast %add3A_418 : i32 to vector<16xi32>
      %add3A_420 = arith.addi %add3A_417, %add3A_419 : vector<16xi32>
      %gather3A_421 = tpu.vector_load_idx %arg12[%add3A_335, %add3A_420] : memref<128x136xi32, #tpu.memory_space<vmem>>[vector<16xi32>, vector<16xi32>], vector<16xi32>,
      %bitcast3A_422 = vector.bitcast %gather3A_421 : vector<16xi32> to vector<16xf32>
      %mul3A_423 = arith.constant 0 : i32
      %mul3A_424 = vector.broadcast %mul3A_423 : i32 to vector<16xi32>
      %mul3A_425 = arith.muli %iota3A, %mul3A_424 : vector<16xi32>
      %add3A_426 = arith.constant 4 : i32
      %add3A_427 = vector.broadcast %add3A_426 : i32 to vector<16xi32>
      %add3A_428 = arith.addi %mul3A_425, %add3A_427 : vector<16xi32>
      %add3A_429 = arith.constant 2 : i32
      %add3A_430 = vector.broadcast %add3A_429 : i32 to vector<16xi32>
      %add3A_431 = arith.addi %add3A_428, %add3A_430 : vector<16xi32>
      %gather3A_432 = tpu.vector_load_idx %arg11[%add3A_335, %add3A_431] : memref<128x16xf32, #tpu.memory_space<vmem>>[vector<16xi32>, vector<16xi32>], vector<16xf32>,
      %add3A_433 = arith.addf %bitcast3A_422, %gather3A_432 : vector<16xf32>
      %gt3A_434 = arith.constant 0.000000e+00 : f32
      %gt3A_435 = vector.broadcast %gt3A_434 : f32 to vector<16xf32>
      %gt3A_436 = arith.cmpf ogt, %add3A_433, %gt3A_435 : vector<16xf32>
      %mul3A_437 = arith.constant 0.00999999977 : f32
      %mul3A_438 = vector.broadcast %mul3A_437 : f32 to vector<16xf32>
      %mul3A_439 = arith.mulf %add3A_433, %mul3A_438 : vector<16xf32>
      %select_n3A_440 = arith.select %gt3A_436, %add3A_433, %mul3A_439 : vector<16xi1>, vector<16xf32>
      %sub3A_441 = vector.broadcast %squeeze3A_9 : f32 to vector<16xf32>
      %sub3A_442 = arith.subf %select_n3A_440, %sub3A_441 : vector<16xf32>
      %exp3A_443 = math.exp %sub3A_442 : vector<16xf32>
      %mul3A_444 = arith.constant 0 : i32
      %mul3A_445 = vector.broadcast %mul3A_444 : i32 to vector<16xi32>
      %mul3A_446 = arith.muli %iota3A, %mul3A_445 : vector<16xi32>
      %add3A_447 = arith.constant 2 : i32
      %add3A_448 = vector.broadcast %add3A_447 : i32 to vector<16xi32>
      %add3A_449 = arith.addi %mul3A_446, %add3A_448 : vector<16xi32>
      tpu.vector_store_idx %arg14[%add3A_335, %add3A_449], %exp3A_443 : memref<128x16xf32, #tpu.memory_space<vmem>>[vector<16xi32>, vector<16xi32>], vector<16xf32>,
      %mul3A_450 = arith.constant 0 : i32
      %mul3A_451 = vector.broadcast %mul3A_450 : i32 to vector<16xi32>
      %mul3A_452 = arith.muli %iota3A, %mul3A_451 : vector<16xi32>
      %add3A_453 = arith.constant 128 : i32
      %add3A_454 = vector.broadcast %add3A_453 : i32 to vector<16xi32>
      %add3A_455 = arith.addi %mul3A_452, %add3A_454 : vector<16xi32>
      %add3A_456 = arith.constant 3 : i32
      %add3A_457 = vector.broadcast %add3A_456 : i32 to vector<16xi32>
      %add3A_458 = arith.addi %add3A_455, %add3A_457 : vector<16xi32>
      %gather3A_459 = tpu.vector_load_idx %arg12[%add3A_335, %add3A_458] : memref<128x136xi32, #tpu.memory_space<vmem>>[vector<16xi32>, vector<16xi32>], vector<16xi32>,
      %bitcast3A_460 = vector.bitcast %gather3A_459 : vector<16xi32> to vector<16xf32>
      %mul3A_461 = arith.constant 0 : i32
      %mul3A_462 = vector.broadcast %mul3A_461 : i32 to vector<16xi32>
      %mul3A_463 = arith.muli %iota3A, %mul3A_462 : vector<16xi32>
      %add3A_464 = arith.constant 4 : i32
      %add3A_465 = vector.broadcast %add3A_464 : i32 to vector<16xi32>
      %add3A_466 = arith.addi %mul3A_463, %add3A_465 : vector<16xi32>
      %add3A_467 = arith.constant 3 : i32
      %add3A_468 = vector.broadcast %add3A_467 : i32 to vector<16xi32>
      %add3A_469 = arith.addi %add3A_466, %add3A_468 : vector<16xi32>
      %gather3A_470 = tpu.vector_load_idx %arg11[%add3A_335, %add3A_469] : memref<128x16xf32, #tpu.memory_space<vmem>>[vector<16xi32>, vector<16xi32>], vector<16xf32>,
      %add3A_471 = arith.addf %bitcast3A_460, %gather3A_470 : vector<16xf32>
      %gt3A_472 = arith.constant 0.000000e+00 : f32
      %gt3A_473 = vector.broadcast %gt3A_472 : f32 to vector<16xf32>
      %gt3A_474 = arith.cmpf ogt, %add3A_471, %gt3A_473 : vector<16xf32>
      %mul3A_475 = arith.constant 0.00999999977 : f32
      %mul3A_476 = vector.broadcast %mul3A_475 : f32 to vector<16xf32>
      %mul3A_477 = arith.mulf %add3A_471, %mul3A_476 : vector<16xf32>
      %select_n3A_478 = arith.select %gt3A_474, %add3A_471, %mul3A_477 : vector<16xi1>, vector<16xf32>
      %sub3A_479 = vector.broadcast %squeeze3A_11 : f32 to vector<16xf32>
      %sub3A_480 = arith.subf %select_n3A_478, %sub3A_479 : vector<16xf32>
      %exp3A_481 = math.exp %sub3A_480 : vector<16xf32>
      %mul3A_482 = arith.constant 0 : i32
      %mul3A_483 = vector.broadcast %mul3A_482 : i32 to vector<16xi32>
      %mul3A_484 = arith.muli %iota3A, %mul3A_483 : vector<16xi32>
      %add3A_485 = arith.constant 3 : i32
      %add3A_486 = vector.broadcast %add3A_485 : i32 to vector<16xi32>
      %add3A_487 = arith.addi %mul3A_484, %add3A_486 : vector<16xi32>
      tpu.vector_store_idx %arg14[%add3A_335, %add3A_487], %exp3A_481 : memref<128x16xf32, #tpu.memory_space<vmem>>[vector<16xi32>, vector<16xi32>], vector<16xf32>,
      %add3A_488 = arith.constant 48 : i32
      %add3A_489 = vector.broadcast %add3A_488 : i32 to vector<16xi32>
      %add3A_490 = arith.addi %iota3A, %add3A_489 : vector<16xi32>
      %mul3A_491 = arith.constant 0 : i32
      %mul3A_492 = vector.broadcast %mul3A_491 : i32 to vector<16xi32>
      %mul3A_493 = arith.muli %iota3A, %mul3A_492 : vector<16xi32>
      %add3A_494 = arith.constant 128 : i32
      %add3A_495 = vector.broadcast %add3A_494 : i32 to vector<16xi32>
      %add3A_496 = arith.addi %mul3A_493, %add3A_495 : vector<16xi32>
      %add3A_497 = arith.constant 0 : i32
      %add3A_498 = vector.broadcast %add3A_497 : i32 to vector<16xi32>
      %add3A_499 = arith.addi %add3A_496, %add3A_498 : vector<16xi32>
      %gather3A_500 = tpu.vector_load_idx %arg12[%add3A_490, %add3A_499] : memref<128x136xi32, #tpu.memory_space<vmem>>[vector<16xi32>, vector<16xi32>], vector<16xi32>,
      %bitcast3A_501 = vector.bitcast %gather3A_500 : vector<16xi32> to vector<16xf32>
      %mul3A_502 = arith.constant 0 : i32
      %mul3A_503 = vector.broadcast %mul3A_502 : i32 to vector<16xi32>
      %mul3A_504 = arith.muli %iota3A, %mul3A_503 : vector<16xi32>
      %add3A_505 = arith.constant 4 : i32
      %add3A_506 = vector.broadcast %add3A_505 : i32 to vector<16xi32>
      %add3A_507 = arith.addi %mul3A_504, %add3A_506 : vector<16xi32>
      %add3A_508 = arith.constant 0 : i32
      %add3A_509 = vector.broadcast %add3A_508 : i32 to vector<16xi32>
      %add3A_510 = arith.addi %add3A_507, %add3A_509 : vector<16xi32>
      %gather3A_511 = tpu.vector_load_idx %arg11[%add3A_490, %add3A_510] : memref<128x16xf32, #tpu.memory_space<vmem>>[vector<16xi32>, vector<16xi32>], vector<16xf32>,
      %add3A_512 = arith.addf %bitcast3A_501, %gather3A_511 : vector<16xf32>
      %gt3A_513 = arith.constant 0.000000e+00 : f32
      %gt3A_514 = vector.broadcast %gt3A_513 : f32 to vector<16xf32>
      %gt3A_515 = arith.cmpf ogt, %add3A_512, %gt3A_514 : vector<16xf32>
      %mul3A_516 = arith.constant 0.00999999977 : f32
      %mul3A_517 = vector.broadcast %mul3A_516 : f32 to vector<16xf32>
      %mul3A_518 = arith.mulf %add3A_512, %mul3A_517 : vector<16xf32>
      %select_n3A_519 = arith.select %gt3A_515, %add3A_512, %mul3A_518 : vector<16xi1>, vector<16xf32>
      %sub3A_520 = vector.broadcast %squeeze3A : f32 to vector<16xf32>
      %sub3A_521 = arith.subf %select_n3A_519, %sub3A_520 : vector<16xf32>
      %exp3A_522 = math.exp %sub3A_521 : vector<16xf32>
      %mul3A_523 = arith.constant 0 : i32
      %mul3A_524 = vector.broadcast %mul3A_523 : i32 to vector<16xi32>
      %mul3A_525 = arith.muli %iota3A, %mul3A_524 : vector<16xi32>
      %add3A_526 = arith.constant 0 : i32
      %add3A_527 = vector.broadcast %add3A_526 : i32 to vector<16xi32>
      %add3A_528 = arith.addi %mul3A_525, %add3A_527 : vector<16xi32>
      tpu.vector_store_idx %arg14[%add3A_490, %add3A_528], %exp3A_522 : memref<128x16xf32, #tpu.memory_space<vmem>>[vector<16xi32>, vector<16xi32>], vector<16xf32>,
      %mul3A_529 = arith.constant 0 : i32
      %mul3A_530 = vector.broadcast %mul3A_529 : i32 to vector<16xi32>
      %mul3A_531 = arith.muli %iota3A, %mul3A_530 : vector<16xi32>
      %add3A_532 = arith.constant 128 : i32
      %add3A_533 = vector.broadcast %add3A_532 : i32 to vector<16xi32>
      %add3A_534 = arith.addi %mul3A_531, %add3A_533 : vector<16xi32>
      %add3A_535 = arith.constant 1 : i32
      %add3A_536 = vector.broadcast %add3A_535 : i32 to vector<16xi32>
      %add3A_537 = arith.addi %add3A_534, %add3A_536 : vector<16xi32>
      %gather3A_538 = tpu.vector_load_idx %arg12[%add3A_490, %add3A_537] : memref<128x136xi32, #tpu.memory_space<vmem>>[vector<16xi32>, vector<16xi32>], vector<16xi32>,
      %bitcast3A_539 = vector.bitcast %gather3A_538 : vector<16xi32> to vector<16xf32>
      %mul3A_540 = arith.constant 0 : i32
      %mul3A_541 = vector.broadcast %mul3A_540 : i32 to vector<16xi32>
      %mul3A_542 = arith.muli %iota3A, %mul3A_541 : vector<16xi32>
      %add3A_543 = arith.constant 4 : i32
      %add3A_544 = vector.broadcast %add3A_543 : i32 to vector<16xi32>
      %add3A_545 = arith.addi %mul3A_542, %add3A_544 : vector<16xi32>
      %add3A_546 = arith.constant 1 : i32
      %add3A_547 = vector.broadcast %add3A_546 : i32 to vector<16xi32>
      %add3A_548 = arith.addi %add3A_545, %add3A_547 : vector<16xi32>
      %gather3A_549 = tpu.vector_load_idx %arg11[%add3A_490, %add3A_548] : memref<128x16xf32, #tpu.memory_space<vmem>>[vector<16xi32>, vector<16xi32>], vector<16xf32>,
      %add3A_550 = arith.addf %bitcast3A_539, %gather3A_549 : vector<16xf32>
      %gt3A_551 = arith.constant 0.000000e+00 : f32
      %gt3A_552 = vector.broadcast %gt3A_551 : f32 to vector<16xf32>
      %gt3A_553 = arith.cmpf ogt, %add3A_550, %gt3A_552 : vector<16xf32>
      %mul3A_554 = arith.constant 0.00999999977 : f32
      %mul3A_555 = vector.broadcast %mul3A_554 : f32 to vector<16xf32>
      %mul3A_556 = arith.mulf %add3A_550, %mul3A_555 : vector<16xf32>
      %select_n3A_557 = arith.select %gt3A_553, %add3A_550, %mul3A_556 : vector<16xi1>, vector<16xf32>
      %sub3A_558 = vector.broadcast %squeeze3A_7 : f32 to vector<16xf32>
      %sub3A_559 = arith.subf %select_n3A_557, %sub3A_558 : vector<16xf32>
      %exp3A_560 = math.exp %sub3A_559 : vector<16xf32>
      %mul3A_561 = arith.constant 0 : i32
      %mul3A_562 = vector.broadcast %mul3A_561 : i32 to vector<16xi32>
      %mul3A_563 = arith.muli %iota3A, %mul3A_562 : vector<16xi32>
      %add3A_564 = arith.constant 1 : i32
      %add3A_565 = vector.broadcast %add3A_564 : i32 to vector<16xi32>
      %add3A_566 = arith.addi %mul3A_563, %add3A_565 : vector<16xi32>
      tpu.vector_store_idx %arg14[%add3A_490, %add3A_566], %exp3A_560 : memref<128x16xf32, #tpu.memory_space<vmem>>[vector<16xi32>, vector<16xi32>], vector<16xf32>,
      %mul3A_567 = arith.constant 0 : i32
      %mul3A_568 = vector.broadcast %mul3A_567 : i32 to vector<16xi32>
      %mul3A_569 = arith.muli %iota3A, %mul3A_568 : vector<16xi32>
      %add3A_570 = arith.constant 128 : i32
      %add3A_571 = vector.broadcast %add3A_570 : i32 to vector<16xi32>
      %add3A_572 = arith.addi %mul3A_569, %add3A_571 : vector<16xi32>
      %add3A_573 = arith.constant 2 : i32
      %add3A_574 = vector.broadcast %add3A_573 : i32 to vector<16xi32>
      %add3A_575 = arith.addi %add3A_572, %add3A_574 : vector<16xi32>
      %gather3A_576 = tpu.vector_load_idx %arg12[%add3A_490, %add3A_575] : memref<128x136xi32, #tpu.memory_space<vmem>>[vector<16xi32>, vector<16xi32>], vector<16xi32>,
      %bitcast3A_577 = vector.bitcast %gather3A_576 : vector<16xi32> to vector<16xf32>
      %mul3A_578 = arith.constant 0 : i32
      %mul3A_579 = vector.broadcast %mul3A_578 : i32 to vector<16xi32>
      %mul3A_580 = arith.muli %iota3A, %mul3A_579 : vector<16xi32>
      %add3A_581 = arith.constant 4 : i32
      %add3A_582 = vector.broadcast %add3A_581 : i32 to vector<16xi32>
      %add3A_583 = arith.addi %mul3A_580, %add3A_582 : vector<16xi32>
      %add3A_584 = arith.constant 2 : i32
      %add3A_585 = vector.broadcast %add3A_584 : i32 to vector<16xi32>
      %add3A_586 = arith.addi %add3A_583, %add3A_585 : vector<16xi32>
      %gather3A_587 = tpu.vector_load_idx %arg11[%add3A_490, %add3A_586] : memref<128x16xf32, #tpu.memory_space<vmem>>[vector<16xi32>, vector<16xi32>], vector<16xf32>,
      %add3A_588 = arith.addf %bitcast3A_577, %gather3A_587 : vector<16xf32>
      %gt3A_589 = arith.constant 0.000000e+00 : f32
      %gt3A_590 = vector.broadcast %gt3A_589 : f32 to vector<16xf32>
      %gt3A_591 = arith.cmpf ogt, %add3A_588, %gt3A_590 : vector<16xf32>
      %mul3A_592 = arith.constant 0.00999999977 : f32
      %mul3A_593 = vector.broadcast %mul3A_592 : f32 to vector<16xf32>
      %mul3A_594 = arith.mulf %add3A_588, %mul3A_593 : vector<16xf32>
      %select_n3A_595 = arith.select %gt3A_591, %add3A_588, %mul3A_594 : vector<16xi1>, vector<16xf32>
      %sub3A_596 = vector.broadcast %squeeze3A_9 : f32 to vector<16xf32>
      %sub3A_597 = arith.subf %select_n3A_595, %sub3A_596 : vector<16xf32>
      %exp3A_598 = math.exp %sub3A_597 : vector<16xf32>
      %mul3A_599 = arith.constant 0 : i32
      %mul3A_600 = vector.broadcast %mul3A_599 : i32 to vector<16xi32>
      %mul3A_601 = arith.muli %iota3A, %mul3A_600 : vector<16xi32>
      %add3A_602 = arith.constant 2 : i32
      %add3A_603 = vector.broadcast %add3A_602 : i32 to vector<16xi32>
      %add3A_604 = arith.addi %mul3A_601, %add3A_603 : vector<16xi32>
      tpu.vector_store_idx %arg14[%add3A_490, %add3A_604], %exp3A_598 : memref<128x16xf32, #tpu.memory_space<vmem>>[vector<16xi32>, vector<16xi32>], vector<16xf32>,
      %mul3A_605 = arith.constant 0 : i32
      %mul3A_606 = vector.broadcast %mul3A_605 : i32 to vector<16xi32>
      %mul3A_607 = arith.muli %iota3A, %mul3A_606 : vector<16xi32>
      %add3A_608 = arith.constant 128 : i32
      %add3A_609 = vector.broadcast %add3A_608 : i32 to vector<16xi32>
      %add3A_610 = arith.addi %mul3A_607, %add3A_609 : vector<16xi32>
      %add3A_611 = arith.constant 3 : i32
      %add3A_612 = vector.broadcast %add3A_611 : i32 to vector<16xi32>
      %add3A_613 = arith.addi %add3A_610, %add3A_612 : vector<16xi32>
      %gather3A_614 = tpu.vector_load_idx %arg12[%add3A_490, %add3A_613] : memref<128x136xi32, #tpu.memory_space<vmem>>[vector<16xi32>, vector<16xi32>], vector<16xi32>,
      %bitcast3A_615 = vector.bitcast %gather3A_614 : vector<16xi32> to vector<16xf32>
      %mul3A_616 = arith.constant 0 : i32
      %mul3A_617 = vector.broadcast %mul3A_616 : i32 to vector<16xi32>
      %mul3A_618 = arith.muli %iota3A, %mul3A_617 : vector<16xi32>
      %add3A_619 = arith.constant 4 : i32
      %add3A_620 = vector.broadcast %add3A_619 : i32 to vector<16xi32>
      %add3A_621 = arith.addi %mul3A_618, %add3A_620 : vector<16xi32>
      %add3A_622 = arith.constant 3 : i32
      %add3A_623 = vector.broadcast %add3A_622 : i32 to vector<16xi32>
      %add3A_624 = arith.addi %add3A_621, %add3A_623 : vector<16xi32>
      %gather3A_625 = tpu.vector_load_idx %arg11[%add3A_490, %add3A_624] : memref<128x16xf32, #tpu.memory_space<vmem>>[vector<16xi32>, vector<16xi32>], vector<16xf32>,
      %add3A_626 = arith.addf %bitcast3A_615, %gather3A_625 : vector<16xf32>
      %gt3A_627 = arith.constant 0.000000e+00 : f32
      %gt3A_628 = vector.broadcast %gt3A_627 : f32 to vector<16xf32>
      %gt3A_629 = arith.cmpf ogt, %add3A_626, %gt3A_628 : vector<16xf32>
      %mul3A_630 = arith.constant 0.00999999977 : f32
      %mul3A_631 = vector.broadcast %mul3A_630 : f32 to vector<16xf32>
      %mul3A_632 = arith.mulf %add3A_626, %mul3A_631 : vector<16xf32>
      %select_n3A_633 = arith.select %gt3A_629, %add3A_626, %mul3A_632 : vector<16xi1>, vector<16xf32>
      %sub3A_634 = vector.broadcast %squeeze3A_11 : f32 to vector<16xf32>
      %sub3A_635 = arith.subf %select_n3A_633, %sub3A_634 : vector<16xf32>
      %exp3A_636 = math.exp %sub3A_635 : vector<16xf32>
      %mul3A_637 = arith.constant 0 : i32
      %mul3A_638 = vector.broadcast %mul3A_637 : i32 to vector<16xi32>
      %mul3A_639 = arith.muli %iota3A, %mul3A_638 : vector<16xi32>
      %add3A_640 = arith.constant 3 : i32
      %add3A_641 = vector.broadcast %add3A_640 : i32 to vector<16xi32>
      %add3A_642 = arith.addi %mul3A_639, %add3A_641 : vector<16xi32>
      tpu.vector_store_idx %arg14[%add3A_490, %add3A_642], %exp3A_636 : memref<128x16xf32, #tpu.memory_space<vmem>>[vector<16xi32>, vector<16xi32>], vector<16xf32>,
      %add3A_643 = arith.constant 64 : i32
      %add3A_644 = vector.broadcast %add3A_643 : i32 to vector<16xi32>
      %add3A_645 = arith.addi %iota3A, %add3A_644 : vector<16xi32>
      %mul3A_646 = arith.constant 0 : i32
      %mul3A_647 = vector.broadcast %mul3A_646 : i32 to vector<16xi32>
      %mul3A_648 = arith.muli %iota3A, %mul3A_647 : vector<16xi32>
      %add3A_649 = arith.constant 128 : i32
      %add3A_650 = vector.broadcast %add3A_649 : i32 to vector<16xi32>
      %add3A_651 = arith.addi %mul3A_648, %add3A_650 : vector<16xi32>
      %add3A_652 = arith.constant 0 : i32
      %add3A_653 = vector.broadcast %add3A_652 : i32 to vector<16xi32>
      %add3A_654 = arith.addi %add3A_651, %add3A_653 : vector<16xi32>
      %gather3A_655 = tpu.vector_load_idx %arg12[%add3A_645, %add3A_654] : memref<128x136xi32, #tpu.memory_space<vmem>>[vector<16xi32>, vector<16xi32>], vector<16xi32>,
      %bitcast3A_656 = vector.bitcast %gather3A_655 : vector<16xi32> to vector<16xf32>
      %mul3A_657 = arith.constant 0 : i32
      %mul3A_658 = vector.broadcast %mul3A_657 : i32 to vector<16xi32>
      %mul3A_659 = arith.muli %iota3A, %mul3A_658 : vector<16xi32>
      %add3A_660 = arith.constant 4 : i32
      %add3A_661 = vector.broadcast %add3A_660 : i32 to vector<16xi32>
      %add3A_662 = arith.addi %mul3A_659, %add3A_661 : vector<16xi32>
      %add3A_663 = arith.constant 0 : i32
      %add3A_664 = vector.broadcast %add3A_663 : i32 to vector<16xi32>
      %add3A_665 = arith.addi %add3A_662, %add3A_664 : vector<16xi32>
      %gather3A_666 = tpu.vector_load_idx %arg11[%add3A_645, %add3A_665] : memref<128x16xf32, #tpu.memory_space<vmem>>[vector<16xi32>, vector<16xi32>], vector<16xf32>,
      %add3A_667 = arith.addf %bitcast3A_656, %gather3A_666 : vector<16xf32>
      %gt3A_668 = arith.constant 0.000000e+00 : f32
      %gt3A_669 = vector.broadcast %gt3A_668 : f32 to vector<16xf32>
      %gt3A_670 = arith.cmpf ogt, %add3A_667, %gt3A_669 : vector<16xf32>
      %mul3A_671 = arith.constant 0.00999999977 : f32
      %mul3A_672 = vector.broadcast %mul3A_671 : f32 to vector<16xf32>
      %mul3A_673 = arith.mulf %add3A_667, %mul3A_672 : vector<16xf32>
      %select_n3A_674 = arith.select %gt3A_670, %add3A_667, %mul3A_673 : vector<16xi1>, vector<16xf32>
      %sub3A_675 = vector.broadcast %squeeze3A : f32 to vector<16xf32>
      %sub3A_676 = arith.subf %select_n3A_674, %sub3A_675 : vector<16xf32>
      %exp3A_677 = math.exp %sub3A_676 : vector<16xf32>
      %mul3A_678 = arith.constant 0 : i32
      %mul3A_679 = vector.broadcast %mul3A_678 : i32 to vector<16xi32>
      %mul3A_680 = arith.muli %iota3A, %mul3A_679 : vector<16xi32>
      %add3A_681 = arith.constant 0 : i32
      %add3A_682 = vector.broadcast %add3A_681 : i32 to vector<16xi32>
      %add3A_683 = arith.addi %mul3A_680, %add3A_682 : vector<16xi32>
      tpu.vector_store_idx %arg14[%add3A_645, %add3A_683], %exp3A_677 : memref<128x16xf32, #tpu.memory_space<vmem>>[vector<16xi32>, vector<16xi32>], vector<16xf32>,
      %mul3A_684 = arith.constant 0 : i32
      %mul3A_685 = vector.broadcast %mul3A_684 : i32 to vector<16xi32>
      %mul3A_686 = arith.muli %iota3A, %mul3A_685 : vector<16xi32>
      %add3A_687 = arith.constant 128 : i32
      %add3A_688 = vector.broadcast %add3A_687 : i32 to vector<16xi32>
      %add3A_689 = arith.addi %mul3A_686, %add3A_688 : vector<16xi32>
      %add3A_690 = arith.constant 1 : i32
      %add3A_691 = vector.broadcast %add3A_690 : i32 to vector<16xi32>
      %add3A_692 = arith.addi %add3A_689, %add3A_691 : vector<16xi32>
      %gather3A_693 = tpu.vector_load_idx %arg12[%add3A_645, %add3A_692] : memref<128x136xi32, #tpu.memory_space<vmem>>[vector<16xi32>, vector<16xi32>], vector<16xi32>,
      %bitcast3A_694 = vector.bitcast %gather3A_693 : vector<16xi32> to vector<16xf32>
      %mul3A_695 = arith.constant 0 : i32
      %mul3A_696 = vector.broadcast %mul3A_695 : i32 to vector<16xi32>
      %mul3A_697 = arith.muli %iota3A, %mul3A_696 : vector<16xi32>
      %add3A_698 = arith.constant 4 : i32
      %add3A_699 = vector.broadcast %add3A_698 : i32 to vector<16xi32>
      %add3A_700 = arith.addi %mul3A_697, %add3A_699 : vector<16xi32>
      %add3A_701 = arith.constant 1 : i32
      %add3A_702 = vector.broadcast %add3A_701 : i32 to vector<16xi32>
      %add3A_703 = arith.addi %add3A_700, %add3A_702 : vector<16xi32>
      %gather3A_704 = tpu.vector_load_idx %arg11[%add3A_645, %add3A_703] : memref<128x16xf32, #tpu.memory_space<vmem>>[vector<16xi32>, vector<16xi32>], vector<16xf32>,
      %add3A_705 = arith.addf %bitcast3A_694, %gather3A_704 : vector<16xf32>
      %gt3A_706 = arith.constant 0.000000e+00 : f32
      %gt3A_707 = vector.broadcast %gt3A_706 : f32 to vector<16xf32>
      %gt3A_708 = arith.cmpf ogt, %add3A_705, %gt3A_707 : vector<16xf32>
      %mul3A_709 = arith.constant 0.00999999977 : f32
      %mul3A_710 = vector.broadcast %mul3A_709 : f32 to vector<16xf32>
      %mul3A_711 = arith.mulf %add3A_705, %mul3A_710 : vector<16xf32>
      %select_n3A_712 = arith.select %gt3A_708, %add3A_705, %mul3A_711 : vector<16xi1>, vector<16xf32>
      %sub3A_713 = vector.broadcast %squeeze3A_7 : f32 to vector<16xf32>
      %sub3A_714 = arith.subf %select_n3A_712, %sub3A_713 : vector<16xf32>
      %exp3A_715 = math.exp %sub3A_714 : vector<16xf32>
      %mul3A_716 = arith.constant 0 : i32
      %mul3A_717 = vector.broadcast %mul3A_716 : i32 to vector<16xi32>
      %mul3A_718 = arith.muli %iota3A, %mul3A_717 : vector<16xi32>
      %add3A_719 = arith.constant 1 : i32
      %add3A_720 = vector.broadcast %add3A_719 : i32 to vector<16xi32>
      %add3A_721 = arith.addi %mul3A_718, %add3A_720 : vector<16xi32>
      tpu.vector_store_idx %arg14[%add3A_645, %add3A_721], %exp3A_715 : memref<128x16xf32, #tpu.memory_space<vmem>>[vector<16xi32>, vector<16xi32>], vector<16xf32>,
      %mul3A_722 = arith.constant 0 : i32
      %mul3A_723 = vector.broadcast %mul3A_722 : i32 to vector<16xi32>
      %mul3A_724 = arith.muli %iota3A, %mul3A_723 : vector<16xi32>
      %add3A_725 = arith.constant 128 : i32
      %add3A_726 = vector.broadcast %add3A_725 : i32 to vector<16xi32>
      %add3A_727 = arith.addi %mul3A_724, %add3A_726 : vector<16xi32>
      %add3A_728 = arith.constant 2 : i32
      %add3A_729 = vector.broadcast %add3A_728 : i32 to vector<16xi32>
      %add3A_730 = arith.addi %add3A_727, %add3A_729 : vector<16xi32>
      %gather3A_731 = tpu.vector_load_idx %arg12[%add3A_645, %add3A_730] : memref<128x136xi32, #tpu.memory_space<vmem>>[vector<16xi32>, vector<16xi32>], vector<16xi32>,
      %bitcast3A_732 = vector.bitcast %gather3A_731 : vector<16xi32> to vector<16xf32>
      %mul3A_733 = arith.constant 0 : i32
      %mul3A_734 = vector.broadcast %mul3A_733 : i32 to vector<16xi32>
      %mul3A_735 = arith.muli %iota3A, %mul3A_734 : vector<16xi32>
      %add3A_736 = arith.constant 4 : i32
      %add3A_737 = vector.broadcast %add3A_736 : i32 to vector<16xi32>
      %add3A_738 = arith.addi %mul3A_735, %add3A_737 : vector<16xi32>
      %add3A_739 = arith.constant 2 : i32
      %add3A_740 = vector.broadcast %add3A_739 : i32 to vector<16xi32>
      %add3A_741 = arith.addi %add3A_738, %add3A_740 : vector<16xi32>
      %gather3A_742 = tpu.vector_load_idx %arg11[%add3A_645, %add3A_741] : memref<128x16xf32, #tpu.memory_space<vmem>>[vector<16xi32>, vector<16xi32>], vector<16xf32>,
      %add3A_743 = arith.addf %bitcast3A_732, %gather3A_742 : vector<16xf32>
      %gt3A_744 = arith.constant 0.000000e+00 : f32
      %gt3A_745 = vector.broadcast %gt3A_744 : f32 to vector<16xf32>
      %gt3A_746 = arith.cmpf ogt, %add3A_743, %gt3A_745 : vector<16xf32>
      %mul3A_747 = arith.constant 0.00999999977 : f32
      %mul3A_748 = vector.broadcast %mul3A_747 : f32 to vector<16xf32>
      %mul3A_749 = arith.mulf %add3A_743, %mul3A_748 : vector<16xf32>
      %select_n3A_750 = arith.select %gt3A_746, %add3A_743, %mul3A_749 : vector<16xi1>, vector<16xf32>
      %sub3A_751 = vector.broadcast %squeeze3A_9 : f32 to vector<16xf32>
      %sub3A_752 = arith.subf %select_n3A_750, %sub3A_751 : vector<16xf32>
      %exp3A_753 = math.exp %sub3A_752 : vector<16xf32>
      %mul3A_754 = arith.constant 0 : i32
      %mul3A_755 = vector.broadcast %mul3A_754 : i32 to vector<16xi32>
      %mul3A_756 = arith.muli %iota3A, %mul3A_755 : vector<16xi32>
      %add3A_757 = arith.constant 2 : i32
      %add3A_758 = vector.broadcast %add3A_757 : i32 to vector<16xi32>
      %add3A_759 = arith.addi %mul3A_756, %add3A_758 : vector<16xi32>
      tpu.vector_store_idx %arg14[%add3A_645, %add3A_759], %exp3A_753 : memref<128x16xf32, #tpu.memory_space<vmem>>[vector<16xi32>, vector<16xi32>], vector<16xf32>,
      %mul3A_760 = arith.constant 0 : i32
      %mul3A_761 = vector.broadcast %mul3A_760 : i32 to vector<16xi32>
      %mul3A_762 = arith.muli %iota3A, %mul3A_761 : vector<16xi32>
      %add3A_763 = arith.constant 128 : i32
      %add3A_764 = vector.broadcast %add3A_763 : i32 to vector<16xi32>
      %add3A_765 = arith.addi %mul3A_762, %add3A_764 : vector<16xi32>
      %add3A_766 = arith.constant 3 : i32
      %add3A_767 = vector.broadcast %add3A_766 : i32 to vector<16xi32>
      %add3A_768 = arith.addi %add3A_765, %add3A_767 : vector<16xi32>
      %gather3A_769 = tpu.vector_load_idx %arg12[%add3A_645, %add3A_768] : memref<128x136xi32, #tpu.memory_space<vmem>>[vector<16xi32>, vector<16xi32>], vector<16xi32>,
      %bitcast3A_770 = vector.bitcast %gather3A_769 : vector<16xi32> to vector<16xf32>
      %mul3A_771 = arith.constant 0 : i32
      %mul3A_772 = vector.broadcast %mul3A_771 : i32 to vector<16xi32>
      %mul3A_773 = arith.muli %iota3A, %mul3A_772 : vector<16xi32>
      %add3A_774 = arith.constant 4 : i32
      %add3A_775 = vector.broadcast %add3A_774 : i32 to vector<16xi32>
      %add3A_776 = arith.addi %mul3A_773, %add3A_775 : vector<16xi32>
      %add3A_777 = arith.constant 3 : i32
      %add3A_778 = vector.broadcast %add3A_777 : i32 to vector<16xi32>
      %add3A_779 = arith.addi %add3A_776, %add3A_778 : vector<16xi32>
      %gather3A_780 = tpu.vector_load_idx %arg11[%add3A_645, %add3A_779] : memref<128x16xf32, #tpu.memory_space<vmem>>[vector<16xi32>, vector<16xi32>], vector<16xf32>,
      %add3A_781 = arith.addf %bitcast3A_770, %gather3A_780 : vector<16xf32>
      %gt3A_782 = arith.constant 0.000000e+00 : f32
      %gt3A_783 = vector.broadcast %gt3A_782 : f32 to vector<16xf32>
      %gt3A_784 = arith.cmpf ogt, %add3A_781, %gt3A_783 : vector<16xf32>
      %mul3A_785 = arith.constant 0.00999999977 : f32
      %mul3A_786 = vector.broadcast %mul3A_785 : f32 to vector<16xf32>
      %mul3A_787 = arith.mulf %add3A_781, %mul3A_786 : vector<16xf32>
      %select_n3A_788 = arith.select %gt3A_784, %add3A_781, %mul3A_787 : vector<16xi1>, vector<16xf32>
      %sub3A_789 = vector.broadcast %squeeze3A_11 : f32 to vector<16xf32>
      %sub3A_790 = arith.subf %select_n3A_788, %sub3A_789 : vector<16xf32>
      %exp3A_791 = math.exp %sub3A_790 : vector<16xf32>
      %mul3A_792 = arith.constant 0 : i32
      %mul3A_793 = vector.broadcast %mul3A_792 : i32 to vector<16xi32>
      %mul3A_794 = arith.muli %iota3A, %mul3A_793 : vector<16xi32>
      %add3A_795 = arith.constant 3 : i32
      %add3A_796 = vector.broadcast %add3A_795 : i32 to vector<16xi32>
      %add3A_797 = arith.addi %mul3A_794, %add3A_796 : vector<16xi32>
      tpu.vector_store_idx %arg14[%add3A_645, %add3A_797], %exp3A_791 : memref<128x16xf32, #tpu.memory_space<vmem>>[vector<16xi32>, vector<16xi32>], vector<16xf32>,
      %add3A_798 = arith.constant 80 : i32
      %add3A_799 = vector.broadcast %add3A_798 : i32 to vector<16xi32>
      %add3A_800 = arith.addi %iota3A, %add3A_799 : vector<16xi32>
      %mul3A_801 = arith.constant 0 : i32
      %mul3A_802 = vector.broadcast %mul3A_801 : i32 to vector<16xi32>
      %mul3A_803 = arith.muli %iota3A, %mul3A_802 : vector<16xi32>
      %add3A_804 = arith.constant 128 : i32
      %add3A_805 = vector.broadcast %add3A_804 : i32 to vector<16xi32>
      %add3A_806 = arith.addi %mul3A_803, %add3A_805 : vector<16xi32>
      %add3A_807 = arith.constant 0 : i32
      %add3A_808 = vector.broadcast %add3A_807 : i32 to vector<16xi32>
      %add3A_809 = arith.addi %add3A_806, %add3A_808 : vector<16xi32>
      %gather3A_810 = tpu.vector_load_idx %arg12[%add3A_800, %add3A_809] : memref<128x136xi32, #tpu.memory_space<vmem>>[vector<16xi32>, vector<16xi32>], vector<16xi32>,
      %bitcast3A_811 = vector.bitcast %gather3A_810 : vector<16xi32> to vector<16xf32>
      %mul3A_812 = arith.constant 0 : i32
      %mul3A_813 = vector.broadcast %mul3A_812 : i32 to vector<16xi32>
      %mul3A_814 = arith.muli %iota3A, %mul3A_813 : vector<16xi32>
      %add3A_815 = arith.constant 4 : i32
      %add3A_816 = vector.broadcast %add3A_815 : i32 to vector<16xi32>
      %add3A_817 = arith.addi %mul3A_814, %add3A_816 : vector<16xi32>
      %add3A_818 = arith.constant 0 : i32
      %add3A_819 = vector.broadcast %add3A_818 : i32 to vector<16xi32>
      %add3A_820 = arith.addi %add3A_817, %add3A_819 : vector<16xi32>
      %gather3A_821 = tpu.vector_load_idx %arg11[%add3A_800, %add3A_820] : memref<128x16xf32, #tpu.memory_space<vmem>>[vector<16xi32>, vector<16xi32>], vector<16xf32>,
      %add3A_822 = arith.addf %bitcast3A_811, %gather3A_821 : vector<16xf32>
      %gt3A_823 = arith.constant 0.000000e+00 : f32
      %gt3A_824 = vector.broadcast %gt3A_823 : f32 to vector<16xf32>
      %gt3A_825 = arith.cmpf ogt, %add3A_822, %gt3A_824 : vector<16xf32>
      %mul3A_826 = arith.constant 0.00999999977 : f32
      %mul3A_827 = vector.broadcast %mul3A_826 : f32 to vector<16xf32>
      %mul3A_828 = arith.mulf %add3A_822, %mul3A_827 : vector<16xf32>
      %select_n3A_829 = arith.select %gt3A_825, %add3A_822, %mul3A_828 : vector<16xi1>, vector<16xf32>
      %sub3A_830 = vector.broadcast %squeeze3A : f32 to vector<16xf32>
      %sub3A_831 = arith.subf %select_n3A_829, %sub3A_830 : vector<16xf32>
      %exp3A_832 = math.exp %sub3A_831 : vector<16xf32>
      %mul3A_833 = arith.constant 0 : i32
      %mul3A_834 = vector.broadcast %mul3A_833 : i32 to vector<16xi32>
      %mul3A_835 = arith.muli %iota3A, %mul3A_834 : vector<16xi32>
      %add3A_836 = arith.constant 0 : i32
      %add3A_837 = vector.broadcast %add3A_836 : i32 to vector<16xi32>
      %add3A_838 = arith.addi %mul3A_835, %add3A_837 : vector<16xi32>
      tpu.vector_store_idx %arg14[%add3A_800, %add3A_838], %exp3A_832 : memref<128x16xf32, #tpu.memory_space<vmem>>[vector<16xi32>, vector<16xi32>], vector<16xf32>,
      %mul3A_839 = arith.constant 0 : i32
      %mul3A_840 = vector.broadcast %mul3A_839 : i32 to vector<16xi32>
      %mul3A_841 = arith.muli %iota3A, %mul3A_840 : vector<16xi32>
      %add3A_842 = arith.constant 128 : i32
      %add3A_843 = vector.broadcast %add3A_842 : i32 to vector<16xi32>
      %add3A_844 = arith.addi %mul3A_841, %add3A_843 : vector<16xi32>
      %add3A_845 = arith.constant 1 : i32
      %add3A_846 = vector.broadcast %add3A_845 : i32 to vector<16xi32>
      %add3A_847 = arith.addi %add3A_844, %add3A_846 : vector<16xi32>
      %gather3A_848 = tpu.vector_load_idx %arg12[%add3A_800, %add3A_847] : memref<128x136xi32, #tpu.memory_space<vmem>>[vector<16xi32>, vector<16xi32>], vector<16xi32>,
      %bitcast3A_849 = vector.bitcast %gather3A_848 : vector<16xi32> to vector<16xf32>
      %mul3A_850 = arith.constant 0 : i32
      %mul3A_851 = vector.broadcast %mul3A_850 : i32 to vector<16xi32>
      %mul3A_852 = arith.muli %iota3A, %mul3A_851 : vector<16xi32>
      %add3A_853 = arith.constant 4 : i32
      %add3A_854 = vector.broadcast %add3A_853 : i32 to vector<16xi32>
      %add3A_855 = arith.addi %mul3A_852, %add3A_854 : vector<16xi32>
      %add3A_856 = arith.constant 1 : i32
      %add3A_857 = vector.broadcast %add3A_856 : i32 to vector<16xi32>
      %add3A_858 = arith.addi %add3A_855, %add3A_857 : vector<16xi32>
      %gather3A_859 = tpu.vector_load_idx %arg11[%add3A_800, %add3A_858] : memref<128x16xf32, #tpu.memory_space<vmem>>[vector<16xi32>, vector<16xi32>], vector<16xf32>,
      %add3A_860 = arith.addf %bitcast3A_849, %gather3A_859 : vector<16xf32>
      %gt3A_861 = arith.constant 0.000000e+00 : f32
      %gt3A_862 = vector.broadcast %gt3A_861 : f32 to vector<16xf32>
      %gt3A_863 = arith.cmpf ogt, %add3A_860, %gt3A_862 : vector<16xf32>
      %mul3A_864 = arith.constant 0.00999999977 : f32
      %mul3A_865 = vector.broadcast %mul3A_864 : f32 to vector<16xf32>
      %mul3A_866 = arith.mulf %add3A_860, %mul3A_865 : vector<16xf32>
      %select_n3A_867 = arith.select %gt3A_863, %add3A_860, %mul3A_866 : vector<16xi1>, vector<16xf32>
      %sub3A_868 = vector.broadcast %squeeze3A_7 : f32 to vector<16xf32>
      %sub3A_869 = arith.subf %select_n3A_867, %sub3A_868 : vector<16xf32>
      %exp3A_870 = math.exp %sub3A_869 : vector<16xf32>
      %mul3A_871 = arith.constant 0 : i32
      %mul3A_872 = vector.broadcast %mul3A_871 : i32 to vector<16xi32>
      %mul3A_873 = arith.muli %iota3A, %mul3A_872 : vector<16xi32>
      %add3A_874 = arith.constant 1 : i32
      %add3A_875 = vector.broadcast %add3A_874 : i32 to vector<16xi32>
      %add3A_876 = arith.addi %mul3A_873, %add3A_875 : vector<16xi32>
      tpu.vector_store_idx %arg14[%add3A_800, %add3A_876], %exp3A_870 : memref<128x16xf32, #tpu.memory_space<vmem>>[vector<16xi32>, vector<16xi32>], vector<16xf32>,
      %mul3A_877 = arith.constant 0 : i32
      %mul3A_878 = vector.broadcast %mul3A_877 : i32 to vector<16xi32>
      %mul3A_879 = arith.muli %iota3A, %mul3A_878 : vector<16xi32>
      %add3A_880 = arith.constant 128 : i32
      %add3A_881 = vector.broadcast %add3A_880 : i32 to vector<16xi32>
      %add3A_882 = arith.addi %mul3A_879, %add3A_881 : vector<16xi32>
      %add3A_883 = arith.constant 2 : i32
      %add3A_884 = vector.broadcast %add3A_883 : i32 to vector<16xi32>
      %add3A_885 = arith.addi %add3A_882, %add3A_884 : vector<16xi32>
      %gather3A_886 = tpu.vector_load_idx %arg12[%add3A_800, %add3A_885] : memref<128x136xi32, #tpu.memory_space<vmem>>[vector<16xi32>, vector<16xi32>], vector<16xi32>,
      %bitcast3A_887 = vector.bitcast %gather3A_886 : vector<16xi32> to vector<16xf32>
      %mul3A_888 = arith.constant 0 : i32
      %mul3A_889 = vector.broadcast %mul3A_888 : i32 to vector<16xi32>
      %mul3A_890 = arith.muli %iota3A, %mul3A_889 : vector<16xi32>
      %add3A_891 = arith.constant 4 : i32
      %add3A_892 = vector.broadcast %add3A_891 : i32 to vector<16xi32>
      %add3A_893 = arith.addi %mul3A_890, %add3A_892 : vector<16xi32>
      %add3A_894 = arith.constant 2 : i32
      %add3A_895 = vector.broadcast %add3A_894 : i32 to vector<16xi32>
      %add3A_896 = arith.addi %add3A_893, %add3A_895 : vector<16xi32>
      %gather3A_897 = tpu.vector_load_idx %arg11[%add3A_800, %add3A_896] : memref<128x16xf32, #tpu.memory_space<vmem>>[vector<16xi32>, vector<16xi32>], vector<16xf32>,
      %add3A_898 = arith.addf %bitcast3A_887, %gather3A_897 : vector<16xf32>
      %gt3A_899 = arith.constant 0.000000e+00 : f32
      %gt3A_900 = vector.broadcast %gt3A_899 : f32 to vector<16xf32>
      %gt3A_901 = arith.cmpf ogt, %add3A_898, %gt3A_900 : vector<16xf32>
      %mul3A_902 = arith.constant 0.00999999977 : f32
      %mul3A_903 = vector.broadcast %mul3A_902 : f32 to vector<16xf32>
      %mul3A_904 = arith.mulf %add3A_898, %mul3A_903 : vector<16xf32>
      %select_n3A_905 = arith.select %gt3A_901, %add3A_898, %mul3A_904 : vector<16xi1>, vector<16xf32>
      %sub3A_906 = vector.broadcast %squeeze3A_9 : f32 to vector<16xf32>
      %sub3A_907 = arith.subf %select_n3A_905, %sub3A_906 : vector<16xf32>
      %exp3A_908 = math.exp %sub3A_907 : vector<16xf32>
      %mul3A_909 = arith.constant 0 : i32
      %mul3A_910 = vector.broadcast %mul3A_909 : i32 to vector<16xi32>
      %mul3A_911 = arith.muli %iota3A, %mul3A_910 : vector<16xi32>
      %add3A_912 = arith.constant 2 : i32
      %add3A_913 = vector.broadcast %add3A_912 : i32 to vector<16xi32>
      %add3A_914 = arith.addi %mul3A_911, %add3A_913 : vector<16xi32>
      tpu.vector_store_idx %arg14[%add3A_800, %add3A_914], %exp3A_908 : memref<128x16xf32, #tpu.memory_space<vmem>>[vector<16xi32>, vector<16xi32>], vector<16xf32>,
      %mul3A_915 = arith.constant 0 : i32
      %mul3A_916 = vector.broadcast %mul3A_915 : i32 to vector<16xi32>
      %mul3A_917 = arith.muli %iota3A, %mul3A_916 : vector<16xi32>
      %add3A_918 = arith.constant 128 : i32
      %add3A_919 = vector.broadcast %add3A_918 : i32 to vector<16xi32>
      %add3A_920 = arith.addi %mul3A_917, %add3A_919 : vector<16xi32>
      %add3A_921 = arith.constant 3 : i32
      %add3A_922 = vector.broadcast %add3A_921 : i32 to vector<16xi32>
      %add3A_923 = arith.addi %add3A_920, %add3A_922 : vector<16xi32>
      %gather3A_924 = tpu.vector_load_idx %arg12[%add3A_800, %add3A_923] : memref<128x136xi32, #tpu.memory_space<vmem>>[vector<16xi32>, vector<16xi32>], vector<16xi32>,
      %bitcast3A_925 = vector.bitcast %gather3A_924 : vector<16xi32> to vector<16xf32>
      %mul3A_926 = arith.constant 0 : i32
      %mul3A_927 = vector.broadcast %mul3A_926 : i32 to vector<16xi32>
      %mul3A_928 = arith.muli %iota3A, %mul3A_927 : vector<16xi32>
      %add3A_929 = arith.constant 4 : i32
      %add3A_930 = vector.broadcast %add3A_929 : i32 to vector<16xi32>
      %add3A_931 = arith.addi %mul3A_928, %add3A_930 : vector<16xi32>
      %add3A_932 = arith.constant 3 : i32
      %add3A_933 = vector.broadcast %add3A_932 : i32 to vector<16xi32>
      %add3A_934 = arith.addi %add3A_931, %add3A_933 : vector<16xi32>
      %gather3A_935 = tpu.vector_load_idx %arg11[%add3A_800, %add3A_934] : memref<128x16xf32, #tpu.memory_space<vmem>>[vector<16xi32>, vector<16xi32>], vector<16xf32>,
      %add3A_936 = arith.addf %bitcast3A_925, %gather3A_935 : vector<16xf32>
      %gt3A_937 = arith.constant 0.000000e+00 : f32
      %gt3A_938 = vector.broadcast %gt3A_937 : f32 to vector<16xf32>
      %gt3A_939 = arith.cmpf ogt, %add3A_936, %gt3A_938 : vector<16xf32>
      %mul3A_940 = arith.constant 0.00999999977 : f32
      %mul3A_941 = vector.broadcast %mul3A_940 : f32 to vector<16xf32>
      %mul3A_942 = arith.mulf %add3A_936, %mul3A_941 : vector<16xf32>
      %select_n3A_943 = arith.select %gt3A_939, %add3A_936, %mul3A_942 : vector<16xi1>, vector<16xf32>
      %sub3A_944 = vector.broadcast %squeeze3A_11 : f32 to vector<16xf32>
      %sub3A_945 = arith.subf %select_n3A_943, %sub3A_944 : vector<16xf32>
      %exp3A_946 = math.exp %sub3A_945 : vector<16xf32>
      %mul3A_947 = arith.constant 0 : i32
      %mul3A_948 = vector.broadcast %mul3A_947 : i32 to vector<16xi32>
      %mul3A_949 = arith.muli %iota3A, %mul3A_948 : vector<16xi32>
      %add3A_950 = arith.constant 3 : i32
      %add3A_951 = vector.broadcast %add3A_950 : i32 to vector<16xi32>
      %add3A_952 = arith.addi %mul3A_949, %add3A_951 : vector<16xi32>
      tpu.vector_store_idx %arg14[%add3A_800, %add3A_952], %exp3A_946 : memref<128x16xf32, #tpu.memory_space<vmem>>[vector<16xi32>, vector<16xi32>], vector<16xf32>,
      %add3A_953 = arith.constant 96 : i32
      %add3A_954 = vector.broadcast %add3A_953 : i32 to vector<16xi32>
      %add3A_955 = arith.addi %iota3A, %add3A_954 : vector<16xi32>
      %mul3A_956 = arith.constant 0 : i32
      %mul3A_957 = vector.broadcast %mul3A_956 : i32 to vector<16xi32>
      %mul3A_958 = arith.muli %iota3A, %mul3A_957 : vector<16xi32>
      %add3A_959 = arith.constant 128 : i32
      %add3A_960 = vector.broadcast %add3A_959 : i32 to vector<16xi32>
      %add3A_961 = arith.addi %mul3A_958, %add3A_960 : vector<16xi32>
      %add3A_962 = arith.constant 0 : i32
      %add3A_963 = vector.broadcast %add3A_962 : i32 to vector<16xi32>
      %add3A_964 = arith.addi %add3A_961, %add3A_963 : vector<16xi32>
      %gather3A_965 = tpu.vector_load_idx %arg12[%add3A_955, %add3A_964] : memref<128x136xi32, #tpu.memory_space<vmem>>[vector<16xi32>, vector<16xi32>], vector<16xi32>,
      %bitcast3A_966 = vector.bitcast %gather3A_965 : vector<16xi32> to vector<16xf32>
      %mul3A_967 = arith.constant 0 : i32
      %mul3A_968 = vector.broadcast %mul3A_967 : i32 to vector<16xi32>
      %mul3A_969 = arith.muli %iota3A, %mul3A_968 : vector<16xi32>
      %add3A_970 = arith.constant 4 : i32
      %add3A_971 = vector.broadcast %add3A_970 : i32 to vector<16xi32>
      %add3A_972 = arith.addi %mul3A_969, %add3A_971 : vector<16xi32>
      %add3A_973 = arith.constant 0 : i32
      %add3A_974 = vector.broadcast %add3A_973 : i32 to vector<16xi32>
      %add3A_975 = arith.addi %add3A_972, %add3A_974 : vector<16xi32>
      %gather3A_976 = tpu.vector_load_idx %arg11[%add3A_955, %add3A_975] : memref<128x16xf32, #tpu.memory_space<vmem>>[vector<16xi32>, vector<16xi32>], vector<16xf32>,
      %add3A_977 = arith.addf %bitcast3A_966, %gather3A_976 : vector<16xf32>
      %gt3A_978 = arith.constant 0.000000e+00 : f32
      %gt3A_979 = vector.broadcast %gt3A_978 : f32 to vector<16xf32>
      %gt3A_980 = arith.cmpf ogt, %add3A_977, %gt3A_979 : vector<16xf32>
      %mul3A_981 = arith.constant 0.00999999977 : f32
      %mul3A_982 = vector.broadcast %mul3A_981 : f32 to vector<16xf32>
      %mul3A_983 = arith.mulf %add3A_977, %mul3A_982 : vector<16xf32>
      %select_n3A_984 = arith.select %gt3A_980, %add3A_977, %mul3A_983 : vector<16xi1>, vector<16xf32>
      %sub3A_985 = vector.broadcast %squeeze3A : f32 to vector<16xf32>
      %sub3A_986 = arith.subf %select_n3A_984, %sub3A_985 : vector<16xf32>
      %exp3A_987 = math.exp %sub3A_986 : vector<16xf32>
      %mul3A_988 = arith.constant 0 : i32
      %mul3A_989 = vector.broadcast %mul3A_988 : i32 to vector<16xi32>
      %mul3A_990 = arith.muli %iota3A, %mul3A_989 : vector<16xi32>
      %add3A_991 = arith.constant 0 : i32
      %add3A_992 = vector.broadcast %add3A_991 : i32 to vector<16xi32>
      %add3A_993 = arith.addi %mul3A_990, %add3A_992 : vector<16xi32>
      tpu.vector_store_idx %arg14[%add3A_955, %add3A_993], %exp3A_987 : memref<128x16xf32, #tpu.memory_space<vmem>>[vector<16xi32>, vector<16xi32>], vector<16xf32>,
      %mul3A_994 = arith.constant 0 : i32
      %mul3A_995 = vector.broadcast %mul3A_994 : i32 to vector<16xi32>
      %mul3A_996 = arith.muli %iota3A, %mul3A_995 : vector<16xi32>
      %add3A_997 = arith.constant 128 : i32
      %add3A_998 = vector.broadcast %add3A_997 : i32 to vector<16xi32>
      %add3A_999 = arith.addi %mul3A_996, %add3A_998 : vector<16xi32>
      %add3A_1000 = arith.constant 1 : i32
      %add3A_1001 = vector.broadcast %add3A_1000 : i32 to vector<16xi32>
      %add3A_1002 = arith.addi %add3A_999, %add3A_1001 : vector<16xi32>
      %gather3A_1003 = tpu.vector_load_idx %arg12[%add3A_955, %add3A_1002] : memref<128x136xi32, #tpu.memory_space<vmem>>[vector<16xi32>, vector<16xi32>], vector<16xi32>,
      %bitcast3A_1004 = vector.bitcast %gather3A_1003 : vector<16xi32> to vector<16xf32>
      %mul3A_1005 = arith.constant 0 : i32
      %mul3A_1006 = vector.broadcast %mul3A_1005 : i32 to vector<16xi32>
      %mul3A_1007 = arith.muli %iota3A, %mul3A_1006 : vector<16xi32>
      %add3A_1008 = arith.constant 4 : i32
      %add3A_1009 = vector.broadcast %add3A_1008 : i32 to vector<16xi32>
      %add3A_1010 = arith.addi %mul3A_1007, %add3A_1009 : vector<16xi32>
      %add3A_1011 = arith.constant 1 : i32
      %add3A_1012 = vector.broadcast %add3A_1011 : i32 to vector<16xi32>
      %add3A_1013 = arith.addi %add3A_1010, %add3A_1012 : vector<16xi32>
      %gather3A_1014 = tpu.vector_load_idx %arg11[%add3A_955, %add3A_1013] : memref<128x16xf32, #tpu.memory_space<vmem>>[vector<16xi32>, vector<16xi32>], vector<16xf32>,
      %add3A_1015 = arith.addf %bitcast3A_1004, %gather3A_1014 : vector<16xf32>
      %gt3A_1016 = arith.constant 0.000000e+00 : f32
      %gt3A_1017 = vector.broadcast %gt3A_1016 : f32 to vector<16xf32>
      %gt3A_1018 = arith.cmpf ogt, %add3A_1015, %gt3A_1017 : vector<16xf32>
      %mul3A_1019 = arith.constant 0.00999999977 : f32
      %mul3A_1020 = vector.broadcast %mul3A_1019 : f32 to vector<16xf32>
      %mul3A_1021 = arith.mulf %add3A_1015, %mul3A_1020 : vector<16xf32>
      %select_n3A_1022 = arith.select %gt3A_1018, %add3A_1015, %mul3A_1021 : vector<16xi1>, vector<16xf32>
      %sub3A_1023 = vector.broadcast %squeeze3A_7 : f32 to vector<16xf32>
      %sub3A_1024 = arith.subf %select_n3A_1022, %sub3A_1023 : vector<16xf32>
      %exp3A_1025 = math.exp %sub3A_1024 : vector<16xf32>
      %mul3A_1026 = arith.constant 0 : i32
      %mul3A_1027 = vector.broadcast %mul3A_1026 : i32 to vector<16xi32>
      %mul3A_1028 = arith.muli %iota3A, %mul3A_1027 : vector<16xi32>
      %add3A_1029 = arith.constant 1 : i32
      %add3A_1030 = vector.broadcast %add3A_1029 : i32 to vector<16xi32>
      %add3A_1031 = arith.addi %mul3A_1028, %add3A_1030 : vector<16xi32>
      tpu.vector_store_idx %arg14[%add3A_955, %add3A_1031], %exp3A_1025 : memref<128x16xf32, #tpu.memory_space<vmem>>[vector<16xi32>, vector<16xi32>], vector<16xf32>,
      %mul3A_1032 = arith.constant 0 : i32
      %mul3A_1033 = vector.broadcast %mul3A_1032 : i32 to vector<16xi32>
      %mul3A_1034 = arith.muli %iota3A, %mul3A_1033 : vector<16xi32>
      %add3A_1035 = arith.constant 128 : i32
      %add3A_1036 = vector.broadcast %add3A_1035 : i32 to vector<16xi32>
      %add3A_1037 = arith.addi %mul3A_1034, %add3A_1036 : vector<16xi32>
      %add3A_1038 = arith.constant 2 : i32
      %add3A_1039 = vector.broadcast %add3A_1038 : i32 to vector<16xi32>
      %add3A_1040 = arith.addi %add3A_1037, %add3A_1039 : vector<16xi32>
      %gather3A_1041 = tpu.vector_load_idx %arg12[%add3A_955, %add3A_1040] : memref<128x136xi32, #tpu.memory_space<vmem>>[vector<16xi32>, vector<16xi32>], vector<16xi32>,
      %bitcast3A_1042 = vector.bitcast %gather3A_1041 : vector<16xi32> to vector<16xf32>
      %mul3A_1043 = arith.constant 0 : i32
      %mul3A_1044 = vector.broadcast %mul3A_1043 : i32 to vector<16xi32>
      %mul3A_1045 = arith.muli %iota3A, %mul3A_1044 : vector<16xi32>
      %add3A_1046 = arith.constant 4 : i32
      %add3A_1047 = vector.broadcast %add3A_1046 : i32 to vector<16xi32>
      %add3A_1048 = arith.addi %mul3A_1045, %add3A_1047 : vector<16xi32>
      %add3A_1049 = arith.constant 2 : i32
      %add3A_1050 = vector.broadcast %add3A_1049 : i32 to vector<16xi32>
      %add3A_1051 = arith.addi %add3A_1048, %add3A_1050 : vector<16xi32>
      %gather3A_1052 = tpu.vector_load_idx %arg11[%add3A_955, %add3A_1051] : memref<128x16xf32, #tpu.memory_space<vmem>>[vector<16xi32>, vector<16xi32>], vector<16xf32>,
      %add3A_1053 = arith.addf %bitcast3A_1042, %gather3A_1052 : vector<16xf32>
      %gt3A_1054 = arith.constant 0.000000e+00 : f32
      %gt3A_1055 = vector.broadcast %gt3A_1054 : f32 to vector<16xf32>
      %gt3A_1056 = arith.cmpf ogt, %add3A_1053, %gt3A_1055 : vector<16xf32>
      %mul3A_1057 = arith.constant 0.00999999977 : f32
      %mul3A_1058 = vector.broadcast %mul3A_1057 : f32 to vector<16xf32>
      %mul3A_1059 = arith.mulf %add3A_1053, %mul3A_1058 : vector<16xf32>
      %select_n3A_1060 = arith.select %gt3A_1056, %add3A_1053, %mul3A_1059 : vector<16xi1>, vector<16xf32>
      %sub3A_1061 = vector.broadcast %squeeze3A_9 : f32 to vector<16xf32>
      %sub3A_1062 = arith.subf %select_n3A_1060, %sub3A_1061 : vector<16xf32>
      %exp3A_1063 = math.exp %sub3A_1062 : vector<16xf32>
      %mul3A_1064 = arith.constant 0 : i32
      %mul3A_1065 = vector.broadcast %mul3A_1064 : i32 to vector<16xi32>
      %mul3A_1066 = arith.muli %iota3A, %mul3A_1065 : vector<16xi32>
      %add3A_1067 = arith.constant 2 : i32
      %add3A_1068 = vector.broadcast %add3A_1067 : i32 to vector<16xi32>
      %add3A_1069 = arith.addi %mul3A_1066, %add3A_1068 : vector<16xi32>
      tpu.vector_store_idx %arg14[%add3A_955, %add3A_1069], %exp3A_1063 : memref<128x16xf32, #tpu.memory_space<vmem>>[vector<16xi32>, vector<16xi32>], vector<16xf32>,
      %mul3A_1070 = arith.constant 0 : i32
      %mul3A_1071 = vector.broadcast %mul3A_1070 : i32 to vector<16xi32>
      %mul3A_1072 = arith.muli %iota3A, %mul3A_1071 : vector<16xi32>
      %add3A_1073 = arith.constant 128 : i32
      %add3A_1074 = vector.broadcast %add3A_1073 : i32 to vector<16xi32>
      %add3A_1075 = arith.addi %mul3A_1072, %add3A_1074 : vector<16xi32>
      %add3A_1076 = arith.constant 3 : i32
      %add3A_1077 = vector.broadcast %add3A_1076 : i32 to vector<16xi32>
      %add3A_1078 = arith.addi %add3A_1075, %add3A_1077 : vector<16xi32>
      %gather3A_1079 = tpu.vector_load_idx %arg12[%add3A_955, %add3A_1078] : memref<128x136xi32, #tpu.memory_space<vmem>>[vector<16xi32>, vector<16xi32>], vector<16xi32>,
      %bitcast3A_1080 = vector.bitcast %gather3A_1079 : vector<16xi32> to vector<16xf32>
      %mul3A_1081 = arith.constant 0 : i32
      %mul3A_1082 = vector.broadcast %mul3A_1081 : i32 to vector<16xi32>
      %mul3A_1083 = arith.muli %iota3A, %mul3A_1082 : vector<16xi32>
      %add3A_1084 = arith.constant 4 : i32
      %add3A_1085 = vector.broadcast %add3A_1084 : i32 to vector<16xi32>
      %add3A_1086 = arith.addi %mul3A_1083, %add3A_1085 : vector<16xi32>
      %add3A_1087 = arith.constant 3 : i32
      %add3A_1088 = vector.broadcast %add3A_1087 : i32 to vector<16xi32>
      %add3A_1089 = arith.addi %add3A_1086, %add3A_1088 : vector<16xi32>
      %gather3A_1090 = tpu.vector_load_idx %arg11[%add3A_955, %add3A_1089] : memref<128x16xf32, #tpu.memory_space<vmem>>[vector<16xi32>, vector<16xi32>], vector<16xf32>,
      %add3A_1091 = arith.addf %bitcast3A_1080, %gather3A_1090 : vector<16xf32>
      %gt3A_1092 = arith.constant 0.000000e+00 : f32
      %gt3A_1093 = vector.broadcast %gt3A_1092 : f32 to vector<16xf32>
      %gt3A_1094 = arith.cmpf ogt, %add3A_1091, %gt3A_1093 : vector<16xf32>
      %mul3A_1095 = arith.constant 0.00999999977 : f32
      %mul3A_1096 = vector.broadcast %mul3A_1095 : f32 to vector<16xf32>
      %mul3A_1097 = arith.mulf %add3A_1091, %mul3A_1096 : vector<16xf32>
      %select_n3A_1098 = arith.select %gt3A_1094, %add3A_1091, %mul3A_1097 : vector<16xi1>, vector<16xf32>
      %sub3A_1099 = vector.broadcast %squeeze3A_11 : f32 to vector<16xf32>
      %sub3A_1100 = arith.subf %select_n3A_1098, %sub3A_1099 : vector<16xf32>
      %exp3A_1101 = math.exp %sub3A_1100 : vector<16xf32>
      %mul3A_1102 = arith.constant 0 : i32
      %mul3A_1103 = vector.broadcast %mul3A_1102 : i32 to vector<16xi32>
      %mul3A_1104 = arith.muli %iota3A, %mul3A_1103 : vector<16xi32>
      %add3A_1105 = arith.constant 3 : i32
      %add3A_1106 = vector.broadcast %add3A_1105 : i32 to vector<16xi32>
      %add3A_1107 = arith.addi %mul3A_1104, %add3A_1106 : vector<16xi32>
      tpu.vector_store_idx %arg14[%add3A_955, %add3A_1107], %exp3A_1101 : memref<128x16xf32, #tpu.memory_space<vmem>>[vector<16xi32>, vector<16xi32>], vector<16xf32>,
      %add3A_1108 = arith.constant 112 : i32
      %add3A_1109 = vector.broadcast %add3A_1108 : i32 to vector<16xi32>
      %add3A_1110 = arith.addi %iota3A, %add3A_1109 : vector<16xi32>
      %mul3A_1111 = arith.constant 0 : i32
      %mul3A_1112 = vector.broadcast %mul3A_1111 : i32 to vector<16xi32>
      %mul3A_1113 = arith.muli %iota3A, %mul3A_1112 : vector<16xi32>
      %add3A_1114 = arith.constant 128 : i32
      %add3A_1115 = vector.broadcast %add3A_1114 : i32 to vector<16xi32>
      %add3A_1116 = arith.addi %mul3A_1113, %add3A_1115 : vector<16xi32>
      %add3A_1117 = arith.constant 0 : i32
      %add3A_1118 = vector.broadcast %add3A_1117 : i32 to vector<16xi32>
      %add3A_1119 = arith.addi %add3A_1116, %add3A_1118 : vector<16xi32>
      %gather3A_1120 = tpu.vector_load_idx %arg12[%add3A_1110, %add3A_1119] : memref<128x136xi32, #tpu.memory_space<vmem>>[vector<16xi32>, vector<16xi32>], vector<16xi32>,
      %bitcast3A_1121 = vector.bitcast %gather3A_1120 : vector<16xi32> to vector<16xf32>
      %mul3A_1122 = arith.constant 0 : i32
      %mul3A_1123 = vector.broadcast %mul3A_1122 : i32 to vector<16xi32>
      %mul3A_1124 = arith.muli %iota3A, %mul3A_1123 : vector<16xi32>
      %add3A_1125 = arith.constant 4 : i32
      %add3A_1126 = vector.broadcast %add3A_1125 : i32 to vector<16xi32>
      %add3A_1127 = arith.addi %mul3A_1124, %add3A_1126 : vector<16xi32>
      %add3A_1128 = arith.constant 0 : i32
      %add3A_1129 = vector.broadcast %add3A_1128 : i32 to vector<16xi32>
      %add3A_1130 = arith.addi %add3A_1127, %add3A_1129 : vector<16xi32>
      %gather3A_1131 = tpu.vector_load_idx %arg11[%add3A_1110, %add3A_1130] : memref<128x16xf32, #tpu.memory_space<vmem>>[vector<16xi32>, vector<16xi32>], vector<16xf32>,
      %add3A_1132 = arith.addf %bitcast3A_1121, %gather3A_1131 : vector<16xf32>
      %gt3A_1133 = arith.constant 0.000000e+00 : f32
      %gt3A_1134 = vector.broadcast %gt3A_1133 : f32 to vector<16xf32>
      %gt3A_1135 = arith.cmpf ogt, %add3A_1132, %gt3A_1134 : vector<16xf32>
      %mul3A_1136 = arith.constant 0.00999999977 : f32
      %mul3A_1137 = vector.broadcast %mul3A_1136 : f32 to vector<16xf32>
      %mul3A_1138 = arith.mulf %add3A_1132, %mul3A_1137 : vector<16xf32>
      %select_n3A_1139 = arith.select %gt3A_1135, %add3A_1132, %mul3A_1138 : vector<16xi1>, vector<16xf32>
      %sub3A_1140 = vector.broadcast %squeeze3A : f32 to vector<16xf32>
      %sub3A_1141 = arith.subf %select_n3A_1139, %sub3A_1140 : vector<16xf32>
      %exp3A_1142 = math.exp %sub3A_1141 : vector<16xf32>
      %mul3A_1143 = arith.constant 0 : i32
      %mul3A_1144 = vector.broadcast %mul3A_1143 : i32 to vector<16xi32>
      %mul3A_1145 = arith.muli %iota3A, %mul3A_1144 : vector<16xi32>
      %add3A_1146 = arith.constant 0 : i32
      %add3A_1147 = vector.broadcast %add3A_1146 : i32 to vector<16xi32>
      %add3A_1148 = arith.addi %mul3A_1145, %add3A_1147 : vector<16xi32>
      tpu.vector_store_idx %arg14[%add3A_1110, %add3A_1148], %exp3A_1142 : memref<128x16xf32, #tpu.memory_space<vmem>>[vector<16xi32>, vector<16xi32>], vector<16xf32>,
      %mul3A_1149 = arith.constant 0 : i32
      %mul3A_1150 = vector.broadcast %mul3A_1149 : i32 to vector<16xi32>
      %mul3A_1151 = arith.muli %iota3A, %mul3A_1150 : vector<16xi32>
      %add3A_1152 = arith.constant 128 : i32
      %add3A_1153 = vector.broadcast %add3A_1152 : i32 to vector<16xi32>
      %add3A_1154 = arith.addi %mul3A_1151, %add3A_1153 : vector<16xi32>
      %add3A_1155 = arith.constant 1 : i32
      %add3A_1156 = vector.broadcast %add3A_1155 : i32 to vector<16xi32>
      %add3A_1157 = arith.addi %add3A_1154, %add3A_1156 : vector<16xi32>
      %gather3A_1158 = tpu.vector_load_idx %arg12[%add3A_1110, %add3A_1157] : memref<128x136xi32, #tpu.memory_space<vmem>>[vector<16xi32>, vector<16xi32>], vector<16xi32>,
      %bitcast3A_1159 = vector.bitcast %gather3A_1158 : vector<16xi32> to vector<16xf32>
      %mul3A_1160 = arith.constant 0 : i32
      %mul3A_1161 = vector.broadcast %mul3A_1160 : i32 to vector<16xi32>
      %mul3A_1162 = arith.muli %iota3A, %mul3A_1161 : vector<16xi32>
      %add3A_1163 = arith.constant 4 : i32
      %add3A_1164 = vector.broadcast %add3A_1163 : i32 to vector<16xi32>
      %add3A_1165 = arith.addi %mul3A_1162, %add3A_1164 : vector<16xi32>
      %add3A_1166 = arith.constant 1 : i32
      %add3A_1167 = vector.broadcast %add3A_1166 : i32 to vector<16xi32>
      %add3A_1168 = arith.addi %add3A_1165, %add3A_1167 : vector<16xi32>
      %gather3A_1169 = tpu.vector_load_idx %arg11[%add3A_1110, %add3A_1168] : memref<128x16xf32, #tpu.memory_space<vmem>>[vector<16xi32>, vector<16xi32>], vector<16xf32>,
      %add3A_1170 = arith.addf %bitcast3A_1159, %gather3A_1169 : vector<16xf32>
      %gt3A_1171 = arith.constant 0.000000e+00 : f32
      %gt3A_1172 = vector.broadcast %gt3A_1171 : f32 to vector<16xf32>
      %gt3A_1173 = arith.cmpf ogt, %add3A_1170, %gt3A_1172 : vector<16xf32>
      %mul3A_1174 = arith.constant 0.00999999977 : f32
      %mul3A_1175 = vector.broadcast %mul3A_1174 : f32 to vector<16xf32>
      %mul3A_1176 = arith.mulf %add3A_1170, %mul3A_1175 : vector<16xf32>
      %select_n3A_1177 = arith.select %gt3A_1173, %add3A_1170, %mul3A_1176 : vector<16xi1>, vector<16xf32>
      %sub3A_1178 = vector.broadcast %squeeze3A_7 : f32 to vector<16xf32>
      %sub3A_1179 = arith.subf %select_n3A_1177, %sub3A_1178 : vector<16xf32>
      %exp3A_1180 = math.exp %sub3A_1179 : vector<16xf32>
      %mul3A_1181 = arith.constant 0 : i32
      %mul3A_1182 = vector.broadcast %mul3A_1181 : i32 to vector<16xi32>
      %mul3A_1183 = arith.muli %iota3A, %mul3A_1182 : vector<16xi32>
      %add3A_1184 = arith.constant 1 : i32
      %add3A_1185 = vector.broadcast %add3A_1184 : i32 to vector<16xi32>
      %add3A_1186 = arith.addi %mul3A_1183, %add3A_1185 : vector<16xi32>
      tpu.vector_store_idx %arg14[%add3A_1110, %add3A_1186], %exp3A_1180 : memref<128x16xf32, #tpu.memory_space<vmem>>[vector<16xi32>, vector<16xi32>], vector<16xf32>,
      %mul3A_1187 = arith.constant 0 : i32
      %mul3A_1188 = vector.broadcast %mul3A_1187 : i32 to vector<16xi32>
      %mul3A_1189 = arith.muli %iota3A, %mul3A_1188 : vector<16xi32>
      %add3A_1190 = arith.constant 128 : i32
      %add3A_1191 = vector.broadcast %add3A_1190 : i32 to vector<16xi32>
      %add3A_1192 = arith.addi %mul3A_1189, %add3A_1191 : vector<16xi32>
      %add3A_1193 = arith.constant 2 : i32
      %add3A_1194 = vector.broadcast %add3A_1193 : i32 to vector<16xi32>
      %add3A_1195 = arith.addi %add3A_1192, %add3A_1194 : vector<16xi32>
      %gather3A_1196 = tpu.vector_load_idx %arg12[%add3A_1110, %add3A_1195] : memref<128x136xi32, #tpu.memory_space<vmem>>[vector<16xi32>, vector<16xi32>], vector<16xi32>,
      %bitcast3A_1197 = vector.bitcast %gather3A_1196 : vector<16xi32> to vector<16xf32>
      %mul3A_1198 = arith.constant 0 : i32
      %mul3A_1199 = vector.broadcast %mul3A_1198 : i32 to vector<16xi32>
      %mul3A_1200 = arith.muli %iota3A, %mul3A_1199 : vector<16xi32>
      %add3A_1201 = arith.constant 4 : i32
      %add3A_1202 = vector.broadcast %add3A_1201 : i32 to vector<16xi32>
      %add3A_1203 = arith.addi %mul3A_1200, %add3A_1202 : vector<16xi32>
      %add3A_1204 = arith.constant 2 : i32
      %add3A_1205 = vector.broadcast %add3A_1204 : i32 to vector<16xi32>
      %add3A_1206 = arith.addi %add3A_1203, %add3A_1205 : vector<16xi32>
      %gather3A_1207 = tpu.vector_load_idx %arg11[%add3A_1110, %add3A_1206] : memref<128x16xf32, #tpu.memory_space<vmem>>[vector<16xi32>, vector<16xi32>], vector<16xf32>,
      %add3A_1208 = arith.addf %bitcast3A_1197, %gather3A_1207 : vector<16xf32>
      %gt3A_1209 = arith.constant 0.000000e+00 : f32
      %gt3A_1210 = vector.broadcast %gt3A_1209 : f32 to vector<16xf32>
      %gt3A_1211 = arith.cmpf ogt, %add3A_1208, %gt3A_1210 : vector<16xf32>
      %mul3A_1212 = arith.constant 0.00999999977 : f32
      %mul3A_1213 = vector.broadcast %mul3A_1212 : f32 to vector<16xf32>
      %mul3A_1214 = arith.mulf %add3A_1208, %mul3A_1213 : vector<16xf32>
      %select_n3A_1215 = arith.select %gt3A_1211, %add3A_1208, %mul3A_1214 : vector<16xi1>, vector<16xf32>
      %sub3A_1216 = vector.broadcast %squeeze3A_9 : f32 to vector<16xf32>
      %sub3A_1217 = arith.subf %select_n3A_1215, %sub3A_1216 : vector<16xf32>
      %exp3A_1218 = math.exp %sub3A_1217 : vector<16xf32>
      %mul3A_1219 = arith.constant 0 : i32
      %mul3A_1220 = vector.broadcast %mul3A_1219 : i32 to vector<16xi32>
      %mul3A_1221 = arith.muli %iota3A, %mul3A_1220 : vector<16xi32>
      %add3A_1222 = arith.constant 2 : i32
      %add3A_1223 = vector.broadcast %add3A_1222 : i32 to vector<16xi32>
      %add3A_1224 = arith.addi %mul3A_1221, %add3A_1223 : vector<16xi32>
      tpu.vector_store_idx %arg14[%add3A_1110, %add3A_1224], %exp3A_1218 : memref<128x16xf32, #tpu.memory_space<vmem>>[vector<16xi32>, vector<16xi32>], vector<16xf32>,
      %mul3A_1225 = arith.constant 0 : i32
      %mul3A_1226 = vector.broadcast %mul3A_1225 : i32 to vector<16xi32>
      %mul3A_1227 = arith.muli %iota3A, %mul3A_1226 : vector<16xi32>
      %add3A_1228 = arith.constant 128 : i32
      %add3A_1229 = vector.broadcast %add3A_1228 : i32 to vector<16xi32>
      %add3A_1230 = arith.addi %mul3A_1227, %add3A_1229 : vector<16xi32>
      %add3A_1231 = arith.constant 3 : i32
      %add3A_1232 = vector.broadcast %add3A_1231 : i32 to vector<16xi32>
      %add3A_1233 = arith.addi %add3A_1230, %add3A_1232 : vector<16xi32>
      %gather3A_1234 = tpu.vector_load_idx %arg12[%add3A_1110, %add3A_1233] : memref<128x136xi32, #tpu.memory_space<vmem>>[vector<16xi32>, vector<16xi32>], vector<16xi32>,
      %bitcast3A_1235 = vector.bitcast %gather3A_1234 : vector<16xi32> to vector<16xf32>
      %mul3A_1236 = arith.constant 0 : i32
      %mul3A_1237 = vector.broadcast %mul3A_1236 : i32 to vector<16xi32>
      %mul3A_1238 = arith.muli %iota3A, %mul3A_1237 : vector<16xi32>
      %add3A_1239 = arith.constant 4 : i32
      %add3A_1240 = vector.broadcast %add3A_1239 : i32 to vector<16xi32>
      %add3A_1241 = arith.addi %mul3A_1238, %add3A_1240 : vector<16xi32>
      %add3A_1242 = arith.constant 3 : i32
      %add3A_1243 = vector.broadcast %add3A_1242 : i32 to vector<16xi32>
      %add3A_1244 = arith.addi %add3A_1241, %add3A_1243 : vector<16xi32>
      %gather3A_1245 = tpu.vector_load_idx %arg11[%add3A_1110, %add3A_1244] : memref<128x16xf32, #tpu.memory_space<vmem>>[vector<16xi32>, vector<16xi32>], vector<16xf32>,
      %add3A_1246 = arith.addf %bitcast3A_1235, %gather3A_1245 : vector<16xf32>
      %gt3A_1247 = arith.constant 0.000000e+00 : f32
      %gt3A_1248 = vector.broadcast %gt3A_1247 : f32 to vector<16xf32>
      %gt3A_1249 = arith.cmpf ogt, %add3A_1246, %gt3A_1248 : vector<16xf32>
      %mul3A_1250 = arith.constant 0.00999999977 : f32
      %mul3A_1251 = vector.broadcast %mul3A_1250 : f32 to vector<16xf32>
      %mul3A_1252 = arith.mulf %add3A_1246, %mul3A_1251 : vector<16xf32>
      %select_n3A_1253 = arith.select %gt3A_1249, %add3A_1246, %mul3A_1252 : vector<16xi1>, vector<16xf32>
      %sub3A_1254 = vector.broadcast %squeeze3A_11 : f32 to vector<16xf32>
      %sub3A_1255 = arith.subf %select_n3A_1253, %sub3A_1254 : vector<16xf32>
      %exp3A_1256 = math.exp %sub3A_1255 : vector<16xf32>
      %mul3A_1257 = arith.constant 0 : i32
      %mul3A_1258 = vector.broadcast %mul3A_1257 : i32 to vector<16xi32>
      %mul3A_1259 = arith.muli %iota3A, %mul3A_1258 : vector<16xi32>
      %add3A_1260 = arith.constant 3 : i32
      %add3A_1261 = vector.broadcast %add3A_1260 : i32 to vector<16xi32>
      %add3A_1262 = arith.addi %mul3A_1259, %add3A_1261 : vector<16xi32>
      tpu.vector_store_idx %arg14[%add3A_1110, %add3A_1262], %exp3A_1256 : memref<128x16xf32, #tpu.memory_space<vmem>>[vector<16xi32>, vector<16xi32>], vector<16xf32>,
      %parallel_loop3A = arith.constant 0 : i32
      %parallel_loop3A_1263 = arith.constant 128 : i32
      %parallel_loop3A_1264 = arith.constant 1 : i32
      scf.for %parallel_loop3A_1267 = %parallel_loop3A to %parallel_loop3A_1263 step %parallel_loop3A_1264  : i32 {
        %parallel_loop3A_1268 = arith.index_cast %parallel_loop3A_1267 : i32 to index
        %parallel_loop3A_1269 = arith.constant 0 : index
        %parallel_loop3A_1270 = tpu.vector_load %arg14[%parallel_loop3A_1268, %parallel_loop3A_1269] {strides = array<i32>} : memref<128x16xf32, #tpu.memory_space<vmem>>, vector<16xf32>,
        %parallel_loop3A_1271 = vector.extract_strided_slice %parallel_loop3A_1270 {offsets = [0], sizes = [1], strides = [1]} : vector<16xf32> to vector<1xf32>
        %parallel_loop3A_1272 = vector.extract %parallel_loop3A_1271[0] : f32 from vector<1xf32>
        %parallel_loop3A_1273 = vector.extract_strided_slice %parallel_loop3A_1270 {offsets = [1], sizes = [1], strides = [1]} : vector<16xf32> to vector<1xf32>
        %parallel_loop3A_1274 = vector.extract %parallel_loop3A_1273[0] : f32 from vector<1xf32>
        %parallel_loop3A_1275 = vector.extract_strided_slice %parallel_loop3A_1270 {offsets = [2], sizes = [1], strides = [1]} : vector<16xf32> to vector<1xf32>
        %parallel_loop3A_1276 = vector.extract %parallel_loop3A_1275[0] : f32 from vector<1xf32>
        %parallel_loop3A_1277 = vector.extract_strided_slice %parallel_loop3A_1270 {offsets = [3], sizes = [1], strides = [1]} : vector<16xf32> to vector<1xf32>
        %parallel_loop3A_1278 = vector.extract %parallel_loop3A_1277[0] : f32 from vector<1xf32>
        %parallel_loop3A_1279 = arith.index_cast %parallel_loop3A_1267 : i32 to index
        %parallel_loop3A_1280 = arith.constant 0 : index
        %parallel_loop3A_1281 = tpu.vector_load %arg12[%parallel_loop3A_1279, %parallel_loop3A_1280] {strides = array<i32>} : memref<128x136xi32, #tpu.memory_space<vmem>>, vector<16xi32>,
        %parallel_loop3A_1282 = arith.constant 16 : i32
        %parallel_loop3A_1283 = vector.broadcast %parallel_loop3A_1282 : i32 to vector<16xi32>
        %parallel_loop3A_1284 = arith.shli %parallel_loop3A_1281, %parallel_loop3A_1283 : vector<16xi32>
        %parallel_loop3A_1285 = vector.bitcast %parallel_loop3A_1284 : vector<16xi32> to vector<16xf32>
        %parallel_loop3A_1286 = arith.andi %parallel_loop3A_1281, %broadcast_in_dim3A_12 : vector<16xi32>
        %parallel_loop3A_1287 = vector.bitcast %parallel_loop3A_1286 : vector<16xi32> to vector<16xf32>
        %parallel_loop3A_1288 = vector.broadcast %parallel_loop3A_1272 : f32 to vector<16xf32>
        %parallel_loop3A_1289 = arith.mulf %parallel_loop3A_1285, %parallel_loop3A_1288 : vector<16xf32>
        %parallel_loop3A_1290 = arith.index_cast %parallel_loop3A_1267 : i32 to index
        %parallel_loop3A_1291 = arith.constant 0 : index
        %parallel_loop3A_1292 = tpu.vector_load %arg13[%parallel_loop3A_1290, %parallel_loop3A_1291] {strides = array<i32>} : memref<128x256xf32, #tpu.memory_space<vmem>>, vector<16xf32>,
        tpu.vector_store %arg13[%parallel_loop3A_1290, %parallel_loop3A_1291], %parallel_loop3A_1289 {strides = array<i32>} : memref<128x256xf32, #tpu.memory_space<vmem>>, vector<16xf32>,
        %parallel_loop3A_1293 = vector.broadcast %parallel_loop3A_1272 : f32 to vector<16xf32>
        %parallel_loop3A_1294 = arith.mulf %parallel_loop3A_1287, %parallel_loop3A_1293 : vector<16xf32>
        %parallel_loop3A_1295 = arith.index_cast %parallel_loop3A_1267 : i32 to index
        %parallel_loop3A_1296 = arith.constant 16 : index
        %parallel_loop3A_1297 = tpu.vector_load %arg13[%parallel_loop3A_1295, %parallel_loop3A_1296] {strides = array<i32>} : memref<128x256xf32, #tpu.memory_space<vmem>>, vector<16xf32>,
        tpu.vector_store %arg13[%parallel_loop3A_1295, %parallel_loop3A_1296], %parallel_loop3A_1294 {strides = array<i32>} : memref<128x256xf32, #tpu.memory_space<vmem>>, vector<16xf32>,
        %parallel_loop3A_1298 = arith.index_cast %parallel_loop3A_1267 : i32 to index
        %parallel_loop3A_1299 = arith.constant 16 : index
        %parallel_loop3A_1300 = tpu.vector_load %arg12[%parallel_loop3A_1298, %parallel_loop3A_1299] {strides = array<i32>} : memref<128x136xi32, #tpu.memory_space<vmem>>, vector<16xi32>,
        %parallel_loop3A_1301 = arith.constant 16 : i32
        %parallel_loop3A_1302 = vector.broadcast %parallel_loop3A_1301 : i32 to vector<16xi32>
        %parallel_loop3A_1303 = arith.shli %parallel_loop3A_1300, %parallel_loop3A_1302 : vector<16xi32>
        %parallel_loop3A_1304 = vector.bitcast %parallel_loop3A_1303 : vector<16xi32> to vector<16xf32>
        %parallel_loop3A_1305 = arith.andi %parallel_loop3A_1300, %broadcast_in_dim3A_12 : vector<16xi32>
        %parallel_loop3A_1306 = vector.bitcast %parallel_loop3A_1305 : vector<16xi32> to vector<16xf32>
        %parallel_loop3A_1307 = vector.broadcast %parallel_loop3A_1272 : f32 to vector<16xf32>
        %parallel_loop3A_1308 = arith.mulf %parallel_loop3A_1304, %parallel_loop3A_1307 : vector<16xf32>
        %parallel_loop3A_1309 = arith.index_cast %parallel_loop3A_1267 : i32 to index
        %parallel_loop3A_1310 = arith.constant 32 : index
        %parallel_loop3A_1311 = tpu.vector_load %arg13[%parallel_loop3A_1309, %parallel_loop3A_1310] {strides = array<i32>} : memref<128x256xf32, #tpu.memory_space<vmem>>, vector<16xf32>,
        tpu.vector_store %arg13[%parallel_loop3A_1309, %parallel_loop3A_1310], %parallel_loop3A_1308 {strides = array<i32>} : memref<128x256xf32, #tpu.memory_space<vmem>>, vector<16xf32>,
        %parallel_loop3A_1312 = vector.broadcast %parallel_loop3A_1272 : f32 to vector<16xf32>
        %parallel_loop3A_1313 = arith.mulf %parallel_loop3A_1306, %parallel_loop3A_1312 : vector<16xf32>
        %parallel_loop3A_1314 = arith.index_cast %parallel_loop3A_1267 : i32 to index
        %parallel_loop3A_1315 = arith.constant 48 : index
        %parallel_loop3A_1316 = tpu.vector_load %arg13[%parallel_loop3A_1314, %parallel_loop3A_1315] {strides = array<i32>} : memref<128x256xf32, #tpu.memory_space<vmem>>, vector<16xf32>,
        tpu.vector_store %arg13[%parallel_loop3A_1314, %parallel_loop3A_1315], %parallel_loop3A_1313 {strides = array<i32>} : memref<128x256xf32, #tpu.memory_space<vmem>>, vector<16xf32>,
        %parallel_loop3A_1317 = arith.index_cast %parallel_loop3A_1267 : i32 to index
        %parallel_loop3A_1318 = arith.constant 32 : index
        %parallel_loop3A_1319 = tpu.vector_load %arg12[%parallel_loop3A_1317, %parallel_loop3A_1318] {strides = array<i32>} : memref<128x136xi32, #tpu.memory_space<vmem>>, vector<16xi32>,
        %parallel_loop3A_1320 = arith.constant 16 : i32
        %parallel_loop3A_1321 = vector.broadcast %parallel_loop3A_1320 : i32 to vector<16xi32>
        %parallel_loop3A_1322 = arith.shli %parallel_loop3A_1319, %parallel_loop3A_1321 : vector<16xi32>
        %parallel_loop3A_1323 = vector.bitcast %parallel_loop3A_1322 : vector<16xi32> to vector<16xf32>
        %parallel_loop3A_1324 = arith.andi %parallel_loop3A_1319, %broadcast_in_dim3A_12 : vector<16xi32>
        %parallel_loop3A_1325 = vector.bitcast %parallel_loop3A_1324 : vector<16xi32> to vector<16xf32>
        %parallel_loop3A_1326 = vector.broadcast %parallel_loop3A_1274 : f32 to vector<16xf32>
        %parallel_loop3A_1327 = arith.mulf %parallel_loop3A_1323, %parallel_loop3A_1326 : vector<16xf32>
        %parallel_loop3A_1328 = arith.index_cast %parallel_loop3A_1267 : i32 to index
        %parallel_loop3A_1329 = arith.constant 64 : index
        %parallel_loop3A_1330 = tpu.vector_load %arg13[%parallel_loop3A_1328, %parallel_loop3A_1329] {strides = array<i32>} : memref<128x256xf32, #tpu.memory_space<vmem>>, vector<16xf32>,
        tpu.vector_store %arg13[%parallel_loop3A_1328, %parallel_loop3A_1329], %parallel_loop3A_1327 {strides = array<i32>} : memref<128x256xf32, #tpu.memory_space<vmem>>, vector<16xf32>,
        %parallel_loop3A_1331 = vector.broadcast %parallel_loop3A_1274 : f32 to vector<16xf32>
        %parallel_loop3A_1332 = arith.mulf %parallel_loop3A_1325, %parallel_loop3A_1331 : vector<16xf32>
        %parallel_loop3A_1333 = arith.index_cast %parallel_loop3A_1267 : i32 to index
        %parallel_loop3A_1334 = arith.constant 80 : index
        %parallel_loop3A_1335 = tpu.vector_load %arg13[%parallel_loop3A_1333, %parallel_loop3A_1334] {strides = array<i32>} : memref<128x256xf32, #tpu.memory_space<vmem>>, vector<16xf32>,
        tpu.vector_store %arg13[%parallel_loop3A_1333, %parallel_loop3A_1334], %parallel_loop3A_1332 {strides = array<i32>} : memref<128x256xf32, #tpu.memory_space<vmem>>, vector<16xf32>,
        %parallel_loop3A_1336 = arith.index_cast %parallel_loop3A_1267 : i32 to index
        %parallel_loop3A_1337 = arith.constant 48 : index
        %parallel_loop3A_1338 = tpu.vector_load %arg12[%parallel_loop3A_1336, %parallel_loop3A_1337] {strides = array<i32>} : memref<128x136xi32, #tpu.memory_space<vmem>>, vector<16xi32>,
        %parallel_loop3A_1339 = arith.constant 16 : i32
        %parallel_loop3A_1340 = vector.broadcast %parallel_loop3A_1339 : i32 to vector<16xi32>
        %parallel_loop3A_1341 = arith.shli %parallel_loop3A_1338, %parallel_loop3A_1340 : vector<16xi32>
        %parallel_loop3A_1342 = vector.bitcast %parallel_loop3A_1341 : vector<16xi32> to vector<16xf32>
        %parallel_loop3A_1343 = arith.andi %parallel_loop3A_1338, %broadcast_in_dim3A_12 : vector<16xi32>
        %parallel_loop3A_1344 = vector.bitcast %parallel_loop3A_1343 : vector<16xi32> to vector<16xf32>
        %parallel_loop3A_1345 = vector.broadcast %parallel_loop3A_1274 : f32 to vector<16xf32>
        %parallel_loop3A_1346 = arith.mulf %parallel_loop3A_1342, %parallel_loop3A_1345 : vector<16xf32>
        %parallel_loop3A_1347 = arith.index_cast %parallel_loop3A_1267 : i32 to index
        %parallel_loop3A_1348 = arith.constant 96 : index
        %parallel_loop3A_1349 = tpu.vector_load %arg13[%parallel_loop3A_1347, %parallel_loop3A_1348] {strides = array<i32>} : memref<128x256xf32, #tpu.memory_space<vmem>>, vector<16xf32>,
        tpu.vector_store %arg13[%parallel_loop3A_1347, %parallel_loop3A_1348], %parallel_loop3A_1346 {strides = array<i32>} : memref<128x256xf32, #tpu.memory_space<vmem>>, vector<16xf32>,
        %parallel_loop3A_1350 = vector.broadcast %parallel_loop3A_1274 : f32 to vector<16xf32>
        %parallel_loop3A_1351 = arith.mulf %parallel_loop3A_1344, %parallel_loop3A_1350 : vector<16xf32>
        %parallel_loop3A_1352 = arith.index_cast %parallel_loop3A_1267 : i32 to index
        %parallel_loop3A_1353 = arith.constant 112 : index
        %parallel_loop3A_1354 = tpu.vector_load %arg13[%parallel_loop3A_1352, %parallel_loop3A_1353] {strides = array<i32>} : memref<128x256xf32, #tpu.memory_space<vmem>>, vector<16xf32>,
        tpu.vector_store %arg13[%parallel_loop3A_1352, %parallel_loop3A_1353], %parallel_loop3A_1351 {strides = array<i32>} : memref<128x256xf32, #tpu.memory_space<vmem>>, vector<16xf32>,
        %parallel_loop3A_1355 = arith.index_cast %parallel_loop3A_1267 : i32 to index
        %parallel_loop3A_1356 = arith.constant 64 : index
        %parallel_loop3A_1357 = tpu.vector_load %arg12[%parallel_loop3A_1355, %parallel_loop3A_1356] {strides = array<i32>} : memref<128x136xi32, #tpu.memory_space<vmem>>, vector<16xi32>,
        %parallel_loop3A_1358 = arith.constant 16 : i32
        %parallel_loop3A_1359 = vector.broadcast %parallel_loop3A_1358 : i32 to vector<16xi32>
        %parallel_loop3A_1360 = arith.shli %parallel_loop3A_1357, %parallel_loop3A_1359 : vector<16xi32>
        %parallel_loop3A_1361 = vector.bitcast %parallel_loop3A_1360 : vector<16xi32> to vector<16xf32>
        %parallel_loop3A_1362 = arith.andi %parallel_loop3A_1357, %broadcast_in_dim3A_12 : vector<16xi32>
        %parallel_loop3A_1363 = vector.bitcast %parallel_loop3A_1362 : vector<16xi32> to vector<16xf32>
        %parallel_loop3A_1364 = vector.broadcast %parallel_loop3A_1276 : f32 to vector<16xf32>
        %parallel_loop3A_1365 = arith.mulf %parallel_loop3A_1361, %parallel_loop3A_1364 : vector<16xf32>
        %parallel_loop3A_1366 = arith.index_cast %parallel_loop3A_1267 : i32 to index
        %parallel_loop3A_1367 = arith.constant 128 : index
        %parallel_loop3A_1368 = tpu.vector_load %arg13[%parallel_loop3A_1366, %parallel_loop3A_1367] {strides = array<i32>} : memref<128x256xf32, #tpu.memory_space<vmem>>, vector<16xf32>,
        tpu.vector_store %arg13[%parallel_loop3A_1366, %parallel_loop3A_1367], %parallel_loop3A_1365 {strides = array<i32>} : memref<128x256xf32, #tpu.memory_space<vmem>>, vector<16xf32>,
        %parallel_loop3A_1369 = vector.broadcast %parallel_loop3A_1276 : f32 to vector<16xf32>
        %parallel_loop3A_1370 = arith.mulf %parallel_loop3A_1363, %parallel_loop3A_1369 : vector<16xf32>
        %parallel_loop3A_1371 = arith.index_cast %parallel_loop3A_1267 : i32 to index
        %parallel_loop3A_1372 = arith.constant 144 : index
        %parallel_loop3A_1373 = tpu.vector_load %arg13[%parallel_loop3A_1371, %parallel_loop3A_1372] {strides = array<i32>} : memref<128x256xf32, #tpu.memory_space<vmem>>, vector<16xf32>,
        tpu.vector_store %arg13[%parallel_loop3A_1371, %parallel_loop3A_1372], %parallel_loop3A_1370 {strides = array<i32>} : memref<128x256xf32, #tpu.memory_space<vmem>>, vector<16xf32>,
        %parallel_loop3A_1374 = arith.index_cast %parallel_loop3A_1267 : i32 to index
        %parallel_loop3A_1375 = arith.constant 80 : index
        %parallel_loop3A_1376 = tpu.vector_load %arg12[%parallel_loop3A_1374, %parallel_loop3A_1375] {strides = array<i32>} : memref<128x136xi32, #tpu.memory_space<vmem>>, vector<16xi32>,
        %parallel_loop3A_1377 = arith.constant 16 : i32
        %parallel_loop3A_1378 = vector.broadcast %parallel_loop3A_1377 : i32 to vector<16xi32>
        %parallel_loop3A_1379 = arith.shli %parallel_loop3A_1376, %parallel_loop3A_1378 : vector<16xi32>
        %parallel_loop3A_1380 = vector.bitcast %parallel_loop3A_1379 : vector<16xi32> to vector<16xf32>
        %parallel_loop3A_1381 = arith.andi %parallel_loop3A_1376, %broadcast_in_dim3A_12 : vector<16xi32>
        %parallel_loop3A_1382 = vector.bitcast %parallel_loop3A_1381 : vector<16xi32> to vector<16xf32>
        %parallel_loop3A_1383 = vector.broadcast %parallel_loop3A_1276 : f32 to vector<16xf32>
        %parallel_loop3A_1384 = arith.mulf %parallel_loop3A_1380, %parallel_loop3A_1383 : vector<16xf32>
        %parallel_loop3A_1385 = arith.index_cast %parallel_loop3A_1267 : i32 to index
        %parallel_loop3A_1386 = arith.constant 160 : index
        %parallel_loop3A_1387 = tpu.vector_load %arg13[%parallel_loop3A_1385, %parallel_loop3A_1386] {strides = array<i32>} : memref<128x256xf32, #tpu.memory_space<vmem>>, vector<16xf32>,
        tpu.vector_store %arg13[%parallel_loop3A_1385, %parallel_loop3A_1386], %parallel_loop3A_1384 {strides = array<i32>} : memref<128x256xf32, #tpu.memory_space<vmem>>, vector<16xf32>,
        %parallel_loop3A_1388 = vector.broadcast %parallel_loop3A_1276 : f32 to vector<16xf32>
        %parallel_loop3A_1389 = arith.mulf %parallel_loop3A_1382, %parallel_loop3A_1388 : vector<16xf32>
        %parallel_loop3A_1390 = arith.index_cast %parallel_loop3A_1267 : i32 to index
        %parallel_loop3A_1391 = arith.constant 176 : index
        %parallel_loop3A_1392 = tpu.vector_load %arg13[%parallel_loop3A_1390, %parallel_loop3A_1391] {strides = array<i32>} : memref<128x256xf32, #tpu.memory_space<vmem>>, vector<16xf32>,
        tpu.vector_store %arg13[%parallel_loop3A_1390, %parallel_loop3A_1391], %parallel_loop3A_1389 {strides = array<i32>} : memref<128x256xf32, #tpu.memory_space<vmem>>, vector<16xf32>,
        %parallel_loop3A_1393 = arith.index_cast %parallel_loop3A_1267 : i32 to index
        %parallel_loop3A_1394 = arith.constant 96 : index
        %parallel_loop3A_1395 = tpu.vector_load %arg12[%parallel_loop3A_1393, %parallel_loop3A_1394] {strides = array<i32>} : memref<128x136xi32, #tpu.memory_space<vmem>>, vector<16xi32>,
        %parallel_loop3A_1396 = arith.constant 16 : i32
        %parallel_loop3A_1397 = vector.broadcast %parallel_loop3A_1396 : i32 to vector<16xi32>
        %parallel_loop3A_1398 = arith.shli %parallel_loop3A_1395, %parallel_loop3A_1397 : vector<16xi32>
        %parallel_loop3A_1399 = vector.bitcast %parallel_loop3A_1398 : vector<16xi32> to vector<16xf32>
        %parallel_loop3A_1400 = arith.andi %parallel_loop3A_1395, %broadcast_in_dim3A_12 : vector<16xi32>
        %parallel_loop3A_1401 = vector.bitcast %parallel_loop3A_1400 : vector<16xi32> to vector<16xf32>
        %parallel_loop3A_1402 = vector.broadcast %parallel_loop3A_1278 : f32 to vector<16xf32>
        %parallel_loop3A_1403 = arith.mulf %parallel_loop3A_1399, %parallel_loop3A_1402 : vector<16xf32>
        %parallel_loop3A_1404 = arith.index_cast %parallel_loop3A_1267 : i32 to index
        %parallel_loop3A_1405 = arith.constant 192 : index
        %parallel_loop3A_1406 = tpu.vector_load %arg13[%parallel_loop3A_1404, %parallel_loop3A_1405] {strides = array<i32>} : memref<128x256xf32, #tpu.memory_space<vmem>>, vector<16xf32>,
        tpu.vector_store %arg13[%parallel_loop3A_1404, %parallel_loop3A_1405], %parallel_loop3A_1403 {strides = array<i32>} : memref<128x256xf32, #tpu.memory_space<vmem>>, vector<16xf32>,
        %parallel_loop3A_1407 = vector.broadcast %parallel_loop3A_1278 : f32 to vector<16xf32>
        %parallel_loop3A_1408 = arith.mulf %parallel_loop3A_1401, %parallel_loop3A_1407 : vector<16xf32>
        %parallel_loop3A_1409 = arith.index_cast %parallel_loop3A_1267 : i32 to index
        %parallel_loop3A_1410 = arith.constant 208 : index
        %parallel_loop3A_1411 = tpu.vector_load %arg13[%parallel_loop3A_1409, %parallel_loop3A_1410] {strides = array<i32>} : memref<128x256xf32, #tpu.memory_space<vmem>>, vector<16xf32>,
        tpu.vector_store %arg13[%parallel_loop3A_1409, %parallel_loop3A_1410], %parallel_loop3A_1408 {strides = array<i32>} : memref<128x256xf32, #tpu.memory_space<vmem>>, vector<16xf32>,
        %parallel_loop3A_1412 = arith.index_cast %parallel_loop3A_1267 : i32 to index
        %parallel_loop3A_1413 = arith.constant 112 : index
        %parallel_loop3A_1414 = tpu.vector_load %arg12[%parallel_loop3A_1412, %parallel_loop3A_1413] {strides = array<i32>} : memref<128x136xi32, #tpu.memory_space<vmem>>, vector<16xi32>,
        %parallel_loop3A_1415 = arith.constant 16 : i32
        %parallel_loop3A_1416 = vector.broadcast %parallel_loop3A_1415 : i32 to vector<16xi32>
        %parallel_loop3A_1417 = arith.shli %parallel_loop3A_1414, %parallel_loop3A_1416 : vector<16xi32>
        %parallel_loop3A_1418 = vector.bitcast %parallel_loop3A_1417 : vector<16xi32> to vector<16xf32>
        %parallel_loop3A_1419 = arith.andi %parallel_loop3A_1414, %broadcast_in_dim3A_12 : vector<16xi32>
        %parallel_loop3A_1420 = vector.bitcast %parallel_loop3A_1419 : vector<16xi32> to vector<16xf32>
        %parallel_loop3A_1421 = vector.broadcast %parallel_loop3A_1278 : f32 to vector<16xf32>
        %parallel_loop3A_1422 = arith.mulf %parallel_loop3A_1418, %parallel_loop3A_1421 : vector<16xf32>
        %parallel_loop3A_1423 = arith.index_cast %parallel_loop3A_1267 : i32 to index
        %parallel_loop3A_1424 = arith.constant 224 : index
        %parallel_loop3A_1425 = tpu.vector_load %arg13[%parallel_loop3A_1423, %parallel_loop3A_1424] {strides = array<i32>} : memref<128x256xf32, #tpu.memory_space<vmem>>, vector<16xf32>,
        tpu.vector_store %arg13[%parallel_loop3A_1423, %parallel_loop3A_1424], %parallel_loop3A_1422 {strides = array<i32>} : memref<128x256xf32, #tpu.memory_space<vmem>>, vector<16xf32>,
        %parallel_loop3A_1426 = vector.broadcast %parallel_loop3A_1278 : f32 to vector<16xf32>
        %parallel_loop3A_1427 = arith.mulf %parallel_loop3A_1420, %parallel_loop3A_1426 : vector<16xf32>
        %parallel_loop3A_1428 = arith.index_cast %parallel_loop3A_1267 : i32 to index
        %parallel_loop3A_1429 = arith.constant 240 : index
        %parallel_loop3A_1430 = tpu.vector_load %arg13[%parallel_loop3A_1428, %parallel_loop3A_1429] {strides = array<i32>} : memref<128x256xf32, #tpu.memory_space<vmem>>, vector<16xf32>,
        tpu.vector_store %arg13[%parallel_loop3A_1428, %parallel_loop3A_1429], %parallel_loop3A_1427 {strides = array<i32>} : memref<128x256xf32, #tpu.memory_space<vmem>>, vector<16xf32>,
      } {sc.loop_unroll_factor = 4 : i64, sc.parallel_access}
      %run_scoped3A_1265 = arith.constant 1 : i32
      "tpu.region"() ({
        %run_scoped3A_1267 = tpu.sem_alloc : memref<!tpu.dma_semaphore, #tpu.memory_space<semaphore_mem>>
        %dma_start3A = arith.constant 0 : i32
        %dma_start3A_1268 = tpu.memref_slice %arg10[%run_scoped3A_1265, %dma_start3A] : memref<2x128xi32, #tpu.memory_space<vmem>> -> memref<1x128xi32, #tpu.memory_space<vmem>>
        %dma_start3A_1269 = tpu.memref_squeeze %dma_start3A_1268 : memref<1x128xi32, #tpu.memory_space<vmem>> -> memref<128xi32, #tpu.memory_space<vmem>>
        %dma_start3A_1270 = arith.constant 0 : i32
        %dma_start3A_1271 = arith.constant 0 : i32
        %dma_start3A_1272 = tpu.memref_slice %arg16[%dma_start3A_1270, %dma_start3A_1271] : memref<4096x256xf32, #tpu.memory_space<vmem_shared>> -> memref<4096x256xf32, #tpu.memory_space<vmem_shared>>
        tpu.enqueue_indirect_dma source(%arg13 : memref<128x256xf32, #tpu.memory_space<vmem>>) target(%dma_start3A_1272 : memref<4096x256xf32, #tpu.memory_space<vmem_shared>>) offsets(%dma_start3A_1269 : memref<128xi32, #tpu.memory_space<vmem>>) semaphore(%run_scoped3A_1267 : memref<!tpu.dma_semaphore, #tpu.memory_space<semaphore_mem>>) {add = true}
        %dma_wait3A = arith.constant 0 : i32
        %dma_wait3A_1273 = tpu.memref_slice %arg10[%run_scoped3A_1265, %dma_wait3A] : memref<2x128xi32, #tpu.memory_space<vmem>> -> memref<1x128xi32, #tpu.memory_space<vmem>>
        %dma_wait3A_1274 = tpu.memref_squeeze %dma_wait3A_1273 : memref<1x128xi32, #tpu.memory_space<vmem>> -> memref<128xi32, #tpu.memory_space<vmem>>
        %dma_wait3A_1275 = arith.constant 0 : i32
        %dma_wait3A_1276 = arith.constant 0 : i32
        %dma_wait3A_1277 = tpu.memref_slice %arg16[%dma_wait3A_1275, %dma_wait3A_1276] : memref<4096x256xf32, #tpu.memory_space<vmem_shared>> -> memref<4096x256xf32, #tpu.memory_space<vmem_shared>>
        tpu.wait_indirect_dma semaphore(%run_scoped3A_1267 : memref<!tpu.dma_semaphore, #tpu.memory_space<semaphore_mem>>) src(%arg13 : memref<128x256xf32, #tpu.memory_space<vmem>>) dst(%dma_wait3A_1277 : memref<4096x256xf32, #tpu.memory_space<vmem_shared>>)
        tpu.yield
      }) : () -> ()
      %run_scoped3A_1266 = arith.constant 1 : i32
      "tpu.region"() ({
        %run_scoped3A_1267 = tpu.sem_alloc : memref<!tpu.dma_semaphore, #tpu.memory_space<semaphore_mem>>
        %dma_start3A = arith.constant 0 : i32
        %dma_start3A_1268 = tpu.memref_slice %arg10[%run_scoped3A_1266, %dma_start3A] : memref<2x128xi32, #tpu.memory_space<vmem>> -> memref<1x128xi32, #tpu.memory_space<vmem>>
        %dma_start3A_1269 = tpu.memref_squeeze %dma_start3A_1268 : memref<1x128xi32, #tpu.memory_space<vmem>> -> memref<128xi32, #tpu.memory_space<vmem>>
        %dma_start3A_1270 = arith.constant 0 : i32
        %dma_start3A_1271 = arith.constant 0 : i32
        %dma_start3A_1272 = tpu.memref_slice %arg17[%dma_start3A_1270, %dma_start3A_1271] : memref<4096x16xf32, #tpu.memory_space<vmem_shared>> -> memref<4096x16xf32, #tpu.memory_space<vmem_shared>>
        tpu.enqueue_indirect_dma source(%arg14 : memref<128x16xf32, #tpu.memory_space<vmem>>) target(%dma_start3A_1272 : memref<4096x16xf32, #tpu.memory_space<vmem_shared>>) offsets(%dma_start3A_1269 : memref<128xi32, #tpu.memory_space<vmem>>) semaphore(%run_scoped3A_1267 : memref<!tpu.dma_semaphore, #tpu.memory_space<semaphore_mem>>) {add = true}
        %dma_wait3A = arith.constant 0 : i32
        %dma_wait3A_1273 = tpu.memref_slice %arg10[%run_scoped3A_1266, %dma_wait3A] : memref<2x128xi32, #tpu.memory_space<vmem>> -> memref<1x128xi32, #tpu.memory_space<vmem>>
        %dma_wait3A_1274 = tpu.memref_squeeze %dma_wait3A_1273 : memref<1x128xi32, #tpu.memory_space<vmem>> -> memref<128xi32, #tpu.memory_space<vmem>>
        %dma_wait3A_1275 = arith.constant 0 : i32
        %dma_wait3A_1276 = arith.constant 0 : i32
        %dma_wait3A_1277 = tpu.memref_slice %arg17[%dma_wait3A_1275, %dma_wait3A_1276] : memref<4096x16xf32, #tpu.memory_space<vmem_shared>> -> memref<4096x16xf32, #tpu.memory_space<vmem_shared>>
        tpu.wait_indirect_dma semaphore(%run_scoped3A_1267 : memref<!tpu.dma_semaphore, #tpu.memory_space<semaphore_mem>>) src(%arg14 : memref<128x16xf32, #tpu.memory_space<vmem>>) dst(%dma_wait3A_1277 : memref<4096x16xf32, #tpu.memory_space<vmem_shared>>)
        tpu.yield
      }) : () -> ()
    }
    %scan3A_17 = arith.constant 40 : i32
    %barrier3A_18 = arith.constant 0 : index
    tpu.barrier barrier_id(%barrier3A_18)
    %mul3A_19 = arith.constant 256 : i32
    %mul3A_20 = arith.muli %arg1, %mul3A_19 : i32
    %mul3A_21 = arith.constant 256 : i32
    %mul3A_22 = arith.muli %arg1, %mul3A_21 : i32
    "tpu.region"() ({
      %run_scoped3A = tpu.sem_alloc : memref<!tpu.dma_semaphore, #tpu.memory_space<semaphore_mem>>
      %dma_start3A = arith.constant 0 : i32
      %dma_start3A_27 = tpu.memref_slice %arg8[%arg0, %mul3A_22, %dma_start3A] : memref<2x4096x256xf32, #tpu.memory_space<hbm>> -> memref<1x256x256xf32, #tpu.memory_space<hbm>>
      %dma_start3A_28 = tpu.memref_squeeze %dma_start3A_27 : memref<1x256x256xf32, #tpu.memory_space<hbm>> -> memref<256x256xf32, #tpu.memory_space<hbm>>
      %dma_start3A_29 = arith.constant 0 : i32
      %dma_start3A_30 = tpu.memref_slice %arg16[%mul3A_20, %dma_start3A_29] : memref<4096x256xf32, #tpu.memory_space<vmem_shared>> -> memref<256x256xf32, #tpu.memory_space<vmem_shared>>
      tpu.enqueue_dma source(%dma_start3A_30 : memref<256x256xf32, #tpu.memory_space<vmem_shared>>) target(%dma_start3A_28 : memref<256x256xf32, #tpu.memory_space<hbm>>) target_semaphore(%run_scoped3A : memref<!tpu.dma_semaphore, #tpu.memory_space<semaphore_mem>>)
      %dma_wait3A = arith.constant 0 : i32
      %dma_wait3A_31 = tpu.memref_slice %arg8[%arg0, %mul3A_22, %dma_wait3A] : memref<2x4096x256xf32, #tpu.memory_space<hbm>> -> memref<1x256x256xf32, #tpu.memory_space<hbm>>
      %dma_wait3A_32 = tpu.memref_squeeze %dma_wait3A_31 : memref<1x256x256xf32, #tpu.memory_space<hbm>> -> memref<256x256xf32, #tpu.memory_space<hbm>>
      %dma_wait3A_33 = arith.constant 0 : i32
      %dma_wait3A_34 = tpu.memref_slice %arg16[%mul3A_20, %dma_wait3A_33] : memref<4096x256xf32, #tpu.memory_space<vmem_shared>> -> memref<256x256xf32, #tpu.memory_space<vmem_shared>>
      tpu.wait_dma2 semaphore(%run_scoped3A : memref<!tpu.dma_semaphore, #tpu.memory_space<semaphore_mem>>) src(%dma_wait3A_34 : memref<256x256xf32, #tpu.memory_space<vmem_shared>>) dst(%dma_wait3A_32 : memref<256x256xf32, #tpu.memory_space<hbm>>)
      tpu.yield
    }) : () -> ()
    %mul3A_23 = arith.constant 256 : i32
    %mul3A_24 = arith.muli %arg1, %mul3A_23 : i32
    %mul3A_25 = arith.constant 256 : i32
    %mul3A_26 = arith.muli %arg1, %mul3A_25 : i32
    "tpu.region"() ({
      %run_scoped3A = tpu.sem_alloc : memref<!tpu.dma_semaphore, #tpu.memory_space<semaphore_mem>>
      %dma_start3A = arith.constant 0 : i32
      %dma_start3A_27 = tpu.memref_slice %arg9[%arg0, %mul3A_26, %dma_start3A] : memref<2x4096x16xf32, #tpu.memory_space<hbm>> -> memref<1x256x16xf32, #tpu.memory_space<hbm>>
      %dma_start3A_28 = tpu.memref_squeeze %dma_start3A_27 : memref<1x256x16xf32, #tpu.memory_space<hbm>> -> memref<256x16xf32, #tpu.memory_space<hbm>>
      %dma_start3A_29 = arith.constant 0 : i32
      %dma_start3A_30 = tpu.memref_slice %arg17[%mul3A_24, %dma_start3A_29] : memref<4096x16xf32, #tpu.memory_space<vmem_shared>> -> memref<256x16xf32, #tpu.memory_space<vmem_shared>>
      tpu.enqueue_dma source(%dma_start3A_30 : memref<256x16xf32, #tpu.memory_space<vmem_shared>>) target(%dma_start3A_28 : memref<256x16xf32, #tpu.memory_space<hbm>>) target_semaphore(%run_scoped3A : memref<!tpu.dma_semaphore, #tpu.memory_space<semaphore_mem>>)
      %dma_wait3A = arith.constant 0 : i32
      %dma_wait3A_31 = tpu.memref_slice %arg9[%arg0, %mul3A_26, %dma_wait3A] : memref<2x4096x16xf32, #tpu.memory_space<hbm>> -> memref<1x256x16xf32, #tpu.memory_space<hbm>>
      %dma_wait3A_32 = tpu.memref_squeeze %dma_wait3A_31 : memref<1x256x16xf32, #tpu.memory_space<hbm>> -> memref<256x16xf32, #tpu.memory_space<hbm>>
      %dma_wait3A_33 = arith.constant 0 : i32
      %dma_wait3A_34 = tpu.memref_slice %arg17[%mul3A_24, %dma_wait3A_33] : memref<4096x16xf32, #tpu.memory_space<vmem_shared>> -> memref<256x16xf32, #tpu.memory_space<vmem_shared>>
      tpu.wait_dma2 semaphore(%run_scoped3A : memref<!tpu.dma_semaphore, #tpu.memory_space<semaphore_mem>>) src(%dma_wait3A_34 : memref<256x16xf32, #tpu.memory_space<vmem_shared>>) dst(%dma_wait3A_32 : memref<256x16xf32, #tpu.memory_space<hbm>>)
      tpu.yield
    }) : () -> ()
    return
  }
}

#map = affine_map<(d0, d1) -> (0, 0)>
#map1 = affine_map<(d0, d1) -> (0)>
#map2 = affine_map<(d0, d1) -> (0, 0, 0, 0)>
#map3 = affine_map<(d0, d1) -> (0, 0, 0)>
module attributes {stable_mosaic.version = 14 : i64} {
  func.func @sc_edge(%arg0: i32, %arg1: i32, %arg2: memref<4000x72xi32, #tpu.memory_space<hbm>>, %arg3: memref<4000x16xf32, #tpu.memory_space<hbm>>, %arg4: memref<16xf32, #tpu.memory_space<hbm>>, %arg5: memref<32x16x2x128xi32, #tpu.memory_space<hbm>>, %arg6: memref<128x128xf32, #tpu.memory_space<hbm>>, %arg7: memref<128x16xf32, #tpu.memory_space<hbm>>, %arg8: memref<2x2048x128xf32, #tpu.memory_space<hbm>>, %arg9: memref<2x2048x16xf32, #tpu.memory_space<hbm>>, %arg10: memref<2x128xi32, #tpu.memory_space<vmem>>, %arg11: memref<128x16xf32, #tpu.memory_space<vmem>>, %arg12: memref<128x72xi32, #tpu.memory_space<vmem>>, %arg13: memref<128x128xf32, #tpu.memory_space<vmem>>, %arg14: memref<128x16xf32, #tpu.memory_space<vmem>>, %arg15: memref<16xf32, #tpu.memory_space<vmem>>, %arg16: memref<2048x128xf32, #tpu.memory_space<vmem_shared>>, %arg17: memref<2048x16xf32, #tpu.memory_space<vmem_shared>>) attributes {dimension_semantics = [#tpu.dimension_semantics<core_parallel>, #tpu.dimension_semantics<subcore_parallel>], iteration_bounds = array<i64: 2, 16>, scalar_prefetch = 0 : i64, scratch_operands = 8 : i64, tpu.core_type = #tpu.core_type<sc_vector_subcore>, window_params = [{transform_indices = #map}, {transform_indices = #map}, {transform_indices = #map1}, {transform_indices = #map2}, {transform_indices = #map}, {transform_indices = #map}, {transform_indices = #map3}, {transform_indices = #map3}]} {
    %mul3A = arith.constant 2 : i32
    %mul3A_0 = arith.muli %arg1, %mul3A : i32
    %add3A = arith.addi %mul3A_0, %arg0 : i32
    %mul3A_1 = arith.constant 128 : i32
    %mul3A_2 = arith.muli %arg1, %mul3A_1 : i32
    "tpu.region"() ({
      %run_scoped3A = tpu.sem_alloc : memref<!tpu.dma_semaphore, #tpu.memory_space<semaphore_mem>>
      %dma_start3A = arith.constant 0 : i32
      %dma_start3A_21 = tpu.memref_slice %arg16[%mul3A_2, %dma_start3A] : memref<2048x128xf32, #tpu.memory_space<vmem_shared>> -> memref<128x128xf32, #tpu.memory_space<vmem_shared>>
      tpu.enqueue_dma source(%arg6 : memref<128x128xf32, #tpu.memory_space<hbm>>) target(%dma_start3A_21 : memref<128x128xf32, #tpu.memory_space<vmem_shared>>) target_semaphore(%run_scoped3A : memref<!tpu.dma_semaphore, #tpu.memory_space<semaphore_mem>>)
      %dma_wait3A = arith.constant 0 : i32
      %dma_wait3A_22 = tpu.memref_slice %arg16[%mul3A_2, %dma_wait3A] : memref<2048x128xf32, #tpu.memory_space<vmem_shared>> -> memref<128x128xf32, #tpu.memory_space<vmem_shared>>
      tpu.wait_dma2 semaphore(%run_scoped3A : memref<!tpu.dma_semaphore, #tpu.memory_space<semaphore_mem>>) src(%arg6 : memref<128x128xf32, #tpu.memory_space<hbm>>) dst(%dma_wait3A_22 : memref<128x128xf32, #tpu.memory_space<vmem_shared>>)
      tpu.yield
    }) : () -> ()
    %mul3A_3 = arith.constant 128 : i32
    %mul3A_4 = arith.muli %arg1, %mul3A_3 : i32
    "tpu.region"() ({
      %run_scoped3A = tpu.sem_alloc : memref<!tpu.dma_semaphore, #tpu.memory_space<semaphore_mem>>
      %dma_start3A = arith.constant 0 : i32
      %dma_start3A_21 = tpu.memref_slice %arg17[%mul3A_4, %dma_start3A] : memref<2048x16xf32, #tpu.memory_space<vmem_shared>> -> memref<128x16xf32, #tpu.memory_space<vmem_shared>>
      tpu.enqueue_dma source(%arg7 : memref<128x16xf32, #tpu.memory_space<hbm>>) target(%dma_start3A_21 : memref<128x16xf32, #tpu.memory_space<vmem_shared>>) target_semaphore(%run_scoped3A : memref<!tpu.dma_semaphore, #tpu.memory_space<semaphore_mem>>)
      %dma_wait3A = arith.constant 0 : i32
      %dma_wait3A_22 = tpu.memref_slice %arg17[%mul3A_4, %dma_wait3A] : memref<2048x16xf32, #tpu.memory_space<vmem_shared>> -> memref<128x16xf32, #tpu.memory_space<vmem_shared>>
      tpu.wait_dma2 semaphore(%run_scoped3A : memref<!tpu.dma_semaphore, #tpu.memory_space<semaphore_mem>>) src(%arg7 : memref<128x16xf32, #tpu.memory_space<hbm>>) dst(%dma_wait3A_22 : memref<128x16xf32, #tpu.memory_space<vmem_shared>>)
      tpu.yield
    }) : () -> ()
    "tpu.region"() ({
      %run_scoped3A = tpu.sem_alloc : memref<!tpu.dma_semaphore, #tpu.memory_space<semaphore_mem>>
      %dma_start3A = arith.constant 0 : i32
      %dma_start3A_21 = arith.constant 0 : i32
      %dma_start3A_22 = tpu.memref_slice %arg7[%dma_start3A, %dma_start3A_21] : memref<128x16xf32, #tpu.memory_space<hbm>> -> memref<128x16xf32, #tpu.memory_space<hbm>>
      %dma_start3A_23 = arith.constant 0 : i32
      %dma_start3A_24 = arith.constant 0 : i32
      %dma_start3A_25 = tpu.memref_slice %arg7[%dma_start3A_23, %dma_start3A_24] : memref<128x16xf32, #tpu.memory_space<hbm>> -> memref<128x16xf32, #tpu.memory_space<hbm>>
      tpu.enqueue_dma source(%dma_start3A_25 : memref<128x16xf32, #tpu.memory_space<hbm>>) target(%arg14 : memref<128x16xf32, #tpu.memory_space<vmem>>) target_semaphore(%run_scoped3A : memref<!tpu.dma_semaphore, #tpu.memory_space<semaphore_mem>>)
      %dma_wait3A = arith.constant 0 : i32
      %dma_wait3A_26 = arith.constant 0 : i32
      %dma_wait3A_27 = tpu.memref_slice %arg7[%dma_wait3A, %dma_wait3A_26] : memref<128x16xf32, #tpu.memory_space<hbm>> -> memref<128x16xf32, #tpu.memory_space<hbm>>
      %dma_wait3A_28 = arith.constant 0 : i32
      %dma_wait3A_29 = arith.constant 0 : i32
      %dma_wait3A_30 = tpu.memref_slice %arg7[%dma_wait3A_28, %dma_wait3A_29] : memref<128x16xf32, #tpu.memory_space<hbm>> -> memref<128x16xf32, #tpu.memory_space<hbm>>
      tpu.wait_dma2 semaphore(%run_scoped3A : memref<!tpu.dma_semaphore, #tpu.memory_space<semaphore_mem>>) src(%dma_wait3A_30 : memref<128x16xf32, #tpu.memory_space<hbm>>) dst(%arg14 : memref<128x16xf32, #tpu.memory_space<vmem>>)
      tpu.yield
    }) : () -> ()
    "tpu.region"() ({
      %run_scoped3A = tpu.sem_alloc : memref<!tpu.dma_semaphore, #tpu.memory_space<semaphore_mem>>
      tpu.enqueue_dma source(%arg4 : memref<16xf32, #tpu.memory_space<hbm>>) target(%arg15 : memref<16xf32, #tpu.memory_space<vmem>>) target_semaphore(%run_scoped3A : memref<!tpu.dma_semaphore, #tpu.memory_space<semaphore_mem>>)
      tpu.wait_dma2 semaphore(%run_scoped3A : memref<!tpu.dma_semaphore, #tpu.memory_space<semaphore_mem>>) src(%arg4 : memref<16xf32, #tpu.memory_space<hbm>>) dst(%arg15 : memref<16xf32, #tpu.memory_space<vmem>>)
      tpu.yield
    }) : () -> ()
    %barrier3A = arith.constant 0 : index
    tpu.barrier barrier_id(%barrier3A)
    %iota3A = tpu.iota {dimensions = array<i32: 0>} : vector<16xi32>
    %get3A = arith.constant 0 : index
    %get3A_5 = tpu.vector_load %arg15[%get3A] {strides = array<i32>} : memref<16xf32, #tpu.memory_space<vmem>>, vector<16xf32>,
    %slice3A = vector.extract_strided_slice %get3A_5 {offsets = [0], sizes = [1], strides = [1]} : vector<16xf32> to vector<1xf32>
    %squeeze3A = vector.extract %slice3A[0] : f32 from vector<1xf32>
    %broadcast_in_dim3A = arith.constant -65536 : i32
    %broadcast_in_dim3A_6 = vector.broadcast %broadcast_in_dim3A : i32 to vector<16xi32>
    %scan3A = arith.constant 0 : i32
    %scan3A_7 = arith.constant 0 : i32
    %scan3A_8 = arith.constant 16 : i32
    %scan3A_9 = arith.addi %scan3A_7, %scan3A_8 : i32
    %scan3A_10 = arith.constant 1 : i32
    scf.for %scan3A_21 = %scan3A_7 to %scan3A_9 step %scan3A_10  : i32 {
      "tpu.region"() ({
        %run_scoped3A_349 = tpu.sem_alloc : memref<!tpu.dma_semaphore, #tpu.memory_space<semaphore_mem>>
        %dma_start3A = arith.constant 0 : i32
        %dma_start3A_350 = arith.constant 0 : i32
        %dma_start3A_351 = tpu.memref_slice %arg5[%add3A, %scan3A_21, %dma_start3A, %dma_start3A_350] : memref<32x16x2x128xi32, #tpu.memory_space<hbm>> -> memref<1x1x2x128xi32, #tpu.memory_space<hbm>>
        %dma_start3A_352 = tpu.memref_squeeze %dma_start3A_351 : memref<1x1x2x128xi32, #tpu.memory_space<hbm>> -> memref<2x128xi32, #tpu.memory_space<hbm>>
        %dma_start3A_353 = arith.constant 0 : i32
        %dma_start3A_354 = arith.constant 0 : i32
        %dma_start3A_355 = tpu.memref_slice %arg5[%add3A, %scan3A_21, %dma_start3A_353, %dma_start3A_354] : memref<32x16x2x128xi32, #tpu.memory_space<hbm>> -> memref<1x1x2x128xi32, #tpu.memory_space<hbm>>
        %dma_start3A_356 = tpu.memref_squeeze %dma_start3A_355 : memref<1x1x2x128xi32, #tpu.memory_space<hbm>> -> memref<2x128xi32, #tpu.memory_space<hbm>>
        tpu.enqueue_dma source(%dma_start3A_356 : memref<2x128xi32, #tpu.memory_space<hbm>>) target(%arg10 : memref<2x128xi32, #tpu.memory_space<vmem>>) target_semaphore(%run_scoped3A_349 : memref<!tpu.dma_semaphore, #tpu.memory_space<semaphore_mem>>)
        %dma_wait3A = arith.constant 0 : i32
        %dma_wait3A_357 = arith.constant 0 : i32
        %dma_wait3A_358 = tpu.memref_slice %arg5[%add3A, %scan3A_21, %dma_wait3A, %dma_wait3A_357] : memref<32x16x2x128xi32, #tpu.memory_space<hbm>> -> memref<1x1x2x128xi32, #tpu.memory_space<hbm>>
        %dma_wait3A_359 = tpu.memref_squeeze %dma_wait3A_358 : memref<1x1x2x128xi32, #tpu.memory_space<hbm>> -> memref<2x128xi32, #tpu.memory_space<hbm>>
        %dma_wait3A_360 = arith.constant 0 : i32
        %dma_wait3A_361 = arith.constant 0 : i32
        %dma_wait3A_362 = tpu.memref_slice %arg5[%add3A, %scan3A_21, %dma_wait3A_360, %dma_wait3A_361] : memref<32x16x2x128xi32, #tpu.memory_space<hbm>> -> memref<1x1x2x128xi32, #tpu.memory_space<hbm>>
        %dma_wait3A_363 = tpu.memref_squeeze %dma_wait3A_362 : memref<1x1x2x128xi32, #tpu.memory_space<hbm>> -> memref<2x128xi32, #tpu.memory_space<hbm>>
        tpu.wait_dma2 semaphore(%run_scoped3A_349 : memref<!tpu.dma_semaphore, #tpu.memory_space<semaphore_mem>>) src(%dma_wait3A_363 : memref<2x128xi32, #tpu.memory_space<hbm>>) dst(%arg10 : memref<2x128xi32, #tpu.memory_space<vmem>>)
        tpu.yield
      }) : () -> ()
      %run_scoped3A = arith.constant 0 : i32
      "tpu.region"() ({
        %run_scoped3A_349 = tpu.sem_alloc : memref<!tpu.dma_semaphore, #tpu.memory_space<semaphore_mem>>
        %dma_start3A = arith.constant 0 : i32
        %dma_start3A_350 = tpu.memref_slice %arg10[%run_scoped3A, %dma_start3A] : memref<2x128xi32, #tpu.memory_space<vmem>> -> memref<1x128xi32, #tpu.memory_space<vmem>>
        %dma_start3A_351 = tpu.memref_squeeze %dma_start3A_350 : memref<1x128xi32, #tpu.memory_space<vmem>> -> memref<128xi32, #tpu.memory_space<vmem>>
        %dma_start3A_352 = arith.constant 0 : i32
        %dma_start3A_353 = arith.constant 0 : i32
        %dma_start3A_354 = tpu.memref_slice %arg2[%dma_start3A_352, %dma_start3A_353] : memref<4000x72xi32, #tpu.memory_space<hbm>> -> memref<4000x72xi32, #tpu.memory_space<hbm>>
        tpu.enqueue_indirect_dma source(%dma_start3A_354 : memref<4000x72xi32, #tpu.memory_space<hbm>>) target(%arg12 : memref<128x72xi32, #tpu.memory_space<vmem>>) offsets(%dma_start3A_351 : memref<128xi32, #tpu.memory_space<vmem>>) semaphore(%run_scoped3A_349 : memref<!tpu.dma_semaphore, #tpu.memory_space<semaphore_mem>>)
        %dma_wait3A = arith.constant 0 : i32
        %dma_wait3A_355 = tpu.memref_slice %arg10[%run_scoped3A, %dma_wait3A] : memref<2x128xi32, #tpu.memory_space<vmem>> -> memref<1x128xi32, #tpu.memory_space<vmem>>
        %dma_wait3A_356 = tpu.memref_squeeze %dma_wait3A_355 : memref<1x128xi32, #tpu.memory_space<vmem>> -> memref<128xi32, #tpu.memory_space<vmem>>
        %dma_wait3A_357 = arith.constant 0 : i32
        %dma_wait3A_358 = arith.constant 0 : i32
        %dma_wait3A_359 = tpu.memref_slice %arg2[%dma_wait3A_357, %dma_wait3A_358] : memref<4000x72xi32, #tpu.memory_space<hbm>> -> memref<4000x72xi32, #tpu.memory_space<hbm>>
        tpu.wait_indirect_dma semaphore(%run_scoped3A_349 : memref<!tpu.dma_semaphore, #tpu.memory_space<semaphore_mem>>) src(%dma_wait3A_359 : memref<4000x72xi32, #tpu.memory_space<hbm>>) dst(%arg12 : memref<128x72xi32, #tpu.memory_space<vmem>>)
        tpu.yield
      }) : () -> ()
      %run_scoped3A_22 = arith.constant 1 : i32
      "tpu.region"() ({
        %run_scoped3A_349 = tpu.sem_alloc : memref<!tpu.dma_semaphore, #tpu.memory_space<semaphore_mem>>
        %dma_start3A = arith.constant 0 : i32
        %dma_start3A_350 = tpu.memref_slice %arg10[%run_scoped3A_22, %dma_start3A] : memref<2x128xi32, #tpu.memory_space<vmem>> -> memref<1x128xi32, #tpu.memory_space<vmem>>
        %dma_start3A_351 = tpu.memref_squeeze %dma_start3A_350 : memref<1x128xi32, #tpu.memory_space<vmem>> -> memref<128xi32, #tpu.memory_space<vmem>>
        %dma_start3A_352 = arith.constant 0 : i32
        %dma_start3A_353 = arith.constant 0 : i32
        %dma_start3A_354 = tpu.memref_slice %arg3[%dma_start3A_352, %dma_start3A_353] : memref<4000x16xf32, #tpu.memory_space<hbm>> -> memref<4000x16xf32, #tpu.memory_space<hbm>>
        tpu.enqueue_indirect_dma source(%dma_start3A_354 : memref<4000x16xf32, #tpu.memory_space<hbm>>) target(%arg11 : memref<128x16xf32, #tpu.memory_space<vmem>>) offsets(%dma_start3A_351 : memref<128xi32, #tpu.memory_space<vmem>>) semaphore(%run_scoped3A_349 : memref<!tpu.dma_semaphore, #tpu.memory_space<semaphore_mem>>)
        %dma_wait3A = arith.constant 0 : i32
        %dma_wait3A_355 = tpu.memref_slice %arg10[%run_scoped3A_22, %dma_wait3A] : memref<2x128xi32, #tpu.memory_space<vmem>> -> memref<1x128xi32, #tpu.memory_space<vmem>>
        %dma_wait3A_356 = tpu.memref_squeeze %dma_wait3A_355 : memref<1x128xi32, #tpu.memory_space<vmem>> -> memref<128xi32, #tpu.memory_space<vmem>>
        %dma_wait3A_357 = arith.constant 0 : i32
        %dma_wait3A_358 = arith.constant 0 : i32
        %dma_wait3A_359 = tpu.memref_slice %arg3[%dma_wait3A_357, %dma_wait3A_358] : memref<4000x16xf32, #tpu.memory_space<hbm>> -> memref<4000x16xf32, #tpu.memory_space<hbm>>
        tpu.wait_indirect_dma semaphore(%run_scoped3A_349 : memref<!tpu.dma_semaphore, #tpu.memory_space<semaphore_mem>>) src(%dma_wait3A_359 : memref<4000x16xf32, #tpu.memory_space<hbm>>) dst(%arg11 : memref<128x16xf32, #tpu.memory_space<vmem>>)
        tpu.yield
      }) : () -> ()
      %add3A_23 = arith.constant 0 : i32
      %add3A_24 = vector.broadcast %add3A_23 : i32 to vector<16xi32>
      %add3A_25 = arith.addi %iota3A, %add3A_24 : vector<16xi32>
      %mul3A_26 = arith.constant 0 : i32
      %mul3A_27 = vector.broadcast %mul3A_26 : i32 to vector<16xi32>
      %mul3A_28 = arith.muli %iota3A, %mul3A_27 : vector<16xi32>
      %add3A_29 = arith.constant 64 : i32
      %add3A_30 = vector.broadcast %add3A_29 : i32 to vector<16xi32>
      %add3A_31 = arith.addi %mul3A_28, %add3A_30 : vector<16xi32>
      %add3A_32 = arith.constant 0 : i32
      %add3A_33 = vector.broadcast %add3A_32 : i32 to vector<16xi32>
      %add3A_34 = arith.addi %add3A_31, %add3A_33 : vector<16xi32>
      %gather3A = tpu.vector_load_idx %arg12[%add3A_25, %add3A_34] : memref<128x72xi32, #tpu.memory_space<vmem>>[vector<16xi32>, vector<16xi32>], vector<16xi32>,
      %bitcast3A = vector.bitcast %gather3A : vector<16xi32> to vector<16xf32>
      %mul3A_35 = arith.constant 0 : i32
      %mul3A_36 = vector.broadcast %mul3A_35 : i32 to vector<16xi32>
      %mul3A_37 = arith.muli %iota3A, %mul3A_36 : vector<16xi32>
      %add3A_38 = arith.constant 4 : i32
      %add3A_39 = vector.broadcast %add3A_38 : i32 to vector<16xi32>
      %add3A_40 = arith.addi %mul3A_37, %add3A_39 : vector<16xi32>
      %add3A_41 = arith.constant 0 : i32
      %add3A_42 = vector.broadcast %add3A_41 : i32 to vector<16xi32>
      %add3A_43 = arith.addi %add3A_40, %add3A_42 : vector<16xi32>
      %gather3A_44 = tpu.vector_load_idx %arg11[%add3A_25, %add3A_43] : memref<128x16xf32, #tpu.memory_space<vmem>>[vector<16xi32>, vector<16xi32>], vector<16xf32>,
      %add3A_45 = arith.addf %bitcast3A, %gather3A_44 : vector<16xf32>
      %gt3A = arith.constant 0.000000e+00 : f32
      %gt3A_46 = vector.broadcast %gt3A : f32 to vector<16xf32>
      %gt3A_47 = arith.cmpf ogt, %add3A_45, %gt3A_46 : vector<16xf32>
      %mul3A_48 = arith.constant 0.00999999977 : f32
      %mul3A_49 = vector.broadcast %mul3A_48 : f32 to vector<16xf32>
      %mul3A_50 = arith.mulf %add3A_45, %mul3A_49 : vector<16xf32>
      %select_n3A = arith.select %gt3A_47, %add3A_45, %mul3A_50 : vector<16xi1>, vector<16xf32>
      %sub3A = vector.broadcast %squeeze3A : f32 to vector<16xf32>
      %sub3A_51 = arith.subf %select_n3A, %sub3A : vector<16xf32>
      %exp3A = math.exp %sub3A_51 : vector<16xf32>
      %mul3A_52 = arith.constant 0 : i32
      %mul3A_53 = vector.broadcast %mul3A_52 : i32 to vector<16xi32>
      %mul3A_54 = arith.muli %iota3A, %mul3A_53 : vector<16xi32>
      %add3A_55 = arith.constant 0 : i32
      %add3A_56 = vector.broadcast %add3A_55 : i32 to vector<16xi32>
      %add3A_57 = arith.addi %mul3A_54, %add3A_56 : vector<16xi32>
      tpu.vector_store_idx %arg14[%add3A_25, %add3A_57], %exp3A : memref<128x16xf32, #tpu.memory_space<vmem>>[vector<16xi32>, vector<16xi32>], vector<16xf32>,
      %add3A_58 = arith.constant 16 : i32
      %add3A_59 = vector.broadcast %add3A_58 : i32 to vector<16xi32>
      %add3A_60 = arith.addi %iota3A, %add3A_59 : vector<16xi32>
      %mul3A_61 = arith.constant 0 : i32
      %mul3A_62 = vector.broadcast %mul3A_61 : i32 to vector<16xi32>
      %mul3A_63 = arith.muli %iota3A, %mul3A_62 : vector<16xi32>
      %add3A_64 = arith.constant 64 : i32
      %add3A_65 = vector.broadcast %add3A_64 : i32 to vector<16xi32>
      %add3A_66 = arith.addi %mul3A_63, %add3A_65 : vector<16xi32>
      %add3A_67 = arith.constant 0 : i32
      %add3A_68 = vector.broadcast %add3A_67 : i32 to vector<16xi32>
      %add3A_69 = arith.addi %add3A_66, %add3A_68 : vector<16xi32>
      %gather3A_70 = tpu.vector_load_idx %arg12[%add3A_60, %add3A_69] : memref<128x72xi32, #tpu.memory_space<vmem>>[vector<16xi32>, vector<16xi32>], vector<16xi32>,
      %bitcast3A_71 = vector.bitcast %gather3A_70 : vector<16xi32> to vector<16xf32>
      %mul3A_72 = arith.constant 0 : i32
      %mul3A_73 = vector.broadcast %mul3A_72 : i32 to vector<16xi32>
      %mul3A_74 = arith.muli %iota3A, %mul3A_73 : vector<16xi32>
      %add3A_75 = arith.constant 4 : i32
      %add3A_76 = vector.broadcast %add3A_75 : i32 to vector<16xi32>
      %add3A_77 = arith.addi %mul3A_74, %add3A_76 : vector<16xi32>
      %add3A_78 = arith.constant 0 : i32
      %add3A_79 = vector.broadcast %add3A_78 : i32 to vector<16xi32>
      %add3A_80 = arith.addi %add3A_77, %add3A_79 : vector<16xi32>
      %gather3A_81 = tpu.vector_load_idx %arg11[%add3A_60, %add3A_80] : memref<128x16xf32, #tpu.memory_space<vmem>>[vector<16xi32>, vector<16xi32>], vector<16xf32>,
      %add3A_82 = arith.addf %bitcast3A_71, %gather3A_81 : vector<16xf32>
      %gt3A_83 = arith.constant 0.000000e+00 : f32
      %gt3A_84 = vector.broadcast %gt3A_83 : f32 to vector<16xf32>
      %gt3A_85 = arith.cmpf ogt, %add3A_82, %gt3A_84 : vector<16xf32>
      %mul3A_86 = arith.constant 0.00999999977 : f32
      %mul3A_87 = vector.broadcast %mul3A_86 : f32 to vector<16xf32>
      %mul3A_88 = arith.mulf %add3A_82, %mul3A_87 : vector<16xf32>
      %select_n3A_89 = arith.select %gt3A_85, %add3A_82, %mul3A_88 : vector<16xi1>, vector<16xf32>
      %sub3A_90 = vector.broadcast %squeeze3A : f32 to vector<16xf32>
      %sub3A_91 = arith.subf %select_n3A_89, %sub3A_90 : vector<16xf32>
      %exp3A_92 = math.exp %sub3A_91 : vector<16xf32>
      %mul3A_93 = arith.constant 0 : i32
      %mul3A_94 = vector.broadcast %mul3A_93 : i32 to vector<16xi32>
      %mul3A_95 = arith.muli %iota3A, %mul3A_94 : vector<16xi32>
      %add3A_96 = arith.constant 0 : i32
      %add3A_97 = vector.broadcast %add3A_96 : i32 to vector<16xi32>
      %add3A_98 = arith.addi %mul3A_95, %add3A_97 : vector<16xi32>
      tpu.vector_store_idx %arg14[%add3A_60, %add3A_98], %exp3A_92 : memref<128x16xf32, #tpu.memory_space<vmem>>[vector<16xi32>, vector<16xi32>], vector<16xf32>,
      %add3A_99 = arith.constant 32 : i32
      %add3A_100 = vector.broadcast %add3A_99 : i32 to vector<16xi32>
      %add3A_101 = arith.addi %iota3A, %add3A_100 : vector<16xi32>
      %mul3A_102 = arith.constant 0 : i32
      %mul3A_103 = vector.broadcast %mul3A_102 : i32 to vector<16xi32>
      %mul3A_104 = arith.muli %iota3A, %mul3A_103 : vector<16xi32>
      %add3A_105 = arith.constant 64 : i32
      %add3A_106 = vector.broadcast %add3A_105 : i32 to vector<16xi32>
      %add3A_107 = arith.addi %mul3A_104, %add3A_106 : vector<16xi32>
      %add3A_108 = arith.constant 0 : i32
      %add3A_109 = vector.broadcast %add3A_108 : i32 to vector<16xi32>
      %add3A_110 = arith.addi %add3A_107, %add3A_109 : vector<16xi32>
      %gather3A_111 = tpu.vector_load_idx %arg12[%add3A_101, %add3A_110] : memref<128x72xi32, #tpu.memory_space<vmem>>[vector<16xi32>, vector<16xi32>], vector<16xi32>,
      %bitcast3A_112 = vector.bitcast %gather3A_111 : vector<16xi32> to vector<16xf32>
      %mul3A_113 = arith.constant 0 : i32
      %mul3A_114 = vector.broadcast %mul3A_113 : i32 to vector<16xi32>
      %mul3A_115 = arith.muli %iota3A, %mul3A_114 : vector<16xi32>
      %add3A_116 = arith.constant 4 : i32
      %add3A_117 = vector.broadcast %add3A_116 : i32 to vector<16xi32>
      %add3A_118 = arith.addi %mul3A_115, %add3A_117 : vector<16xi32>
      %add3A_119 = arith.constant 0 : i32
      %add3A_120 = vector.broadcast %add3A_119 : i32 to vector<16xi32>
      %add3A_121 = arith.addi %add3A_118, %add3A_120 : vector<16xi32>
      %gather3A_122 = tpu.vector_load_idx %arg11[%add3A_101, %add3A_121] : memref<128x16xf32, #tpu.memory_space<vmem>>[vector<16xi32>, vector<16xi32>], vector<16xf32>,
      %add3A_123 = arith.addf %bitcast3A_112, %gather3A_122 : vector<16xf32>
      %gt3A_124 = arith.constant 0.000000e+00 : f32
      %gt3A_125 = vector.broadcast %gt3A_124 : f32 to vector<16xf32>
      %gt3A_126 = arith.cmpf ogt, %add3A_123, %gt3A_125 : vector<16xf32>
      %mul3A_127 = arith.constant 0.00999999977 : f32
      %mul3A_128 = vector.broadcast %mul3A_127 : f32 to vector<16xf32>
      %mul3A_129 = arith.mulf %add3A_123, %mul3A_128 : vector<16xf32>
      %select_n3A_130 = arith.select %gt3A_126, %add3A_123, %mul3A_129 : vector<16xi1>, vector<16xf32>
      %sub3A_131 = vector.broadcast %squeeze3A : f32 to vector<16xf32>
      %sub3A_132 = arith.subf %select_n3A_130, %sub3A_131 : vector<16xf32>
      %exp3A_133 = math.exp %sub3A_132 : vector<16xf32>
      %mul3A_134 = arith.constant 0 : i32
      %mul3A_135 = vector.broadcast %mul3A_134 : i32 to vector<16xi32>
      %mul3A_136 = arith.muli %iota3A, %mul3A_135 : vector<16xi32>
      %add3A_137 = arith.constant 0 : i32
      %add3A_138 = vector.broadcast %add3A_137 : i32 to vector<16xi32>
      %add3A_139 = arith.addi %mul3A_136, %add3A_138 : vector<16xi32>
      tpu.vector_store_idx %arg14[%add3A_101, %add3A_139], %exp3A_133 : memref<128x16xf32, #tpu.memory_space<vmem>>[vector<16xi32>, vector<16xi32>], vector<16xf32>,
      %add3A_140 = arith.constant 48 : i32
      %add3A_141 = vector.broadcast %add3A_140 : i32 to vector<16xi32>
      %add3A_142 = arith.addi %iota3A, %add3A_141 : vector<16xi32>
      %mul3A_143 = arith.constant 0 : i32
      %mul3A_144 = vector.broadcast %mul3A_143 : i32 to vector<16xi32>
      %mul3A_145 = arith.muli %iota3A, %mul3A_144 : vector<16xi32>
      %add3A_146 = arith.constant 64 : i32
      %add3A_147 = vector.broadcast %add3A_146 : i32 to vector<16xi32>
      %add3A_148 = arith.addi %mul3A_145, %add3A_147 : vector<16xi32>
      %add3A_149 = arith.constant 0 : i32
      %add3A_150 = vector.broadcast %add3A_149 : i32 to vector<16xi32>
      %add3A_151 = arith.addi %add3A_148, %add3A_150 : vector<16xi32>
      %gather3A_152 = tpu.vector_load_idx %arg12[%add3A_142, %add3A_151] : memref<128x72xi32, #tpu.memory_space<vmem>>[vector<16xi32>, vector<16xi32>], vector<16xi32>,
      %bitcast3A_153 = vector.bitcast %gather3A_152 : vector<16xi32> to vector<16xf32>
      %mul3A_154 = arith.constant 0 : i32
      %mul3A_155 = vector.broadcast %mul3A_154 : i32 to vector<16xi32>
      %mul3A_156 = arith.muli %iota3A, %mul3A_155 : vector<16xi32>
      %add3A_157 = arith.constant 4 : i32
      %add3A_158 = vector.broadcast %add3A_157 : i32 to vector<16xi32>
      %add3A_159 = arith.addi %mul3A_156, %add3A_158 : vector<16xi32>
      %add3A_160 = arith.constant 0 : i32
      %add3A_161 = vector.broadcast %add3A_160 : i32 to vector<16xi32>
      %add3A_162 = arith.addi %add3A_159, %add3A_161 : vector<16xi32>
      %gather3A_163 = tpu.vector_load_idx %arg11[%add3A_142, %add3A_162] : memref<128x16xf32, #tpu.memory_space<vmem>>[vector<16xi32>, vector<16xi32>], vector<16xf32>,
      %add3A_164 = arith.addf %bitcast3A_153, %gather3A_163 : vector<16xf32>
      %gt3A_165 = arith.constant 0.000000e+00 : f32
      %gt3A_166 = vector.broadcast %gt3A_165 : f32 to vector<16xf32>
      %gt3A_167 = arith.cmpf ogt, %add3A_164, %gt3A_166 : vector<16xf32>
      %mul3A_168 = arith.constant 0.00999999977 : f32
      %mul3A_169 = vector.broadcast %mul3A_168 : f32 to vector<16xf32>
      %mul3A_170 = arith.mulf %add3A_164, %mul3A_169 : vector<16xf32>
      %select_n3A_171 = arith.select %gt3A_167, %add3A_164, %mul3A_170 : vector<16xi1>, vector<16xf32>
      %sub3A_172 = vector.broadcast %squeeze3A : f32 to vector<16xf32>
      %sub3A_173 = arith.subf %select_n3A_171, %sub3A_172 : vector<16xf32>
      %exp3A_174 = math.exp %sub3A_173 : vector<16xf32>
      %mul3A_175 = arith.constant 0 : i32
      %mul3A_176 = vector.broadcast %mul3A_175 : i32 to vector<16xi32>
      %mul3A_177 = arith.muli %iota3A, %mul3A_176 : vector<16xi32>
      %add3A_178 = arith.constant 0 : i32
      %add3A_179 = vector.broadcast %add3A_178 : i32 to vector<16xi32>
      %add3A_180 = arith.addi %mul3A_177, %add3A_179 : vector<16xi32>
      tpu.vector_store_idx %arg14[%add3A_142, %add3A_180], %exp3A_174 : memref<128x16xf32, #tpu.memory_space<vmem>>[vector<16xi32>, vector<16xi32>], vector<16xf32>,
      %add3A_181 = arith.constant 64 : i32
      %add3A_182 = vector.broadcast %add3A_181 : i32 to vector<16xi32>
      %add3A_183 = arith.addi %iota3A, %add3A_182 : vector<16xi32>
      %mul3A_184 = arith.constant 0 : i32
      %mul3A_185 = vector.broadcast %mul3A_184 : i32 to vector<16xi32>
      %mul3A_186 = arith.muli %iota3A, %mul3A_185 : vector<16xi32>
      %add3A_187 = arith.constant 64 : i32
      %add3A_188 = vector.broadcast %add3A_187 : i32 to vector<16xi32>
      %add3A_189 = arith.addi %mul3A_186, %add3A_188 : vector<16xi32>
      %add3A_190 = arith.constant 0 : i32
      %add3A_191 = vector.broadcast %add3A_190 : i32 to vector<16xi32>
      %add3A_192 = arith.addi %add3A_189, %add3A_191 : vector<16xi32>
      %gather3A_193 = tpu.vector_load_idx %arg12[%add3A_183, %add3A_192] : memref<128x72xi32, #tpu.memory_space<vmem>>[vector<16xi32>, vector<16xi32>], vector<16xi32>,
      %bitcast3A_194 = vector.bitcast %gather3A_193 : vector<16xi32> to vector<16xf32>
      %mul3A_195 = arith.constant 0 : i32
      %mul3A_196 = vector.broadcast %mul3A_195 : i32 to vector<16xi32>
      %mul3A_197 = arith.muli %iota3A, %mul3A_196 : vector<16xi32>
      %add3A_198 = arith.constant 4 : i32
      %add3A_199 = vector.broadcast %add3A_198 : i32 to vector<16xi32>
      %add3A_200 = arith.addi %mul3A_197, %add3A_199 : vector<16xi32>
      %add3A_201 = arith.constant 0 : i32
      %add3A_202 = vector.broadcast %add3A_201 : i32 to vector<16xi32>
      %add3A_203 = arith.addi %add3A_200, %add3A_202 : vector<16xi32>
      %gather3A_204 = tpu.vector_load_idx %arg11[%add3A_183, %add3A_203] : memref<128x16xf32, #tpu.memory_space<vmem>>[vector<16xi32>, vector<16xi32>], vector<16xf32>,
      %add3A_205 = arith.addf %bitcast3A_194, %gather3A_204 : vector<16xf32>
      %gt3A_206 = arith.constant 0.000000e+00 : f32
      %gt3A_207 = vector.broadcast %gt3A_206 : f32 to vector<16xf32>
      %gt3A_208 = arith.cmpf ogt, %add3A_205, %gt3A_207 : vector<16xf32>
      %mul3A_209 = arith.constant 0.00999999977 : f32
      %mul3A_210 = vector.broadcast %mul3A_209 : f32 to vector<16xf32>
      %mul3A_211 = arith.mulf %add3A_205, %mul3A_210 : vector<16xf32>
      %select_n3A_212 = arith.select %gt3A_208, %add3A_205, %mul3A_211 : vector<16xi1>, vector<16xf32>
      %sub3A_213 = vector.broadcast %squeeze3A : f32 to vector<16xf32>
      %sub3A_214 = arith.subf %select_n3A_212, %sub3A_213 : vector<16xf32>
      %exp3A_215 = math.exp %sub3A_214 : vector<16xf32>
      %mul3A_216 = arith.constant 0 : i32
      %mul3A_217 = vector.broadcast %mul3A_216 : i32 to vector<16xi32>
      %mul3A_218 = arith.muli %iota3A, %mul3A_217 : vector<16xi32>
      %add3A_219 = arith.constant 0 : i32
      %add3A_220 = vector.broadcast %add3A_219 : i32 to vector<16xi32>
      %add3A_221 = arith.addi %mul3A_218, %add3A_220 : vector<16xi32>
      tpu.vector_store_idx %arg14[%add3A_183, %add3A_221], %exp3A_215 : memref<128x16xf32, #tpu.memory_space<vmem>>[vector<16xi32>, vector<16xi32>], vector<16xf32>,
      %add3A_222 = arith.constant 80 : i32
      %add3A_223 = vector.broadcast %add3A_222 : i32 to vector<16xi32>
      %add3A_224 = arith.addi %iota3A, %add3A_223 : vector<16xi32>
      %mul3A_225 = arith.constant 0 : i32
      %mul3A_226 = vector.broadcast %mul3A_225 : i32 to vector<16xi32>
      %mul3A_227 = arith.muli %iota3A, %mul3A_226 : vector<16xi32>
      %add3A_228 = arith.constant 64 : i32
      %add3A_229 = vector.broadcast %add3A_228 : i32 to vector<16xi32>
      %add3A_230 = arith.addi %mul3A_227, %add3A_229 : vector<16xi32>
      %add3A_231 = arith.constant 0 : i32
      %add3A_232 = vector.broadcast %add3A_231 : i32 to vector<16xi32>
      %add3A_233 = arith.addi %add3A_230, %add3A_232 : vector<16xi32>
      %gather3A_234 = tpu.vector_load_idx %arg12[%add3A_224, %add3A_233] : memref<128x72xi32, #tpu.memory_space<vmem>>[vector<16xi32>, vector<16xi32>], vector<16xi32>,
      %bitcast3A_235 = vector.bitcast %gather3A_234 : vector<16xi32> to vector<16xf32>
      %mul3A_236 = arith.constant 0 : i32
      %mul3A_237 = vector.broadcast %mul3A_236 : i32 to vector<16xi32>
      %mul3A_238 = arith.muli %iota3A, %mul3A_237 : vector<16xi32>
      %add3A_239 = arith.constant 4 : i32
      %add3A_240 = vector.broadcast %add3A_239 : i32 to vector<16xi32>
      %add3A_241 = arith.addi %mul3A_238, %add3A_240 : vector<16xi32>
      %add3A_242 = arith.constant 0 : i32
      %add3A_243 = vector.broadcast %add3A_242 : i32 to vector<16xi32>
      %add3A_244 = arith.addi %add3A_241, %add3A_243 : vector<16xi32>
      %gather3A_245 = tpu.vector_load_idx %arg11[%add3A_224, %add3A_244] : memref<128x16xf32, #tpu.memory_space<vmem>>[vector<16xi32>, vector<16xi32>], vector<16xf32>,
      %add3A_246 = arith.addf %bitcast3A_235, %gather3A_245 : vector<16xf32>
      %gt3A_247 = arith.constant 0.000000e+00 : f32
      %gt3A_248 = vector.broadcast %gt3A_247 : f32 to vector<16xf32>
      %gt3A_249 = arith.cmpf ogt, %add3A_246, %gt3A_248 : vector<16xf32>
      %mul3A_250 = arith.constant 0.00999999977 : f32
      %mul3A_251 = vector.broadcast %mul3A_250 : f32 to vector<16xf32>
      %mul3A_252 = arith.mulf %add3A_246, %mul3A_251 : vector<16xf32>
      %select_n3A_253 = arith.select %gt3A_249, %add3A_246, %mul3A_252 : vector<16xi1>, vector<16xf32>
      %sub3A_254 = vector.broadcast %squeeze3A : f32 to vector<16xf32>
      %sub3A_255 = arith.subf %select_n3A_253, %sub3A_254 : vector<16xf32>
      %exp3A_256 = math.exp %sub3A_255 : vector<16xf32>
      %mul3A_257 = arith.constant 0 : i32
      %mul3A_258 = vector.broadcast %mul3A_257 : i32 to vector<16xi32>
      %mul3A_259 = arith.muli %iota3A, %mul3A_258 : vector<16xi32>
      %add3A_260 = arith.constant 0 : i32
      %add3A_261 = vector.broadcast %add3A_260 : i32 to vector<16xi32>
      %add3A_262 = arith.addi %mul3A_259, %add3A_261 : vector<16xi32>
      tpu.vector_store_idx %arg14[%add3A_224, %add3A_262], %exp3A_256 : memref<128x16xf32, #tpu.memory_space<vmem>>[vector<16xi32>, vector<16xi32>], vector<16xf32>,
      %add3A_263 = arith.constant 96 : i32
      %add3A_264 = vector.broadcast %add3A_263 : i32 to vector<16xi32>
      %add3A_265 = arith.addi %iota3A, %add3A_264 : vector<16xi32>
      %mul3A_266 = arith.constant 0 : i32
      %mul3A_267 = vector.broadcast %mul3A_266 : i32 to vector<16xi32>
      %mul3A_268 = arith.muli %iota3A, %mul3A_267 : vector<16xi32>
      %add3A_269 = arith.constant 64 : i32
      %add3A_270 = vector.broadcast %add3A_269 : i32 to vector<16xi32>
      %add3A_271 = arith.addi %mul3A_268, %add3A_270 : vector<16xi32>
      %add3A_272 = arith.constant 0 : i32
      %add3A_273 = vector.broadcast %add3A_272 : i32 to vector<16xi32>
      %add3A_274 = arith.addi %add3A_271, %add3A_273 : vector<16xi32>
      %gather3A_275 = tpu.vector_load_idx %arg12[%add3A_265, %add3A_274] : memref<128x72xi32, #tpu.memory_space<vmem>>[vector<16xi32>, vector<16xi32>], vector<16xi32>,
      %bitcast3A_276 = vector.bitcast %gather3A_275 : vector<16xi32> to vector<16xf32>
      %mul3A_277 = arith.constant 0 : i32
      %mul3A_278 = vector.broadcast %mul3A_277 : i32 to vector<16xi32>
      %mul3A_279 = arith.muli %iota3A, %mul3A_278 : vector<16xi32>
      %add3A_280 = arith.constant 4 : i32
      %add3A_281 = vector.broadcast %add3A_280 : i32 to vector<16xi32>
      %add3A_282 = arith.addi %mul3A_279, %add3A_281 : vector<16xi32>
      %add3A_283 = arith.constant 0 : i32
      %add3A_284 = vector.broadcast %add3A_283 : i32 to vector<16xi32>
      %add3A_285 = arith.addi %add3A_282, %add3A_284 : vector<16xi32>
      %gather3A_286 = tpu.vector_load_idx %arg11[%add3A_265, %add3A_285] : memref<128x16xf32, #tpu.memory_space<vmem>>[vector<16xi32>, vector<16xi32>], vector<16xf32>,
      %add3A_287 = arith.addf %bitcast3A_276, %gather3A_286 : vector<16xf32>
      %gt3A_288 = arith.constant 0.000000e+00 : f32
      %gt3A_289 = vector.broadcast %gt3A_288 : f32 to vector<16xf32>
      %gt3A_290 = arith.cmpf ogt, %add3A_287, %gt3A_289 : vector<16xf32>
      %mul3A_291 = arith.constant 0.00999999977 : f32
      %mul3A_292 = vector.broadcast %mul3A_291 : f32 to vector<16xf32>
      %mul3A_293 = arith.mulf %add3A_287, %mul3A_292 : vector<16xf32>
      %select_n3A_294 = arith.select %gt3A_290, %add3A_287, %mul3A_293 : vector<16xi1>, vector<16xf32>
      %sub3A_295 = vector.broadcast %squeeze3A : f32 to vector<16xf32>
      %sub3A_296 = arith.subf %select_n3A_294, %sub3A_295 : vector<16xf32>
      %exp3A_297 = math.exp %sub3A_296 : vector<16xf32>
      %mul3A_298 = arith.constant 0 : i32
      %mul3A_299 = vector.broadcast %mul3A_298 : i32 to vector<16xi32>
      %mul3A_300 = arith.muli %iota3A, %mul3A_299 : vector<16xi32>
      %add3A_301 = arith.constant 0 : i32
      %add3A_302 = vector.broadcast %add3A_301 : i32 to vector<16xi32>
      %add3A_303 = arith.addi %mul3A_300, %add3A_302 : vector<16xi32>
      tpu.vector_store_idx %arg14[%add3A_265, %add3A_303], %exp3A_297 : memref<128x16xf32, #tpu.memory_space<vmem>>[vector<16xi32>, vector<16xi32>], vector<16xf32>,
      %add3A_304 = arith.constant 112 : i32
      %add3A_305 = vector.broadcast %add3A_304 : i32 to vector<16xi32>
      %add3A_306 = arith.addi %iota3A, %add3A_305 : vector<16xi32>
      %mul3A_307 = arith.constant 0 : i32
      %mul3A_308 = vector.broadcast %mul3A_307 : i32 to vector<16xi32>
      %mul3A_309 = arith.muli %iota3A, %mul3A_308 : vector<16xi32>
      %add3A_310 = arith.constant 64 : i32
      %add3A_311 = vector.broadcast %add3A_310 : i32 to vector<16xi32>
      %add3A_312 = arith.addi %mul3A_309, %add3A_311 : vector<16xi32>
      %add3A_313 = arith.constant 0 : i32
      %add3A_314 = vector.broadcast %add3A_313 : i32 to vector<16xi32>
      %add3A_315 = arith.addi %add3A_312, %add3A_314 : vector<16xi32>
      %gather3A_316 = tpu.vector_load_idx %arg12[%add3A_306, %add3A_315] : memref<128x72xi32, #tpu.memory_space<vmem>>[vector<16xi32>, vector<16xi32>], vector<16xi32>,
      %bitcast3A_317 = vector.bitcast %gather3A_316 : vector<16xi32> to vector<16xf32>
      %mul3A_318 = arith.constant 0 : i32
      %mul3A_319 = vector.broadcast %mul3A_318 : i32 to vector<16xi32>
      %mul3A_320 = arith.muli %iota3A, %mul3A_319 : vector<16xi32>
      %add3A_321 = arith.constant 4 : i32
      %add3A_322 = vector.broadcast %add3A_321 : i32 to vector<16xi32>
      %add3A_323 = arith.addi %mul3A_320, %add3A_322 : vector<16xi32>
      %add3A_324 = arith.constant 0 : i32
      %add3A_325 = vector.broadcast %add3A_324 : i32 to vector<16xi32>
      %add3A_326 = arith.addi %add3A_323, %add3A_325 : vector<16xi32>
      %gather3A_327 = tpu.vector_load_idx %arg11[%add3A_306, %add3A_326] : memref<128x16xf32, #tpu.memory_space<vmem>>[vector<16xi32>, vector<16xi32>], vector<16xf32>,
      %add3A_328 = arith.addf %bitcast3A_317, %gather3A_327 : vector<16xf32>
      %gt3A_329 = arith.constant 0.000000e+00 : f32
      %gt3A_330 = vector.broadcast %gt3A_329 : f32 to vector<16xf32>
      %gt3A_331 = arith.cmpf ogt, %add3A_328, %gt3A_330 : vector<16xf32>
      %mul3A_332 = arith.constant 0.00999999977 : f32
      %mul3A_333 = vector.broadcast %mul3A_332 : f32 to vector<16xf32>
      %mul3A_334 = arith.mulf %add3A_328, %mul3A_333 : vector<16xf32>
      %select_n3A_335 = arith.select %gt3A_331, %add3A_328, %mul3A_334 : vector<16xi1>, vector<16xf32>
      %sub3A_336 = vector.broadcast %squeeze3A : f32 to vector<16xf32>
      %sub3A_337 = arith.subf %select_n3A_335, %sub3A_336 : vector<16xf32>
      %exp3A_338 = math.exp %sub3A_337 : vector<16xf32>
      %mul3A_339 = arith.constant 0 : i32
      %mul3A_340 = vector.broadcast %mul3A_339 : i32 to vector<16xi32>
      %mul3A_341 = arith.muli %iota3A, %mul3A_340 : vector<16xi32>
      %add3A_342 = arith.constant 0 : i32
      %add3A_343 = vector.broadcast %add3A_342 : i32 to vector<16xi32>
      %add3A_344 = arith.addi %mul3A_341, %add3A_343 : vector<16xi32>
      tpu.vector_store_idx %arg14[%add3A_306, %add3A_344], %exp3A_338 : memref<128x16xf32, #tpu.memory_space<vmem>>[vector<16xi32>, vector<16xi32>], vector<16xf32>,
      %parallel_loop3A = arith.constant 0 : i32
      %parallel_loop3A_345 = arith.constant 128 : i32
      %parallel_loop3A_346 = arith.constant 1 : i32
      scf.for %parallel_loop3A_349 = %parallel_loop3A to %parallel_loop3A_345 step %parallel_loop3A_346  : i32 {
        %parallel_loop3A_350 = arith.index_cast %parallel_loop3A_349 : i32 to index
        %parallel_loop3A_351 = arith.constant 0 : index
        %parallel_loop3A_352 = tpu.vector_load %arg14[%parallel_loop3A_350, %parallel_loop3A_351] {strides = array<i32>} : memref<128x16xf32, #tpu.memory_space<vmem>>, vector<16xf32>,
        %parallel_loop3A_353 = vector.extract_strided_slice %parallel_loop3A_352 {offsets = [0], sizes = [1], strides = [1]} : vector<16xf32> to vector<1xf32>
        %parallel_loop3A_354 = vector.extract %parallel_loop3A_353[0] : f32 from vector<1xf32>
        %parallel_loop3A_355 = arith.index_cast %parallel_loop3A_349 : i32 to index
        %parallel_loop3A_356 = arith.constant 0 : index
        %parallel_loop3A_357 = tpu.vector_load %arg12[%parallel_loop3A_355, %parallel_loop3A_356] {strides = array<i32>} : memref<128x72xi32, #tpu.memory_space<vmem>>, vector<16xi32>,
        %parallel_loop3A_358 = arith.constant 16 : i32
        %parallel_loop3A_359 = vector.broadcast %parallel_loop3A_358 : i32 to vector<16xi32>
        %parallel_loop3A_360 = arith.shli %parallel_loop3A_357, %parallel_loop3A_359 : vector<16xi32>
        %parallel_loop3A_361 = vector.bitcast %parallel_loop3A_360 : vector<16xi32> to vector<16xf32>
        %parallel_loop3A_362 = arith.andi %parallel_loop3A_357, %broadcast_in_dim3A_6 : vector<16xi32>
        %parallel_loop3A_363 = vector.bitcast %parallel_loop3A_362 : vector<16xi32> to vector<16xf32>
        %parallel_loop3A_364 = vector.broadcast %parallel_loop3A_354 : f32 to vector<16xf32>
        %parallel_loop3A_365 = arith.mulf %parallel_loop3A_361, %parallel_loop3A_364 : vector<16xf32>
        %parallel_loop3A_366 = arith.index_cast %parallel_loop3A_349 : i32 to index
        %parallel_loop3A_367 = arith.constant 0 : index
        %parallel_loop3A_368 = tpu.vector_load %arg13[%parallel_loop3A_366, %parallel_loop3A_367] {strides = array<i32>} : memref<128x128xf32, #tpu.memory_space<vmem>>, vector<16xf32>,
        tpu.vector_store %arg13[%parallel_loop3A_366, %parallel_loop3A_367], %parallel_loop3A_365 {strides = array<i32>} : memref<128x128xf32, #tpu.memory_space<vmem>>, vector<16xf32>,
        %parallel_loop3A_369 = vector.broadcast %parallel_loop3A_354 : f32 to vector<16xf32>
        %parallel_loop3A_370 = arith.mulf %parallel_loop3A_363, %parallel_loop3A_369 : vector<16xf32>
        %parallel_loop3A_371 = arith.index_cast %parallel_loop3A_349 : i32 to index
        %parallel_loop3A_372 = arith.constant 16 : index
        %parallel_loop3A_373 = tpu.vector_load %arg13[%parallel_loop3A_371, %parallel_loop3A_372] {strides = array<i32>} : memref<128x128xf32, #tpu.memory_space<vmem>>, vector<16xf32>,
        tpu.vector_store %arg13[%parallel_loop3A_371, %parallel_loop3A_372], %parallel_loop3A_370 {strides = array<i32>} : memref<128x128xf32, #tpu.memory_space<vmem>>, vector<16xf32>,
        %parallel_loop3A_374 = arith.index_cast %parallel_loop3A_349 : i32 to index
        %parallel_loop3A_375 = arith.constant 16 : index
        %parallel_loop3A_376 = tpu.vector_load %arg12[%parallel_loop3A_374, %parallel_loop3A_375] {strides = array<i32>} : memref<128x72xi32, #tpu.memory_space<vmem>>, vector<16xi32>,
        %parallel_loop3A_377 = arith.constant 16 : i32
        %parallel_loop3A_378 = vector.broadcast %parallel_loop3A_377 : i32 to vector<16xi32>
        %parallel_loop3A_379 = arith.shli %parallel_loop3A_376, %parallel_loop3A_378 : vector<16xi32>
        %parallel_loop3A_380 = vector.bitcast %parallel_loop3A_379 : vector<16xi32> to vector<16xf32>
        %parallel_loop3A_381 = arith.andi %parallel_loop3A_376, %broadcast_in_dim3A_6 : vector<16xi32>
        %parallel_loop3A_382 = vector.bitcast %parallel_loop3A_381 : vector<16xi32> to vector<16xf32>
        %parallel_loop3A_383 = vector.broadcast %parallel_loop3A_354 : f32 to vector<16xf32>
        %parallel_loop3A_384 = arith.mulf %parallel_loop3A_380, %parallel_loop3A_383 : vector<16xf32>
        %parallel_loop3A_385 = arith.index_cast %parallel_loop3A_349 : i32 to index
        %parallel_loop3A_386 = arith.constant 32 : index
        %parallel_loop3A_387 = tpu.vector_load %arg13[%parallel_loop3A_385, %parallel_loop3A_386] {strides = array<i32>} : memref<128x128xf32, #tpu.memory_space<vmem>>, vector<16xf32>,
        tpu.vector_store %arg13[%parallel_loop3A_385, %parallel_loop3A_386], %parallel_loop3A_384 {strides = array<i32>} : memref<128x128xf32, #tpu.memory_space<vmem>>, vector<16xf32>,
        %parallel_loop3A_388 = vector.broadcast %parallel_loop3A_354 : f32 to vector<16xf32>
        %parallel_loop3A_389 = arith.mulf %parallel_loop3A_382, %parallel_loop3A_388 : vector<16xf32>
        %parallel_loop3A_390 = arith.index_cast %parallel_loop3A_349 : i32 to index
        %parallel_loop3A_391 = arith.constant 48 : index
        %parallel_loop3A_392 = tpu.vector_load %arg13[%parallel_loop3A_390, %parallel_loop3A_391] {strides = array<i32>} : memref<128x128xf32, #tpu.memory_space<vmem>>, vector<16xf32>,
        tpu.vector_store %arg13[%parallel_loop3A_390, %parallel_loop3A_391], %parallel_loop3A_389 {strides = array<i32>} : memref<128x128xf32, #tpu.memory_space<vmem>>, vector<16xf32>,
        %parallel_loop3A_393 = arith.index_cast %parallel_loop3A_349 : i32 to index
        %parallel_loop3A_394 = arith.constant 32 : index
        %parallel_loop3A_395 = tpu.vector_load %arg12[%parallel_loop3A_393, %parallel_loop3A_394] {strides = array<i32>} : memref<128x72xi32, #tpu.memory_space<vmem>>, vector<16xi32>,
        %parallel_loop3A_396 = arith.constant 16 : i32
        %parallel_loop3A_397 = vector.broadcast %parallel_loop3A_396 : i32 to vector<16xi32>
        %parallel_loop3A_398 = arith.shli %parallel_loop3A_395, %parallel_loop3A_397 : vector<16xi32>
        %parallel_loop3A_399 = vector.bitcast %parallel_loop3A_398 : vector<16xi32> to vector<16xf32>
        %parallel_loop3A_400 = arith.andi %parallel_loop3A_395, %broadcast_in_dim3A_6 : vector<16xi32>
        %parallel_loop3A_401 = vector.bitcast %parallel_loop3A_400 : vector<16xi32> to vector<16xf32>
        %parallel_loop3A_402 = vector.broadcast %parallel_loop3A_354 : f32 to vector<16xf32>
        %parallel_loop3A_403 = arith.mulf %parallel_loop3A_399, %parallel_loop3A_402 : vector<16xf32>
        %parallel_loop3A_404 = arith.index_cast %parallel_loop3A_349 : i32 to index
        %parallel_loop3A_405 = arith.constant 64 : index
        %parallel_loop3A_406 = tpu.vector_load %arg13[%parallel_loop3A_404, %parallel_loop3A_405] {strides = array<i32>} : memref<128x128xf32, #tpu.memory_space<vmem>>, vector<16xf32>,
        tpu.vector_store %arg13[%parallel_loop3A_404, %parallel_loop3A_405], %parallel_loop3A_403 {strides = array<i32>} : memref<128x128xf32, #tpu.memory_space<vmem>>, vector<16xf32>,
        %parallel_loop3A_407 = vector.broadcast %parallel_loop3A_354 : f32 to vector<16xf32>
        %parallel_loop3A_408 = arith.mulf %parallel_loop3A_401, %parallel_loop3A_407 : vector<16xf32>
        %parallel_loop3A_409 = arith.index_cast %parallel_loop3A_349 : i32 to index
        %parallel_loop3A_410 = arith.constant 80 : index
        %parallel_loop3A_411 = tpu.vector_load %arg13[%parallel_loop3A_409, %parallel_loop3A_410] {strides = array<i32>} : memref<128x128xf32, #tpu.memory_space<vmem>>, vector<16xf32>,
        tpu.vector_store %arg13[%parallel_loop3A_409, %parallel_loop3A_410], %parallel_loop3A_408 {strides = array<i32>} : memref<128x128xf32, #tpu.memory_space<vmem>>, vector<16xf32>,
        %parallel_loop3A_412 = arith.index_cast %parallel_loop3A_349 : i32 to index
        %parallel_loop3A_413 = arith.constant 48 : index
        %parallel_loop3A_414 = tpu.vector_load %arg12[%parallel_loop3A_412, %parallel_loop3A_413] {strides = array<i32>} : memref<128x72xi32, #tpu.memory_space<vmem>>, vector<16xi32>,
        %parallel_loop3A_415 = arith.constant 16 : i32
        %parallel_loop3A_416 = vector.broadcast %parallel_loop3A_415 : i32 to vector<16xi32>
        %parallel_loop3A_417 = arith.shli %parallel_loop3A_414, %parallel_loop3A_416 : vector<16xi32>
        %parallel_loop3A_418 = vector.bitcast %parallel_loop3A_417 : vector<16xi32> to vector<16xf32>
        %parallel_loop3A_419 = arith.andi %parallel_loop3A_414, %broadcast_in_dim3A_6 : vector<16xi32>
        %parallel_loop3A_420 = vector.bitcast %parallel_loop3A_419 : vector<16xi32> to vector<16xf32>
        %parallel_loop3A_421 = vector.broadcast %parallel_loop3A_354 : f32 to vector<16xf32>
        %parallel_loop3A_422 = arith.mulf %parallel_loop3A_418, %parallel_loop3A_421 : vector<16xf32>
        %parallel_loop3A_423 = arith.index_cast %parallel_loop3A_349 : i32 to index
        %parallel_loop3A_424 = arith.constant 96 : index
        %parallel_loop3A_425 = tpu.vector_load %arg13[%parallel_loop3A_423, %parallel_loop3A_424] {strides = array<i32>} : memref<128x128xf32, #tpu.memory_space<vmem>>, vector<16xf32>,
        tpu.vector_store %arg13[%parallel_loop3A_423, %parallel_loop3A_424], %parallel_loop3A_422 {strides = array<i32>} : memref<128x128xf32, #tpu.memory_space<vmem>>, vector<16xf32>,
        %parallel_loop3A_426 = vector.broadcast %parallel_loop3A_354 : f32 to vector<16xf32>
        %parallel_loop3A_427 = arith.mulf %parallel_loop3A_420, %parallel_loop3A_426 : vector<16xf32>
        %parallel_loop3A_428 = arith.index_cast %parallel_loop3A_349 : i32 to index
        %parallel_loop3A_429 = arith.constant 112 : index
        %parallel_loop3A_430 = tpu.vector_load %arg13[%parallel_loop3A_428, %parallel_loop3A_429] {strides = array<i32>} : memref<128x128xf32, #tpu.memory_space<vmem>>, vector<16xf32>,
        tpu.vector_store %arg13[%parallel_loop3A_428, %parallel_loop3A_429], %parallel_loop3A_427 {strides = array<i32>} : memref<128x128xf32, #tpu.memory_space<vmem>>, vector<16xf32>,
      } {sc.loop_unroll_factor = 4 : i64, sc.parallel_access}
      %run_scoped3A_347 = arith.constant 1 : i32
      "tpu.region"() ({
        %run_scoped3A_349 = tpu.sem_alloc : memref<!tpu.dma_semaphore, #tpu.memory_space<semaphore_mem>>
        %dma_start3A = arith.constant 0 : i32
        %dma_start3A_350 = tpu.memref_slice %arg10[%run_scoped3A_347, %dma_start3A] : memref<2x128xi32, #tpu.memory_space<vmem>> -> memref<1x128xi32, #tpu.memory_space<vmem>>
        %dma_start3A_351 = tpu.memref_squeeze %dma_start3A_350 : memref<1x128xi32, #tpu.memory_space<vmem>> -> memref<128xi32, #tpu.memory_space<vmem>>
        %dma_start3A_352 = arith.constant 0 : i32
        %dma_start3A_353 = arith.constant 0 : i32
        %dma_start3A_354 = tpu.memref_slice %arg16[%dma_start3A_352, %dma_start3A_353] : memref<2048x128xf32, #tpu.memory_space<vmem_shared>> -> memref<2048x128xf32, #tpu.memory_space<vmem_shared>>
        tpu.enqueue_indirect_dma source(%arg13 : memref<128x128xf32, #tpu.memory_space<vmem>>) target(%dma_start3A_354 : memref<2048x128xf32, #tpu.memory_space<vmem_shared>>) offsets(%dma_start3A_351 : memref<128xi32, #tpu.memory_space<vmem>>) semaphore(%run_scoped3A_349 : memref<!tpu.dma_semaphore, #tpu.memory_space<semaphore_mem>>) {add = true}
        %dma_wait3A = arith.constant 0 : i32
        %dma_wait3A_355 = tpu.memref_slice %arg10[%run_scoped3A_347, %dma_wait3A] : memref<2x128xi32, #tpu.memory_space<vmem>> -> memref<1x128xi32, #tpu.memory_space<vmem>>
        %dma_wait3A_356 = tpu.memref_squeeze %dma_wait3A_355 : memref<1x128xi32, #tpu.memory_space<vmem>> -> memref<128xi32, #tpu.memory_space<vmem>>
        %dma_wait3A_357 = arith.constant 0 : i32
        %dma_wait3A_358 = arith.constant 0 : i32
        %dma_wait3A_359 = tpu.memref_slice %arg16[%dma_wait3A_357, %dma_wait3A_358] : memref<2048x128xf32, #tpu.memory_space<vmem_shared>> -> memref<2048x128xf32, #tpu.memory_space<vmem_shared>>
        tpu.wait_indirect_dma semaphore(%run_scoped3A_349 : memref<!tpu.dma_semaphore, #tpu.memory_space<semaphore_mem>>) src(%arg13 : memref<128x128xf32, #tpu.memory_space<vmem>>) dst(%dma_wait3A_359 : memref<2048x128xf32, #tpu.memory_space<vmem_shared>>)
        tpu.yield
      }) : () -> ()
      %run_scoped3A_348 = arith.constant 1 : i32
      "tpu.region"() ({
        %run_scoped3A_349 = tpu.sem_alloc : memref<!tpu.dma_semaphore, #tpu.memory_space<semaphore_mem>>
        %dma_start3A = arith.constant 0 : i32
        %dma_start3A_350 = tpu.memref_slice %arg10[%run_scoped3A_348, %dma_start3A] : memref<2x128xi32, #tpu.memory_space<vmem>> -> memref<1x128xi32, #tpu.memory_space<vmem>>
        %dma_start3A_351 = tpu.memref_squeeze %dma_start3A_350 : memref<1x128xi32, #tpu.memory_space<vmem>> -> memref<128xi32, #tpu.memory_space<vmem>>
        %dma_start3A_352 = arith.constant 0 : i32
        %dma_start3A_353 = arith.constant 0 : i32
        %dma_start3A_354 = tpu.memref_slice %arg17[%dma_start3A_352, %dma_start3A_353] : memref<2048x16xf32, #tpu.memory_space<vmem_shared>> -> memref<2048x16xf32, #tpu.memory_space<vmem_shared>>
        tpu.enqueue_indirect_dma source(%arg14 : memref<128x16xf32, #tpu.memory_space<vmem>>) target(%dma_start3A_354 : memref<2048x16xf32, #tpu.memory_space<vmem_shared>>) offsets(%dma_start3A_351 : memref<128xi32, #tpu.memory_space<vmem>>) semaphore(%run_scoped3A_349 : memref<!tpu.dma_semaphore, #tpu.memory_space<semaphore_mem>>) {add = true}
        %dma_wait3A = arith.constant 0 : i32
        %dma_wait3A_355 = tpu.memref_slice %arg10[%run_scoped3A_348, %dma_wait3A] : memref<2x128xi32, #tpu.memory_space<vmem>> -> memref<1x128xi32, #tpu.memory_space<vmem>>
        %dma_wait3A_356 = tpu.memref_squeeze %dma_wait3A_355 : memref<1x128xi32, #tpu.memory_space<vmem>> -> memref<128xi32, #tpu.memory_space<vmem>>
        %dma_wait3A_357 = arith.constant 0 : i32
        %dma_wait3A_358 = arith.constant 0 : i32
        %dma_wait3A_359 = tpu.memref_slice %arg17[%dma_wait3A_357, %dma_wait3A_358] : memref<2048x16xf32, #tpu.memory_space<vmem_shared>> -> memref<2048x16xf32, #tpu.memory_space<vmem_shared>>
        tpu.wait_indirect_dma semaphore(%run_scoped3A_349 : memref<!tpu.dma_semaphore, #tpu.memory_space<semaphore_mem>>) src(%arg14 : memref<128x16xf32, #tpu.memory_space<vmem>>) dst(%dma_wait3A_359 : memref<2048x16xf32, #tpu.memory_space<vmem_shared>>)
        tpu.yield
      }) : () -> ()
    }
    %scan3A_11 = arith.constant 16 : i32
    %barrier3A_12 = arith.constant 0 : index
    tpu.barrier barrier_id(%barrier3A_12)
    %mul3A_13 = arith.constant 128 : i32
    %mul3A_14 = arith.muli %arg1, %mul3A_13 : i32
    %mul3A_15 = arith.constant 128 : i32
    %mul3A_16 = arith.muli %arg1, %mul3A_15 : i32
    "tpu.region"() ({
      %run_scoped3A = tpu.sem_alloc : memref<!tpu.dma_semaphore, #tpu.memory_space<semaphore_mem>>
      %dma_start3A = arith.constant 0 : i32
      %dma_start3A_21 = tpu.memref_slice %arg8[%arg0, %mul3A_16, %dma_start3A] : memref<2x2048x128xf32, #tpu.memory_space<hbm>> -> memref<1x128x128xf32, #tpu.memory_space<hbm>>
      %dma_start3A_22 = tpu.memref_squeeze %dma_start3A_21 : memref<1x128x128xf32, #tpu.memory_space<hbm>> -> memref<128x128xf32, #tpu.memory_space<hbm>>
      %dma_start3A_23 = arith.constant 0 : i32
      %dma_start3A_24 = tpu.memref_slice %arg16[%mul3A_14, %dma_start3A_23] : memref<2048x128xf32, #tpu.memory_space<vmem_shared>> -> memref<128x128xf32, #tpu.memory_space<vmem_shared>>
      tpu.enqueue_dma source(%dma_start3A_24 : memref<128x128xf32, #tpu.memory_space<vmem_shared>>) target(%dma_start3A_22 : memref<128x128xf32, #tpu.memory_space<hbm>>) target_semaphore(%run_scoped3A : memref<!tpu.dma_semaphore, #tpu.memory_space<semaphore_mem>>)
      %dma_wait3A = arith.constant 0 : i32
      %dma_wait3A_25 = tpu.memref_slice %arg8[%arg0, %mul3A_16, %dma_wait3A] : memref<2x2048x128xf32, #tpu.memory_space<hbm>> -> memref<1x128x128xf32, #tpu.memory_space<hbm>>
      %dma_wait3A_26 = tpu.memref_squeeze %dma_wait3A_25 : memref<1x128x128xf32, #tpu.memory_space<hbm>> -> memref<128x128xf32, #tpu.memory_space<hbm>>
      %dma_wait3A_27 = arith.constant 0 : i32
      %dma_wait3A_28 = tpu.memref_slice %arg16[%mul3A_14, %dma_wait3A_27] : memref<2048x128xf32, #tpu.memory_space<vmem_shared>> -> memref<128x128xf32, #tpu.memory_space<vmem_shared>>
      tpu.wait_dma2 semaphore(%run_scoped3A : memref<!tpu.dma_semaphore, #tpu.memory_space<semaphore_mem>>) src(%dma_wait3A_28 : memref<128x128xf32, #tpu.memory_space<vmem_shared>>) dst(%dma_wait3A_26 : memref<128x128xf32, #tpu.memory_space<hbm>>)
      tpu.yield
    }) : () -> ()
    %mul3A_17 = arith.constant 128 : i32
    %mul3A_18 = arith.muli %arg1, %mul3A_17 : i32
    %mul3A_19 = arith.constant 128 : i32
    %mul3A_20 = arith.muli %arg1, %mul3A_19 : i32
    "tpu.region"() ({
      %run_scoped3A = tpu.sem_alloc : memref<!tpu.dma_semaphore, #tpu.memory_space<semaphore_mem>>
      %dma_start3A = arith.constant 0 : i32
      %dma_start3A_21 = tpu.memref_slice %arg9[%arg0, %mul3A_20, %dma_start3A] : memref<2x2048x16xf32, #tpu.memory_space<hbm>> -> memref<1x128x16xf32, #tpu.memory_space<hbm>>
      %dma_start3A_22 = tpu.memref_squeeze %dma_start3A_21 : memref<1x128x16xf32, #tpu.memory_space<hbm>> -> memref<128x16xf32, #tpu.memory_space<hbm>>
      %dma_start3A_23 = arith.constant 0 : i32
      %dma_start3A_24 = tpu.memref_slice %arg17[%mul3A_18, %dma_start3A_23] : memref<2048x16xf32, #tpu.memory_space<vmem_shared>> -> memref<128x16xf32, #tpu.memory_space<vmem_shared>>
      tpu.enqueue_dma source(%dma_start3A_24 : memref<128x16xf32, #tpu.memory_space<vmem_shared>>) target(%dma_start3A_22 : memref<128x16xf32, #tpu.memory_space<hbm>>) target_semaphore(%run_scoped3A : memref<!tpu.dma_semaphore, #tpu.memory_space<semaphore_mem>>)
      %dma_wait3A = arith.constant 0 : i32
      %dma_wait3A_25 = tpu.memref_slice %arg9[%arg0, %mul3A_20, %dma_wait3A] : memref<2x2048x16xf32, #tpu.memory_space<hbm>> -> memref<1x128x16xf32, #tpu.memory_space<hbm>>
      %dma_wait3A_26 = tpu.memref_squeeze %dma_wait3A_25 : memref<1x128x16xf32, #tpu.memory_space<hbm>> -> memref<128x16xf32, #tpu.memory_space<hbm>>
      %dma_wait3A_27 = arith.constant 0 : i32
      %dma_wait3A_28 = tpu.memref_slice %arg17[%mul3A_18, %dma_wait3A_27] : memref<2048x16xf32, #tpu.memory_space<vmem_shared>> -> memref<128x16xf32, #tpu.memory_space<vmem_shared>>
      tpu.wait_dma2 semaphore(%run_scoped3A : memref<!tpu.dma_semaphore, #tpu.memory_space<semaphore_mem>>) src(%dma_wait3A_28 : memref<128x16xf32, #tpu.memory_space<vmem_shared>>) dst(%dma_wait3A_26 : memref<128x16xf32, #tpu.memory_space<hbm>>)
      tpu.yield
    }) : () -> ()
    return
  }
}

module attributes {stable_mosaic.version = 14 : i64} {
  func.func @_tc1_body(%arg0: i32, %arg1: memref<400x256xf32, #tpu.memory_space<vmem>>, %arg2: memref<400x256xf32, #tpu.memory_space<vmem>>, %arg3: memref<256x256xf32, #tpu.memory_space<vmem>>, %arg4: memref<256x256xf32, #tpu.memory_space<vmem>>, %arg5: memref<256x256xf32, #tpu.memory_space<vmem>>, %arg6: memref<1x256xf32, #tpu.memory_space<vmem>>, %arg7: memref<256x256xf32, #tpu.memory_space<vmem>>, %arg8: memref<1x256xf32, #tpu.memory_space<vmem>>, %arg9: memref<256x256xf32, #tpu.memory_space<vmem>>, %arg10: memref<256x8xf32, #tpu.memory_space<vmem>>, %arg11: memref<400x256xbf16, #tpu.memory_space<vmem>>, %arg12: memref<400x8xf32, #tpu.memory_space<vmem>>, %arg13: memref<1x8xf32, #tpu.memory_space<vmem>>) attributes {dimension_semantics = [#tpu.dimension_semantics<arbitrary>], iteration_bounds = array<i64: 25>, scalar_prefetch = 0 : i64, scratch_operands = 0 : i64, tpu.core_type = #tpu.core_type<tc>, window_params = [{transform_indices = @transform_0, window_bounds = array<i64: 400, 256>}, {transform_indices = @transform_1, window_bounds = array<i64: 400, 256>}, {pipeline_mode = #tpu.pipeline_mode<synchronous>, transform_indices = @transform_2, window_bounds = array<i64: 256, 256>}, {pipeline_mode = #tpu.pipeline_mode<synchronous>, transform_indices = @transform_3, window_bounds = array<i64: 256, 256>}, {pipeline_mode = #tpu.pipeline_mode<synchronous>, transform_indices = @transform_4, window_bounds = array<i64: 256, 256>}, {pipeline_mode = #tpu.pipeline_mode<synchronous>, transform_indices = @transform_5, window_bounds = array<i64: 1, 256>}, {pipeline_mode = #tpu.pipeline_mode<synchronous>, transform_indices = @transform_6, window_bounds = array<i64: 256, 256>}, {pipeline_mode = #tpu.pipeline_mode<synchronous>, transform_indices = @transform_7, window_bounds = array<i64: 1, 256>}, {pipeline_mode = #tpu.pipeline_mode<synchronous>, transform_indices = @transform_8, window_bounds = array<i64: 256, 256>}, {pipeline_mode = #tpu.pipeline_mode<synchronous>, transform_indices = @transform_9, window_bounds = array<i64: 256, 8>}, {transform_indices = @transform_10, window_bounds = array<i64: 400, 256>}, {transform_indices = @transform_11, window_bounds = array<i64: 400, 8>}, {pipeline_mode = #tpu.pipeline_mode<synchronous>, transform_indices = @transform_12, window_bounds = array<i64: 1, 8>}]} {
    %get3A = arith.constant 0 : index
    %get3A_0 = arith.constant 0 : index
    %get3A_1 = vector.load %arg1[%get3A, %get3A_0] : memref<400x256xf32, #tpu.memory_space<vmem>>, vector<400x256xf32>
    %get3A_2 = arith.constant 0 : index
    %get3A_3 = arith.constant 0 : index
    %get3A_4 = vector.load %arg3[%get3A_2, %get3A_3] : memref<256x256xf32, #tpu.memory_space<vmem>>, vector<256x256xf32>
    %dot_general3A = arith.constant dense<0.000000e+00> : vector<400x256xf32>
    %dot_general3A_5 = tpu.matmul %get3A_1, %get3A_4, %dot_general3A {dimension_numbers = #tpu.dot_dimension_numbers<[1], [0], [0], [1], [0, 0, 1, 1], [], []>, transpose_lhs_hint = false} : vector<400x256xf32>, vector<256x256xf32>, vector<400x256xf32> -> vector<400x256xf32>
    %get3A_6 = arith.constant 0 : index
    %get3A_7 = arith.constant 0 : index
    %get3A_8 = vector.load %arg2[%get3A_6, %get3A_7] : memref<400x256xf32, #tpu.memory_space<vmem>>, vector<400x256xf32>
    %get3A_9 = arith.constant 0 : index
    %get3A_10 = arith.constant 0 : index
    %get3A_11 = vector.load %arg4[%get3A_9, %get3A_10] : memref<256x256xf32, #tpu.memory_space<vmem>>, vector<256x256xf32>
    %dot_general3A_12 = arith.constant dense<0.000000e+00> : vector<400x256xf32>
    %dot_general3A_13 = tpu.matmul %get3A_8, %get3A_11, %dot_general3A_12 {dimension_numbers = #tpu.dot_dimension_numbers<[1], [0], [0], [1], [0, 0, 1, 1], [], []>, transpose_lhs_hint = false} : vector<400x256xf32>, vector<256x256xf32>, vector<400x256xf32> -> vector<400x256xf32>
    %get3A_14 = arith.constant 0 : index
    %get3A_15 = arith.constant 0 : index
    %get3A_16 = vector.load %arg5[%get3A_14, %get3A_15] : memref<256x256xf32, #tpu.memory_space<vmem>>, vector<256x256xf32>
    %dot_general3A_17 = arith.constant dense<0.000000e+00> : vector<400x256xf32>
    %dot_general3A_18 = tpu.matmul %dot_general3A_5, %get3A_16, %dot_general3A_17 {dimension_numbers = #tpu.dot_dimension_numbers<[1], [0], [0], [1], [0, 0, 1, 1], [], []>, transpose_lhs_hint = false} : vector<400x256xf32>, vector<256x256xf32>, vector<400x256xf32> -> vector<400x256xf32>
    %get3A_19 = arith.constant 0 : index
    %get3A_20 = arith.constant 0 : index
    %get3A_21 = vector.load %arg6[%get3A_19, %get3A_20] : memref<1x256xf32, #tpu.memory_space<vmem>>, vector<1x256xf32>
    %add3A = vector.broadcast %get3A_21 : vector<1x256xf32> to vector<400x256xf32>
    %add3A_22 = arith.addf %dot_general3A_18, %add3A : vector<400x256xf32>
    %logistic3A = arith.negf %add3A_22 : vector<400x256xf32>
    %logistic3A_23 = math.exp %logistic3A : vector<400x256xf32>
    %logistic3A_24 = arith.constant 1.000000e+00 : f32
    %logistic3A_25 = vector.broadcast %logistic3A_24 : f32 to vector<400x256xf32>
    %logistic3A_26 = arith.addf %logistic3A_25, %logistic3A_23 : vector<400x256xf32>
    %logistic3A_27 = arith.divf %logistic3A_25, %logistic3A_26 : vector<400x256xf32>
    %get3A_28 = arith.constant 0 : index
    %get3A_29 = arith.constant 0 : index
    %get3A_30 = vector.load %arg7[%get3A_28, %get3A_29] : memref<256x256xf32, #tpu.memory_space<vmem>>, vector<256x256xf32>
    %dot_general3A_31 = arith.constant dense<0.000000e+00> : vector<400x256xf32>
    %dot_general3A_32 = tpu.matmul %dot_general3A_13, %get3A_30, %dot_general3A_31 {dimension_numbers = #tpu.dot_dimension_numbers<[1], [0], [0], [1], [0, 0, 1, 1], [], []>, transpose_lhs_hint = false} : vector<400x256xf32>, vector<256x256xf32>, vector<400x256xf32> -> vector<400x256xf32>
    %get3A_33 = arith.constant 0 : index
    %get3A_34 = arith.constant 0 : index
    %get3A_35 = vector.load %arg8[%get3A_33, %get3A_34] : memref<1x256xf32, #tpu.memory_space<vmem>>, vector<1x256xf32>
    %add3A_36 = vector.broadcast %get3A_35 : vector<1x256xf32> to vector<400x256xf32>
    %add3A_37 = arith.addf %dot_general3A_32, %add3A_36 : vector<400x256xf32>
    %logistic3A_38 = arith.negf %add3A_37 : vector<400x256xf32>
    %logistic3A_39 = math.exp %logistic3A_38 : vector<400x256xf32>
    %logistic3A_40 = arith.constant 1.000000e+00 : f32
    %logistic3A_41 = vector.broadcast %logistic3A_40 : f32 to vector<400x256xf32>
    %logistic3A_42 = arith.addf %logistic3A_41, %logistic3A_39 : vector<400x256xf32>
    %logistic3A_43 = arith.divf %logistic3A_41, %logistic3A_42 : vector<400x256xf32>
    %mul3A = arith.mulf %logistic3A_27, %dot_general3A_5 : vector<400x256xf32>
    %mul3A_44 = arith.mulf %logistic3A_43, %dot_general3A_13 : vector<400x256xf32>
    %add3A_45 = arith.addf %mul3A, %mul3A_44 : vector<400x256xf32>
    %get3A_46 = arith.constant 0 : index
    %get3A_47 = arith.constant 0 : index
    %get3A_48 = vector.load %arg9[%get3A_46, %get3A_47] : memref<256x256xf32, #tpu.memory_space<vmem>>, vector<256x256xf32>
    %dot_general3A_49 = arith.constant dense<0.000000e+00> : vector<400x256xf32>
    %dot_general3A_50 = tpu.matmul %add3A_45, %get3A_48, %dot_general3A_49 {dimension_numbers = #tpu.dot_dimension_numbers<[1], [0], [0], [1], [0, 0, 1, 1], [], []>, transpose_lhs_hint = false} : vector<400x256xf32>, vector<256x256xf32>, vector<400x256xf32> -> vector<400x256xf32>
    %get3A_51 = arith.constant 0 : index
    %get3A_52 = arith.constant 0 : index
    %get3A_53 = vector.load %arg10[%get3A_51, %get3A_52] : memref<256x8xf32, #tpu.memory_space<vmem>>, vector<256x8xf32>
    %dot_general3A_54 = arith.constant dense<0.000000e+00> : vector<400x8xf32>
    %dot_general3A_55 = tpu.matmul %dot_general3A_50, %get3A_53, %dot_general3A_54 {dimension_numbers = #tpu.dot_dimension_numbers<[1], [0], [0], [1], [0, 0, 1, 1], [], []>, transpose_lhs_hint = false} : vector<400x256xf32>, vector<256x8xf32>, vector<400x8xf32> -> vector<400x8xf32>
    %convert_element_type3A = arith.truncf %dot_general3A_50 : vector<400x256xf32> to vector<400x256xbf16>
    %swap3A = arith.constant 0 : index
    %swap3A_56 = arith.constant 0 : index
    %swap3A_57 = vector.load %arg11[%swap3A, %swap3A_56] : memref<400x256xbf16, #tpu.memory_space<vmem>>, vector<400x256xbf16>
    tpu.vector_store %arg11[%swap3A, %swap3A_56], %convert_element_type3A {strides = array<i32>} : memref<400x256xbf16, #tpu.memory_space<vmem>>, vector<400x256xbf16>,
    %swap3A_58 = arith.constant 0 : index
    %swap3A_59 = arith.constant 0 : index
    %swap3A_60 = vector.load %arg12[%swap3A_58, %swap3A_59] : memref<400x8xf32, #tpu.memory_space<vmem>>, vector<400x8xf32>
    tpu.vector_store %arg12[%swap3A_58, %swap3A_59], %dot_general3A_55 {strides = array<i32>} : memref<400x8xf32, #tpu.memory_space<vmem>>, vector<400x8xf32>,
    %reduce_max3A = arith.constant dense<0xFF800000> : vector<8xf32>
    %reduce_max3A_61 = vector.multi_reduction <maximumf>, %dot_general3A_55, %reduce_max3A [0] : vector<400x8xf32> to vector<8xf32>
    %broadcast_in_dim3A = vector.shape_cast %reduce_max3A_61 : vector<8xf32> to vector<1x8xf32>
    %iota3A = tpu.iota {dimensions = array<i32: 1>} : vector<1x8xi32>
    %lt3A = arith.constant 4 : i32
    %lt3A_62 = vector.broadcast %lt3A : i32 to vector<1x8xi32>
    %lt3A_63 = arith.cmpi slt, %iota3A, %lt3A_62 : vector<1x8xi32>
    %lt3A_64 = arith.constant 10 : i32
    %lt3A_65 = arith.cmpi slt, %arg0, %lt3A_64 : i32
    %or3A = vector.broadcast %lt3A_65 : i1 to vector<1x8xi1>
    %or3A_66 = arith.ori %lt3A_63, %or3A : vector<1x8xi1>
    %jit3A = arith.constant -3.000000e+38 : f32
    %broadcast_in_dim3A_67 = vector.broadcast %jit3A : f32 to vector<1x8xf32>
    %select_n3A = arith.select %or3A_66, %broadcast_in_dim3A, %broadcast_in_dim3A_67 : vector<1x8xi1>, vector<1x8xf32>
    %eq3A = arith.constant 0 : i32
    %eq3A_68 = arith.cmpi eq, %arg0, %eq3A : i32
    %convert_element_type3A_69 = arith.extui %eq3A_68 : i1 to i32
    %cond3A = arith.constant 0 : i32
    %cond3A_70 = arith.cmpi ne, %convert_element_type3A_69, %cond3A : i32
    scf.if %cond3A_70 {
      %swap3A_75 = arith.constant 0 : index
      %swap3A_76 = arith.constant 0 : index
      %swap3A_77 = vector.load %arg13[%swap3A_75, %swap3A_76] : memref<1x8xf32, #tpu.memory_space<vmem>>, vector<1x8xf32>
      tpu.vector_store %arg13[%swap3A_75, %swap3A_76], %select_n3A {strides = array<i32>} : memref<1x8xf32, #tpu.memory_space<vmem>>, vector<1x8xf32>,
    } else {
    }
    %gt3A = arith.constant 0 : i32
    %gt3A_71 = arith.cmpi sgt, %arg0, %gt3A : i32
    %convert_element_type3A_72 = arith.extui %gt3A_71 : i1 to i32
    %cond3A_73 = arith.constant 0 : i32
    %cond3A_74 = arith.cmpi ne, %convert_element_type3A_72, %cond3A_73 : i32
    scf.if %cond3A_74 {
      %get3A_75 = arith.constant 0 : index
      %get3A_76 = arith.constant 0 : index
      %get3A_77 = vector.load %arg13[%get3A_75, %get3A_76] : memref<1x8xf32, #tpu.memory_space<vmem>>, vector<1x8xf32>
      %max3A = arith.maximumf %get3A_77, %select_n3A : vector<1x8xf32>
      %swap3A_78 = arith.constant 0 : index
      %swap3A_79 = arith.constant 0 : index
      %swap3A_80 = vector.load %arg13[%swap3A_78, %swap3A_79] : memref<1x8xf32, #tpu.memory_space<vmem>>, vector<1x8xf32>
      tpu.vector_store %arg13[%swap3A_78, %swap3A_79], %max3A {strides = array<i32>} : memref<1x8xf32, #tpu.memory_space<vmem>>, vector<1x8xf32>,
    } else {
    }
    return
  }
  func.func @transform_0(%arg0: i32) -> (i32, i32) {
    %c0_i32 = arith.constant 0 : i32
    %c0_i32_0 = arith.constant 0 : i32
    return %arg0, %c0_i32 : i32, i32
  }
  func.func @transform_1(%arg0: i32) -> (i32, i32) {
    %c0_i32 = arith.constant 0 : i32
    %c0_i32_0 = arith.constant 0 : i32
    return %arg0, %c0_i32 : i32, i32
  }
  func.func @transform_2(%arg0: i32) -> (i32, i32) {
    %c0_i32 = arith.constant 0 : i32
    %c0_i32_0 = arith.constant 0 : i32
    %c0_i32_1 = arith.constant 0 : i32
    return %c0_i32, %c0_i32_0 : i32, i32
  }
  func.func @transform_3(%arg0: i32) -> (i32, i32) {
    %c0_i32 = arith.constant 0 : i32
    %c0_i32_0 = arith.constant 0 : i32
    %c0_i32_1 = arith.constant 0 : i32
    return %c0_i32, %c0_i32_0 : i32, i32
  }
  func.func @transform_4(%arg0: i32) -> (i32, i32) {
    %c0_i32 = arith.constant 0 : i32
    %c0_i32_0 = arith.constant 0 : i32
    %c0_i32_1 = arith.constant 0 : i32
    return %c0_i32, %c0_i32_0 : i32, i32
  }
  func.func @transform_5(%arg0: i32) -> (i32, i32) {
    %c0_i32 = arith.constant 0 : i32
    %c0_i32_0 = arith.constant 0 : i32
    %c0_i32_1 = arith.constant 0 : i32
    return %c0_i32, %c0_i32_0 : i32, i32
  }
  func.func @transform_6(%arg0: i32) -> (i32, i32) {
    %c0_i32 = arith.constant 0 : i32
    %c0_i32_0 = arith.constant 0 : i32
    %c0_i32_1 = arith.constant 0 : i32
    return %c0_i32, %c0_i32_0 : i32, i32
  }
  func.func @transform_7(%arg0: i32) -> (i32, i32) {
    %c0_i32 = arith.constant 0 : i32
    %c0_i32_0 = arith.constant 0 : i32
    %c0_i32_1 = arith.constant 0 : i32
    return %c0_i32, %c0_i32_0 : i32, i32
  }
  func.func @transform_8(%arg0: i32) -> (i32, i32) {
    %c0_i32 = arith.constant 0 : i32
    %c0_i32_0 = arith.constant 0 : i32
    %c0_i32_1 = arith.constant 0 : i32
    return %c0_i32, %c0_i32_0 : i32, i32
  }
  func.func @transform_9(%arg0: i32) -> (i32, i32) {
    %c0_i32 = arith.constant 0 : i32
    %c0_i32_0 = arith.constant 0 : i32
    %c0_i32_1 = arith.constant 0 : i32
    return %c0_i32, %c0_i32_0 : i32, i32
  }
  func.func @transform_10(%arg0: i32) -> (i32, i32) {
    %c0_i32 = arith.constant 0 : i32
    %c0_i32_0 = arith.constant 0 : i32
    return %arg0, %c0_i32 : i32, i32
  }
  func.func @transform_11(%arg0: i32) -> (i32, i32) {
    %c0_i32 = arith.constant 0 : i32
    %c0_i32_0 = arith.constant 0 : i32
    return %arg0, %c0_i32 : i32, i32
  }
  func.func @transform_12(%arg0: i32) -> (i32, i32) {
    %c0_i32 = arith.constant 0 : i32
    %c0_i32_0 = arith.constant 0 : i32
    %c0_i32_1 = arith.constant 0 : i32
    return %c0_i32, %c0_i32_0 : i32, i32
  }
}

module attributes {stable_mosaic.version = 14 : i64} {
  func.func @_tc2_body(%arg0: i32, %arg1: memref<2x400x256xf32, #tpu.memory_space<vmem>>, %arg2: memref<2x400x16xf32, #tpu.memory_space<vmem>>, %arg3: memref<16x256xf32, #tpu.memory_space<vmem>>, %arg4: memref<256x128xf32, #tpu.memory_space<vmem>>, %arg5: memref<128x8xf32, #tpu.memory_space<vmem>>, %arg6: memref<400x128xbf16, #tpu.memory_space<vmem>>, %arg7: memref<400x8xf32, #tpu.memory_space<vmem>>, %arg8: memref<1x8xf32, #tpu.memory_space<vmem>>) attributes {dimension_semantics = [#tpu.dimension_semantics<arbitrary>], iteration_bounds = array<i64: 10>, scalar_prefetch = 0 : i64, scratch_operands = 0 : i64, tpu.core_type = #tpu.core_type<tc>, window_params = [{transform_indices = @transform_0, window_bounds = array<i64: 2, 400, 256>}, {transform_indices = @transform_1, window_bounds = array<i64: 2, 400, 16>}, {pipeline_mode = #tpu.pipeline_mode<synchronous>, transform_indices = @transform_2, window_bounds = array<i64: 16, 256>}, {pipeline_mode = #tpu.pipeline_mode<synchronous>, transform_indices = @transform_3, window_bounds = array<i64: 256, 128>}, {pipeline_mode = #tpu.pipeline_mode<synchronous>, transform_indices = @transform_4, window_bounds = array<i64: 128, 8>}, {transform_indices = @transform_5, window_bounds = array<i64: 400, 128>}, {transform_indices = @transform_6, window_bounds = array<i64: 400, 8>}, {pipeline_mode = #tpu.pipeline_mode<synchronous>, transform_indices = @transform_7, window_bounds = array<i64: 1, 8>}]} {
    %get3A = arith.constant 0 : index
    %get3A_0 = arith.constant 0 : index
    %get3A_1 = arith.constant 0 : index
    %get3A_2 = vector.load %arg1[%get3A, %get3A_0, %get3A_1] : memref<2x400x256xf32, #tpu.memory_space<vmem>>, vector<1x400x256xf32>
    %get3A_3 = vector.shape_cast %get3A_2 : vector<1x400x256xf32> to vector<400x256xf32>
    %get3A_4 = arith.constant 1 : index
    %get3A_5 = arith.constant 0 : index
    %get3A_6 = arith.constant 0 : index
    %get3A_7 = vector.load %arg1[%get3A_4, %get3A_5, %get3A_6] : memref<2x400x256xf32, #tpu.memory_space<vmem>>, vector<1x400x256xf32>
    %get3A_8 = vector.shape_cast %get3A_7 : vector<1x400x256xf32> to vector<400x256xf32>
    %add3A = arith.addf %get3A_3, %get3A_8 : vector<400x256xf32>
    %get3A_9 = arith.constant 0 : index
    %get3A_10 = arith.constant 0 : index
    %get3A_11 = arith.constant 0 : index
    %get3A_12 = vector.load %arg2[%get3A_9, %get3A_10, %get3A_11] : memref<2x400x16xf32, #tpu.memory_space<vmem>>, vector<1x400x16xf32>
    %get3A_13 = vector.shape_cast %get3A_12 : vector<1x400x16xf32> to vector<400x16xf32>
    %get3A_14 = arith.constant 1 : index
    %get3A_15 = arith.constant 0 : index
    %get3A_16 = arith.constant 0 : index
    %get3A_17 = vector.load %arg2[%get3A_14, %get3A_15, %get3A_16] : memref<2x400x16xf32, #tpu.memory_space<vmem>>, vector<1x400x16xf32>
    %get3A_18 = vector.shape_cast %get3A_17 : vector<1x400x16xf32> to vector<400x16xf32>
    %add3A_19 = arith.addf %get3A_13, %get3A_18 : vector<400x16xf32>
    %get3A_20 = arith.constant 0 : index
    %get3A_21 = arith.constant 0 : index
    %get3A_22 = vector.load %arg3[%get3A_20, %get3A_21] : memref<16x256xf32, #tpu.memory_space<vmem>>, vector<16x256xf32>
    %dot_general3A = arith.constant dense<0.000000e+00> : vector<400x256xf32>
    %dot_general3A_23 = tpu.matmul %add3A_19, %get3A_22, %dot_general3A {dimension_numbers = #tpu.dot_dimension_numbers<[1], [0], [0], [1], [0, 0, 1, 1], [], []>, transpose_lhs_hint = false} : vector<400x16xf32>, vector<16x256xf32>, vector<400x256xf32> -> vector<400x256xf32>
    %eq3A = arith.constant 0.000000e+00 : f32
    %eq3A_24 = vector.broadcast %eq3A : f32 to vector<400x256xf32>
    %eq3A_25 = arith.cmpf oeq, %dot_general3A_23, %eq3A_24 : vector<400x256xf32>
    %jit3A = arith.constant 1.000000e+00 : f32
    %broadcast_in_dim3A = vector.broadcast %jit3A : f32 to vector<400x256xf32>
    %select_n3A = arith.select %eq3A_25, %broadcast_in_dim3A, %dot_general3A_23 : vector<400x256xi1>, vector<400x256xf32>
    %div3A = arith.divf %add3A, %select_n3A : vector<400x256xf32>
    %gt3A = arith.constant 0.000000e+00 : f32
    %gt3A_26 = vector.broadcast %gt3A : f32 to vector<400x256xf32>
    %gt3A_27 = arith.cmpf ogt, %div3A, %gt3A_26 : vector<400x256xf32>
    %min3A = arith.constant 0.000000e+00 : f32
    %min3A_28 = vector.broadcast %min3A : f32 to vector<400x256xf32>
    %min3A_29 = arith.minimumf %div3A, %min3A_28 : vector<400x256xf32>
    %exp3A = math.exp %min3A_29 : vector<400x256xf32>
    %sub3A = arith.constant 1.000000e+00 : f32
    %sub3A_30 = vector.broadcast %sub3A : f32 to vector<400x256xf32>
    %sub3A_31 = arith.subf %exp3A, %sub3A_30 : vector<400x256xf32>
    %select_n3A_32 = arith.select %gt3A_27, %div3A, %sub3A_31 : vector<400x256xi1>, vector<400x256xf32>
    %get3A_33 = arith.constant 0 : index
    %get3A_34 = arith.constant 0 : index
    %get3A_35 = vector.load %arg4[%get3A_33, %get3A_34] : memref<256x128xf32, #tpu.memory_space<vmem>>, vector<256x128xf32>
    %dot_general3A_36 = arith.constant dense<0.000000e+00> : vector<400x128xf32>
    %dot_general3A_37 = tpu.matmul %select_n3A_32, %get3A_35, %dot_general3A_36 {dimension_numbers = #tpu.dot_dimension_numbers<[1], [0], [0], [1], [0, 0, 1, 1], [], []>, transpose_lhs_hint = false} : vector<400x256xf32>, vector<256x128xf32>, vector<400x128xf32> -> vector<400x128xf32>
    %get3A_38 = arith.constant 0 : index
    %get3A_39 = arith.constant 0 : index
    %get3A_40 = vector.load %arg5[%get3A_38, %get3A_39] : memref<128x8xf32, #tpu.memory_space<vmem>>, vector<128x8xf32>
    %dot_general3A_41 = arith.constant dense<0.000000e+00> : vector<400x8xf32>
    %dot_general3A_42 = tpu.matmul %dot_general3A_37, %get3A_40, %dot_general3A_41 {dimension_numbers = #tpu.dot_dimension_numbers<[1], [0], [0], [1], [0, 0, 1, 1], [], []>, transpose_lhs_hint = false} : vector<400x128xf32>, vector<128x8xf32>, vector<400x8xf32> -> vector<400x8xf32>
    %convert_element_type3A = arith.truncf %dot_general3A_37 : vector<400x128xf32> to vector<400x128xbf16>
    %swap3A = arith.constant 0 : index
    %swap3A_43 = arith.constant 0 : index
    %swap3A_44 = vector.load %arg6[%swap3A, %swap3A_43] : memref<400x128xbf16, #tpu.memory_space<vmem>>, vector<400x128xbf16>
    tpu.vector_store %arg6[%swap3A, %swap3A_43], %convert_element_type3A {strides = array<i32>} : memref<400x128xbf16, #tpu.memory_space<vmem>>, vector<400x128xbf16>,
    %swap3A_45 = arith.constant 0 : index
    %swap3A_46 = arith.constant 0 : index
    %swap3A_47 = vector.load %arg7[%swap3A_45, %swap3A_46] : memref<400x8xf32, #tpu.memory_space<vmem>>, vector<400x8xf32>
    tpu.vector_store %arg7[%swap3A_45, %swap3A_46], %dot_general3A_42 {strides = array<i32>} : memref<400x8xf32, #tpu.memory_space<vmem>>, vector<400x8xf32>,
    %reduce_max3A = arith.constant dense<0xFF800000> : vector<8xf32>
    %reduce_max3A_48 = vector.multi_reduction <maximumf>, %dot_general3A_42, %reduce_max3A [0] : vector<400x8xf32> to vector<8xf32>
    %broadcast_in_dim3A_49 = vector.shape_cast %reduce_max3A_48 : vector<8xf32> to vector<1x8xf32>
    %iota3A = tpu.iota {dimensions = array<i32: 1>} : vector<1x8xi32>
    %lt3A = arith.constant 4 : i32
    %lt3A_50 = vector.broadcast %lt3A : i32 to vector<1x8xi32>
    %lt3A_51 = arith.cmpi slt, %iota3A, %lt3A_50 : vector<1x8xi32>
    %lt3A_52 = arith.constant 5 : i32
    %lt3A_53 = arith.cmpi slt, %arg0, %lt3A_52 : i32
    %or3A = vector.broadcast %lt3A_53 : i1 to vector<1x8xi1>
    %or3A_54 = arith.ori %lt3A_51, %or3A : vector<1x8xi1>
    %jit3A_55 = arith.constant -3.000000e+38 : f32
    %broadcast_in_dim3A_56 = vector.broadcast %jit3A_55 : f32 to vector<1x8xf32>
    %select_n3A_57 = arith.select %or3A_54, %broadcast_in_dim3A_49, %broadcast_in_dim3A_56 : vector<1x8xi1>, vector<1x8xf32>
    %eq3A_58 = arith.constant 0 : i32
    %eq3A_59 = arith.cmpi eq, %arg0, %eq3A_58 : i32
    %convert_element_type3A_60 = arith.extui %eq3A_59 : i1 to i32
    %cond3A = arith.constant 0 : i32
    %cond3A_61 = arith.cmpi ne, %convert_element_type3A_60, %cond3A : i32
    scf.if %cond3A_61 {
      %swap3A_67 = arith.constant 0 : index
      %swap3A_68 = arith.constant 0 : index
      %swap3A_69 = vector.load %arg8[%swap3A_67, %swap3A_68] : memref<1x8xf32, #tpu.memory_space<vmem>>, vector<1x8xf32>
      tpu.vector_store %arg8[%swap3A_67, %swap3A_68], %select_n3A_57 {strides = array<i32>} : memref<1x8xf32, #tpu.memory_space<vmem>>, vector<1x8xf32>,
    } else {
    }
    %gt3A_62 = arith.constant 0 : i32
    %gt3A_63 = arith.cmpi sgt, %arg0, %gt3A_62 : i32
    %convert_element_type3A_64 = arith.extui %gt3A_63 : i1 to i32
    %cond3A_65 = arith.constant 0 : i32
    %cond3A_66 = arith.cmpi ne, %convert_element_type3A_64, %cond3A_65 : i32
    scf.if %cond3A_66 {
      %get3A_67 = arith.constant 0 : index
      %get3A_68 = arith.constant 0 : index
      %get3A_69 = vector.load %arg8[%get3A_67, %get3A_68] : memref<1x8xf32, #tpu.memory_space<vmem>>, vector<1x8xf32>
      %max3A = arith.maximumf %get3A_69, %select_n3A_57 : vector<1x8xf32>
      %swap3A_70 = arith.constant 0 : index
      %swap3A_71 = arith.constant 0 : index
      %swap3A_72 = vector.load %arg8[%swap3A_70, %swap3A_71] : memref<1x8xf32, #tpu.memory_space<vmem>>, vector<1x8xf32>
      tpu.vector_store %arg8[%swap3A_70, %swap3A_71], %max3A {strides = array<i32>} : memref<1x8xf32, #tpu.memory_space<vmem>>, vector<1x8xf32>,
    } else {
    }
    return
  }
  func.func @transform_0(%arg0: i32) -> (i32, i32, i32) {
    %c0_i32 = arith.constant 0 : i32
    %c0_i32_0 = arith.constant 0 : i32
    %c0_i32_1 = arith.constant 0 : i32
    return %c0_i32, %arg0, %c0_i32_0 : i32, i32, i32
  }
  func.func @transform_1(%arg0: i32) -> (i32, i32, i32) {
    %c0_i32 = arith.constant 0 : i32
    %c0_i32_0 = arith.constant 0 : i32
    %c0_i32_1 = arith.constant 0 : i32
    return %c0_i32, %arg0, %c0_i32_0 : i32, i32, i32
  }
  func.func @transform_2(%arg0: i32) -> (i32, i32) {
    %c0_i32 = arith.constant 0 : i32
    %c0_i32_0 = arith.constant 0 : i32
    %c0_i32_1 = arith.constant 0 : i32
    return %c0_i32, %c0_i32_0 : i32, i32
  }
  func.func @transform_3(%arg0: i32) -> (i32, i32) {
    %c0_i32 = arith.constant 0 : i32
    %c0_i32_0 = arith.constant 0 : i32
    %c0_i32_1 = arith.constant 0 : i32
    return %c0_i32, %c0_i32_0 : i32, i32
  }
  func.func @transform_4(%arg0: i32) -> (i32, i32) {
    %c0_i32 = arith.constant 0 : i32
    %c0_i32_0 = arith.constant 0 : i32
    %c0_i32_1 = arith.constant 0 : i32
    return %c0_i32, %c0_i32_0 : i32, i32
  }
  func.func @transform_5(%arg0: i32) -> (i32, i32) {
    %c0_i32 = arith.constant 0 : i32
    %c0_i32_0 = arith.constant 0 : i32
    return %arg0, %c0_i32 : i32, i32
  }
  func.func @transform_6(%arg0: i32) -> (i32, i32) {
    %c0_i32 = arith.constant 0 : i32
    %c0_i32_0 = arith.constant 0 : i32
    return %arg0, %c0_i32 : i32, i32
  }
  func.func @transform_7(%arg0: i32) -> (i32, i32) {
    %c0_i32 = arith.constant 0 : i32
    %c0_i32_0 = arith.constant 0 : i32
    %c0_i32_1 = arith.constant 0 : i32
    return %c0_i32, %c0_i32_0 : i32, i32
  }
}

module attributes {stable_mosaic.version = 14 : i64} {
  func.func @_tc3_body(%arg0: i32, %arg1: memref<2x400x128xf32, #tpu.memory_space<vmem>>, %arg2: memref<2x400x16xf32, #tpu.memory_space<vmem>>, %arg3: memref<16x128xf32, #tpu.memory_space<vmem>>, %arg4: memref<128x128xf32, #tpu.memory_space<vmem>>, %arg5: memref<400x128xf32, #tpu.memory_space<vmem>>) attributes {dimension_semantics = [#tpu.dimension_semantics<arbitrary>], iteration_bounds = array<i64: 5>, scalar_prefetch = 0 : i64, scratch_operands = 0 : i64, tpu.core_type = #tpu.core_type<tc>, window_params = [{transform_indices = @transform_0, window_bounds = array<i64: 2, 400, 128>}, {transform_indices = @transform_1, window_bounds = array<i64: 2, 400, 16>}, {pipeline_mode = #tpu.pipeline_mode<synchronous>, transform_indices = @transform_2, window_bounds = array<i64: 16, 128>}, {pipeline_mode = #tpu.pipeline_mode<synchronous>, transform_indices = @transform_3, window_bounds = array<i64: 128, 128>}, {transform_indices = @transform_4, window_bounds = array<i64: 400, 128>}]} {
    %get3A = arith.constant 0 : index
    %get3A_0 = arith.constant 0 : index
    %get3A_1 = arith.constant 0 : index
    %get3A_2 = vector.load %arg1[%get3A, %get3A_0, %get3A_1] : memref<2x400x128xf32, #tpu.memory_space<vmem>>, vector<1x400x128xf32>
    %get3A_3 = vector.shape_cast %get3A_2 : vector<1x400x128xf32> to vector<400x128xf32>
    %get3A_4 = arith.constant 1 : index
    %get3A_5 = arith.constant 0 : index
    %get3A_6 = arith.constant 0 : index
    %get3A_7 = vector.load %arg1[%get3A_4, %get3A_5, %get3A_6] : memref<2x400x128xf32, #tpu.memory_space<vmem>>, vector<1x400x128xf32>
    %get3A_8 = vector.shape_cast %get3A_7 : vector<1x400x128xf32> to vector<400x128xf32>
    %add3A = arith.addf %get3A_3, %get3A_8 : vector<400x128xf32>
    %get3A_9 = arith.constant 0 : index
    %get3A_10 = arith.constant 0 : index
    %get3A_11 = arith.constant 0 : index
    %get3A_12 = vector.load %arg2[%get3A_9, %get3A_10, %get3A_11] : memref<2x400x16xf32, #tpu.memory_space<vmem>>, vector<1x400x16xf32>
    %get3A_13 = vector.shape_cast %get3A_12 : vector<1x400x16xf32> to vector<400x16xf32>
    %get3A_14 = arith.constant 1 : index
    %get3A_15 = arith.constant 0 : index
    %get3A_16 = arith.constant 0 : index
    %get3A_17 = vector.load %arg2[%get3A_14, %get3A_15, %get3A_16] : memref<2x400x16xf32, #tpu.memory_space<vmem>>, vector<1x400x16xf32>
    %get3A_18 = vector.shape_cast %get3A_17 : vector<1x400x16xf32> to vector<400x16xf32>
    %add3A_19 = arith.addf %get3A_13, %get3A_18 : vector<400x16xf32>
    %get3A_20 = arith.constant 0 : index
    %get3A_21 = arith.constant 0 : index
    %get3A_22 = vector.load %arg3[%get3A_20, %get3A_21] : memref<16x128xf32, #tpu.memory_space<vmem>>, vector<16x128xf32>
    %dot_general3A = arith.constant dense<0.000000e+00> : vector<400x128xf32>
    %dot_general3A_23 = tpu.matmul %add3A_19, %get3A_22, %dot_general3A {dimension_numbers = #tpu.dot_dimension_numbers<[1], [0], [0], [1], [0, 0, 1, 1], [], []>, transpose_lhs_hint = false} : vector<400x16xf32>, vector<16x128xf32>, vector<400x128xf32> -> vector<400x128xf32>
    %eq3A = arith.constant 0.000000e+00 : f32
    %eq3A_24 = vector.broadcast %eq3A : f32 to vector<400x128xf32>
    %eq3A_25 = arith.cmpf oeq, %dot_general3A_23, %eq3A_24 : vector<400x128xf32>
    %jit3A = arith.constant 1.000000e+00 : f32
    %broadcast_in_dim3A = vector.broadcast %jit3A : f32 to vector<400x128xf32>
    %select_n3A = arith.select %eq3A_25, %broadcast_in_dim3A, %dot_general3A_23 : vector<400x128xi1>, vector<400x128xf32>
    %div3A = arith.divf %add3A, %select_n3A : vector<400x128xf32>
    %get3A_26 = arith.constant 0 : index
    %get3A_27 = arith.constant 0 : index
    %get3A_28 = vector.load %arg4[%get3A_26, %get3A_27] : memref<128x128xf32, #tpu.memory_space<vmem>>, vector<128x128xf32>
    %dot_general3A_29 = arith.constant dense<0.000000e+00> : vector<400x128xf32>
    %dot_general3A_30 = tpu.matmul %div3A, %get3A_28, %dot_general3A_29 {dimension_numbers = #tpu.dot_dimension_numbers<[1], [0], [0], [1], [0, 0, 1, 1], [], []>, transpose_lhs_hint = false} : vector<400x128xf32>, vector<128x128xf32>, vector<400x128xf32> -> vector<400x128xf32>
    %swap3A = arith.constant 0 : index
    %swap3A_31 = arith.constant 0 : index
    %swap3A_32 = vector.load %arg5[%swap3A, %swap3A_31] : memref<400x128xf32, #tpu.memory_space<vmem>>, vector<400x128xf32>
    tpu.vector_store %arg5[%swap3A, %swap3A_31], %dot_general3A_30 {strides = array<i32>} : memref<400x128xf32, #tpu.memory_space<vmem>>, vector<400x128xf32>,
    return
  }
  func.func @transform_0(%arg0: i32) -> (i32, i32, i32) {
    %c0_i32 = arith.constant 0 : i32
    %c0_i32_0 = arith.constant 0 : i32
    %c0_i32_1 = arith.constant 0 : i32
    return %c0_i32, %arg0, %c0_i32_0 : i32, i32, i32
  }
  func.func @transform_1(%arg0: i32) -> (i32, i32, i32) {
    %c0_i32 = arith.constant 0 : i32
    %c0_i32_0 = arith.constant 0 : i32
    %c0_i32_1 = arith.constant 0 : i32
    return %c0_i32, %arg0, %c0_i32_0 : i32, i32, i32
  }
  func.func @transform_2(%arg0: i32) -> (i32, i32) {
    %c0_i32 = arith.constant 0 : i32
    %c0_i32_0 = arith.constant 0 : i32
    %c0_i32_1 = arith.constant 0 : i32
    return %c0_i32, %c0_i32_0 : i32, i32
  }
  func.func @transform_3(%arg0: i32) -> (i32, i32) {
    %c0_i32 = arith.constant 0 : i32
    %c0_i32_0 = arith.constant 0 : i32
    %c0_i32_1 = arith.constant 0 : i32
    return %c0_i32, %c0_i32_0 : i32, i32
  }
  func.func @transform_4(%arg0: i32) -> (i32, i32) {
    %c0_i32 = arith.constant 0 : i32
    %c0_i32_0 = arith.constant 0 : i32
    return %arg0, %c0_i32 : i32, i32
  }
}

</mosaic_0001>

<sc_bundles>
// kernel: kernel.10.cloned.1.call-start
scs
__scs_entry_jumppad:
0x0: {  	(pc) =	sbr.rel $0x88, $3  }
0x1: {  	(tag) =	ssettag $0x0;
	lr =	simm.s32 $0x1  }
0x2: {  	[smem:$0x3F91] =	sst lr;
	_ =	strace $0xD0000000  }
0x3: {  	_ = 	snop  }
0x4: {  	_ = 	snop  }
0x5: {  	_ = 	snop  }
0x6: {  	_ = 	snop  }
0x7: {  	_ = 	snop  }
__scs_overlays_trampoline_lowered:
0x8: {  	[smem:$0x3FA0] =	sst s0  }
0x9: {  	[smem:$0x3FA1] =	sst s1  }
0xa: {  	[smem:$0x3FA2] =	sst s2  }
0xb: {  	[smem:$0x3FA3] =	sst s3  }
0xc: {  	[smem:$0x3FA4] =	sst s4  }
0xd: {  	[smem:$0x3FA5] =	sst s5  }
0xe: {  	[smem:$0x3FA6] =	sst s6  }
0xf: {  	[smem:$0x3FA7] =	sst s7  }
0x10: {  	[smem:$0x3FA8] =	sst s8  }
0x11: {  	[smem:$0x3FA9] =	sst s9;
	s0 =	simm.s32 @!p0 $0x0  }
0x12: {  	s1 =	sld [smem:$0x3F8F];
	s0 =	simm.s32 @p0 $0x1  }
0x13: {  	[smem:$0x3FAA] =	sst s0;
	s0 =	simm.s32 @!p1 $0x0  }
0x14: {  	s2 =	sld [smem:$0x3F8E];
	s0 =	simm.s32 @p1 $0x1  }
0x15: {  	[smem:$0x3FAB] =	sst s0;
	s0 =	simm.s32 @!p2 $0x0  }
0x16: {  	s3 =	sld [smem:$0x3FDB];
	s0 =	simm.s32 @p2 $0x1  }
0x17: {  	s4 =	simm.s32 $0x1BF5;
	[smem:$0x3FAD] =	sst s0  }
0x18: {  	s0 =	sld [smem:$0x3F90];
	_ =	swait.ge [sflag:s4], $0x0  }
0x19: {  	s7 =	sld [smem:$0x3F91]  }
0x1a: {  	s8 =	sadd.s32 $0xFFFFE003, lr  }
0x1b: {  	s9 =	sadd.s32 $0xFFFFFEF7, lr;
	s5 =	simm.s32 $0xFFFFFFFF;
	p2 =	slt.u32 s8, $0xFFFFF086  }
0x1c: {  	p1 =	slt.u32 s9, $0xF7A;
	s5 =	simm.s32 @!p2 $0x0  }
0x1d: {  	s5 =	simm.s32 @p1 $0x1;
	p0 =	seq.s32 s7, s2  }
0x1e: {  	s7 =	smul.u32 @!p0 $0xF7A, s2;
	p2 =	seq.s32 @!p0 s5, $0x0  }
0x1f: {  	s9 =	smul.u32 $0xF7A, s1;
	s8 =	simm.s32 @!p0 $0x1BF5;
	p2 =	por !p2, p0  }
0x20: {  	[sflag:s8] =	ssyncset.s32 @!p0 $0xFFFFF086;
	s6 =	sadd.s32 @!p0 s3, s7;
	s7 =	simm.s32 @!p0 $0x108  }
0x21: {  	s3 =	sadd.s32 s3, s9;
	s6 =	sadd.s32 @!p0 $0x88, s6;
	s7 =	simm.s32 @p2 $0x1082  }
0x22: {  	[simem:s7], [sflag:s8] =	dma.local @!p0 [hbm:s6], $0xF7A  }
0x23: {  	s9 =	sor.u32 $0xD0000000, s2;
	s6 =	simm.s32 $0x108;
	_ =	swait.ge @!p0 [sflag:s8], $0x0  }
0x24: {  	s3 =	sadd.s32 $0x88, s3;
	s6 =	simm.s32 @!p1 $0x1082;
	[sflag:s4] =	ssyncset.s32 $0xFFFFF086  }
0x25: {  	[simem:s6], [sflag:s4] =	dma.local [hbm:s3], $0xF7A  }
0x26: {  	[smem:$0x3F91] =	sst s1;
	(tag) =	ssettag s2;
	_ =	strace s9  }
0x27: {  	s1 =	sld [smem:$0x3FA1]  }
0x28: {  	s2 =	sld [smem:$0x3FA2]  }
0x29: {  	s4 =	sld [smem:$0x3FA4]  }
0x2a: {  	p0 =	seq.s32 s5, $0x0;
	s5 =	sld [smem:$0x3FA5]  }
0x2b: {  	s6 =	sld [smem:$0x3FA6]  }
0x2c: {  	s7 =	sld [smem:$0x3FA7]  }
0x2d: {  	s3 =	simm.s32 $0x108;
	s8 =	sld [smem:$0x3FA8]  }
0x2e: {  	s3 =	simm.s32 @!p0 $0x1082;
	s9 =	sld [smem:$0x3FA9]  }
0x2f: {  	lr =	sadd.s32 s0, s3;
	s0 =	sld [smem:$0x3FA0]  }
0x30: {  	s3 =	sld [smem:$0x3FA3]  }
0x31: {  	[smem:$0x3FAC] =	sst s10  }
0x32: {  	s10 =	sld [smem:$0x3FAA];
	_ =	sdelay $0x3  }
0x33: {  	p0 =	seq.s32 s10, $0x1;
	s10 =	sld [smem:$0x3FAC];
	_ =	sdelay $0x3  }
0x34: {  	[smem:$0x3FAC] =	sst s10  }
0x35: {  	s10 =	sld [smem:$0x3FAB];
	_ =	sdelay $0x3  }
0x36: {  	p1 =	seq.s32 s10, $0x1;
	s10 =	sld [smem:$0x3FAC];
	_ =	sdelay $0x3  }
0x37: {  	[smem:$0x3FAC] =	sst s10  }
0x38: {  	s10 =	sld [smem:$0x3FAD]  }
0x39: {  	_ = 	snop;
	(pc) =	sbr.ind lr, $3  }
0x3a: {  	_ = 	snop  }
0x3b: {  	_ = 	snop  }
0x3c: {  	p2 =	seq.s32 s10, $0x1;
	s10 =	sld [smem:$0x3FAC]  }
0x3d: {  	_ =	shalt  }
0x3e: {  	_ =	shalt  }
0x3f: {  	_ =	shalt  }
0x40: {  	_ =	shalt  }
0x41: {  	_ =	shalt  }
0x42: {  	_ =	shalt  }
0x43: {  	_ =	shalt  }
0x44: {  	_ =	shalt  }
0x45: {  	_ =	shalt  }
0x46: {  	_ =	shalt  }
0x47: {  	_ =	shalt  }
0x48: {  	_ =	shalt  }
0x49: {  	_ =	shalt  }
0x4a: {  	_ =	shalt  }
0x4b: {  	_ =	shalt  }
0x4c: {  	_ =	shalt  }
0x4d: {  	_ =	shalt  }
0x4e: {  	_ =	shalt  }
0x4f: {  	_ =	shalt  }
0x50: {  	_ =	shalt  }
0x51: {  	_ =	shalt  }
0x52: {  	_ =	shalt  }
0x53: {  	_ =	shalt  }
0x54: {  	_ =	shalt  }
0x55: {  	_ =	shalt  }
0x56: {  	_ =	shalt  }
0x57: {  	_ =	shalt  }
0x58: {  	_ =	shalt  }
0x59: {  	_ =	shalt  }
0x5a: {  	_ =	shalt  }
0x5b: {  	_ =	shalt  }
0x5c: {  	_ =	shalt  }
0x5d: {  	_ =	shalt  }
0x5e: {  	_ =	shalt  }
0x5f: {  	_ =	shalt  }
0x60: {  	_ =	shalt  }
0x61: {  	_ =	shalt  }
0x62: {  	_ =	shalt  }
0x63: {  	_ =	shalt  }
0x64: {  	_ =	shalt  }
0x65: {  	_ =	shalt  }
0x66: {  	_ =	shalt  }
0x67: {  	_ =	shalt  }
0x68: {  	_ =	shalt  }
0x69: {  	_ =	shalt  }
0x6a: {  	_ =	shalt  }
0x6b: {  	_ =	shalt  }
0x6c: {  	_ =	shalt  }
0x6d: {  	_ =	shalt  }
0x6e: {  	_ =	shalt  }
0x6f: {  	_ =	shalt  }
0x70: {  	_ =	shalt  }
0x71: {  	_ =	shalt  }
0x72: {  	_ =	shalt  }
0x73: {  	_ =	shalt  }
0x74: {  	_ =	shalt  }
0x75: {  	_ =	shalt  }
0x76: {  	_ =	shalt  }
0x77: {  	_ =	shalt  }
0x78: {  	_ =	shalt  }
0x79: {  	_ =	shalt  }
0x7a: {  	_ =	shalt  }
0x7b: {  	_ =	shalt  }
0x7c: {  	_ =	shalt  }
0x7d: {  	_ =	shalt  }
0x7e: {  	_ =	shalt  }
0x7f: {  	_ =	shalt  }
0x80: {  	_ =	shalt  }
0x81: {  	_ =	shalt  }
0x82: {  	_ =	shalt  }
0x83: {  	_ =	shalt  }
0x84: {  	_ =	shalt  }
0x85: {  	_ =	shalt  }
0x86: {  	_ =	shalt  }
0x87: {  	_ =	shalt  }
.Lfunc_end0:
.L_simem_size_0:
called_computation.1_lowered:
.L_overlay_start_0:
0x88: {  	s2 =	sld [smem:$0x3FD9]  }
0x89: {  	s3 =	sld [smem:$0x3FFE];
	_ =	sdelay $0x1  }
0x8a: {  	s1 =	srdreg.scid  }
0x8b: {  	s0 =	sand.u32 $0x1, s1  }
0x8c: {  	s17 =	sshll.u32 s0, $0xA;
	s2 =	sadd.s32 s3, s2  }
0x8d: {  	s2 =	sadd.s32 s2, s17  }
0x8e: {  	[smem:$0x3FB8] =	sst s2  }
0x8f: {  	_ = 	snop  }
0x90: {  	s2 =	sld [smem:$0x3FD0];
	(tm) =	ssettm $0x1  }
0x91: {  	s18 =	sld [smem:$0x3FFB];
	_ =	sdelay $0x3  }
0x92: {  	_ =	strace s18  }
0x93: {  	s3 =	sld [smem:$0x3FFC];
	_ =	sdelay $0x3  }
0x94: {  	_ =	strace s3  }
0x95: {  	s3 =	sld [smem:$0x3FFD];
	_ =	sdelay $0x3  }
0x96: {  	_ =	strace s3  }
0x97: {  	_ =	strace $0x8FFFFFFF  }
0x98: {  	s19 =	sld [smem:$0x3FDB];
	_ =	sdelay $0x1  }
0x99: {  	s4 =	simm.s32 $_scs_section_size  }
0x9a: {  	s5 =	simm.s32 $_size__tile_overlayer_lowered;
	s6 =	simm.s32 $_tile_overlayer_lowered  }
0x9b: {  	s22 =	simm.s32 $0x1BFF;
	s21 =	sshll.u32 s6, $0x1;
	s3 =	sadd.s32 s4, s19  }
0x9c: {  	s7 =	simm.s32 $0x0;
	s20 =	sshll.u32 s5, $0x1;
	s5 =	sadd.s32 s21, s3  }
0x9d: {  	[timem:s7], [sflag:s22] =	dma.local [hbm:s5], s20  }
0x9e: {  	_ =	swait.ge [sflag:s22], s20  }
0x9f: {  	s4 =	ssub.s32 $0x0, s20;
	[sflag:s22] =	ssyncset.done $0x0  }
0xa0: {  	[sflag:s22] =	ssyncadd.s32 s4;
	_ =	sdelay $0x1  }
0xa1: {  	s23 =	simm.s32 $0x1B8B  }
0xa2: {  	_ =	swait.ge [sflag:s23], $0x1  }
0xa3: {  	[sflag:s23] =	ssyncset.done $0x0  }
0xa4: {  	s25 =	simm.s32 $0x1B8E;
	s24 =	sld [smem:$0x3FFE];
	[sflag:s23] =	ssyncadd.s32 $0xFFFFFFFF  }
0xa5: {  	s26 =	simm.s32 $execute0_lowered;
	[smem:$0x3FD2] =	sst s25  }
0xa6: {  	s5 =	sshll.u32 s26, $0x1;
	_ =	strace $0x80000049;
	[dreg:$0x1] =	wrdreg $0xFFFFFFFF  }
0xa7: {  	s28 =	simm.s32 $_size_execute0_lowered;
	s3 =	sadd.s32 s3, s5;
	[dreg:$0x0] =	wrdreg $0x0  }
0xa8: {  	s5 =	sshll.u32 s28, $0x1;
	[dreg:$0x2] =	wrdreg s3  }
0xa9: {  	[dreg:$0x3] =	wrdreg s5  }
0xaa: {  	[dreg:$0x4] =	wrdreg $0xC0  }
0xab: {  	_ =	task [dreg:s7], $0x5FFFF  }
0xac: {  	[dreg:$0x1] =	wrdreg $0xFFFFFFFF  }
0xad: {  	[dreg:$0x0] =	wrdreg $0x60  }
0xae: {  	[dreg:$0x2] =	wrdreg s24  }
0xaf: {  	[dreg:$0x3] =	wrdreg s2  }
0xb0: {  	[dreg:$0x4] =	wrdreg $0x75100  }
0xb1: {  	[dreg:$0x5] =	wrdreg $0xB5100  }
0xb2: {  	[dreg:$0x6] =	wrdreg $0x9  }
0xb3: {  	_ =	task.clear_ibuf [dreg:s7], $0x7FFFF;
	_ =	strace $0x90000049  }
0xb4: {  	s29 =	simm.s32 $0x9;
	_ =	strace $0x8000004B  }
0xb5: {  	_ =	swait.ge [sflag:s29], $0x1  }
0xb6: {  	[sflag:s29] =	ssyncadd.s32 $0xFFFFFFFF  }
0xb7: {  	_ =	strace $0x9000004B  }
0xb8: {  	_ =	sfence  }
0xb9: {  	s30 =	sld [smem:$0x0];
	_ =	sdelay $0x2  }
0xba: {  	s31 =	sshll.u32 s1, $0xD;
	s1 =	sshrl.u32 s1, $0x2  }
0xbb: {  	s3 =	sand.u32 $0x4000, s31;
	s1 =	sadd.s32 s1, s30  }
0xbc: {  	s0 =	sor.u32 s3, s0;
	s1 =	sshll.u32 s1, $0x11  }
0xbd: {  	s0 =	sor.u32 s1, s0  }
0xbe: {  	s0 =	sadd.s32 $0x8F2B, s0  }
0xbf: {  	[sflag:s0] =	ssyncadd.remote.s32 $0x1  }
0xc0: {  	_ =	sfence.sel $0xFFFF  }
0xc1: {  	[dreg:$0x0] =	wrdreg $0xFFFFFFFF;
	(pc) =	sbr.abs _section_cstart, $3  }
0xc2: {  	[dreg:$0x1] =	wrdreg $0xFFFFFFFF  }
0xc3: {  	_ =	task.clear_ibuf [dreg:s7], $0x2FFFF;
	_ =	strace $0x9FFFFFFF  }
0xc4: {  	(tm) =	ssettm $0x7FFFFFFF  }
0xc5: {  	_ =	shalt  }
tec
execute0_lowered:
.L_overlay_start_1:
0x0: {  	(tag) =	ssettag $0x1  }
0x1: {  	s0 =	rddreg [dreg:$0x0]  }
0x2: {  	s5 =	rddreg [dreg:$0x1]  }
0x3: {  	s1 =	rddreg [dreg:$0x2]  }
0x4: {  	s2 =	rddreg [dreg:$0x3]  }
0x5: {  	s3 =	simm.s32 $0x0;
	s8 =	srdreg.scid;
	s17 =	stileid.u32  }
0x6: {  	s18 =	simm.s32 $0x6D00;
	s19 =	simm.s32 $0x7500;
	s20 =	simm.s32 $0x80  }
0x7: {  	s21 =	simm.s32 $0x900;
	s22 =	simm.s32 $0x100;
	s23 =	simm.s32 $0x2D00  }
0x8: {  	s24 =	simm.s32 $0x0;
	[smem:$0x7FF] =	sst s3;
	s4 =	sadd.s32 $0x3C00, s0  }
0x9: {  	v0 =	vlaneseq.u32;
	s6 =	sadd.s32 $0x1C00, s0;
	s7 =	sadd.s32 $0x1A00, s0;
	s11 =	sand.u32 $0x1, s8  }
0xa: {  	s10 =	sshll.u32 s17, $0xE;
	v21 =	vmul.u32 $0x48, v0;
	v0 =	vmul.u32 $0x10, v0;
	s15 =	sshll.u32 s17, $0x6;
	s28 =	sshll.u32 s17, $0xB  }
0xb: {  	s29 =	sshll.u32 s17, $0xA;
	_ =	strace $0x8000004A;
	s8 =	sshll.u32 s11, $0x9  }
0xc: {  	s9 =	sshll.u32 s11, $0x12;
	s14 =	ssub.s32 $0x2, s11;
	s16 =	sadd.s32 s10, s1;
	v1 =	vadd.s32 $0x40, v21;
	v2 =	vor.u32 $0x4, v0  }
0xd: {  	s11 =	sshll.u32 s11, $0xF;
	s30 =	sadd.s32 s28, s2;
	s12 =	sadd.s32 s8, s0;
	v3 =	vadd.s32 $0x4C0, v21;
	v4 =	vor.u32 $0x104, v0;
	v5 =	vor.u32 $0x100, v0  }
0xe: {  	s8 =	sadd.s32 $0xCC00, s0;
	s13 =	sor.u32 s10, s9;
	s9 =	sadd.s32 $0xCA00, s0;
	v6 =	vadd.s32 $0x940, v21;
	v7 =	vor.u32 $0x204, v0;
	v8 =	vor.u32 $0x200, v0  }
0xf: {  	s26 =	sshrl.u32 s14, $0x1;
	s10 =	sor.u32 $0x1C01, s15;
	v9 =	vadd.s32 $0xDC0, v21;
	v10 =	vor.u32 $0x304, v0;
	v11 =	vor.u32 $0x300, v0;
	s15 =	sshrl.u32 s16, $0x3  }
0x10: {  	v12 =	vadd.s32 $0x1240, v21;
	v13 =	vor.u32 $0x404, v0;
	v14 =	vor.u32 $0x400, v0;
	s16 =	simm.s32 $0x1;
	s17 =	sshrl.u32 s30, $0x3;
	s13 =	sshrl.u32 s13, $0x3  }
0x11: {  	v15 =	vadd.s32 $0x16C0, v21;
	v16 =	vor.u32 $0x504, v0;
	v17 =	vor.u32 $0x500, v0;
	s12 =	sadd.s32 s29, s12;
	s0 =	sadd.s32 s13, s0;
	s13 =	sor.u32 s28, s11  }
0x12: {  	v18 =	vadd.s32 $0x1B40, v21;
	v19 =	vor.u32 $0x604, v0;
	v20 =	vor.u32 $0x600, v0;
	s14 =	ssub.s32 s14, s26;
	s11 =	sadd.s32 $0x11C00, s12;
	s31 =	sshrl.u32 s13, $0x3  }
0x13: {  	v21 =	vadd.s32 $0x1FC0, v21;
	v22 =	vor.u32 $0x704, v0;
	v23 =	vor.u32 $0x700, v0;
	s14 =	smax.u32 s14, $0x1;
	s12 =	sadd.s32 $0x15C00, s0;
	s13 =	sadd.s32 s5, s31  }
.LBB2_1:
0x14: {  	[spmem:s15], [sflag:s10] =	dma.local [hbm:s8], $0x800  }
0x15: {  	_ =	swait.ge [sflag:s16], $0x800  }
0x16: {  	[sflag:s16] =	ssyncset.done $0x0  }
0x17: {  	[sflag:s16] =	ssyncadd.s32 $0xFFFFF800  }
0x18: {  	[spmem:s17], [sflag:s10] =	dma.local [hbm:s9], $0x100  }
0x19: {  	_ =	swait.ge [sflag:s16], $0x100  }
0x1a: {  	[sflag:s16] =	ssyncset.done $0x0  }
0x1b: {  	[sflag:s16] =	ssyncadd.s32 $0xFFFFFF00  }
0x1c: {  	[tilespmem:s18], [sflag:$0x1] =	stream.linear.gather [hbm4b:s9+s3], $0x800, $0x38;
	[tilespmem:$0xBD10] =	vst v63  }
0x1d: {  	_ =	swait.ge [sflag:s16], $0x800  }
0x1e: {  	[sflag:s16] =	ssyncset.done $0x0  }
0x1f: {  	[sflag:s16] =	ssyncadd.s32 $0xFFFFF800  }
0x20: {  	[tilespmem:s19], [sflag:$0x1] =	stream.linear.gather [hbm4b:s7+s3], $0x10, $0x38;
	[tilespmem:$0xBD10] =	vst v63  }
0x21: {  	_ =	swait.ge [sflag:s16], $0x10  }
0x22: {  	[sflag:s16] =	ssyncset.done $0x0  }
0x23: {  	[sflag:s16] =	ssyncadd.s32 $0xFFFFFFF0  }
0x24: {  	[bflag:$0x0] =	sbarrier.arrive $0xFFFF  }
0x25: {  	s25 =	simm.s32 $0x0;
	v24 =	vld.msk [tilespmem:$0x7500 ss:$0x0], $0xffff  }
.LBB2_2:
0x26: {  	s0 =	sshll.u32 s25, $0x5  }
0x27: {  	s0 =	sadd.s32 s0, s11  }
0x28: {  	[tilespmem:s3], [sflag:$0x1] =	stream.linear.gather [hbm4b:s0+s3], $0x100, $0x38;
	[tilespmem:$0xBD10] =	vst v63  }
0x29: {  	_ =	swait.ge [sflag:s16], $0x100  }
0x2a: {  	[sflag:s16] =	ssyncset.done $0x0  }
0x2b: {  	[sflag:s16] =	ssyncadd.s32 $0xFFFFFF00  }
0x2c: {  	[tilespmem:s21], [sflag:$0x1] =	stream.indirect.gather [hbm4b:s4+s20], $0x48, s3, s20, $0xb8;
	[tilespmem:$0xBD10] =	vst v63  }
0x2d: {  	_ =	swait.ge [sflag:s16], $0x2400  }
0x2e: {  	[sflag:s16] =	ssyncset.done $0x0  }
0x2f: {  	[sflag:s16] =	ssyncadd.s32 $0xFFFFDC00  }
0x30: {  	[tilespmem:s22], [sflag:$0x1] =	stream.indirect.gather [hbm4b:s6+s20], $0x10, s20, s20, $0xb8;
	[tilespmem:$0xBD10] =	vst v63  }
0x31: {  	_ =	swait.ge [sflag:s16], $0x800  }
0x32: {  	[sflag:s16] =	ssyncset.done $0x0  }
0x33: {  	[sflag:s16] =	ssyncadd.s32 $0xFFFFF800  }
0x34: {  	v25 =	vld.idx.msk [tilespmem:v1+s21+$0x0], $0xffff  }
0x35: {  	v26 =	vld.idx.msk [tilespmem:v2+s22+$0x0], $0xffff;
	_ =	sdelay $0x4  }
0x36: {  	v25 =	vadd.f32 v25, v26;
	_ =	sdelay $0x1  }
0x37: {  	v26 =	vmul.f32 $9.999999770e-03, v25  }
0x38: {  	vm0 =	vgt.f32 v25, $0.0e+00  }
0x39: {  	v25 =	vsel vm0, v25, v26  }
0x3a: {  	v25 =	vsub.f32 v25, v24;
	_ =	sdelay $0x1  }
0x3b: {  	v25 =	vmul.f32 $1.442695020e+00, v25;
	_ =	sdelay $0x1  }
0x3c: {  	(erf) = vpow2.f32 v25;
	_ =	sdelay $0x8  }
0x3d: {  	v25 =	vpop (erf)  }
0x3e: {  	[tilespmem:v0+s18+$0x0] =	vst.idx.msk $0xffff, v25  }
0x3f: {  	v25 =	vld.idx.msk [tilespmem:v3+s21+$0x0], $0xffff  }
0x40: {  	v26 =	vld.idx.msk [tilespmem:v4+s22+$0x0], $0xffff;
	_ =	sdelay $0x4  }
0x41: {  	v25 =	vadd.f32 v25, v26;
	_ =	sdelay $0x1  }
0x42: {  	v26 =	vmul.f32 $9.999999770e-03, v25  }
0x43: {  	vm9 =	vgt.f32 v25, $0.0e+00  }
0x44: {  	v25 =	vsel vm9, v25, v26  }
0x45: {  	v25 =	vsub.f32 v25, v24;
	_ =	sdelay $0x1  }
0x46: {  	v25 =	vmul.f32 $1.442695020e+00, v25;
	_ =	sdelay $0x1  }
0x47: {  	(erf) = vpow2.f32 v25;
	_ =	sdelay $0x8  }
0x48: {  	v25 =	vpop (erf)  }
0x49: {  	[tilespmem:v5+s18+$0x0] =	vst.idx.msk $0xffff, v25  }
0x4a: {  	v25 =	vld.idx.msk [tilespmem:v6+s21+$0x0], $0xffff  }
0x4b: {  	v26 =	vld.idx.msk [tilespmem:v7+s22+$0x0], $0xffff;
	_ =	sdelay $0x4  }
0x4c: {  	v25 =	vadd.f32 v25, v26;
	_ =	sdelay $0x1  }
0x4d: {  	v26 =	vmul.f32 $9.999999770e-03, v25  }
0x4e: {  	vm10 =	vgt.f32 v25, $0.0e+00  }
0x4f: {  	v25 =	vsel vm10, v25, v26  }
0x50: {  	v25 =	vsub.f32 v25, v24;
	_ =	sdelay $0x1  }
0x51: {  	v25 =	vmul.f32 $1.442695020e+00, v25;
	_ =	sdelay $0x1  }
0x52: {  	(erf) = vpow2.f32 v25;
	_ =	sdelay $0x8  }
0x53: {  	v25 =	vpop (erf)  }
0x54: {  	[tilespmem:v8+s18+$0x0] =	vst.idx.msk $0xffff, v25  }
0x55: {  	v25 =	vld.idx.msk [tilespmem:v9+s21+$0x0], $0xffff  }
0x56: {  	v26 =	vld.idx.msk [tilespmem:v10+s22+$0x0], $0xffff;
	_ =	sdelay $0x4  }
0x57: {  	v25 =	vadd.f32 v25, v26;
	_ =	sdelay $0x1  }
0x58: {  	v26 =	vmul.f32 $9.999999770e-03, v25  }
0x59: {  	vm11 =	vgt.f32 v25, $0.0e+00  }
0x5a: {  	v25 =	vsel vm11, v25, v26  }
0x5b: {  	v25 =	vsub.f32 v25, v24;
	_ =	sdelay $0x1  }
0x5c: {  	v25 =	vmul.f32 $1.442695020e+00, v25;
	_ =	sdelay $0x1  }
0x5d: {  	(erf) = vpow2.f32 v25;
	_ =	sdelay $0x8  }
0x5e: {  	v25 =	vpop (erf)  }
0x5f: {  	[tilespmem:v11+s18+$0x0] =	vst.idx.msk $0xffff, v25  }
0x60: {  	v25 =	vld.idx.msk [tilespmem:v12+s21+$0x0], $0xffff  }
0x61: {  	v26 =	vld.idx.msk [tilespmem:v13+s22+$0x0], $0xffff;
	_ =	sdelay $0x4  }
0x62: {  	v25 =	vadd.f32 v25, v26;
	_ =	sdelay $0x1  }
0x63: {  	v26 =	vmul.f32 $9.999999770e-03, v25  }
0x64: {  	vm12 =	vgt.f32 v25, $0.0e+00  }
0x65: {  	v25 =	vsel vm12, v25, v26  }
0x66: {  	v25 =	vsub.f32 v25, v24;
	_ =	sdelay $0x1  }
0x67: {  	v25 =	vmul.f32 $1.442695020e+00, v25;
	_ =	sdelay $0x1  }
0x68: {  	(erf) = vpow2.f32 v25;
	_ =	sdelay $0x8  }
0x69: {  	v25 =	vpop (erf)  }
0x6a: {  	[tilespmem:v14+s18+$0x0] =	vst.idx.msk $0xffff, v25  }
0x6b: {  	v25 =	vld.idx.msk [tilespmem:v15+s21+$0x0], $0xffff  }
0x6c: {  	v26 =	vld.idx.msk [tilespmem:v16+s22+$0x0], $0xffff;
	_ =	sdelay $0x4  }
0x6d: {  	v25 =	vadd.f32 v25, v26;
	_ =	sdelay $0x1  }
0x6e: {  	v26 =	vmul.f32 $9.999999770e-03, v25  }
0x6f: {  	vm13 =	vgt.f32 v25, $0.0e+00  }
0x70: {  	v25 =	vsel vm13, v25, v26  }
0x71: {  	v25 =	vsub.f32 v25, v24;
	_ =	sdelay $0x1  }
0x72: {  	v25 =	vmul.f32 $1.442695020e+00, v25;
	_ =	sdelay $0x1  }
0x73: {  	(erf) = vpow2.f32 v25;
	_ =	sdelay $0x8  }
0x74: {  	v25 =	vpop (erf)  }
0x75: {  	[tilespmem:v17+s18+$0x0] =	vst.idx.msk $0xffff, v25  }
0x76: {  	v25 =	vld.idx.msk [tilespmem:v18+s21+$0x0], $0xffff  }
0x77: {  	v26 =	vld.idx.msk [tilespmem:v19+s22+$0x0], $0xffff;
	_ =	sdelay $0x4  }
0x78: {  	v25 =	vadd.f32 v25, v26;
	_ =	sdelay $0x1  }
0x79: {  	v26 =	vmul.f32 $9.999999770e-03, v25  }
0x7a: {  	vm14 =	vgt.f32 v25, $0.0e+00  }
0x7b: {  	v25 =	vsel vm14, v25, v26  }
0x7c: {  	v25 =	vsub.f32 v25, v24;
	_ =	sdelay $0x1  }
0x7d: {  	v25 =	vmul.f32 $1.442695020e+00, v25;
	_ =	sdelay $0x1  }
0x7e: {  	(erf) = vpow2.f32 v25;
	_ =	sdelay $0x8  }
0x7f: {  	v25 =	vpop (erf)  }
0x80: {  	[tilespmem:v20+s18+$0x0] =	vst.idx.msk $0xffff, v25  }
0x81: {  	v25 =	vld.idx.msk [tilespmem:v21+s21+$0x0], $0xffff  }
0x82: {  	v26 =	vld.idx.msk [tilespmem:v22+s22+$0x0], $0xffff;
	_ =	sdelay $0x4  }
0x83: {  	v25 =	vadd.f32 v25, v26;
	_ =	sdelay $0x1  }
0x84: {  	v26 =	vmul.f32 $9.999999770e-03, v25  }
0x85: {  	vm15 =	vgt.f32 v25, $0.0e+00  }
0x86: {  	v25 =	vsel vm15, v25, v26  }
0x87: {  	v25 =	vsub.f32 v25, v24;
	_ =	sdelay $0x1  }
0x88: {  	v25 =	vmul.f32 $1.442695020e+00, v25;
	_ =	sdelay $0x1  }
0x89: {  	(erf) = vpow2.f32 v25;
	_ =	sdelay $0x8  }
0x8a: {  	v25 =	vpop (erf)  }
0x8b: {  	s0 =	simm.s32 $0x990;
	[tilespmem:v23+s18+$0x0] =	vst.idx.msk $0xffff, v25  }
0x8c: {  	s5 =	simm.s32 $0x6D20;
	v25 =	vld [tilespmem:s0+$0x48]  }
0x8d: {  	v28 =	vld.msk [tilespmem:s5+$0x10 ss:$0x0], $0xffff  }
0x8e: {  	v26 =	vld [tilespmem:s0+$0xFFFFFF70]  }
0x8f: {  	v31 =	vld.msk [tilespmem:s5+$0xFFFFFFE0 ss:$0x0], $0xffff  }
0x90: {  	v27 =	vld [tilespmem:s0+$0xFFFFFFB8]  }
0x91: {  	v29 =	vld.msk [tilespmem:s5+$0xFFFFFFF0 ss:$0x0], $0xffff;
	v30 =	vshll.u32 v25, $0x10  }
0x92: {  	v32 =	vld [tilespmem:s0+$0x0];
	v25 =	vand.u32 $0xFFFF0000, v25;
	v33 =	vmul.f32 v30, v28  }
0x93: {  	s26 =	simm.s32 $0x2E00;
	v34 =	vshll.u32 v26, $0x10;
	v30 =	vld.msk [tilespmem:s5+$0x0 ss:$0x0], $0xffff;
	v25 =	vmul.f32 v25, v28  }
0x94: {  	v26 =	vand.u32 $0xFFFF0000, v26;
	v60 =	vmul.f32 v34, v31;
	[tilespmem:s26+$0x80] =	vst v33  }
0x95: {  	v61 =	vshll.u32 v27, $0x10;
	[tilespmem:s26+$0x90] =	vst v25;
	v25 =	vmul.f32 v26, v31  }
0x96: {  	v34 =	vmul.f32 v61, v29;
	v26 =	vand.u32 $0xFFFF0000, v27;
	[tilespmem:s26+$0xFFFFFF00] =	vst v60;
	v27 =	vld [tilespmem:s0+$0x58]  }
0x97: {  	v62 =	vshll.u32 v32, $0x10;
	v26 =	vmul.f32 v26, v29;
	[tilespmem:s26+$0xFFFFFF10] =	vst v25  }
0x98: {  	[tilespmem:s26+$0xFFFFFF80] =	vst v34;
	v25 =	vand.u32 $0xFFFF0000, v32;
	v63 =	vmul.f32 v62, v30;
	v36 =	vld [tilespmem:s0+$0xFFFFFF80]  }
0x99: {  	v25 =	vmul.f32 v25, v30;
	[tilespmem:s26+$0xFFFFFF90] =	vst v26  }
0x9a: {  	v26 =	vld [tilespmem:s0+$0xFFFFFFC8];
	[tilespmem:s26+$0x0] =	vst v63  }
0x9b: {  	[tilespmem:s26+$0x10] =	vst v25;
	v37 =	vshll.u32 v27, $0x10  }
0x9c: {  	v25 =	vand.u32 $0xFFFF0000, v27;
	v38 =	vld [tilespmem:s0+$0x10];
	v27 =	vmul.f32 v37, v28  }
0x9d: {  	v25 =	vmul.f32 v25, v28;
	v39 =	vshll.u32 v36, $0x10  }
0x9e: {  	[tilespmem:s26+$0xA0] =	vst v27;
	v27 =	vand.u32 $0xFFFF0000, v36;
	v40 =	vmul.f32 v39, v31  }
0x9f: {  	[tilespmem:s26+$0xB0] =	vst v25;
	v25 =	vmul.f32 v27, v31;
	v27 =	vshll.u32 v26, $0x10  }
0xa0: {  	v41 =	vld [tilespmem:s0+$0x68];
	v26 =	vand.u32 $0xFFFF0000, v26;
	[tilespmem:s26+$0xFFFFFF20] =	vst v40;
	v27 =	vmul.f32 v27, v29  }
0xa1: {  	v26 =	vmul.f32 v26, v29;
	[tilespmem:s26+$0xFFFFFF30] =	vst v25;
	v25 =	vshll.u32 v38, $0x10  }
0xa2: {  	v32 =	vand.u32 $0xFFFF0000, v38;
	v33 =	vld [tilespmem:s0+$0xFFFFFF90];
	[tilespmem:s26+$0xFFFFFFA0] =	vst v27;
	v25 =	vmul.f32 v25, v30  }
0xa3: {  	v27 =	vmul.f32 v32, v30;
	[tilespmem:s26+$0xFFFFFFB0] =	vst v26  }
0xa4: {  	v26 =	vld [tilespmem:s0+$0xFFFFFFD8];
	[tilespmem:s26+$0x20] =	vst v25  }
0xa5: {  	v25 =	vshll.u32 v41, $0x10;
	[tilespmem:s26+$0x30] =	vst v27  }
0xa6: {  	v27 =	vand.u32 $0xFFFF0000, v41;
	v25 =	vmul.f32 v25, v28;
	v42 =	vld [tilespmem:s0+$0x20]  }
0xa7: {  	s28 =	simm.s32 $0xAB0;
	v27 =	vmul.f32 v27, v28;
	v43 =	vshll.u32 v33, $0x10  }
0xa8: {  	s29 =	simm.s32 $0x6D60;
	v45 =	vld [tilespmem:s28+$0x48];
	[tilespmem:s26+$0xC0] =	vst v25;
	v25 =	vand.u32 $0xFFFF0000, v33;
	v44 =	vmul.f32 v43, v31  }
0xa9: {  	[tilespmem:s26+$0xD0] =	vst v27;
	v27 =	vld.msk [tilespmem:s29+$0x10 ss:$0x0], $0xffff;
	v25 =	vmul.f32 v25, v31;
	v35 =	vshll.u32 v26, $0x10  }
0xaa: {  	v36 =	vld [tilespmem:s0+$0x78];
	v26 =	vand.u32 $0xFFFF0000, v26;
	v46 =	vmul.f32 v35, v29;
	[tilespmem:s26+$0xFFFFFF40] =	vst v44  }
0xab: {  	v26 =	vmul.f32 v26, v29;
	[tilespmem:s26+$0xFFFFFF50] =	vst v25;
	v25 =	vshll.u32 v42, $0x10  }
0xac: {  	v48 =	vld [tilespmem:s28+$0xFFFFFF70];
	v32 =	vand.u32 $0xFFFF0000, v42;
	[tilespmem:s26+$0xFFFFFFC0] =	vst v46;
	v47 =	vmul.f32 v25, v30  }
0xad: {  	v32 =	vmul.f32 v32, v30;
	[tilespmem:s26+$0xFFFFFFD0] =	vst v26;
	v25 =	vld.msk [tilespmem:s29+$0xFFFFFFE0 ss:$0x0], $0xffff;
	v26 =	vshll.u32 v45, $0x10  }
0xae: {  	v49 =	vand.u32 $0xFFFF0000, v45;
	v37 =	vld [tilespmem:s28+$0xFFFFFFB8];
	v50 =	vmul.f32 v26, v27;
	[tilespmem:s26+$0x40] =	vst v47  }
0xaf: {  	s30 =	simm.s32 $0x3000;
	v26 =	vld.msk [tilespmem:s29+$0xFFFFFFF0 ss:$0x0], $0xffff;
	v51 =	vmul.f32 v49, v27;
	v38 =	vand.u32 $0xFFFF0000, v36;
	[tilespmem:s26+$0x50] =	vst v32  }
0xb0: {  	v52 =	vld [tilespmem:s28+$0x0];
	v36 =	vshll.u32 v36, $0x10;
	v38 =	vmul.f32 v38, v28;
	[tilespmem:s30+$0x80] =	vst v50  }
0xb1: {  	v54 =	vshll.u32 v48, $0x10;
	v53 =	vmul.f32 v36, v28;
	v28 =	vld.msk [tilespmem:s29+$0x0 ss:$0x0], $0xffff;
	[tilespmem:s30+$0x90] =	vst v51  }
0xb2: {  	v55 =	vand.u32 $0xFFFF0000, v48;
	v57 =	vld [tilespmem:s28+$0x58];
	[tilespmem:s26+$0xF0] =	vst v38;
	v56 =	vmul.f32 v54, v25  }
0xb3: {  	v58 =	vshll.u32 v37, $0x10;
	v32 =	vmul.f32 v55, v25;
	[tilespmem:s26+$0xE0] =	vst v53  }
0xb4: {  	v59 =	vand.u32 $0xFFFF0000, v37;
	v60 =	vld [tilespmem:s0+$0xFFFFFFA0];
	v38 =	vmul.f32 v58, v26;
	[tilespmem:s30+$0xFFFFFF00] =	vst v56  }
0xb5: {  	v61 =	vshll.u32 v52, $0x10;
	v34 =	vmul.f32 v59, v26;
	[tilespmem:s30+$0xFFFFFF10] =	vst v32  }
0xb6: {  	v62 =	vand.u32 $0xFFFF0000, v52;
	v63 =	vmul.f32 v61, v28;
	v40 =	vld [tilespmem:s28+$0xFFFFFF80];
	[tilespmem:s30+$0xFFFFFF80] =	vst v38  }
0xb7: {  	v32 =	vmul.f32 v62, v28;
	[tilespmem:s30+$0xFFFFFF90] =	vst v34;
	v41 =	vshll.u32 v57, $0x10  }
0xb8: {  	v38 =	vld [tilespmem:s28+$0xFFFFFFC8];
	v42 =	vand.u32 $0xFFFF0000, v57;
	[tilespmem:s30+$0x0] =	vst v63;
	v34 =	vmul.f32 v41, v27  }
0xb9: {  	v43 =	vshll.u32 v60, $0x10;
	[tilespmem:s30+$0x10] =	vst v32;
	v44 =	vmul.f32 v42, v27  }
0xba: {  	v45 =	vand.u32 $0xFFFF0000, v60;
	v36 =	vmul.f32 v43, v31;
	v46 =	vld [tilespmem:s28+$0x10];
	[tilespmem:s30+$0xA0] =	vst v34  }
0xbb: {  	v47 =	vld [tilespmem:s0+$0xFFFFFFE8];
	v31 =	vmul.f32 v45, v31;
	[tilespmem:s30+$0xB0] =	vst v44;
	v48 =	vshll.u32 v40, $0x10  }
0xbc: {  	[tilespmem:s26+$0xFFFFFF60] =	vst v36;
	v49 =	vand.u32 $0xFFFF0000, v40;
	v50 =	vld [tilespmem:s28+$0x68];
	v33 =	vmul.f32 v48, v25  }
0xbd: {  	[tilespmem:s26+$0xFFFFFF70] =	vst v31;
	v32 =	vmul.f32 v49, v25;
	v51 =	vshll.u32 v38, $0x10  }
0xbe: {  	v31 =	vld [tilespmem:s0+$0x30];
	v38 =	vand.u32 $0xFFFF0000, v38;
	v52 =	vmul.f32 v51, v26;
	[tilespmem:s30+$0xFFFFFF20] =	vst v33  }
0xbf: {  	v53 =	vmul.f32 v38, v26;
	[tilespmem:s30+$0xFFFFFF30] =	vst v32;
	v54 =	vshll.u32 v46, $0x10  }
0xc0: {  	v37 =	vand.u32 $0xFFFF0000, v46;
	v55 =	vld [tilespmem:s28+$0xFFFFFF90];
	[tilespmem:s30+$0xFFFFFFA0] =	vst v52;
	v32 =	vmul.f32 v54, v28  }
0xc1: {  	v34 =	vand.u32 $0xFFFF0000, v47;
	v37 =	vmul.f32 v37, v28;
	[tilespmem:s30+$0xFFFFFFB0] =	vst v53;
	v57 =	vshll.u32 v50, $0x10  }
0xc2: {  	v58 =	vand.u32 $0xFFFF0000, v50;
	[tilespmem:s30+$0x20] =	vst v32;
	v59 =	vmul.f32 v57, v27;
	v32 =	vmul.f32 v34, v29;
	v34 =	vld [tilespmem:s28+$0xFFFFFFD8]  }
0xc3: {  	v56 =	vshll.u32 v47, $0x10;
	v60 =	vshll.u32 v31, $0x10;
	[tilespmem:s30+$0x30] =	vst v37;
	v61 =	vmul.f32 v58, v27  }
0xc4: {  	v39 =	vmul.f32 v56, v29;
	v62 =	vand.u32 $0xFFFF0000, v31;
	v31 =	vmul.f32 v60, v30;
	v33 =	vld [tilespmem:s28+$0x20];
	[tilespmem:s30+$0xC0] =	vst v59  }
0xc5: {  	v29 =	vmul.f32 v62, v30;
	[tilespmem:s30+$0xD0] =	vst v61;
	v30 =	vshll.u32 v55, $0x10;
	v63 =	vand.u32 $0xFFFF0000, v55  }
0xc6: {  	s31 =	simm.s32 $0x3000;
	s5 =	simm.s32 $0xBD0;
	s0 =	simm.s32 $0x4;
	[tilespmem:s26+$0xFFFFFFE0] =	vst v39;
	v36 =	vmul.f32 v30, v25;
	v35 =	vmul.f32 v63, v25;
	v30 =	vld [tilespmem:s28+$0x78]  }
.LBB2_3:
0xc7: {  	v37 =	vld [tilespmem:s5+$0x48];
	v38 =	vshll.u32 v34, $0x10;
	v34 =	vand.u32 $0xFFFF0000, v34;
	s29 =	sadd.s32 $0x40, s29;
	[tilespmem:s26+$0xFFFFFFF0] =	vst v32  }
0xc8: {  	v32 =	vld.msk [tilespmem:s29+$0x10 ss:$0x0], $0xffff;
	[tilespmem:s30+$0xFFFFFF40] =	vst v36;
	v36 =	vmul.f32 v38, v26;
	v34 =	vmul.f32 v34, v26  }
0xc9: {  	v38 =	vld [tilespmem:s5+$0xFFFFFFB8];
	[tilespmem:s30+$0xFFFFFF50] =	vst v35;
	v35 =	vshll.u32 v33, $0x10;
	v33 =	vand.u32 $0xFFFF0000, v33  }
0xca: {  	v39 =	vld [tilespmem:s5+$0x0];
	[tilespmem:s30+$0xFFFFFFC0] =	vst v36;
	v35 =	vmul.f32 v35, v28;
	v33 =	vmul.f32 v33, v28  }
0xcb: {  	s0 =	sadd.s32 $0x4, s0;
	v36 =	vld [tilespmem:s5+$0xFFFFFF70];
	[tilespmem:s30+$0xFFFFFFD0] =	vst v34;
	v34 =	vshll.u32 v30, $0x10;
	v30 =	vand.u32 $0xFFFF0000, v30  }
0xcc: {  	p0 =	slt.u32 s0, $0x7C;
	v40 =	vld.msk [tilespmem:s29+$0xFFFFFFE0 ss:$0x0], $0xffff;
	[tilespmem:s30+$0x40] =	vst v35;
	v34 =	vmul.f32 v34, v27;
	v42 =	vmul.f32 v30, v27  }
0xcd: {  	v35 =	vshll.u32 v37, $0x10;
	v30 =	vld.msk [tilespmem:s29+$0xFFFFFFF0 ss:$0x0], $0xffff;
	[tilespmem:s30+$0x50] =	vst v33  }
0xce: {  	v37 =	vand.u32 $0xFFFF0000, v37;
	v35 =	vmul.f32 v35, v32;
	v27 =	vmovc v32;
	v33 =	vshll.u32 v38, $0x10;
	v41 =	vld.msk [tilespmem:s29+$0x0 ss:$0x0], $0xffff;
	[tilespmem:s30+$0xF0] =	vst v42  }
0xcf: {  	v32 =	vand.u32 $0xFFFF0000, v38;
	v37 =	vmul.f32 v37, v27;
	s30 =	sadd.s32 $0x200, s30;
	v38 =	vshll.u32 v39, $0x10;
	v42 =	vld [tilespmem:s28+$0xFFFFFFA0];
	[tilespmem:s26+$0x60] =	vst v31  }
0xd0: {  	v39 =	vand.u32 $0xFFFF0000, v39;
	v31 =	vshll.u32 v36, $0x10;
	v36 =	vand.u32 $0xFFFF0000, v36;
	[tilespmem:s30+$0x80] =	vst v35;
	v35 =	vld [tilespmem:s28+$0xFFFFFFE8]  }
0xd1: {  	[tilespmem:s30+$0x90] =	vst v37;
	v37 =	vld [tilespmem:s28+$0x30];
	s28 =	smov.u32 s5  }
0xd2: {  	v31 =	vmul.f32 v31, v40;
	v36 =	vmul.f32 v36, v40;
	v43 =	vld [tilespmem:s5+$0x58];
	[tilespmem:s26+$0x70] =	vst v29;
	s26 =	smov.u32 s31;
	s31 =	smov.u32 s30  }
0xd3: {  	v29 =	vmul.f32 v33, v30;
	v32 =	vmul.f32 v32, v30;
	[tilespmem:s26+$0xE0] =	vst v34  }
0xd4: {  	v33 =	vmul.f32 v39, v41;
	[tilespmem:s30+$0xFFFFFF00] =	vst v31;
	v31 =	vmul.f32 v38, v41;
	v34 =	vshll.u32 v42, $0x10  }
0xd5: {  	[tilespmem:s30+$0xFFFFFF10] =	vst v36;
	v36 =	vand.u32 $0xFFFF0000, v42;
	v38 =	vshll.u32 v35, $0x10;
	v35 =	vand.u32 $0xFFFF0000, v35  }
0xd6: {  	v34 =	vmul.f32 v34, v25;
	v39 =	vld [tilespmem:s5+$0xFFFFFF80];
	[tilespmem:s30+$0xFFFFFF80] =	vst v29;
	v29 =	vshll.u32 v37, $0x10;
	v37 =	vand.u32 $0xFFFF0000, v37  }
0xd7: {  	v36 =	vmul.f32 v36, v25;
	v38 =	vmul.f32 v38, v26;
	v25 =	vmovc v40;
	[tilespmem:s30+$0xFFFFFF90] =	vst v32;
	v32 =	vshll.u32 v43, $0x10  }
0xd8: {  	v40 =	vld [tilespmem:s5+$0xFFFFFFC8];
	[tilespmem:s30+$0x0] =	vst v31;
	v31 =	vand.u32 $0xFFFF0000, v43;
	v42 =	vmul.f32 v32, v27;
	v32 =	vmul.f32 v35, v26;
	v26 =	vmovc v30  }
0xd9: {  	[tilespmem:s30+$0x10] =	vst v33;
	v30 =	vmul.f32 v31, v27;
	v31 =	vmul.f32 v29, v28  }
0xda: {  	v29 =	vmul.f32 v37, v28;
	v28 =	vmov v41;
	v33 =	vld [tilespmem:s5+$0x10];
	[tilespmem:s30+$0xA0] =	vst v42  }
0xdb: {  	v35 =	vshll.u32 v39, $0x10;
	v37 =	vand.u32 $0xFFFF0000, v39;
	[tilespmem:s30+$0xB0] =	vst v30  }
0xdc: {  	v30 =	vmul.f32 v35, v25;
	v35 =	vmul.f32 v37, v25;
	v37 =	vld [tilespmem:s5+$0x68];
	[tilespmem:s26+$0xFFFFFF60] =	vst v34  }
0xdd: {  	v34 =	vshll.u32 v40, $0x10;
	v39 =	vand.u32 $0xFFFF0000, v40;
	[tilespmem:s26+$0xFFFFFF70] =	vst v36  }
0xde: {  	[tilespmem:s30+$0xFFFFFF20] =	vst v30;
	v30 =	vmul.f32 v34, v26;
	v34 =	vmul.f32 v39, v26  }
0xdf: {  	[tilespmem:s30+$0xFFFFFF30] =	vst v35;
	v35 =	vshll.u32 v33, $0x10;
	v33 =	vand.u32 $0xFFFF0000, v33  }
0xe0: {  	v36 =	vld [tilespmem:s5+$0xFFFFFF90];
	[tilespmem:s30+$0xFFFFFFA0] =	vst v30;
	v30 =	vmul.f32 v35, v28;
	v33 =	vmul.f32 v33, v28  }
0xe1: {  	[tilespmem:s30+$0xFFFFFFB0] =	vst v34;
	v35 =	vshll.u32 v37, $0x10  }
.Ltmp0:
0xe2: {  	v34 =	vld [tilespmem:s5+$0xFFFFFFD8];
	[tilespmem:s30+$0x20] =	vst v30;
	v30 =	vand.u32 $0xFFFF0000, v37;
	v35 =	vmul.f32 v35, v27;
	(pc) =	sbr.rel @p0 .LBB2_3-.Ltmp0, $4  }
0xe3: {  	[tilespmem:s30+$0x30] =	vst v33;
	v30 =	vmul.f32 v30, v27  }
0xe4: {  	v33 =	vld [tilespmem:s5+$0x20];
	[tilespmem:s30+$0xC0] =	vst v35  }
0xe5: {  	v35 =	vshll.u32 v36, $0x10;
	v37 =	vand.u32 $0xFFFF0000, v36;
	[tilespmem:s30+$0xD0] =	vst v30  }
0xe6: {  	s5 =	sadd.s32 $0x120, s5;
	v36 =	vmul.f32 v35, v25;
	v35 =	vmul.f32 v37, v25;
	v30 =	vld [tilespmem:s28+$0x78];
	[tilespmem:s26+$0xFFFFFFE0] =	vst v38  }
0xe7: {  	v37 =	vshll.u32 v34, $0x10;
	[tilespmem:s26+$0xFFFFFFF0] =	vst v32  }
0xe8: {  	v49 =	vand.u32 $0xFFFF0000, v34;
	[tilespmem:s30+$0xFFFFFF40] =	vst v36;
	v50 =	vmul.f32 v37, v26  }
0xe9: {  	v32 =	vmul.f32 v49, v26;
	[tilespmem:s30+$0xFFFFFF50] =	vst v35;
	v51 =	vshll.u32 v33, $0x10  }
0xea: {  	v52 =	vand.u32 $0xFFFF0000, v33;
	v54 =	vld [tilespmem:s28+$0xFFFFFFA0];
	[tilespmem:s30+$0xFFFFFFC0] =	vst v50;
	v53 =	vmul.f32 v51, v28  }
0xeb: {  	v33 =	vmul.f32 v52, v28;
	[tilespmem:s30+$0xFFFFFFD0] =	vst v32  }
0xec: {  	v56 =	vld [tilespmem:s28+$0xFFFFFFE8];
	[tilespmem:s30+$0x40] =	vst v53  }
0xed: {  	v55 =	vand.u32 $0xFFFF0000, v30;
	[tilespmem:s30+$0x50] =	vst v33  }
0xee: {  	[tilespmem:s26+$0x60] =	vst v31;
	v57 =	vshll.u32 v30, $0x10;
	v32 =	vmul.f32 v55, v27;
	v58 =	vld [tilespmem:s28+$0x30]  }
0xef: {  	[tilespmem:s26+$0x70] =	vst v29;
	v27 =	vmul.f32 v57, v27;
	v59 =	vshll.u32 v54, $0x10  }
0xf0: {  	[tilespmem:s30+$0xF0] =	vst v32;
	v60 =	vand.u32 $0xFFFF0000, v54;
	v30 =	vmul.f32 v59, v25  }
0xf1: {  	[tilespmem:s31+$0xE0] =	vst v27;
	v25 =	vmul.f32 v60, v25;
	v27 =	vshll.u32 v56, $0x10  }
0xf2: {  	v61 =	vand.u32 $0xFFFF0000, v56;
	v27 =	vmul.f32 v27, v26;
	[tilespmem:s31+$0xFFFFFF60] =	vst v30  }
0xf3: {  	v26 =	vmul.f32 v61, v26;
	[tilespmem:s31+$0xFFFFFF70] =	vst v25;
	v62 =	vshll.u32 v58, $0x10  }
0xf4: {  	v25 =	vand.u32 $0xFFFF0000, v58;
	v63 =	vmul.f32 v62, v28;
	[tilespmem:s31+$0xFFFFFFE0] =	vst v27  }
0xf5: {  	v25 =	vmul.f32 v25, v28;
	[tilespmem:s31+$0xFFFFFFF0] =	vst v26  }
0xf6: {  	[tilespmem:s31+$0x60] =	vst v63  }
0xf7: {  	[tilespmem:s31+$0x70] =	vst v25  }
0xf8: {  	[spmem:s1] =	stream.indirect.scatter.add.f32 [tilespmem:s23], [sflag:$0x1], $0x80, s20, s20, $0xb8;
	[tilespmem:$0xBD10] =	vst v63  }
0xf9: {  	s25 =	sadd.s32 $0x1, s25;
	_ =	swait.ge [sflag:s16], $0x4000  }
0xfa: {  	p0 =	sne.s32 s25, $0x10;
	[sflag:s16] =	ssyncset.done $0x0  }
.Ltmp1:
0xfb: {  	[sflag:s16] =	ssyncadd.s32 $0xFFFFC000;
	(pc) =	sbr.rel @p0 .LBB2_2-.Ltmp1, $4  }
0xfc: {  	[spmem:s2] =	stream.indirect.scatter.add.f32 [tilespmem:s18], [sflag:$0x1], $0x10, s20, s20, $0xb8;
	[tilespmem:$0xBD10] =	vst v63  }
0xfd: {  	_ =	swait.ge [sflag:s16], $0x800  }
0xfe: {  	[sflag:s16] =	ssyncset.done $0x0  }
0xff: {  	[sflag:s16] =	ssyncadd.s32 $0xFFFFF800  }
0x100: {  	[bflag:$0x0] =	sbarrier.arrive $0xFFFF  }
0x101: {  	[hbm:s12], [sflag:s10] =	dma.local [spmem:s15], $0x800  }
0x102: {  	s24 =	sadd.s32 $0x1, s24;
	_ =	swait.ge [sflag:s16], $0x800  }
0x103: {  	p0 =	sne.s32 s24, s14;
	[sflag:s16] =	ssyncset.done $0x0  }
.Ltmp2:
0x104: {  	[sflag:s16] =	ssyncadd.s32 $0xFFFFF800;
	(pc) =	sbr.rel @p0 .LBB2_1-.Ltmp2, $4  }
0x105: {  	[hbm:s13], [sflag:s10] =	dma.local [spmem:s17], $0x100  }
0x106: {  	_ =	swait.ge [sflag:s16], $0x100  }
0x107: {  	[sflag:s16] =	ssyncset.done $0x0  }
0x108: {  	[sflag:s16] =	ssyncadd.s32 $0xFFFFFF00  }
0x109: {  	_ =	sfence.sel $0x180000  }
0x10a: {  	[bflag:$0x0] =	sbarrier.arrive $0xFFFF  }
0x10b: {  	_ =	strace $0x9000004A  }
0x10c: {  	s0 =	stileid.u32;
	[bflag:$0x2] =	sbarrier.arrive $0xFFFF  }
0x10d: {  	p0 =	sne.s32 s0, $0x0;
	s0 =	rddreg [dreg:$0x4]  }
0x10e: {  	s0 =	sadd.s32 @!p0 $0x100000, s0  }
0x10f: {  	[sflag:s0] =	ssyncadd.tile.s32 @!p0 $0x1;
	_ =	shalt  }
.Lfunc_end2:
_tile_overlayer_lowered:
.L_overlay_start_2:
0x110: {  	(tag) =	ssettag $0x2  }
0x111: {  	s0 =	rddreg [dreg:$0x0];
	s2 =	stileid.u32  }
0x112: {  	s1 =	rddreg [dreg:$0x1];
	p0 =	sne.s32 s2, $0x0  }
0x113: {  	s3 =	rddreg [dreg:$0x2];
	[bflag:$0x3] =	sbarrier.arrive $0xFFFF;
	s2 =	simm.s32 @!p0 $0x1C01  }
0x114: {  	[timem:s3], [sflag:s2] =	dma.local @!p0 [hbm:s0], s1  }
0x115: {  	s0 =	simm.s32 @!p0 $0x1  }
0x116: {  	_ =	swait.ge @!p0 [sflag:s0], s1  }
0x117: {  	s1 =	ssub.s32 @!p0 $0x0, s1;
	[sflag:s0] =	ssyncset.done @!p0 $0x0  }
0x118: {  	[sflag:s0] =	ssyncadd.s32 @!p0 s1  }
0x119: {  	[bflag:$0x3] =	sbarrier.arrive $0xFFFF  }
0x11a: {  	_ =	shalt  }

// kernel: kernel.7.cloned.1.call-start
scs
__scs_entry_jumppad:
0x0: {  	(pc) =	sbr.rel $0x88, $3  }
0x1: {  	(tag) =	ssettag $0x0;
	lr =	simm.s32 $0x1  }
0x2: {  	[smem:$0x3F91] =	sst lr;
	_ =	strace $0xD0000000  }
0x3: {  	_ = 	snop  }
0x4: {  	_ = 	snop  }
0x5: {  	_ = 	snop  }
0x6: {  	_ = 	snop  }
0x7: {  	_ = 	snop  }
__scs_overlays_trampoline_lowered:
0x8: {  	[smem:$0x3FA0] =	sst s0  }
0x9: {  	[smem:$0x3FA1] =	sst s1  }
0xa: {  	[smem:$0x3FA2] =	sst s2  }
0xb: {  	[smem:$0x3FA3] =	sst s3  }
0xc: {  	[smem:$0x3FA4] =	sst s4  }
0xd: {  	[smem:$0x3FA5] =	sst s5  }
0xe: {  	[smem:$0x3FA6] =	sst s6  }
0xf: {  	[smem:$0x3FA7] =	sst s7  }
0x10: {  	[smem:$0x3FA8] =	sst s8  }
0x11: {  	[smem:$0x3FA9] =	sst s9;
	s0 =	simm.s32 @!p0 $0x0  }
0x12: {  	s1 =	sld [smem:$0x3F8F];
	s0 =	simm.s32 @p0 $0x1  }
0x13: {  	[smem:$0x3FAA] =	sst s0;
	s0 =	simm.s32 @!p1 $0x0  }
0x14: {  	s2 =	sld [smem:$0x3F8E];
	s0 =	simm.s32 @p1 $0x1  }
0x15: {  	[smem:$0x3FAB] =	sst s0;
	s0 =	simm.s32 @!p2 $0x0  }
0x16: {  	s3 =	sld [smem:$0x3FDB];
	s0 =	simm.s32 @p2 $0x1  }
0x17: {  	s4 =	simm.s32 $0x1BF5;
	[smem:$0x3FAD] =	sst s0  }
0x18: {  	s0 =	sld [smem:$0x3F90];
	_ =	swait.ge [sflag:s4], $0x0  }
0x19: {  	s7 =	sld [smem:$0x3F91]  }
0x1a: {  	s8 =	sadd.s32 $0xFFFFE003, lr  }
0x1b: {  	s9 =	sadd.s32 $0xFFFFFEF7, lr;
	s5 =	simm.s32 $0xFFFFFFFF;
	p2 =	slt.u32 s8, $0xFFFFF086  }
0x1c: {  	p1 =	slt.u32 s9, $0xF7A;
	s5 =	simm.s32 @!p2 $0x0  }
0x1d: {  	s5 =	simm.s32 @p1 $0x1;
	p0 =	seq.s32 s7, s2  }
0x1e: {  	s7 =	smul.u32 @!p0 $0xF7A, s2;
	p2 =	seq.s32 @!p0 s5, $0x0  }
0x1f: {  	s9 =	smul.u32 $0xF7A, s1;
	s8 =	simm.s32 @!p0 $0x1BF5;
	p2 =	por !p2, p0  }
0x20: {  	[sflag:s8] =	ssyncset.s32 @!p0 $0xFFFFF086;
	s6 =	sadd.s32 @!p0 s3, s7;
	s7 =	simm.s32 @!p0 $0x108  }
0x21: {  	s3 =	sadd.s32 s3, s9;
	s6 =	sadd.s32 @!p0 $0x88, s6;
	s7 =	simm.s32 @p2 $0x1082  }
0x22: {  	[simem:s7], [sflag:s8] =	dma.local @!p0 [hbm:s6], $0xF7A  }
0x23: {  	s9 =	sor.u32 $0xD0000000, s2;
	s6 =	simm.s32 $0x108;
	_ =	swait.ge @!p0 [sflag:s8], $0x0  }
0x24: {  	s3 =	sadd.s32 $0x88, s3;
	s6 =	simm.s32 @!p1 $0x1082;
	[sflag:s4] =	ssyncset.s32 $0xFFFFF086  }
0x25: {  	[simem:s6], [sflag:s4] =	dma.local [hbm:s3], $0xF7A  }
0x26: {  	[smem:$0x3F91] =	sst s1;
	(tag) =	ssettag s2;
	_ =	strace s9  }
0x27: {  	s1 =	sld [smem:$0x3FA1]  }
0x28: {  	s2 =	sld [smem:$0x3FA2]  }
0x29: {  	s4 =	sld [smem:$0x3FA4]  }
0x2a: {  	p0 =	seq.s32 s5, $0x0;
	s5 =	sld [smem:$0x3FA5]  }
0x2b: {  	s6 =	sld [smem:$0x3FA6]  }
0x2c: {  	s7 =	sld [smem:$0x3FA7]  }
0x2d: {  	s3 =	simm.s32 $0x108;
	s8 =	sld [smem:$0x3FA8]  }
0x2e: {  	s3 =	simm.s32 @!p0 $0x1082;
	s9 =	sld [smem:$0x3FA9]  }
0x2f: {  	lr =	sadd.s32 s0, s3;
	s0 =	sld [smem:$0x3FA0]  }
0x30: {  	s3 =	sld [smem:$0x3FA3]  }
0x31: {  	[smem:$0x3FAC] =	sst s10  }
0x32: {  	s10 =	sld [smem:$0x3FAA];
	_ =	sdelay $0x3  }
0x33: {  	p0 =	seq.s32 s10, $0x1;
	s10 =	sld [smem:$0x3FAC];
	_ =	sdelay $0x3  }
0x34: {  	[smem:$0x3FAC] =	sst s10  }
0x35: {  	s10 =	sld [smem:$0x3FAB];
	_ =	sdelay $0x3  }
0x36: {  	p1 =	seq.s32 s10, $0x1;
	s10 =	sld [smem:$0x3FAC];
	_ =	sdelay $0x3  }
0x37: {  	[smem:$0x3FAC] =	sst s10  }
0x38: {  	s10 =	sld [smem:$0x3FAD]  }
0x39: {  	_ = 	snop;
	(pc) =	sbr.ind lr, $3  }
0x3a: {  	_ = 	snop  }
0x3b: {  	_ = 	snop  }
0x3c: {  	p2 =	seq.s32 s10, $0x1;
	s10 =	sld [smem:$0x3FAC]  }
0x3d: {  	_ =	shalt  }
0x3e: {  	_ =	shalt  }
0x3f: {  	_ =	shalt  }
0x40: {  	_ =	shalt  }
0x41: {  	_ =	shalt  }
0x42: {  	_ =	shalt  }
0x43: {  	_ =	shalt  }
0x44: {  	_ =	shalt  }
0x45: {  	_ =	shalt  }
0x46: {  	_ =	shalt  }
0x47: {  	_ =	shalt  }
0x48: {  	_ =	shalt  }
0x49: {  	_ =	shalt  }
0x4a: {  	_ =	shalt  }
0x4b: {  	_ =	shalt  }
0x4c: {  	_ =	shalt  }
0x4d: {  	_ =	shalt  }
0x4e: {  	_ =	shalt  }
0x4f: {  	_ =	shalt  }
0x50: {  	_ =	shalt  }
0x51: {  	_ =	shalt  }
0x52: {  	_ =	shalt  }
0x53: {  	_ =	shalt  }
0x54: {  	_ =	shalt  }
0x55: {  	_ =	shalt  }
0x56: {  	_ =	shalt  }
0x57: {  	_ =	shalt  }
0x58: {  	_ =	shalt  }
0x59: {  	_ =	shalt  }
0x5a: {  	_ =	shalt  }
0x5b: {  	_ =	shalt  }
0x5c: {  	_ =	shalt  }
0x5d: {  	_ =	shalt  }
0x5e: {  	_ =	shalt  }
0x5f: {  	_ =	shalt  }
0x60: {  	_ =	shalt  }
0x61: {  	_ =	shalt  }
0x62: {  	_ =	shalt  }
0x63: {  	_ =	shalt  }
0x64: {  	_ =	shalt  }
0x65: {  	_ =	shalt  }
0x66: {  	_ =	shalt  }
0x67: {  	_ =	shalt  }
0x68: {  	_ =	shalt  }
0x69: {  	_ =	shalt  }
0x6a: {  	_ =	shalt  }
0x6b: {  	_ =	shalt  }
0x6c: {  	_ =	shalt  }
0x6d: {  	_ =	shalt  }
0x6e: {  	_ =	shalt  }
0x6f: {  	_ =	shalt  }
0x70: {  	_ =	shalt  }
0x71: {  	_ =	shalt  }
0x72: {  	_ =	shalt  }
0x73: {  	_ =	shalt  }
0x74: {  	_ =	shalt  }
0x75: {  	_ =	shalt  }
0x76: {  	_ =	shalt  }
0x77: {  	_ =	shalt  }
0x78: {  	_ =	shalt  }
0x79: {  	_ =	shalt  }
0x7a: {  	_ =	shalt  }
0x7b: {  	_ =	shalt  }
0x7c: {  	_ =	shalt  }
0x7d: {  	_ =	shalt  }
0x7e: {  	_ =	shalt  }
0x7f: {  	_ =	shalt  }
0x80: {  	_ =	shalt  }
0x81: {  	_ =	shalt  }
0x82: {  	_ =	shalt  }
0x83: {  	_ =	shalt  }
0x84: {  	_ =	shalt  }
0x85: {  	_ =	shalt  }
0x86: {  	_ =	shalt  }
0x87: {  	_ =	shalt  }
.Lfunc_end0:
.L_simem_size_0:
called_computation_lowered:
.L_overlay_start_0:
0x88: {  	s2 =	sld [smem:$0x3FD9]  }
0x89: {  	s3 =	sld [smem:$0x3FFE];
	_ =	sdelay $0x1  }
0x8a: {  	s1 =	srdreg.scid  }
0x8b: {  	s0 =	sand.u32 $0x1, s1  }
0x8c: {  	s17 =	sshll.u32 s0, $0xA;
	s2 =	sadd.s32 s3, s2  }
0x8d: {  	s2 =	sadd.s32 s2, s17  }
0x8e: {  	[smem:$0x3FB8] =	sst s2  }
0x8f: {  	_ = 	snop  }
0x90: {  	s2 =	sld [smem:$0x3FD0];
	(tm) =	ssettm $0x1  }
0x91: {  	s18 =	sld [smem:$0x3FFB];
	_ =	sdelay $0x3  }
0x92: {  	_ =	strace s18  }
0x93: {  	s3 =	sld [smem:$0x3FFC];
	_ =	sdelay $0x3  }
0x94: {  	_ =	strace s3  }
0x95: {  	s3 =	sld [smem:$0x3FFD];
	_ =	sdelay $0x3  }
0x96: {  	_ =	strace s3  }
0x97: {  	_ =	strace $0x8FFFFFFF  }
0x98: {  	s19 =	sld [smem:$0x3FDB];
	_ =	sdelay $0x1  }
0x99: {  	s4 =	simm.s32 $_scs_section_size  }
0x9a: {  	s5 =	simm.s32 $_size__tile_overlayer_lowered;
	s6 =	simm.s32 $_tile_overlayer_lowered  }
0x9b: {  	s22 =	simm.s32 $0x1BFF;
	s21 =	sshll.u32 s6, $0x1;
	s3 =	sadd.s32 s4, s19  }
0x9c: {  	s7 =	simm.s32 $0x0;
	s20 =	sshll.u32 s5, $0x1;
	s5 =	sadd.s32 s21, s3  }
0x9d: {  	[timem:s7], [sflag:s22] =	dma.local [hbm:s5], s20  }
0x9e: {  	_ =	swait.ge [sflag:s22], s20  }
0x9f: {  	s4 =	ssub.s32 $0x0, s20;
	[sflag:s22] =	ssyncset.done $0x0  }
0xa0: {  	[sflag:s22] =	ssyncadd.s32 s4;
	_ =	sdelay $0x1  }
0xa1: {  	s23 =	simm.s32 $0x1B8B  }
0xa2: {  	_ =	swait.ge [sflag:s23], $0x1  }
0xa3: {  	[sflag:s23] =	ssyncset.done $0x0  }
0xa4: {  	s25 =	simm.s32 $0x1B8E;
	s24 =	sld [smem:$0x3FFE];
	[sflag:s23] =	ssyncadd.s32 $0xFFFFFFFF  }
0xa5: {  	s26 =	simm.s32 $execute0_lowered;
	[smem:$0x3FD2] =	sst s25  }
0xa6: {  	s5 =	sshll.u32 s26, $0x1;
	_ =	strace $0x80000046;
	[dreg:$0x1] =	wrdreg $0xFFFFFFFF  }
0xa7: {  	s28 =	simm.s32 $_size_execute0_lowered;
	s3 =	sadd.s32 s3, s5;
	[dreg:$0x0] =	wrdreg $0x0  }
0xa8: {  	s5 =	sshll.u32 s28, $0x1;
	[dreg:$0x2] =	wrdreg s3  }
0xa9: {  	[dreg:$0x3] =	wrdreg s5  }
0xaa: {  	[dreg:$0x4] =	wrdreg $0xC0  }
0xab: {  	_ =	task [dreg:s7], $0x5FFFF  }
0xac: {  	[dreg:$0x1] =	wrdreg $0xFFFFFFFF  }
0xad: {  	[dreg:$0x0] =	wrdreg $0x60  }
0xae: {  	[dreg:$0x2] =	wrdreg s24  }
0xaf: {  	[dreg:$0x3] =	wrdreg s2  }
0xb0: {  	[dreg:$0x4] =	wrdreg $0xD5100  }
0xb1: {  	[dreg:$0x5] =	wrdreg $0x1D5100  }
0xb2: {  	[dreg:$0x6] =	wrdreg $0x9  }
0xb3: {  	_ =	task.clear_ibuf [dreg:s7], $0x7FFFF;
	_ =	strace $0x90000046  }
0xb4: {  	s29 =	simm.s32 $0x9;
	_ =	strace $0x80000048  }
0xb5: {  	_ =	swait.ge [sflag:s29], $0x1  }
0xb6: {  	[sflag:s29] =	ssyncadd.s32 $0xFFFFFFFF  }
0xb7: {  	_ =	strace $0x90000048  }
0xb8: {  	_ =	sfence  }
0xb9: {  	s30 =	sld [smem:$0x0];
	_ =	sdelay $0x2  }
0xba: {  	s31 =	sshll.u32 s1, $0xD;
	s1 =	sshrl.u32 s1, $0x2  }
0xbb: {  	s3 =	sand.u32 $0x4000, s31;
	s1 =	sadd.s32 s1, s30  }
0xbc: {  	s0 =	sor.u32 s3, s0;
	s1 =	sshll.u32 s1, $0x11  }
0xbd: {  	s0 =	sor.u32 s1, s0  }
0xbe: {  	s0 =	sadd.s32 $0x8F2B, s0  }
0xbf: {  	[sflag:s0] =	ssyncadd.remote.s32 $0x1  }
0xc0: {  	_ =	sfence.sel $0xFFFF  }
0xc1: {  	[dreg:$0x0] =	wrdreg $0xFFFFFFFF;
	(pc) =	sbr.abs _section_cstart, $3  }
0xc2: {  	[dreg:$0x1] =	wrdreg $0xFFFFFFFF  }
0xc3: {  	_ =	task.clear_ibuf [dreg:s7], $0x2FFFF;
	_ =	strace $0x9FFFFFFF  }
0xc4: {  	(tm) =	ssettm $0x7FFFFFFF  }
0xc5: {  	_ =	shalt  }
tec
execute0_lowered:
.L_overlay_start_1:
0x0: {  	(tag) =	ssettag $0x1  }
0x1: {  	v1 =	vlaneseq.u32  }
0x2: {  	v0 =	vmul.u32 $0x88, v1  }
0x3: {  	v1 =	vmul.u32 $0x10, v1  }
0x4: {  	v2 =	vadd.s32 $0x80, v0  }
0x5: {  	[tilespmem:$0x1FE30] =	vst v2;
	v2 =	vor.u32 $0x4, v1  }
0x6: {  	[tilespmem:$0x1FE40] =	vst v2;
	v2 =	vadd.s32 $0x81, v0  }
0x7: {  	[tilespmem:$0x1FE50] =	vst v2;
	v2 =	vor.u32 $0x5, v1  }
0x8: {  	[tilespmem:$0x1FE60] =	vst v2;
	v2 =	vor.u32 $0x1, v1  }
0x9: {  	[tilespmem:$0x1FE70] =	vst v2;
	v2 =	vadd.s32 $0x82, v0  }
0xa: {  	[tilespmem:$0x1FE80] =	vst v2;
	v2 =	vor.u32 $0x6, v1  }
0xb: {  	[tilespmem:$0x1FE90] =	vst v2;
	v2 =	vor.u32 $0x2, v1  }
0xc: {  	s2 =	rddreg [dreg:$0x0];
	[tilespmem:$0x1FEA0] =	vst v2;
	v2 =	vadd.s32 $0x83, v0  }
0xd: {  	s0 =	rddreg [dreg:$0x1];
	[tilespmem:$0x1FEB0] =	vst v2;
	v2 =	vor.u32 $0x7, v1  }
0xe: {  	s1 =	rddreg [dreg:$0x2];
	s4 =	simm.s32 $0x0;
	[tilespmem:$0x1FEC0] =	vst v2;
	v2 =	vor.u32 $0x3, v1  }
0xf: {  	[smem:$0x7FF] =	sst s4;
	[tilespmem:$0x1FED0] =	vst v2;
	v2 =	vadd.s32 $0x900, v0  }
0x10: {  	s3 =	rddreg [dreg:$0x3];
	_ =	strace $0x80000047;
	[tilespmem:$0x1FEE0] =	vst v2;
	v2 =	vor.u32 $0x104, v1  }
0x11: {  	[tilespmem:$0x1FEF0] =	vst v2;
	v2 =	vor.u32 $0x100, v1  }
0x12: {  	[tilespmem:$0x1FF00] =	vst v2;
	v2 =	vadd.s32 $0x901, v0  }
0x13: {  	[tilespmem:$0x1FF10] =	vst v2;
	v2 =	vor.u32 $0x105, v1  }
0x14: {  	s7 =	srdreg.scid;
	[tilespmem:$0x1FF20] =	vst v2;
	v2 =	vor.u32 $0x101, v1  }
0x15: {  	s17 =	stileid.u32;
	s19 =	simm.s32 $0xCD00;
	s21 =	simm.s32 $0x80;
	v31 =	vadd.s32 $0x1182, v0;
	v32 =	vor.u32 $0x206, v1;
	[tilespmem:$0x1FF30] =	vst v2;
	v2 =	vadd.s32 $0x902, v0  }
0x16: {  	s22 =	simm.s32 $0x900;
	s23 =	simm.s32 $0x100;
	s24 =	simm.s32 $0x4D00;
	v33 =	vor.u32 $0x202, v1;
	v34 =	vadd.s32 $0x1183, v0;
	[tilespmem:$0x1FF40] =	vst v2;
	v2 =	vor.u32 $0x106, v1  }
0x17: {  	s25 =	simm.s32 $0x0;
	s5 =	sadd.s32 $0x28E00, s2;
	s6 =	sadd.s32 $0x28C00, s2;
	v35 =	vor.u32 $0x207, v1;
	v36 =	vor.u32 $0x203, v1;
	[tilespmem:$0x1FF50] =	vst v2;
	v2 =	vor.u32 $0x102, v1  }
0x18: {  	s8 =	sadd.s32 $0x1A00, s2;
	s9 =	sadd.s32 $0xBC00, s2;
	s7 =	sand.u32 $0x1, s7;
	v37 =	vadd.s32 $0x1A00, v0;
	v38 =	vor.u32 $0x304, v1;
	[tilespmem:$0x1FF60] =	vst v2;
	v2 =	vadd.s32 $0x903, v0  }
0x19: {  	s11 =	sshll.u32 s17, $0x10;
	s13 =	sshll.u32 s17, $0xC;
	s10 =	sadd.s32 $0xBA00, s2;
	v39 =	vor.u32 $0x300, v1;
	v40 =	vadd.s32 $0x1A01, v0;
	[tilespmem:$0x1FF70] =	vst v2;
	v2 =	vor.u32 $0x107, v1  }
0x1a: {  	s29 =	sshll.u32 s17, $0x1;
	s30 =	sshll.u32 s17, $0x6;
	s17 =	simm.s32 $0x1;
	v41 =	vor.u32 $0x305, v1;
	v42 =	vor.u32 $0x301, v1;
	[tilespmem:$0x1FF80] =	vst v2;
	v2 =	vor.u32 $0x103, v1  }
0x1b: {  	s12 =	sshll.u32 s7, $0x14;
	s14 =	sshll.u32 s7, $0x10;
	s15 =	ssub.s32 $0x2, s7;
	v43 =	vadd.s32 $0x1A02, v0;
	v44 =	vor.u32 $0x306, v1;
	[tilespmem:$0x1FF90] =	vst v2;
	v2 =	vadd.s32 $0x1180, v0  }
0x1c: {  	s7 =	sor.u32 s7, s29;
	s31 =	sadd.s32 s11, s1;
	s18 =	sadd.s32 s13, s3;
	v45 =	vor.u32 $0x302, v1;
	v46 =	vadd.s32 $0x1A03, v0;
	[tilespmem:$0x1FFA0] =	vst v2;
	v2 =	vor.u32 $0x204, v1  }
0x1d: {  	s12 =	sor.u32 s11, s12;
	s14 =	sor.u32 s13, s14;
	s28 =	sshrl.u32 s15, $0x1;
	v47 =	vor.u32 $0x307, v1;
	v48 =	vor.u32 $0x303, v1;
	[tilespmem:$0x1FFB0] =	vst v2;
	v2 =	vor.u32 $0x200, v1  }
0x1e: {  	s11 =	sor.u32 $0x1C01, s30;
	s18 =	sshrl.u32 s18, $0x3;
	v49 =	vadd.s32 $0x2280, v0;
	v50 =	vor.u32 $0x404, v1;
	s12 =	sshrl.u32 s12, $0x3;
	[tilespmem:$0x1FFC0] =	vst v2;
	v2 =	vadd.s32 $0x1181, v0  }
0x1f: {  	v51 =	vor.u32 $0x400, v1;
	v52 =	vadd.s32 $0x2281, v0;
	s14 =	sshrl.u32 s14, $0x3;
	s15 =	ssub.s32 s15, s28;
	s16 =	sadd.s32 s12, s2;
	[tilespmem:$0x1FFD0] =	vst v2;
	v2 =	vor.u32 $0x205, v1  }
0x20: {  	v53 =	vor.u32 $0x405, v1;
	v54 =	vor.u32 $0x401, v1;
	s2 =	sadd.s32 s14, s2;
	s12 =	smul.u32 $0x2800, s7;
	s15 =	smax.u32 s15, $0x1;
	[tilespmem:$0x1FFE0] =	vst v2;
	v2 =	vor.u32 $0x201, v1  }
0x21: {  	v55 =	vadd.s32 $0x2282, v0;
	v56 =	vor.u32 $0x406, v1;
	v57 =	vor.u32 $0x402, v1;
	s13 =	sadd.s32 $0x52800, s16;
	s14 =	sadd.s32 $0xDC00, s2;
	s16 =	sshrl.u32 s31, $0x3;
	[tilespmem:$0x1FFF0] =	vst v2  }
.LBB2_1:
0x22: {  	[spmem:s16], [sflag:s11] =	dma.local [hbm:s9], $0x2000  }
0x23: {  	_ =	swait.ge [sflag:s17], $0x2000  }
0x24: {  	[sflag:s17] =	ssyncset.done $0x0  }
0x25: {  	[sflag:s17] =	ssyncadd.s32 $0xFFFFE000  }
0x26: {  	[spmem:s18], [sflag:s11] =	dma.local [hbm:s10], $0x200  }
0x27: {  	_ =	swait.ge [sflag:s17], $0x200  }
0x28: {  	[sflag:s17] =	ssyncset.done $0x0  }
0x29: {  	[sflag:s17] =	ssyncadd.s32 $0xFFFFFE00  }
0x2a: {  	[tilespmem:s19], [sflag:$0x1] =	stream.linear.gather [hbm4b:s10+s4], $0x800, $0x38;
	[tilespmem:$0x1E510] =	vst v63  }
0x2b: {  	_ =	swait.ge [sflag:s17], $0x800  }
0x2c: {  	[sflag:s17] =	ssyncset.done $0x0  }
0x2d: {  	s2 =	simm.s32 $0xD500;
	[sflag:s17] =	ssyncadd.s32 $0xFFFFF800  }
0x2e: {  	[tilespmem:s2], [sflag:$0x1] =	stream.linear.gather [hbm4b:s6+s4], $0x10, $0x38;
	[tilespmem:$0x1E510] =	vst v63  }
0x2f: {  	_ =	swait.ge [sflag:s17], $0x10  }
0x30: {  	[sflag:s17] =	ssyncset.done $0x0  }
0x31: {  	[sflag:s17] =	ssyncadd.s32 $0xFFFFFFF0  }
0x32: {  	[bflag:$0x0] =	sbarrier.arrive $0xFFFF  }
0x33: {  	v2 =	vld [tilespmem:$0xD500];
	_ =	sdelay $0x4  }
0x34: {  	v58 =	vbroadcast v2, $0x0;
	v59 =	vbroadcast v2, $0x1  }
0x35: {  	s26 =	simm.s32 $0x0;
	v60 =	vbroadcast v2, $0x2;
	v61 =	vbroadcast v2, $0x3  }
.LBB2_2:
0x36: {  	s2 =	sshll.u32 s26, $0x8  }
0x37: {  	s2 =	sadd.s32 s12, s2  }
0x38: {  	s2 =	sshrl.u32 s2, $0x3  }
0x39: {  	s2 =	sadd.s32 s8, s2  }
0x3a: {  	[tilespmem:s4], [sflag:$0x1] =	stream.linear.gather [hbm4b:s2+s4], $0x100, $0x38;
	[tilespmem:$0x1E510] =	vst v63  }
0x3b: {  	_ =	swait.ge [sflag:s17], $0x100  }
0x3c: {  	[sflag:s17] =	ssyncset.done $0x0  }
0x3d: {  	[sflag:s17] =	ssyncadd.s32 $0xFFFFFF00  }
0x3e: {  	[tilespmem:s22], [sflag:$0x1] =	stream.indirect.gather [hbm4b:s5+s21], $0x88, s4, s21, $0xb8;
	[tilespmem:$0x1E510] =	vst v63  }
0x3f: {  	_ =	swait.ge [sflag:s17], $0x4400  }
0x40: {  	[sflag:s17] =	ssyncset.done $0x0  }
0x41: {  	[sflag:s17] =	ssyncadd.s32 $0xFFFFBC00  }
0x42: {  	[tilespmem:s23], [sflag:$0x1] =	stream.indirect.gather [hbm4b:s0+s21], $0x10, s21, s21, $0xb8;
	[tilespmem:$0x1E510] =	vst v63  }
0x43: {  	_ =	swait.ge [sflag:s17], $0x800  }
0x44: {  	v2 =	vld [tilespmem:$0x1FE30]  }
0x45: {  	v3 =	vld [tilespmem:$0x1FE40];
	_ =	sdelay $0x4  }
0x46: {  	[sflag:s17] =	ssyncset.done $0x0  }
0x47: {  	[sflag:s17] =	ssyncadd.s32 $0xFFFFF800  }
0x48: {  	v2 =	vld.idx.msk [tilespmem:v2+s22+$0x0], $0xffff  }
0x49: {  	v3 =	vld.idx.msk [tilespmem:v3+s23+$0x0], $0xffff;
	_ =	sdelay $0x4  }
0x4a: {  	v2 =	vadd.f32 v2, v3;
	_ =	sdelay $0x1  }
0x4b: {  	v3 =	vmul.f32 $9.999999770e-03, v2  }
0x4c: {  	vm0 =	vgt.f32 v2, $0.0e+00  }
0x4d: {  	v2 =	vsel vm0, v2, v3  }
0x4e: {  	v2 =	vsub.f32 v2, v58;
	_ =	sdelay $0x1  }
0x4f: {  	v2 =	vmul.f32 $1.442695020e+00, v2;
	_ =	sdelay $0x1  }
0x50: {  	(erf) = vpow2.f32 v2;
	_ =	sdelay $0x8  }
0x51: {  	v3 =	vld [tilespmem:$0x1FE60];
	v2 =	vpop (erf)  }
0x52: {  	[tilespmem:v1+s19+$0x0] =	vst.idx.msk $0xffff, v2;
	v2 =	vld [tilespmem:$0x1FE50];
	_ =	sdelay $0x6  }
0x53: {  	v3 =	vld.idx.msk [tilespmem:v3+s23+$0x0], $0xffff  }
0x54: {  	v2 =	vld.idx.msk [tilespmem:v2+s22+$0x0], $0xffff;
	_ =	sdelay $0x4  }
0x55: {  	v2 =	vadd.f32 v2, v3;
	_ =	sdelay $0x1  }
0x56: {  	v3 =	vmul.f32 $9.999999770e-03, v2  }
0x57: {  	vm9 =	vgt.f32 v2, $0.0e+00  }
0x58: {  	v2 =	vsel vm9, v2, v3  }
0x59: {  	v2 =	vsub.f32 v2, v59;
	_ =	sdelay $0x1  }
0x5a: {  	v2 =	vmul.f32 $1.442695020e+00, v2;
	_ =	sdelay $0x1  }
0x5b: {  	(erf) = vpow2.f32 v2;
	_ =	sdelay $0x1  }
0x5c: {  	v3 =	vld [tilespmem:$0x1FE70];
	_ =	sdelay $0x6  }
0x5d: {  	v2 =	vpop (erf)  }
0x5e: {  	[tilespmem:v3+s19+$0x0] =	vst.idx.msk $0xffff, v2;
	v2 =	vld [tilespmem:$0x1FE80]  }
0x5f: {  	v3 =	vld [tilespmem:$0x1FE90];
	_ =	sdelay $0x6  }
0x60: {  	v2 =	vld.idx.msk [tilespmem:v2+s22+$0x0], $0xffff  }
0x61: {  	v3 =	vld.idx.msk [tilespmem:v3+s23+$0x0], $0xffff;
	_ =	sdelay $0x4  }
0x62: {  	v2 =	vadd.f32 v2, v3;
	_ =	sdelay $0x1  }
0x63: {  	v3 =	vmul.f32 $9.999999770e-03, v2  }
0x64: {  	vm10 =	vgt.f32 v2, $0.0e+00  }
0x65: {  	v2 =	vsel vm10, v2, v3  }
0x66: {  	v2 =	vsub.f32 v2, v60;
	_ =	sdelay $0x1  }
0x67: {  	v2 =	vmul.f32 $1.442695020e+00, v2;
	_ =	sdelay $0x1  }
0x68: {  	(erf) = vpow2.f32 v2;
	_ =	sdelay $0x1  }
0x69: {  	v3 =	vld [tilespmem:$0x1FEA0];
	_ =	sdelay $0x6  }
0x6a: {  	v2 =	vpop (erf)  }
0x6b: {  	[tilespmem:v3+s19+$0x0] =	vst.idx.msk $0xffff, v2;
	v2 =	vld [tilespmem:$0x1FEB0]  }
0x6c: {  	v3 =	vld [tilespmem:$0x1FEC0];
	_ =	sdelay $0x6  }
0x6d: {  	v2 =	vld.idx.msk [tilespmem:v2+s22+$0x0], $0xffff  }
0x6e: {  	v3 =	vld.idx.msk [tilespmem:v3+s23+$0x0], $0xffff;
	_ =	sdelay $0x4  }
0x6f: {  	v2 =	vadd.f32 v2, v3;
	_ =	sdelay $0x1  }
0x70: {  	v3 =	vmul.f32 $9.999999770e-03, v2  }
0x71: {  	vm11 =	vgt.f32 v2, $0.0e+00  }
0x72: {  	v2 =	vsel vm11, v2, v3  }
0x73: {  	v2 =	vsub.f32 v2, v61;
	_ =	sdelay $0x1  }
0x74: {  	v2 =	vmul.f32 $1.442695020e+00, v2;
	_ =	sdelay $0x1  }
0x75: {  	(erf) = vpow2.f32 v2;
	_ =	sdelay $0x1  }
0x76: {  	v3 =	vld [tilespmem:$0x1FED0];
	_ =	sdelay $0x6  }
0x77: {  	v2 =	vpop (erf)  }
0x78: {  	[tilespmem:v3+s19+$0x0] =	vst.idx.msk $0xffff, v2;
	v2 =	vld [tilespmem:$0x1FEE0]  }
0x79: {  	v3 =	vld [tilespmem:$0x1FEF0];
	_ =	sdelay $0x6  }
0x7a: {  	v2 =	vld.idx.msk [tilespmem:v2+s22+$0x0], $0xffff  }
0x7b: {  	v3 =	vld.idx.msk [tilespmem:v3+s23+$0x0], $0xffff;
	_ =	sdelay $0x4  }
0x7c: {  	v2 =	vadd.f32 v2, v3;
	_ =	sdelay $0x1  }
0x7d: {  	v3 =	vmul.f32 $9.999999770e-03, v2  }
0x7e: {  	vm12 =	vgt.f32 v2, $0.0e+00  }
0x7f: {  	v2 =	vsel vm12, v2, v3  }
0x80: {  	v2 =	vsub.f32 v2, v58;
	_ =	sdelay $0x1  }
0x81: {  	v2 =	vmul.f32 $1.442695020e+00, v2;
	_ =	sdelay $0x1  }
0x82: {  	(erf) = vpow2.f32 v2;
	_ =	sdelay $0x1  }
0x83: {  	v3 =	vld [tilespmem:$0x1FF00];
	_ =	sdelay $0x6  }
0x84: {  	v2 =	vpop (erf)  }
0x85: {  	[tilespmem:v3+s19+$0x0] =	vst.idx.msk $0xffff, v2;
	v2 =	vld [tilespmem:$0x1FF10]  }
0x86: {  	v3 =	vld [tilespmem:$0x1FF20];
	_ =	sdelay $0x6  }
0x87: {  	v2 =	vld.idx.msk [tilespmem:v2+s22+$0x0], $0xffff  }
0x88: {  	v3 =	vld.idx.msk [tilespmem:v3+s23+$0x0], $0xffff;
	_ =	sdelay $0x4  }
0x89: {  	v2 =	vadd.f32 v2, v3;
	_ =	sdelay $0x1  }
0x8a: {  	v3 =	vmul.f32 $9.999999770e-03, v2  }
0x8b: {  	vm13 =	vgt.f32 v2, $0.0e+00  }
0x8c: {  	v2 =	vsel vm13, v2, v3  }
0x8d: {  	v2 =	vsub.f32 v2, v59;
	_ =	sdelay $0x1  }
0x8e: {  	v2 =	vmul.f32 $1.442695020e+00, v2;
	_ =	sdelay $0x1  }
0x8f: {  	(erf) = vpow2.f32 v2;
	_ =	sdelay $0x1  }
0x90: {  	v3 =	vld [tilespmem:$0x1FF30];
	_ =	sdelay $0x6  }
0x91: {  	v2 =	vpop (erf)  }
0x92: {  	[tilespmem:v3+s19+$0x0] =	vst.idx.msk $0xffff, v2;
	v2 =	vld [tilespmem:$0x1FF40]  }
0x93: {  	v3 =	vld [tilespmem:$0x1FF50];
	_ =	sdelay $0x6  }
0x94: {  	v2 =	vld.idx.msk [tilespmem:v2+s22+$0x0], $0xffff  }
0x95: {  	v3 =	vld.idx.msk [tilespmem:v3+s23+$0x0], $0xffff;
	_ =	sdelay $0x4  }
0x96: {  	v2 =	vadd.f32 v2, v3;
	_ =	sdelay $0x1  }
0x97: {  	v3 =	vmul.f32 $9.999999770e-03, v2  }
0x98: {  	vm14 =	vgt.f32 v2, $0.0e+00  }
0x99: {  	v2 =	vsel vm14, v2, v3  }
0x9a: {  	v2 =	vsub.f32 v2, v60;
	_ =	sdelay $0x1  }
0x9b: {  	v2 =	vmul.f32 $1.442695020e+00, v2;
	_ =	sdelay $0x1  }
0x9c: {  	(erf) = vpow2.f32 v2;
	_ =	sdelay $0x1  }
0x9d: {  	v3 =	vld [tilespmem:$0x1FF60];
	_ =	sdelay $0x6  }
0x9e: {  	v2 =	vpop (erf)  }
0x9f: {  	[tilespmem:v3+s19+$0x0] =	vst.idx.msk $0xffff, v2;
	v2 =	vld [tilespmem:$0x1FF70]  }
0xa0: {  	v3 =	vld [tilespmem:$0x1FF80];
	_ =	sdelay $0x6  }
0xa1: {  	v2 =	vld.idx.msk [tilespmem:v2+s22+$0x0], $0xffff  }
0xa2: {  	v3 =	vld.idx.msk [tilespmem:v3+s23+$0x0], $0xffff;
	_ =	sdelay $0x4  }
0xa3: {  	v2 =	vadd.f32 v2, v3;
	_ =	sdelay $0x1  }
0xa4: {  	v3 =	vmul.f32 $9.999999770e-03, v2  }
0xa5: {  	vm15 =	vgt.f32 v2, $0.0e+00  }
0xa6: {  	v2 =	vsel vm15, v2, v3  }
0xa7: {  	v2 =	vsub.f32 v2, v61;
	_ =	sdelay $0x1  }
0xa8: {  	v2 =	vmul.f32 $1.442695020e+00, v2;
	_ =	sdelay $0x1  }
0xa9: {  	(erf) = vpow2.f32 v2;
	_ =	sdelay $0x1  }
0xaa: {  	v3 =	vld [tilespmem:$0x1FF90];
	_ =	sdelay $0x6  }
0xab: {  	v2 =	vpop (erf)  }
0xac: {  	[tilespmem:v3+s19+$0x0] =	vst.idx.msk $0xffff, v2;
	v2 =	vld [tilespmem:$0x1FFA0]  }
0xad: {  	v3 =	vld [tilespmem:$0x1FFB0];
	_ =	sdelay $0x6  }
0xae: {  	v2 =	vld.idx.msk [tilespmem:v2+s22+$0x0], $0xffff  }
0xaf: {  	v3 =	vld.idx.msk [tilespmem:v3+s23+$0x0], $0xffff;
	_ =	sdelay $0x4  }
0xb0: {  	v2 =	vadd.f32 v2, v3;
	_ =	sdelay $0x1  }
0xb1: {  	v3 =	vmul.f32 $9.999999770e-03, v2  }
0xb2: {  	vm4 =	vgt.f32 v2, $0.0e+00  }
0xb3: {  	v2 =	vsel vm4, v2, v3  }
0xb4: {  	v2 =	vsub.f32 v2, v58;
	_ =	sdelay $0x1  }
0xb5: {  	v2 =	vmul.f32 $1.442695020e+00, v2;
	_ =	sdelay $0x1  }
0xb6: {  	(erf) = vpow2.f32 v2;
	_ =	sdelay $0x1  }
0xb7: {  	v3 =	vld [tilespmem:$0x1FFC0];
	_ =	sdelay $0x6  }
0xb8: {  	v2 =	vpop (erf)  }
0xb9: {  	[tilespmem:v3+s19+$0x0] =	vst.idx.msk $0xffff, v2;
	v2 =	vld [tilespmem:$0x1FFD0]  }
0xba: {  	v3 =	vld [tilespmem:$0x1FFE0];
	_ =	sdelay $0x6  }
0xbb: {  	v2 =	vld.idx.msk [tilespmem:v2+s22+$0x0], $0xffff  }
0xbc: {  	v3 =	vld.idx.msk [tilespmem:v3+s23+$0x0], $0xffff;
	_ =	sdelay $0x4  }
0xbd: {  	v2 =	vadd.f32 v2, v3;
	_ =	sdelay $0x1  }
0xbe: {  	v3 =	vmul.f32 $9.999999770e-03, v2  }
0xbf: {  	vm5 =	vgt.f32 v2, $0.0e+00  }
0xc0: {  	v2 =	vsel vm5, v2, v3  }
0xc1: {  	v2 =	vsub.f32 v2, v59;
	_ =	sdelay $0x1  }
0xc2: {  	v2 =	vmul.f32 $1.442695020e+00, v2;
	_ =	sdelay $0x1  }
0xc3: {  	(erf) = vpow2.f32 v2;
	_ =	sdelay $0x1  }
0xc4: {  	v3 =	vld [tilespmem:$0x1FFF0];
	_ =	sdelay $0x6  }
0xc5: {  	v2 =	vpop (erf)  }
0xc6: {  	[tilespmem:v3+s19+$0x0] =	vst.idx.msk $0xffff, v2  }
0xc7: {  	v2 =	vld.idx.msk [tilespmem:v31+s22+$0x0], $0xffff  }
0xc8: {  	v3 =	vld.idx.msk [tilespmem:v32+s23+$0x0], $0xffff;
	_ =	sdelay $0x4  }
0xc9: {  	v2 =	vadd.f32 v2, v3;
	_ =	sdelay $0x1  }
0xca: {  	v3 =	vmul.f32 $9.999999770e-03, v2  }
0xcb: {  	vm6 =	vgt.f32 v2, $0.0e+00  }
0xcc: {  	v2 =	vsel vm6, v2, v3  }
0xcd: {  	v2 =	vsub.f32 v2, v60;
	_ =	sdelay $0x1  }
0xce: {  	v2 =	vmul.f32 $1.442695020e+00, v2;
	_ =	sdelay $0x1  }
0xcf: {  	(erf) = vpow2.f32 v2;
	_ =	sdelay $0x8  }
0xd0: {  	v2 =	vpop (erf)  }
0xd1: {  	[tilespmem:v33+s19+$0x0] =	vst.idx.msk $0xffff, v2  }
0xd2: {  	v2 =	vld.idx.msk [tilespmem:v34+s22+$0x0], $0xffff  }
0xd3: {  	v3 =	vld.idx.msk [tilespmem:v35+s23+$0x0], $0xffff;
	_ =	sdelay $0x4  }
0xd4: {  	v2 =	vadd.f32 v2, v3;
	_ =	sdelay $0x1  }
0xd5: {  	v3 =	vmul.f32 $9.999999770e-03, v2  }
0xd6: {  	vm7 =	vgt.f32 v2, $0.0e+00  }
0xd7: {  	v2 =	vsel vm7, v2, v3  }
0xd8: {  	v2 =	vsub.f32 v2, v61;
	_ =	sdelay $0x1  }
0xd9: {  	v2 =	vmul.f32 $1.442695020e+00, v2;
	_ =	sdelay $0x1  }
0xda: {  	(erf) = vpow2.f32 v2;
	_ =	sdelay $0x8  }
0xdb: {  	v2 =	vpop (erf)  }
0xdc: {  	[tilespmem:v36+s19+$0x0] =	vst.idx.msk $0xffff, v2  }
0xdd: {  	v2 =	vld.idx.msk [tilespmem:v37+s22+$0x0], $0xffff  }
0xde: {  	v3 =	vld.idx.msk [tilespmem:v38+s23+$0x0], $0xffff;
	_ =	sdelay $0x4  }
0xdf: {  	v2 =	vadd.f32 v2, v3;
	_ =	sdelay $0x1  }
0xe0: {  	v3 =	vmul.f32 $9.999999770e-03, v2  }
0xe1: {  	vm8 =	vgt.f32 v2, $0.0e+00  }
0xe2: {  	v2 =	vsel vm8, v2, v3  }
0xe3: {  	v2 =	vsub.f32 v2, v58;
	_ =	sdelay $0x1  }
0xe4: {  	v2 =	vmul.f32 $1.442695020e+00, v2;
	_ =	sdelay $0x1  }
0xe5: {  	(erf) = vpow2.f32 v2;
	_ =	sdelay $0x8  }
0xe6: {  	v2 =	vpop (erf)  }
0xe7: {  	[tilespmem:v39+s19+$0x0] =	vst.idx.msk $0xffff, v2  }
0xe8: {  	v2 =	vld.idx.msk [tilespmem:v40+s22+$0x0], $0xffff  }
0xe9: {  	v3 =	vld.idx.msk [tilespmem:v41+s23+$0x0], $0xffff;
	_ =	sdelay $0x4  }
0xea: {  	v2 =	vadd.f32 v2, v3;
	_ =	sdelay $0x1  }
0xeb: {  	v3 =	vmul.f32 $9.999999770e-03, v2  }
0xec: {  	vm9 =	vgt.f32 v2, $0.0e+00  }
0xed: {  	v2 =	vsel vm9, v2, v3  }
0xee: {  	v2 =	vsub.f32 v2, v59;
	_ =	sdelay $0x1  }
0xef: {  	v2 =	vmul.f32 $1.442695020e+00, v2;
	_ =	sdelay $0x1  }
0xf0: {  	(erf) = vpow2.f32 v2;
	_ =	sdelay $0x8  }
0xf1: {  	v2 =	vpop (erf)  }
0xf2: {  	[tilespmem:v42+s19+$0x0] =	vst.idx.msk $0xffff, v2  }
0xf3: {  	v2 =	vld.idx.msk [tilespmem:v43+s22+$0x0], $0xffff  }
0xf4: {  	v3 =	vld.idx.msk [tilespmem:v44+s23+$0x0], $0xffff;
	_ =	sdelay $0x4  }
0xf5: {  	v2 =	vadd.f32 v2, v3;
	_ =	sdelay $0x1  }
0xf6: {  	v3 =	vmul.f32 $9.999999770e-03, v2  }
0xf7: {  	vm10 =	vgt.f32 v2, $0.0e+00  }
0xf8: {  	v2 =	vsel vm10, v2, v3  }
0xf9: {  	v2 =	vsub.f32 v2, v60;
	_ =	sdelay $0x1  }
0xfa: {  	v2 =	vmul.f32 $1.442695020e+00, v2;
	_ =	sdelay $0x1  }
0xfb: {  	(erf) = vpow2.f32 v2;
	_ =	sdelay $0x8  }
0xfc: {  	v2 =	vpop (erf)  }
0xfd: {  	[tilespmem:v45+s19+$0x0] =	vst.idx.msk $0xffff, v2  }
0xfe: {  	v2 =	vld.idx.msk [tilespmem:v46+s22+$0x0], $0xffff  }
0xff: {  	v3 =	vld.idx.msk [tilespmem:v47+s23+$0x0], $0xffff;
	_ =	sdelay $0x4  }
0x100: {  	v2 =	vadd.f32 v2, v3;
	_ =	sdelay $0x1  }
0x101: {  	v3 =	vmul.f32 $9.999999770e-03, v2  }
0x102: {  	vm11 =	vgt.f32 v2, $0.0e+00  }
0x103: {  	v2 =	vsel vm11, v2, v3  }
0x104: {  	v2 =	vsub.f32 v2, v61;
	_ =	sdelay $0x1  }
0x105: {  	v2 =	vmul.f32 $1.442695020e+00, v2;
	_ =	sdelay $0x1  }
0x106: {  	(erf) = vpow2.f32 v2;
	_ =	sdelay $0x8  }
0x107: {  	v2 =	vpop (erf)  }
0x108: {  	[tilespmem:v48+s19+$0x0] =	vst.idx.msk $0xffff, v2  }
0x109: {  	v2 =	vld.idx.msk [tilespmem:v49+s22+$0x0], $0xffff  }
0x10a: {  	v3 =	vld.idx.msk [tilespmem:v50+s23+$0x0], $0xffff;
	_ =	sdelay $0x4  }
0x10b: {  	v2 =	vadd.f32 v2, v3;
	_ =	sdelay $0x1  }
0x10c: {  	v3 =	vmul.f32 $9.999999770e-03, v2  }
0x10d: {  	vm12 =	vgt.f32 v2, $0.0e+00  }
0x10e: {  	v2 =	vsel vm12, v2, v3  }
0x10f: {  	v2 =	vsub.f32 v2, v58;
	_ =	sdelay $0x1  }
0x110: {  	v2 =	vmul.f32 $1.442695020e+00, v2;
	_ =	sdelay $0x1  }
0x111: {  	(erf) = vpow2.f32 v2;
	_ =	sdelay $0x8  }
0x112: {  	v2 =	vpop (erf)  }
0x113: {  	[tilespmem:v51+s19+$0x0] =	vst.idx.msk $0xffff, v2  }
0x114: {  	v2 =	vld.idx.msk [tilespmem:v52+s22+$0x0], $0xffff  }
0x115: {  	v3 =	vld.idx.msk [tilespmem:v53+s23+$0x0], $0xffff;
	_ =	sdelay $0x4  }
0x116: {  	v2 =	vadd.f32 v2, v3;
	_ =	sdelay $0x1  }
0x117: {  	v3 =	vmul.f32 $9.999999770e-03, v2  }
0x118: {  	vm13 =	vgt.f32 v2, $0.0e+00  }
0x119: {  	v2 =	vsel vm13, v2, v3  }
0x11a: {  	v2 =	vsub.f32 v2, v59;
	_ =	sdelay $0x1  }
0x11b: {  	v2 =	vmul.f32 $1.442695020e+00, v2;
	_ =	sdelay $0x1  }
0x11c: {  	(erf) = vpow2.f32 v2;
	_ =	sdelay $0x8  }
0x11d: {  	v2 =	vpop (erf)  }
0x11e: {  	[tilespmem:v54+s19+$0x0] =	vst.idx.msk $0xffff, v2  }
0x11f: {  	v2 =	vld.idx.msk [tilespmem:v55+s22+$0x0], $0xffff  }
0x120: {  	v3 =	vld.idx.msk [tilespmem:v56+s23+$0x0], $0xffff;
	_ =	sdelay $0x4  }
0x121: {  	v2 =	vadd.f32 v2, v3;
	_ =	sdelay $0x1  }
0x122: {  	v3 =	vmul.f32 $9.999999770e-03, v2  }
0x123: {  	vm14 =	vgt.f32 v2, $0.0e+00  }
0x124: {  	v2 =	vsel vm14, v2, v3  }
0x125: {  	v2 =	vsub.f32 v2, v60;
	_ =	sdelay $0x1  }
0x126: {  	v2 =	vmul.f32 $1.442695020e+00, v2;
	_ =	sdelay $0x1  }
0x127: {  	(erf) = vpow2.f32 v2;
	_ =	sdelay $0x5  }
0x128: {  	v2 =	vadd.s32 $0x2283, v0  }
0x129: {  	v3 =	vor.u32 $0x407, v1;
	_ =	sdelay $0x1  }
0x12a: {  	v4 =	vpop (erf)  }
0x12b: {  	[tilespmem:v57+s19+$0x0] =	vst.idx.msk $0xffff, v4  }
0x12c: {  	v2 =	vld.idx.msk [tilespmem:v2+s22+$0x0], $0xffff  }
0x12d: {  	v3 =	vld.idx.msk [tilespmem:v3+s23+$0x0], $0xffff;
	_ =	sdelay $0x4  }
0x12e: {  	v2 =	vadd.f32 v2, v3;
	_ =	sdelay $0x1  }
0x12f: {  	v3 =	vmul.f32 $9.999999770e-03, v2  }
0x130: {  	vm15 =	vgt.f32 v2, $0.0e+00  }
0x131: {  	v2 =	vsel vm15, v2, v3  }
0x132: {  	v2 =	vsub.f32 v2, v61;
	_ =	sdelay $0x1  }
0x133: {  	v2 =	vmul.f32 $1.442695020e+00, v2;
	_ =	sdelay $0x1  }
0x134: {  	(erf) = vpow2.f32 v2;
	_ =	sdelay $0x4  }
0x135: {  	v2 =	vor.u32 $0x403, v1  }
0x136: {  	v3 =	vadd.s32 $0x2B00, v0  }
0x137: {  	v4 =	vor.u32 $0x504, v1;
	_ =	sdelay $0x1  }
0x138: {  	v5 =	vpop (erf)  }
0x139: {  	[tilespmem:v2+s19+$0x0] =	vst.idx.msk $0xffff, v5  }
0x13a: {  	v2 =	vld.idx.msk [tilespmem:v3+s22+$0x0], $0xffff  }
0x13b: {  	v3 =	vld.idx.msk [tilespmem:v4+s23+$0x0], $0xffff;
	_ =	sdelay $0x4  }
0x13c: {  	v2 =	vadd.f32 v2, v3;
	_ =	sdelay $0x1  }
0x13d: {  	v3 =	vmul.f32 $9.999999770e-03, v2  }
0x13e: {  	vm4 =	vgt.f32 v2, $0.0e+00  }
0x13f: {  	v2 =	vsel vm4, v2, v3  }
0x140: {  	v2 =	vsub.f32 v2, v58;
	_ =	sdelay $0x1  }
0x141: {  	v2 =	vmul.f32 $1.442695020e+00, v2;
	_ =	sdelay $0x1  }
0x142: {  	(erf) = vpow2.f32 v2;
	_ =	sdelay $0x4  }
0x143: {  	v2 =	vor.u32 $0x500, v1  }
0x144: {  	v3 =	vadd.s32 $0x2B01, v0  }
0x145: {  	v4 =	vor.u32 $0x505, v1;
	_ =	sdelay $0x1  }
0x146: {  	v5 =	vpop (erf)  }
0x147: {  	[tilespmem:v2+s19+$0x0] =	vst.idx.msk $0xffff, v5  }
0x148: {  	v2 =	vld.idx.msk [tilespmem:v3+s22+$0x0], $0xffff  }
0x149: {  	v3 =	vld.idx.msk [tilespmem:v4+s23+$0x0], $0xffff;
	_ =	sdelay $0x4  }
0x14a: {  	v2 =	vadd.f32 v2, v3;
	_ =	sdelay $0x1  }
0x14b: {  	v3 =	vmul.f32 $9.999999770e-03, v2  }
0x14c: {  	vm5 =	vgt.f32 v2, $0.0e+00  }
0x14d: {  	v2 =	vsel vm5, v2, v3  }
0x14e: {  	v2 =	vsub.f32 v2, v59;
	_ =	sdelay $0x1  }
0x14f: {  	v2 =	vmul.f32 $1.442695020e+00, v2;
	_ =	sdelay $0x1  }
0x150: {  	(erf) = vpow2.f32 v2;
	_ =	sdelay $0x4  }
0x151: {  	v2 =	vor.u32 $0x501, v1  }
0x152: {  	v3 =	vadd.s32 $0x2B02, v0  }
0x153: {  	v4 =	vor.u32 $0x506, v1;
	_ =	sdelay $0x1  }
0x154: {  	v5 =	vpop (erf)  }
0x155: {  	[tilespmem:v2+s19+$0x0] =	vst.idx.msk $0xffff, v5  }
0x156: {  	v2 =	vld.idx.msk [tilespmem:v3+s22+$0x0], $0xffff  }
0x157: {  	v3 =	vld.idx.msk [tilespmem:v4+s23+$0x0], $0xffff;
	_ =	sdelay $0x4  }
0x158: {  	v2 =	vadd.f32 v2, v3;
	_ =	sdelay $0x1  }
0x159: {  	v3 =	vmul.f32 $9.999999770e-03, v2  }
0x15a: {  	vm6 =	vgt.f32 v2, $0.0e+00  }
0x15b: {  	v2 =	vsel vm6, v2, v3  }
0x15c: {  	v2 =	vsub.f32 v2, v60;
	_ =	sdelay $0x1  }
0x15d: {  	v2 =	vmul.f32 $1.442695020e+00, v2;
	_ =	sdelay $0x1  }
0x15e: {  	(erf) = vpow2.f32 v2;
	_ =	sdelay $0x4  }
0x15f: {  	v2 =	vor.u32 $0x502, v1  }
0x160: {  	v3 =	vadd.s32 $0x2B03, v0  }
0x161: {  	v4 =	vor.u32 $0x507, v1;
	_ =	sdelay $0x1  }
0x162: {  	v5 =	vpop (erf)  }
0x163: {  	[tilespmem:v2+s19+$0x0] =	vst.idx.msk $0xffff, v5  }
0x164: {  	v2 =	vld.idx.msk [tilespmem:v3+s22+$0x0], $0xffff  }
0x165: {  	v3 =	vld.idx.msk [tilespmem:v4+s23+$0x0], $0xffff;
	_ =	sdelay $0x4  }
0x166: {  	v2 =	vadd.f32 v2, v3;
	_ =	sdelay $0x1  }
0x167: {  	v3 =	vmul.f32 $9.999999770e-03, v2  }
0x168: {  	vm7 =	vgt.f32 v2, $0.0e+00  }
0x169: {  	v2 =	vsel vm7, v2, v3  }
0x16a: {  	v2 =	vsub.f32 v2, v61;
	_ =	sdelay $0x1  }
0x16b: {  	v2 =	vmul.f32 $1.442695020e+00, v2;
	_ =	sdelay $0x1  }
0x16c: {  	(erf) = vpow2.f32 v2;
	_ =	sdelay $0x4  }
0x16d: {  	v2 =	vor.u32 $0x503, v1  }
0x16e: {  	v3 =	vadd.s32 $0x3380, v0  }
0x16f: {  	v4 =	vor.u32 $0x604, v1;
	_ =	sdelay $0x1  }
0x170: {  	v5 =	vpop (erf)  }
0x171: {  	[tilespmem:v2+s19+$0x0] =	vst.idx.msk $0xffff, v5  }
0x172: {  	v2 =	vld.idx.msk [tilespmem:v3+s22+$0x0], $0xffff  }
0x173: {  	v3 =	vld.idx.msk [tilespmem:v4+s23+$0x0], $0xffff;
	_ =	sdelay $0x4  }
0x174: {  	v2 =	vadd.f32 v2, v3;
	_ =	sdelay $0x1  }
0x175: {  	v3 =	vmul.f32 $9.999999770e-03, v2  }
0x176: {  	vm8 =	vgt.f32 v2, $0.0e+00  }
0x177: {  	v2 =	vsel vm8, v2, v3  }
0x178: {  	v2 =	vsub.f32 v2, v58;
	_ =	sdelay $0x1  }
0x179: {  	v2 =	vmul.f32 $1.442695020e+00, v2;
	_ =	sdelay $0x1  }
0x17a: {  	(erf) = vpow2.f32 v2;
	_ =	sdelay $0x4  }
0x17b: {  	v2 =	vor.u32 $0x600, v1  }
0x17c: {  	v3 =	vadd.s32 $0x3381, v0  }
0x17d: {  	v4 =	vor.u32 $0x605, v1;
	_ =	sdelay $0x1  }
0x17e: {  	v5 =	vpop (erf)  }
0x17f: {  	[tilespmem:v2+s19+$0x0] =	vst.idx.msk $0xffff, v5  }
0x180: {  	v2 =	vld.idx.msk [tilespmem:v3+s22+$0x0], $0xffff  }
0x181: {  	v3 =	vld.idx.msk [tilespmem:v4+s23+$0x0], $0xffff;
	_ =	sdelay $0x4  }
0x182: {  	v2 =	vadd.f32 v2, v3;
	_ =	sdelay $0x1  }
0x183: {  	v3 =	vmul.f32 $9.999999770e-03, v2  }
0x184: {  	vm9 =	vgt.f32 v2, $0.0e+00  }
0x185: {  	v2 =	vsel vm9, v2, v3  }
0x186: {  	v2 =	vsub.f32 v2, v59;
	_ =	sdelay $0x1  }
0x187: {  	v2 =	vmul.f32 $1.442695020e+00, v2;
	_ =	sdelay $0x1  }
0x188: {  	(erf) = vpow2.f32 v2;
	_ =	sdelay $0x4  }
0x189: {  	v2 =	vor.u32 $0x601, v1  }
0x18a: {  	v3 =	vadd.s32 $0x3382, v0  }
0x18b: {  	v4 =	vor.u32 $0x606, v1;
	_ =	sdelay $0x1  }
0x18c: {  	v5 =	vpop (erf)  }
0x18d: {  	[tilespmem:v2+s19+$0x0] =	vst.idx.msk $0xffff, v5  }
0x18e: {  	v2 =	vld.idx.msk [tilespmem:v3+s22+$0x0], $0xffff  }
0x18f: {  	v3 =	vld.idx.msk [tilespmem:v4+s23+$0x0], $0xffff;
	_ =	sdelay $0x4  }
0x190: {  	v2 =	vadd.f32 v2, v3;
	_ =	sdelay $0x1  }
0x191: {  	v3 =	vmul.f32 $9.999999770e-03, v2  }
0x192: {  	vm10 =	vgt.f32 v2, $0.0e+00  }
0x193: {  	v2 =	vsel vm10, v2, v3  }
0x194: {  	v2 =	vsub.f32 v2, v60;
	_ =	sdelay $0x1  }
0x195: {  	v2 =	vmul.f32 $1.442695020e+00, v2;
	_ =	sdelay $0x1  }
0x196: {  	(erf) = vpow2.f32 v2;
	_ =	sdelay $0x4  }
0x197: {  	v2 =	vor.u32 $0x602, v1  }
0x198: {  	v3 =	vadd.s32 $0x3383, v0  }
0x199: {  	v4 =	vor.u32 $0x607, v1;
	_ =	sdelay $0x1  }
0x19a: {  	v5 =	vpop (erf)  }
0x19b: {  	[tilespmem:v2+s19+$0x0] =	vst.idx.msk $0xffff, v5  }
0x19c: {  	v2 =	vld.idx.msk [tilespmem:v3+s22+$0x0], $0xffff  }
0x19d: {  	v3 =	vld.idx.msk [tilespmem:v4+s23+$0x0], $0xffff;
	_ =	sdelay $0x4  }
0x19e: {  	v2 =	vadd.f32 v2, v3;
	_ =	sdelay $0x1  }
0x19f: {  	v3 =	vmul.f32 $9.999999770e-03, v2  }
0x1a0: {  	vm11 =	vgt.f32 v2, $0.0e+00  }
0x1a1: {  	v2 =	vsel vm11, v2, v3  }
0x1a2: {  	v2 =	vsub.f32 v2, v61;
	_ =	sdelay $0x1  }
0x1a3: {  	v2 =	vmul.f32 $1.442695020e+00, v2;
	_ =	sdelay $0x1  }
0x1a4: {  	(erf) = vpow2.f32 v2;
	_ =	sdelay $0x4  }
0x1a5: {  	v2 =	vor.u32 $0x603, v1  }
0x1a6: {  	v3 =	vadd.s32 $0x3C00, v0  }
0x1a7: {  	v4 =	vor.u32 $0x704, v1;
	_ =	sdelay $0x1  }
0x1a8: {  	v5 =	vpop (erf)  }
0x1a9: {  	[tilespmem:v2+s19+$0x0] =	vst.idx.msk $0xffff, v5  }
0x1aa: {  	v2 =	vld.idx.msk [tilespmem:v3+s22+$0x0], $0xffff  }
0x1ab: {  	v3 =	vld.idx.msk [tilespmem:v4+s23+$0x0], $0xffff;
	_ =	sdelay $0x4  }
0x1ac: {  	v2 =	vadd.f32 v2, v3;
	_ =	sdelay $0x1  }
0x1ad: {  	v3 =	vmul.f32 $9.999999770e-03, v2  }
0x1ae: {  	vm12 =	vgt.f32 v2, $0.0e+00  }
0x1af: {  	v2 =	vsel vm12, v2, v3  }
0x1b0: {  	v2 =	vsub.f32 v2, v58;
	_ =	sdelay $0x1  }
0x1b1: {  	v2 =	vmul.f32 $1.442695020e+00, v2;
	_ =	sdelay $0x1  }
0x1b2: {  	(erf) = vpow2.f32 v2;
	_ =	sdelay $0x4  }
0x1b3: {  	v2 =	vor.u32 $0x700, v1  }
0x1b4: {  	v3 =	vadd.s32 $0x3C01, v0  }
0x1b5: {  	v4 =	vor.u32 $0x705, v1;
	_ =	sdelay $0x1  }
0x1b6: {  	v5 =	vpop (erf)  }
0x1b7: {  	[tilespmem:v2+s19+$0x0] =	vst.idx.msk $0xffff, v5  }
0x1b8: {  	v2 =	vld.idx.msk [tilespmem:v3+s22+$0x0], $0xffff  }
0x1b9: {  	v3 =	vld.idx.msk [tilespmem:v4+s23+$0x0], $0xffff;
	_ =	sdelay $0x4  }
0x1ba: {  	v2 =	vadd.f32 v2, v3;
	_ =	sdelay $0x1  }
0x1bb: {  	v3 =	vmul.f32 $9.999999770e-03, v2  }
0x1bc: {  	vm13 =	vgt.f32 v2, $0.0e+00  }
0x1bd: {  	v2 =	vsel vm13, v2, v3  }
0x1be: {  	v2 =	vsub.f32 v2, v59;
	_ =	sdelay $0x1  }
0x1bf: {  	v2 =	vmul.f32 $1.442695020e+00, v2;
	_ =	sdelay $0x1  }
0x1c0: {  	(erf) = vpow2.f32 v2;
	_ =	sdelay $0x4  }
0x1c1: {  	v2 =	vor.u32 $0x701, v1  }
0x1c2: {  	v3 =	vadd.s32 $0x3C02, v0  }
0x1c3: {  	v4 =	vor.u32 $0x706, v1;
	_ =	sdelay $0x1  }
0x1c4: {  	v5 =	vpop (erf)  }
0x1c5: {  	[tilespmem:v2+s19+$0x0] =	vst.idx.msk $0xffff, v5  }
0x1c6: {  	v2 =	vld.idx.msk [tilespmem:v3+s22+$0x0], $0xffff  }
0x1c7: {  	v3 =	vld.idx.msk [tilespmem:v4+s23+$0x0], $0xffff;
	_ =	sdelay $0x4  }
0x1c8: {  	v2 =	vadd.f32 v2, v3;
	_ =	sdelay $0x1  }
0x1c9: {  	v3 =	vmul.f32 $9.999999770e-03, v2  }
0x1ca: {  	vm14 =	vgt.f32 v2, $0.0e+00  }
0x1cb: {  	v2 =	vsel vm14, v2, v3  }
0x1cc: {  	v2 =	vsub.f32 v2, v60;
	_ =	sdelay $0x1  }
0x1cd: {  	v2 =	vmul.f32 $1.442695020e+00, v2;
	_ =	sdelay $0x1  }
0x1ce: {  	(erf) = vpow2.f32 v2;
	_ =	sdelay $0x4  }
0x1cf: {  	v2 =	vor.u32 $0x702, v1  }
0x1d0: {  	v3 =	vadd.s32 $0x3C03, v0  }
0x1d1: {  	v4 =	vor.u32 $0x707, v1;
	_ =	sdelay $0x1  }
0x1d2: {  	v5 =	vpop (erf)  }
0x1d3: {  	[tilespmem:v2+s19+$0x0] =	vst.idx.msk $0xffff, v5  }
0x1d4: {  	v2 =	vld.idx.msk [tilespmem:v3+s22+$0x0], $0xffff  }
0x1d5: {  	v3 =	vld.idx.msk [tilespmem:v4+s23+$0x0], $0xffff;
	_ =	sdelay $0x4  }
0x1d6: {  	v2 =	vadd.f32 v2, v3;
	_ =	sdelay $0x1  }
0x1d7: {  	v3 =	vmul.f32 $9.999999770e-03, v2  }
0x1d8: {  	vm15 =	vgt.f32 v2, $0.0e+00  }
0x1d9: {  	v2 =	vsel vm15, v2, v3  }
0x1da: {  	v2 =	vsub.f32 v2, v61;
	_ =	sdelay $0x1  }
0x1db: {  	v2 =	vmul.f32 $1.442695020e+00, v2;
	_ =	sdelay $0x1  }
0x1dc: {  	(erf) = vpow2.f32 v2;
	_ =	sdelay $0x4  }
0x1dd: {  	v2 =	vor.u32 $0x703, v1;
	_ =	sdelay $0x3  }
0x1de: {  	v3 =	vpop (erf)  }
0x1df: {  	s7 =	simm.s32 $0xCD20;
	[tilespmem:v2+s19+$0x0] =	vst.idx.msk $0xffff, v3  }
0x1e0: {  	s31 =	simm.s32 $0xA10;
	v5 =	vld [tilespmem:s7+$0x10]  }
0x1e1: {  	v2 =	vld [tilespmem:s31+$0x88];
	_ =	sdelay $0x3  }
0x1e2: {  	v6 =	vbroadcast v5, $0x0  }
0x1e3: {  	v4 =	vld [tilespmem:s7+$0xFFFFFFE0];
	v3 =	vshll.u32 v2, $0x10  }
0x1e4: {  	v7 =	vld [tilespmem:s31+$0xFFFFFEF0];
	v2 =	vand.u32 $0xFFFF0000, v2;
	v8 =	vmul.f32 v3, v6  }
0x1e5: {  	s28 =	simm.s32 $0x4F00;
	v3 =	vld [tilespmem:s7+$0xFFFFFFF0];
	v2 =	vmul.f32 v2, v6  }
0x1e6: {  	v9 =	vld [tilespmem:s31+$0xFFFFFF78];
	[tilespmem:s28+$0x100] =	vst v8  }
0x1e7: {  	[tilespmem:s28+$0x110] =	vst v2  }
0x1e8: {  	v8 =	vbroadcast v4, $0x0;
	v10 =	vld [tilespmem:s31+$0x98]  }
0x1e9: {  	v2 =	vshll.u32 v7, $0x10  }
0x1ea: {  	v7 =	vand.u32 $0xFFFF0000, v7;
	v12 =	vmul.f32 v2, v8;
	v11 =	vbroadcast v3, $0x0  }
0x1eb: {  	v13 =	vshll.u32 v9, $0x10;
	v2 =	vld [tilespmem:s7+$0x0];
	v7 =	vmul.f32 v7, v8  }
0x1ec: {  	v14 =	vld [tilespmem:s31+$0x0];
	v9 =	vand.u32 $0xFFFF0000, v9;
	[tilespmem:s28+$0xFFFFFE00] =	vst v12;
	v13 =	vmul.f32 v13, v11  }
0x1ed: {  	[tilespmem:s28+$0xFFFFFE10] =	vst v7;
	v7 =	vmul.f32 v9, v11;
	v9 =	vshll.u32 v10, $0x10  }
0x1ee: {  	v12 =	vld [tilespmem:s31+$0xFFFFFF00];
	v10 =	vand.u32 $0xFFFF0000, v10;
	[tilespmem:s28+$0xFFFFFF00] =	vst v13;
	v9 =	vmul.f32 v9, v6  }
0x1ef: {  	[tilespmem:s28+$0xFFFFFF10] =	vst v7;
	v6 =	vmul.f32 v10, v6  }
0x1f0: {  	v7 =	vbroadcast v2, $0x0;
	v10 =	vld [tilespmem:s31+$0xFFFFFF88];
	[tilespmem:s28+$0x120] =	vst v9  }
0x1f1: {  	v9 =	vshll.u32 v14, $0x10;
	[tilespmem:s28+$0x130] =	vst v6  }
0x1f2: {  	v6 =	vand.u32 $0xFFFF0000, v14;
	v9 =	vmul.f32 v9, v7;
	v13 =	vld [tilespmem:s31+$0xA8]  }
0x1f3: {  	v6 =	vmul.f32 v6, v7;
	v14 =	vshll.u32 v12, $0x10  }
0x1f4: {  	[tilespmem:s28+$0x0] =	vst v9;
	v9 =	vand.u32 $0xFFFF0000, v12;
	v12 =	vmul.f32 v14, v8  }
0x1f5: {  	[tilespmem:s28+$0x10] =	vst v6;
	v8 =	vmul.f32 v9, v8;
	v6 =	vshll.u32 v10, $0x10  }
0x1f6: {  	v9 =	vld [tilespmem:s31+$0x10];
	v10 =	vand.u32 $0xFFFF0000, v10;
	[tilespmem:s28+$0xFFFFFE20] =	vst v12;
	v6 =	vmul.f32 v6, v11;
	v12 =	vbroadcast v5, $0x1  }
0x1f7: {  	[tilespmem:s28+$0xFFFFFE30] =	vst v8;
	v8 =	vmul.f32 v10, v11;
	v10 =	vshll.u32 v13, $0x10  }
0x1f8: {  	v11 =	vld [tilespmem:s31+$0xFFFFFF10];
	[tilespmem:s28+$0xFFFFFF20] =	vst v6;
	v6 =	vand.u32 $0xFFFF0000, v13;
	v10 =	vmul.f32 v10, v12  }
0x1f9: {  	[tilespmem:s28+$0xFFFFFF30] =	vst v8;
	v6 =	vmul.f32 v6, v12  }
0x1fa: {  	v8 =	vld [tilespmem:s31+$0xFFFFFF98];
	[tilespmem:s28+$0x140] =	vst v10  }
0x1fb: {  	v10 =	vshll.u32 v9, $0x10;
	[tilespmem:s28+$0x150] =	vst v6  }
0x1fc: {  	v9 =	vand.u32 $0xFFFF0000, v9;
	v6 =	vbroadcast v4, $0x1;
	v10 =	vmul.f32 v10, v7;
	v13 =	vld [tilespmem:s31+$0xB8]  }
0x1fd: {  	v7 =	vmul.f32 v9, v7;
	v9 =	vshll.u32 v11, $0x10  }
0x1fe: {  	v14 =	vbroadcast v3, $0x1;
	v11 =	vand.u32 $0xFFFF0000, v11;
	[tilespmem:s28+$0x20] =	vst v10;
	v9 =	vmul.f32 v9, v6  }
0x1ff: {  	[tilespmem:s28+$0x30] =	vst v7;
	v10 =	vmul.f32 v11, v6;
	v7 =	vshll.u32 v8, $0x10  }
0x200: {  	v8 =	vand.u32 $0xFFFF0000, v8;
	[tilespmem:s28+$0xFFFFFE40] =	vst v9;
	v9 =	vld [tilespmem:s31+$0x20];
	v7 =	vmul.f32 v7, v14  }
0x201: {  	[tilespmem:s28+$0xFFFFFE50] =	vst v10;
	v8 =	vmul.f32 v8, v14;
	v10 =	vshll.u32 v13, $0x10  }
0x202: {  	v11 =	vld [tilespmem:s31+$0xFFFFFF20];
	[tilespmem:s28+$0xFFFFFF40] =	vst v7;
	v7 =	vand.u32 $0xFFFF0000, v13;
	v10 =	vmul.f32 v10, v12  }
0x203: {  	[tilespmem:s28+$0xFFFFFF50] =	vst v8;
	v7 =	vmul.f32 v7, v12  }
0x204: {  	v8 =	vbroadcast v2, $0x1;
	v12 =	vld [tilespmem:s31+$0xFFFFFFA8];
	[tilespmem:s28+$0x160] =	vst v10  }
0x205: {  	v10 =	vshll.u32 v9, $0x10;
	[tilespmem:s28+$0x170] =	vst v7  }
0x206: {  	v7 =	vand.u32 $0xFFFF0000, v9;
	v9 =	vmul.f32 v10, v8;
	v10 =	vld [tilespmem:s31+$0xC8]  }
0x207: {  	v7 =	vmul.f32 v7, v8;
	v13 =	vshll.u32 v11, $0x10  }
0x208: {  	v11 =	vand.u32 $0xFFFF0000, v11;
	v13 =	vmul.f32 v13, v6;
	[tilespmem:s28+$0x40] =	vst v9  }
0x209: {  	v6 =	vmul.f32 v11, v6;
	[tilespmem:s28+$0x50] =	vst v7;
	v7 =	vshll.u32 v12, $0x10  }
0x20a: {  	v9 =	vand.u32 $0xFFFF0000, v12;
	v12 =	vbroadcast v5, $0x2;
	[tilespmem:s28+$0xFFFFFE60] =	vst v13;
	v11 =	vld [tilespmem:s31+$0x30];
	v7 =	vmul.f32 v7, v14  }
0x20b: {  	[tilespmem:s28+$0xFFFFFE70] =	vst v6;
	v6 =	vmul.f32 v9, v14;
	v9 =	vshll.u32 v10, $0x10  }
0x20c: {  	v13 =	vld [tilespmem:s31+$0xFFFFFF30];
	[tilespmem:s28+$0xFFFFFF60] =	vst v7;
	v7 =	vand.u32 $0xFFFF0000, v10;
	v9 =	vmul.f32 v9, v12  }
0x20d: {  	[tilespmem:s28+$0xFFFFFF70] =	vst v6;
	v6 =	vmul.f32 v7, v12  }
0x20e: {  	v7 =	vld [tilespmem:s31+$0xFFFFFFB8];
	[tilespmem:s28+$0x180] =	vst v9  }
0x20f: {  	v9 =	vshll.u32 v11, $0x10;
	[tilespmem:s28+$0x190] =	vst v6  }
0x210: {  	v6 =	vbroadcast v4, $0x2;
	v10 =	vand.u32 $0xFFFF0000, v11;
	v9 =	vmul.f32 v9, v8;
	v11 =	vld [tilespmem:s31+$0xD8]  }
0x211: {  	v8 =	vmul.f32 v10, v8;
	v10 =	vshll.u32 v13, $0x10  }
0x212: {  	v14 =	vbroadcast v3, $0x2;
	v13 =	vand.u32 $0xFFFF0000, v13;
	v10 =	vmul.f32 v10, v6;
	[tilespmem:s28+$0x60] =	vst v9  }
0x213: {  	v9 =	vmul.f32 v13, v6;
	[tilespmem:s28+$0x70] =	vst v8;
	v8 =	vshll.u32 v7, $0x10  }
0x214: {  	v7 =	vand.u32 $0xFFFF0000, v7;
	[tilespmem:s28+$0xFFFFFE80] =	vst v10;
	v10 =	vld [tilespmem:s31+$0x40];
	v8 =	vmul.f32 v8, v14  }
0x215: {  	v7 =	vmul.f32 v7, v14;
	[tilespmem:s28+$0xFFFFFE90] =	vst v9;
	v9 =	vshll.u32 v11, $0x10  }
0x216: {  	[tilespmem:s28+$0xFFFFFF80] =	vst v8;
	v8 =	vand.u32 $0xFFFF0000, v11;
	v9 =	vmul.f32 v9, v12  }
0x217: {  	v11 =	vld [tilespmem:s31+$0xFFFFFF40];
	[tilespmem:s28+$0xFFFFFF90] =	vst v7;
	v7 =	vmul.f32 v8, v12  }
0x218: {  	v12 =	vbroadcast v2, $0x2;
	[tilespmem:s28+$0x1A0] =	vst v9  }
0x219: {  	v8 =	vld [tilespmem:s31+$0xFFFFFFC8];
	v9 =	vshll.u32 v10, $0x10;
	[tilespmem:s28+$0x1B0] =	vst v7  }
0x21a: {  	s20 =	simm.s32 $0xCD60;
	v7 =	vand.u32 $0xFFFF0000, v10;
	v9 =	vmul.f32 v9, v12;
	v10 =	vld [tilespmem:s31+$0xE8]  }
0x21b: {  	s29 =	simm.s32 $0xC30;
	v62 =	vld [tilespmem:s20+$0x10];
	v7 =	vmul.f32 v7, v12  }
0x21c: {  	v13 =	vshll.u32 v11, $0x10;
	[tilespmem:s28+$0x80] =	vst v9;
	v9 =	vld [tilespmem:s29+$0x88]  }
0x21d: {  	v11 =	vand.u32 $0xFFFF0000, v11;
	v13 =	vmul.f32 v13, v6;
	[tilespmem:s28+$0x90] =	vst v7  }
0x21e: {  	v5 =	vbroadcast v5, $0x3;
	v6 =	vmul.f32 v11, v6;
	v7 =	vshll.u32 v8, $0x10;
	v11 =	vld [tilespmem:s31+$0x50]  }
0x21f: {  	[tilespmem:s28+$0xFFFFFEA0] =	vst v13;
	v13 =	vmul.f32 v7, v14;
	v7 =	vld [tilespmem:s20+$0xFFFFFFE0];
	v15 =	vshll.u32 v10, $0x10  }
0x220: {  	v16 =	vbroadcast v62, $0x0;
	[tilespmem:s28+$0xFFFFFEB0] =	vst v6;
	v6 =	vand.u32 $0xFFFF0000, v10;
	v10 =	vmul.f32 v15, v5;
	v15 =	vld [tilespmem:s29+$0xFFFFFEF0]  }
0x221: {  	[tilespmem:s28+$0xFFFFFFA0] =	vst v13;
	v6 =	vmul.f32 v6, v5;
	v13 =	vshll.u32 v9, $0x10  }
0x222: {  	v63 =	vld [tilespmem:s20+$0xFFFFFFF0];
	v9 =	vand.u32 $0xFFFF0000, v9;
	[tilespmem:s28+$0x1C0] =	vst v10;
	v10 =	vmul.f32 v13, v16  }
0x223: {  	s30 =	simm.s32 $0x5300;
	v8 =	vand.u32 $0xFFFF0000, v8;
	v13 =	vld [tilespmem:s29+$0xFFFFFF78];
	[tilespmem:s28+$0x1D0] =	vst v6;
	v6 =	vmul.f32 v9, v16  }
0x224: {  	v8 =	vmul.f32 v8, v14;
	v9 =	vshll.u32 v11, $0x10;
	v14 =	vbroadcast v7, $0x0;
	[tilespmem:s30+$0x100] =	vst v10  }
0x225: {  	v10 =	vmul.f32 v9, v12;
	v9 =	vld [tilespmem:s31+$0xF8];
	[tilespmem:s30+$0x110] =	vst v6;
	v17 =	vshll.u32 v15, $0x10  }
0x226: {  	[tilespmem:s28+$0xFFFFFFB0] =	vst v8;
	v6 =	vand.u32 $0xFFFF0000, v15;
	v15 =	vmul.f32 v17, v14;
	v17 =	vld [tilespmem:s29+$0x98]  }
0x227: {  	v18 =	vbroadcast v63, $0x0;
	v8 =	vld [tilespmem:s20+$0x0];
	v11 =	vand.u32 $0xFFFF0000, v11;
	[tilespmem:s28+$0xA0] =	vst v10;
	v6 =	vmul.f32 v6, v14  }
0x228: {  	v10 =	vmul.f32 v11, v12;
	v11 =	vld [tilespmem:s29+$0x0];
	v12 =	vshll.u32 v13, $0x10;
	[tilespmem:s30+$0xFFFFFE00] =	vst v15  }
0x229: {  	v13 =	vand.u32 $0xFFFF0000, v13;
	v12 =	vmul.f32 v12, v18;
	[tilespmem:s30+$0xFFFFFE10] =	vst v6  }
0x22a: {  	[tilespmem:s28+$0xB0] =	vst v10;
	v10 =	vmul.f32 v13, v18;
	v6 =	vand.u32 $0xFFFF0000, v9;
	v13 =	vld [tilespmem:s29+$0xFFFFFF00]  }
0x22b: {  	v6 =	vmul.f32 v6, v5;
	[tilespmem:s30+$0xFFFFFF00] =	vst v12;
	v12 =	vshll.u32 v17, $0x10  }
0x22c: {  	v19 =	vld [tilespmem:s31+$0xFFFFFF50];
	v15 =	vbroadcast v8, $0x0;
	[tilespmem:s30+$0xFFFFFF10] =	vst v10;
	v10 =	vand.u32 $0xFFFF0000, v17;
	v12 =	vmul.f32 v12, v16  }
0x22d: {  	[tilespmem:s28+$0x1F0] =	vst v6;
	v6 =	vshll.u32 v11, $0x10;
	v10 =	vmul.f32 v10, v16;
	v16 =	vld [tilespmem:s29+$0xFFFFFF88]  }
0x22e: {  	v11 =	vand.u32 $0xFFFF0000, v11;
	v6 =	vmul.f32 v6, v15;
	[tilespmem:s30+$0x120] =	vst v12  }
0x22f: {  	v11 =	vmul.f32 v11, v15;
	v12 =	vshll.u32 v13, $0x10;
	[tilespmem:s30+$0x130] =	vst v10  }
0x230: {  	v10 =	vbroadcast v4, $0x3;
	v4 =	vand.u32 $0xFFFF0000, v13;
	[tilespmem:s30+$0x0] =	vst v6;
	v6 =	vmul.f32 v12, v14;
	v12 =	vld [tilespmem:s29+$0xA8]  }
0x231: {  	v13 =	vshll.u32 v19, $0x10;
	v4 =	vmul.f32 v4, v14;
	[tilespmem:s30+$0x10] =	vst v11  }
0x232: {  	v11 =	vld [tilespmem:s29+$0x10];
	v13 =	vmul.f32 v13, v10;
	[tilespmem:s30+$0xFFFFFE20] =	vst v6;
	v6 =	vshll.u32 v16, $0x10  }
0x233: {  	v14 =	vand.u32 $0xFFFF0000, v16;
	[tilespmem:s30+$0xFFFFFE30] =	vst v4;
	v4 =	vmul.f32 v6, v18  }
0x234: {  	v17 =	vbroadcast v62, $0x1;
	v6 =	vand.u32 $0xFFFF0000, v19;
	v14 =	vmul.f32 v14, v18;
	v16 =	vld [tilespmem:s29+$0xFFFFFF10];
	[tilespmem:s28+$0xFFFFFEC0] =	vst v13  }
0x235: {  	v6 =	vmul.f32 v6, v10;
	[tilespmem:s30+$0xFFFFFF20] =	vst v4;
	v4 =	vshll.u32 v12, $0x10  }
0x236: {  	v13 =	vld [tilespmem:s31+$0xFFFFFFD8];
	[tilespmem:s30+$0xFFFFFF30] =	vst v14;
	v12 =	vand.u32 $0xFFFF0000, v12;
	v4 =	vmul.f32 v4, v17  }
0x237: {  	v14 =	vshll.u32 v11, $0x10;
	v21 =	vld [tilespmem:s29+$0xFFFFFF98];
	v12 =	vmul.f32 v12, v17;
	[tilespmem:s28+$0xFFFFFED0] =	vst v6  }
0x238: {  	v6 =	vbroadcast v7, $0x1;
	v11 =	vand.u32 $0xFFFF0000, v11;
	v14 =	vmul.f32 v14, v15;
	[tilespmem:s30+$0x140] =	vst v4  }
0x239: {  	v4 =	vmul.f32 v11, v15;
	v11 =	vshll.u32 v16, $0x10;
	[tilespmem:s30+$0x150] =	vst v12  }
0x23a: {  	v3 =	vbroadcast v3, $0x3;
	v12 =	vand.u32 $0xFFFF0000, v16;
	v11 =	vmul.f32 v11, v6;
	[tilespmem:s30+$0x20] =	vst v14;
	v14 =	vld [tilespmem:s29+$0xB8]  }
0x23b: {  	v15 =	vbroadcast v63, $0x1;
	v16 =	vshll.u32 v13, $0x10;
	v12 =	vmul.f32 v12, v6;
	[tilespmem:s30+$0x30] =	vst v4  }
0x23c: {  	v4 =	vmul.f32 v16, v3;
	[tilespmem:s30+$0xFFFFFE40] =	vst v11;
	v11 =	vshll.u32 v21, $0x10;
	v16 =	vld [tilespmem:s29+$0x20]  }
0x23d: {  	v18 =	vand.u32 $0xFFFF0000, v21;
	[tilespmem:s30+$0xFFFFFE50] =	vst v12;
	v11 =	vmul.f32 v11, v15  }
0x23e: {  	v12 =	vand.u32 $0xFFFF0000, v13;
	v13 =	vmul.f32 v18, v15;
	v22 =	vld [tilespmem:s29+$0xFFFFFF20];
	[tilespmem:s28+$0xFFFFFFC0] =	vst v4  }
0x23f: {  	v4 =	vmul.f32 v12, v3;
	[tilespmem:s30+$0xFFFFFF40] =	vst v11;
	v11 =	vshll.u32 v14, $0x10  }
0x240: {  	v12 =	vld [tilespmem:s31+$0x60];
	[tilespmem:s30+$0xFFFFFF50] =	vst v13;
	v13 =	vbroadcast v8, $0x1;
	v14 =	vand.u32 $0xFFFF0000, v14;
	v11 =	vmul.f32 v11, v17  }
0x241: {  	[tilespmem:s28+$0xFFFFFFD0] =	vst v4;
	v14 =	vmul.f32 v14, v17;
	v17 =	vld [tilespmem:s29+$0xFFFFFFA8];
	v4 =	vshll.u32 v16, $0x10  }
0x242: {  	v16 =	vand.u32 $0xFFFF0000, v16;
	v4 =	vmul.f32 v4, v13;
	[tilespmem:s30+$0x160] =	vst v11  }
0x243: {  	v11 =	vmul.f32 v16, v13;
	v16 =	vshll.u32 v22, $0x10;
	[tilespmem:s30+$0x170] =	vst v14  }
0x244: {  	v14 =	vbroadcast v2, $0x3;
	v2 =	vand.u32 $0xFFFF0000, v22;
	v16 =	vmul.f32 v16, v6;
	[tilespmem:s30+$0x40] =	vst v4;
	v4 =	vld [tilespmem:s29+$0xC8]  }
0x245: {  	v23 =	vshll.u32 v12, $0x10;
	v2 =	vmul.f32 v2, v6;
	[tilespmem:s30+$0x50] =	vst v11  }
0x246: {  	v6 =	vmul.f32 v23, v14;
	[tilespmem:s30+$0xFFFFFE60] =	vst v16;
	v11 =	vshll.u32 v17, $0x10;
	v16 =	vld [tilespmem:s29+$0x30]  }
0x247: {  	v17 =	vand.u32 $0xFFFF0000, v17;
	[tilespmem:s30+$0xFFFFFE70] =	vst v2;
	v2 =	vmul.f32 v11, v15  }
0x248: {  	v11 =	vand.u32 $0xFFFF0000, v12;
	v12 =	vmul.f32 v17, v15;
	v15 =	vld [tilespmem:s29+$0xFFFFFF30];
	v17 =	vbroadcast v62, $0x2;
	[tilespmem:s28+$0xC0] =	vst v6  }
0x249: {  	v6 =	vmul.f32 v11, v14;
	[tilespmem:s30+$0xFFFFFF60] =	vst v2;
	v2 =	vshll.u32 v4, $0x10  }
0x24a: {  	v11 =	vld [tilespmem:s31+$0xFFFFFF60];
	[tilespmem:s30+$0xFFFFFF70] =	vst v12;
	v4 =	vand.u32 $0xFFFF0000, v4;
	v2 =	vmul.f32 v2, v17  }
0x24b: {  	v12 =	vld [tilespmem:s29+$0xFFFFFFB8];
	[tilespmem:s28+$0xD0] =	vst v6;
	v24 =	vshll.u32 v16, $0x10;
	v4 =	vmul.f32 v4, v17  }
0x24c: {  	v25 =	vbroadcast v7, $0x2;
	v6 =	vand.u32 $0xFFFF0000, v16;
	v16 =	vmul.f32 v24, v13;
	[tilespmem:s30+$0x180] =	vst v2  }
0x24d: {  	v2 =	vmul.f32 v6, v13;
	v13 =	vshll.u32 v15, $0x10;
	[tilespmem:s30+$0x190] =	vst v4  }
0x24e: {  	v9 =	vshll.u32 v9, $0x10;
	v4 =	vand.u32 $0xFFFF0000, v15;
	v13 =	vmul.f32 v13, v25;
	[tilespmem:s30+$0x60] =	vst v16;
	v15 =	vld [tilespmem:s29+$0xD8]  }
0x24f: {  	v6 =	vbroadcast v63, $0x2;
	v16 =	vshll.u32 v11, $0x10;
	v26 =	vmul.f32 v4, v25;
	[tilespmem:s30+$0x70] =	vst v2;
	v2 =	vld [tilespmem:s31+$0xFFFFFFE8]  }
0x250: {  	v4 =	vmul.f32 v9, v5;
	v5 =	vmul.f32 v16, v10;
	v9 =	vshll.u32 v12, $0x10;
	[tilespmem:s30+$0xFFFFFE80] =	vst v13;
	v13 =	vld [tilespmem:s29+$0x40]  }
0x251: {  	v11 =	vand.u32 $0xFFFF0000, v11;
	v12 =	vand.u32 $0xFFFF0000, v12;
	[tilespmem:s30+$0xFFFFFE90] =	vst v26;
	v9 =	vmul.f32 v9, v6  }
0x252: {  	v10 =	vmul.f32 v11, v10;
	v11 =	vmul.f32 v12, v6;
	[tilespmem:s28+$0xFFFFFEE0] =	vst v5  }
0x253: {  	v16 =	vld [tilespmem:s29+$0xFFFFFF40];
	v5 =	vbroadcast v8, $0x2;
	[tilespmem:s30+$0xFFFFFF80] =	vst v9;
	v9 =	vshll.u32 v15, $0x10;
	v12 =	vand.u32 $0xFFFF0000, v15  }
0x254: {  	[tilespmem:s30+$0xFFFFFF90] =	vst v11;
	v11 =	vshll.u32 v2, $0x10;
	v15 =	vmul.f32 v9, v17;
	v12 =	vmul.f32 v12, v17;
	v17 =	vld [tilespmem:s31+$0x70]  }
0x255: {  	[tilespmem:s28+$0xFFFFFEF0] =	vst v10;
	v2 =	vand.u32 $0xFFFF0000, v2;
	v11 =	vmul.f32 v11, v3;
	v10 =	vshll.u32 v13, $0x10  }
0x256: {  	v9 =	vmul.f32 v2, v3;
	v3 =	vand.u32 $0xFFFF0000, v13;
	v2 =	vbroadcast v7, $0x3  }
0x257: {  	v27 =	vld [tilespmem:s29+$0xFFFFFFC8];
	[tilespmem:s30+$0x1A0] =	vst v15;
	v10 =	vmul.f32 v10, v5;
	v7 =	vmul.f32 v3, v5  }
0x258: {  	[tilespmem:s30+$0x1B0] =	vst v12;
	v12 =	vshll.u32 v16, $0x10;
	v3 =	vbroadcast v63, $0x3;
	v63 =	vbroadcast v8, $0x3  }
0x259: {  	v13 =	vmul.f32 v12, v25;
	[tilespmem:s30+$0x90] =	vst v7;
	v7 =	vshll.u32 v17, $0x10;
	v8 =	vand.u32 $0xFFFF0000, v17  }
0x25a: {  	[tilespmem:s30+$0x80] =	vst v10;
	v12 =	vmul.f32 v7, v14;
	v10 =	vmul.f32 v8, v14;
	v8 =	vand.u32 $0xFFFF0000, v16;
	v7 =	vld [tilespmem:s29+$0xE8]  }
0x25b: {  	s2 =	simm.s32 $0xC30;
	[tilespmem:s30+$0xFFFFFEA0] =	vst v13;
	v13 =	vmul.f32 v8, v25  }
0x25c: {  	s7 =	simm.s32 $0x4;
	s20 =	simm.s32 $0xCDA0;
	s31 =	simm.s32 $0x5300;
	v15 =	vshll.u32 v27, $0x10;
	v14 =	vand.u32 $0xFFFF0000, v27;
	v8 =	vld [tilespmem:s29+$0x50]  }
.LBB2_3:
0x25d: {  	v16 =	vld [tilespmem:s20+$0x10];
	[tilespmem:s30+$0xFFFFFEB0] =	vst v13;
	v15 =	vmul.f32 v15, v6;
	v6 =	vmul.f32 v14, v6;
	s29 =	sadd.s32 $0x220, s29  }
0x25e: {  	v13 =	vbroadcast v62, $0x3;
	v14 =	vld [tilespmem:s29+$0x88];
	[tilespmem:s28+$0xFFFFFFE0] =	vst v11  }
0x25f: {  	v17 =	vld [tilespmem:s20+$0xFFFFFFF0];
	[tilespmem:s30+$0xFFFFFFA0] =	vst v15;
	v11 =	vshll.u32 v7, $0x10  }
0x260: {  	v15 =	vld [tilespmem:s20+$0x0];
	[tilespmem:s30+$0xFFFFFFB0] =	vst v6;
	v6 =	vand.u32 $0xFFFF0000, v7;
	v7 =	vmul.f32 v11, v13  }
0x261: {  	v18 =	vld [tilespmem:s20+$0xFFFFFFE0];
	v11 =	vshll.u32 v8, $0x10;
	v8 =	vand.u32 $0xFFFF0000, v8;
	v6 =	vmul.f32 v6, v13;
	[tilespmem:s28+$0xFFFFFFF0] =	vst v9  }
0x262: {  	v9 =	vld [tilespmem:s29+$0xFFFFFEF0];
	v19 =	vbroadcast v16, $0x0;
	v11 =	vmul.f32 v11, v5;
	[tilespmem:s30+$0x1C0] =	vst v7;
	v62 =	vmov v16  }
0x263: {  	v5 =	vmul.f32 v8, v5;
	v7 =	vld [tilespmem:s29+$0xFFFFFF78];
	v16 =	vshll.u32 v14, $0x10;
	[tilespmem:s30+$0x1D0] =	vst v6  }
0x264: {  	s7 =	sadd.s32 $0x4, s7;
	v6 =	vand.u32 $0xFFFF0000, v14;
	v20 =	vbroadcast v17, $0x0;
	v8 =	vmul.f32 v16, v19;
	[tilespmem:s30+$0xA0] =	vst v11;
	v14 =	vld [tilespmem:s2+$0xF8]  }
0x265: {  	p0 =	slt.u32 s7, $0x7C;
	v6 =	vmul.f32 v6, v19;
	s30 =	sadd.s32 $0x400, s30;
	v16 =	vld [tilespmem:s29+$0x0];
	v21 =	vbroadcast v15, $0x0;
	[tilespmem:s31+$0xB0] =	vst v5  }
0x266: {  	v22 =	vbroadcast v18, $0x0;
	v11 =	vbroadcast v18, $0x1;
	[tilespmem:s30+$0x100] =	vst v8;
	v5 =	vld [tilespmem:s2+$0xFFFFFF50]  }
0x267: {  	v8 =	vshll.u32 v9, $0x10;
	v23 =	vand.u32 $0xFFFF0000, v9;
	v9 =	vbroadcast v17, $0x1;
	[tilespmem:s30+$0x110] =	vst v6;
	v24 =	vld [tilespmem:s2+$0xFFFFFFD8]  }
0x268: {  	v6 =	vmul.f32 v8, v22;
	v8 =	vshll.u32 v7, $0x10;
	v7 =	vand.u32 $0xFFFF0000, v7;
	v25 =	vld [tilespmem:s29+$0x98];
	[tilespmem:s28+$0xE0] =	vst v12  }
0x269: {  	v12 =	vmul.f32 v23, v22;
	v8 =	vmul.f32 v8, v20;
	v23 =	vld [tilespmem:s2+$0x60];
	v26 =	vand.u32 $0xFFFF0000, v14;
	[tilespmem:s28+$0xF0] =	vst v10  }
0x26a: {  	[tilespmem:s30+$0xFFFFFE00] =	vst v6;
	v6 =	vshll.u32 v16, $0x10;
	v10 =	vand.u32 $0xFFFF0000, v16;
	v16 =	vmul.f32 v26, v13  }
0x26b: {  	[tilespmem:s30+$0xFFFFFE10] =	vst v12;
	v12 =	vmul.f32 v7, v20;
	v26 =	vmul.f32 v6, v21;
	v27 =	vshll.u32 v5, $0x10  }
0x26c: {  	v29 =	vmul.f32 v10, v21;
	v10 =	vbroadcast v15, $0x1;
	v30 =	vand.u32 $0xFFFF0000, v5;
	v28 =	vld [tilespmem:s29+$0xFFFFFF00];
	[tilespmem:s31+$0x1F0] =	vst v16  }
0x26d: {  	v7 =	vbroadcast v18, $0x2;
	v6 =	vbroadcast v17, $0x2;
	[tilespmem:s30+$0xFFFFFF00] =	vst v8;
	v8 =	vshll.u32 v25, $0x10  }
0x26e: {  	v5 =	vbroadcast v15, $0x2;
	[tilespmem:s30+$0xFFFFFF10] =	vst v12;
	v12 =	vand.u32 $0xFFFF0000, v25;
	v16 =	vmul.f32 v8, v19  }
0x26f: {  	v18 =	vbroadcast v18, $0x3;
	v25 =	vld [tilespmem:s29+$0xFFFFFF88];
	[tilespmem:s30+$0x0] =	vst v26;
	v19 =	vmul.f32 v12, v19;
	v26 =	vshll.u32 v24, $0x10  }
0x270: {  	v8 =	vbroadcast v15, $0x3;
	v15 =	vand.u32 $0xFFFF0000, v24;
	v12 =	vbroadcast v17, $0x3;
	[tilespmem:s30+$0x120] =	vst v16  }
0x271: {  	v16 =	vshll.u32 v28, $0x10;
	v17 =	vand.u32 $0xFFFF0000, v28;
	[tilespmem:s30+$0x130] =	vst v19;
	v19 =	vshll.u32 v23, $0x10  }
0x272: {  	v23 =	vand.u32 $0xFFFF0000, v23;
	v16 =	vmul.f32 v16, v22;
	v17 =	vmul.f32 v17, v22;
	[tilespmem:s30+$0x10] =	vst v29;
	v22 =	vld [tilespmem:s29+$0xA8]  }
0x273: {  	v14 =	vshll.u32 v14, $0x10;
	v27 =	vmul.f32 v27, v2;
	v28 =	vmul.f32 v30, v2;
	v24 =	vld [tilespmem:s29+$0x10];
	[tilespmem:s28+$0x1E0] =	vst v4;
	s28 =	smov.u32 s31;
	s31 =	smov.u32 s30  }
0x274: {  	[tilespmem:s30+$0xFFFFFE20] =	vst v16;
	v4 =	vshll.u32 v25, $0x10;
	v16 =	vand.u32 $0xFFFF0000, v25;
	v25 =	vmul.f32 v26, v3  }
0x275: {  	[tilespmem:s30+$0xFFFFFE30] =	vst v17;
	v4 =	vmul.f32 v4, v20;
	v16 =	vmul.f32 v16, v20  }
0x276: {  	v15 =	vmul.f32 v15, v3;
	v20 =	vbroadcast v62, $0x1;
	v17 =	vld [tilespmem:s29+$0xFFFFFF10];
	[tilespmem:s28+$0xFFFFFEC0] =	vst v27  }
0x277: {  	v19 =	vmul.f32 v19, v63;
	v23 =	vmul.f32 v23, v63;
	[tilespmem:s30+$0xFFFFFF20] =	vst v4;
	v4 =	vshll.u32 v22, $0x10  }
0x278: {  	v22 =	vand.u32 $0xFFFF0000, v22;
	[tilespmem:s30+$0xFFFFFF30] =	vst v16;
	v16 =	vshll.u32 v24, $0x10;
	v4 =	vmul.f32 v4, v20  }
0x279: {  	v24 =	vand.u32 $0xFFFF0000, v24;
	v22 =	vmul.f32 v22, v20;
	v26 =	vld [tilespmem:s29+$0xFFFFFF98];
	v16 =	vmul.f32 v16, v21;
	[tilespmem:s28+$0xFFFFFED0] =	vst v28  }
0x27a: {  	v21 =	vmul.f32 v24, v21;
	[tilespmem:s30+$0x140] =	vst v4;
	v24 =	vld [tilespmem:s2+$0xFFFFFF60];
	v4 =	vmul.f32 v14, v13  }
0x27b: {  	v13 =	vshll.u32 v17, $0x10;
	v14 =	vand.u32 $0xFFFF0000, v17;
	[tilespmem:s30+$0x150] =	vst v22  }
0x27c: {  	v13 =	vmul.f32 v13, v11;
	v14 =	vmul.f32 v14, v11;
	[tilespmem:s30+$0x20] =	vst v16;
	v16 =	vld [tilespmem:s29+$0xB8]  }
0x27d: {  	[tilespmem:s30+$0x30] =	vst v21  }
0x27e: {  	[tilespmem:s30+$0xFFFFFE40] =	vst v13;
	v13 =	vshll.u32 v26, $0x10;
	v17 =	vand.u32 $0xFFFF0000, v26;
	v21 =	vld [tilespmem:s29+$0x20]  }
0x27f: {  	[tilespmem:s30+$0xFFFFFE50] =	vst v14;
	v13 =	vmul.f32 v13, v9;
	v14 =	vmul.f32 v17, v9;
	v17 =	vshll.u32 v24, $0x10  }
0x280: {  	v24 =	vand.u32 $0xFFFF0000, v24;
	v22 =	vld [tilespmem:s29+$0xFFFFFF20];
	v17 =	vmul.f32 v17, v2;
	[tilespmem:s28+$0xFFFFFFC0] =	vst v25  }
0x281: {  	v24 =	vmul.f32 v24, v2;
	v2 =	vmov v18;
	[tilespmem:s30+$0xFFFFFF40] =	vst v13;
	v13 =	vshll.u32 v16, $0x10  }
0x282: {  	[tilespmem:s30+$0xFFFFFF50] =	vst v14;
	v14 =	vand.u32 $0xFFFF0000, v16;
	v13 =	vmul.f32 v13, v20  }
0x283: {  	v16 =	vld [tilespmem:s29+$0xFFFFFFA8];
	v18 =	vshll.u32 v21, $0x10;
	v21 =	vand.u32 $0xFFFF0000, v21;
	v14 =	vmul.f32 v14, v20;
	[tilespmem:s28+$0xFFFFFFD0] =	vst v15  }
0x284: {  	v15 =	vmul.f32 v18, v10;
	v18 =	vmul.f32 v21, v10;
	[tilespmem:s30+$0x160] =	vst v13;
	v13 =	vld [tilespmem:s2+$0xFFFFFFE8]  }
0x285: {  	v20 =	vshll.u32 v22, $0x10;
	v21 =	vand.u32 $0xFFFF0000, v22;
	[tilespmem:s30+$0x170] =	vst v14  }
0x286: {  	v14 =	vmul.f32 v20, v11;
	v11 =	vmul.f32 v21, v11;
	[tilespmem:s30+$0x40] =	vst v15;
	v15 =	vld [tilespmem:s29+$0xC8]  }
0x287: {  	[tilespmem:s30+$0x50] =	vst v18  }
0x288: {  	[tilespmem:s30+$0xFFFFFE60] =	vst v14;
	v14 =	vshll.u32 v16, $0x10;
	v16 =	vand.u32 $0xFFFF0000, v16;
	v18 =	vld [tilespmem:s29+$0x30]  }
0x289: {  	[tilespmem:s30+$0xFFFFFE70] =	vst v11;
	v14 =	vmul.f32 v14, v9;
	v16 =	vmul.f32 v16, v9;
	v9 =	vshll.u32 v13, $0x10  }
0x28a: {  	v21 =	vbroadcast v62, $0x2;
	v13 =	vand.u32 $0xFFFF0000, v13;
	v20 =	vld [tilespmem:s29+$0xFFFFFF30];
	v11 =	vmul.f32 v9, v3;
	[tilespmem:s28+$0xC0] =	vst v19  }
0x28b: {  	v9 =	vmul.f32 v13, v3;
	v3 =	vmov v12;
	[tilespmem:s30+$0xFFFFFF60] =	vst v14;
	v14 =	vshll.u32 v15, $0x10  }
0x28c: {  	v12 =	vand.u32 $0xFFFF0000, v15;
	[tilespmem:s30+$0xFFFFFF70] =	vst v16;
	v13 =	vmul.f32 v14, v21  }
0x28d: {  	v12 =	vmul.f32 v12, v21;
	v14 =	vld [tilespmem:s29+$0xFFFFFFB8];
	v15 =	vshll.u32 v18, $0x10;
	v16 =	vand.u32 $0xFFFF0000, v18;
	[tilespmem:s28+$0xD0] =	vst v23  }
0x28e: {  	v15 =	vmul.f32 v15, v10;
	v10 =	vmul.f32 v16, v10;
	[tilespmem:s30+$0x180] =	vst v13;
	v13 =	vld [tilespmem:s2+$0x70];
	s2 =	smov.u32 s29  }
0x28f: {  	v16 =	vshll.u32 v20, $0x10;
	v18 =	vand.u32 $0xFFFF0000, v20;
	[tilespmem:s30+$0x190] =	vst v12  }
0x290: {  	v12 =	vmul.f32 v16, v7;
	v16 =	vmul.f32 v18, v7;
	[tilespmem:s30+$0x60] =	vst v15;
	v15 =	vld [tilespmem:s29+$0xD8]  }
0x291: {  	[tilespmem:s30+$0x70] =	vst v10  }
0x292: {  	[tilespmem:s30+$0xFFFFFE80] =	vst v12;
	v10 =	vshll.u32 v14, $0x10;
	v12 =	vand.u32 $0xFFFF0000, v14;
	v14 =	vld [tilespmem:s29+$0x40]  }
0x293: {  	[tilespmem:s30+$0xFFFFFE90] =	vst v16;
	v10 =	vmul.f32 v10, v6;
	v16 =	vmul.f32 v12, v6;
	v12 =	vshll.u32 v13, $0x10  }
0x294: {  	v13 =	vand.u32 $0xFFFF0000, v13;
	v18 =	vld [tilespmem:s29+$0xFFFFFF40];
	[tilespmem:s28+$0xFFFFFEE0] =	vst v17;
	v12 =	vmul.f32 v12, v63  }
0x295: {  	[tilespmem:s30+$0xFFFFFF80] =	vst v10;
	v17 =	vshll.u32 v15, $0x10;
	v10 =	vmul.f32 v13, v63;
	v63 =	vmov v8  }
0x296: {  	v8 =	vand.u32 $0xFFFF0000, v15;
	[tilespmem:s30+$0xFFFFFF90] =	vst v16;
	v13 =	vmul.f32 v17, v21  }
0x297: {  	v8 =	vmul.f32 v8, v21;
	v16 =	vld [tilespmem:s29+$0xFFFFFFC8];
	v15 =	vshll.u32 v14, $0x10;
	v14 =	vand.u32 $0xFFFF0000, v14;
	[tilespmem:s28+$0xFFFFFEF0] =	vst v24  }
.Ltmp0:
0x298: {  	v15 =	vmul.f32 v15, v5;
	v14 =	vmul.f32 v14, v5;
	[tilespmem:s30+$0x1A0] =	vst v13;
	(pc) =	sbr.rel @p0 .LBB2_3-.Ltmp0, $4  }
0x299: {  	v13 =	vshll.u32 v18, $0x10;
	v17 =	vand.u32 $0xFFFF0000, v18;
	[tilespmem:s30+$0x1B0] =	vst v8  }
0x29a: {  	v8 =	vmul.f32 v13, v7;
	v13 =	vmul.f32 v17, v7;
	[tilespmem:s30+$0x80] =	vst v15;
	v7 =	vld [tilespmem:s29+$0xE8]  }
0x29b: {  	[tilespmem:s30+$0x90] =	vst v14  }
0x29c: {  	s20 =	sadd.s32 $0x40, s20;
	[tilespmem:s30+$0xFFFFFEA0] =	vst v8;
	v15 =	vshll.u32 v16, $0x10;
	v14 =	vand.u32 $0xFFFF0000, v16;
	v8 =	vld [tilespmem:s29+$0x50]  }
0x29d: {  	_ =	sdelay $0x1  }
0x29e: {  	v15 =	vmul.f32 v15, v6  }
0x29f: {  	[tilespmem:s30+$0xFFFFFEB0] =	vst v13;
	v27 =	vmul.f32 v14, v6  }
0x2a0: {  	v18 =	vld [tilespmem:s2+$0xFFFFFF50];
	[tilespmem:s30+$0xFFFFFFA0] =	vst v15;
	v16 =	vshll.u32 v8, $0x10  }
0x2a1: {  	[tilespmem:s30+$0xFFFFFFB0] =	vst v27;
	v17 =	vand.u32 $0xFFFF0000, v8;
	v13 =	vmul.f32 v16, v5  }
0x2a2: {  	v6 =	vbroadcast v62, $0x3;
	[tilespmem:s28+$0xFFFFFFE0] =	vst v11;
	v20 =	vld [tilespmem:s2+$0xFFFFFFD8];
	v19 =	vmul.f32 v17, v5  }
0x2a3: {  	v21 =	vshll.u32 v7, $0x10;
	[tilespmem:s30+$0xA0] =	vst v13  }
0x2a4: {  	v22 =	vand.u32 $0xFFFF0000, v7;
	v23 =	vmul.f32 v21, v6;
	[tilespmem:s31+$0xB0] =	vst v19  }
0x2a5: {  	[tilespmem:s28+$0xFFFFFFF0] =	vst v9;
	v5 =	vmul.f32 v22, v6;
	v25 =	vshll.u32 v18, $0x10;
	v24 =	vld [tilespmem:s2+$0x60]  }
0x2a6: {  	[tilespmem:s30+$0x1C0] =	vst v23;
	v26 =	vand.u32 $0xFFFF0000, v18;
	v9 =	vmul.f32 v25, v2  }
0x2a7: {  	[tilespmem:s30+$0x1D0] =	vst v5;
	v7 =	vmul.f32 v26, v2;
	v27 =	vshll.u32 v20, $0x10  }
0x2a8: {  	v8 =	vand.u32 $0xFFFF0000, v20;
	v5 =	vmul.f32 v27, v3;
	[tilespmem:s31+$0xFFFFFEC0] =	vst v9  }
0x2a9: {  	v62 =	vld [tilespmem:s2+$0xF8];
	v8 =	vmul.f32 v8, v3;
	[tilespmem:s31+$0xFFFFFED0] =	vst v7  }
0x2aa: {  	v17 =	vld [tilespmem:s2+$0xFFFFFF60];
	[tilespmem:s31+$0xFFFFFFC0] =	vst v5;
	v15 =	vshll.u32 v24, $0x10  }
0x2ab: {  	[tilespmem:s31+$0xFFFFFFD0] =	vst v8;
	v16 =	vand.u32 $0xFFFF0000, v24;
	v9 =	vmul.f32 v15, v63  }
0x2ac: {  	[tilespmem:s28+$0xE0] =	vst v12;
	v19 =	vld [tilespmem:s2+$0xFFFFFFE8];
	v18 =	vmul.f32 v16, v63  }
0x2ad: {  	[tilespmem:s31+$0xC0] =	vst v9  }
0x2ae: {  	v20 =	vand.u32 $0xFFFF0000, v62;
	[tilespmem:s31+$0xD0] =	vst v18  }
0x2af: {  	[tilespmem:s28+$0xF0] =	vst v10;
	v21 =	vmul.f32 v20, v6;
	v23 =	vshll.u32 v17, $0x10;
	v22 =	vld [tilespmem:s2+$0x70]  }
0x2b0: {  	[tilespmem:s28+$0x1E0] =	vst v4;
	v24 =	vand.u32 $0xFFFF0000, v17;
	v9 =	vmul.f32 v23, v2  }
0x2b1: {  	[tilespmem:s31+$0x1F0] =	vst v21;
	v2 =	vmul.f32 v24, v2;
	v25 =	vshll.u32 v19, $0x10;
	v26 =	vand.u32 $0xFFFF0000, v19  }
0x2b2: {  	v4 =	vmul.f32 v25, v3;
	v3 =	vmul.f32 v26, v3;
	[tilespmem:s31+$0xFFFFFEE0] =	vst v9  }
0x2b3: {  	v62 =	vshll.u32 v62, $0x10;
	[tilespmem:s31+$0xFFFFFEF0] =	vst v2  }
0x2b4: {  	[tilespmem:s31+$0xFFFFFFF0] =	vst v3;
	v3 =	vmul.f32 v62, v6;
	v27 =	vshll.u32 v22, $0x10  }
0x2b5: {  	[tilespmem:s31+$0xFFFFFFE0] =	vst v4;
	v2 =	vand.u32 $0xFFFF0000, v22;
	v5 =	vmul.f32 v27, v63  }
0x2b6: {  	[tilespmem:s31+$0x1E0] =	vst v3;
	v2 =	vmul.f32 v2, v63  }
0x2b7: {  	[tilespmem:s31+$0xE0] =	vst v5  }
0x2b8: {  	[tilespmem:s31+$0xF0] =	vst v2  }
0x2b9: {  	[spmem:s1] =	stream.indirect.scatter.add.f32 [tilespmem:s24], [sflag:$0x1], $0x100, s21, s21, $0xb8;
	[tilespmem:$0x1E510] =	vst v63  }
0x2ba: {  	s26 =	sadd.s32 $0x1, s26;
	_ =	swait.ge [sflag:s17], $0x8000  }
0x2bb: {  	p0 =	sne.s32 s26, $0x28;
	[sflag:s17] =	ssyncset.done $0x0  }
.Ltmp1:
0x2bc: {  	[sflag:s17] =	ssyncadd.s32 $0xFFFF8000;
	(pc) =	sbr.rel @p0 .LBB2_2-.Ltmp1, $4  }
0x2bd: {  	[spmem:s3] =	stream.indirect.scatter.add.f32 [tilespmem:s19], [sflag:$0x1], $0x10, s21, s21, $0xb8;
	[tilespmem:$0x1E510] =	vst v63  }
0x2be: {  	_ =	swait.ge [sflag:s17], $0x800  }
0x2bf: {  	[sflag:s17] =	ssyncset.done $0x0  }
0x2c0: {  	[sflag:s17] =	ssyncadd.s32 $0xFFFFF800  }
0x2c1: {  	[bflag:$0x0] =	sbarrier.arrive $0xFFFF  }
0x2c2: {  	[hbm:s13], [sflag:s11] =	dma.local [spmem:s16], $0x2000  }
0x2c3: {  	s25 =	sadd.s32 $0x1, s25;
	_ =	swait.ge [sflag:s17], $0x2000  }
0x2c4: {  	p0 =	sne.s32 s25, s15;
	[sflag:s17] =	ssyncset.done $0x0  }
.Ltmp2:
0x2c5: {  	[sflag:s17] =	ssyncadd.s32 $0xFFFFE000;
	(pc) =	sbr.rel @p0 .LBB2_1-.Ltmp2, $4  }
0x2c6: {  	[hbm:s14], [sflag:s11] =	dma.local [spmem:s18], $0x200  }
0x2c7: {  	_ =	swait.ge [sflag:s17], $0x200  }
0x2c8: {  	[sflag:s17] =	ssyncset.done $0x0  }
0x2c9: {  	[sflag:s17] =	ssyncadd.s32 $0xFFFFFE00  }
0x2ca: {  	_ =	sfence.sel $0x180000  }
0x2cb: {  	[bflag:$0x0] =	sbarrier.arrive $0xFFFF  }
0x2cc: {  	_ =	strace $0x90000047  }
0x2cd: {  	s0 =	stileid.u32;
	[bflag:$0x2] =	sbarrier.arrive $0xFFFF  }
0x2ce: {  	p0 =	sne.s32 s0, $0x0;
	s0 =	rddreg [dreg:$0x4]  }
0x2cf: {  	s0 =	sadd.s32 @!p0 $0x100000, s0  }
0x2d0: {  	[sflag:s0] =	ssyncadd.tile.s32 @!p0 $0x1;
	_ =	shalt  }
.Lfunc_end2:
_tile_overlayer_lowered:
.L_overlay_start_2:
0x2d1: {  	(tag) =	ssettag $0x2  }
0x2d2: {  	s0 =	rddreg [dreg:$0x0];
	s2 =	stileid.u32  }
0x2d3: {  	s1 =	rddreg [dreg:$0x1];
	p0 =	sne.s32 s2, $0x0  }
0x2d4: {  	s3 =	rddreg [dreg:$0x2];
	[bflag:$0x3] =	sbarrier.arrive $0xFFFF;
	s2 =	simm.s32 @!p0 $0x1C01  }
0x2d5: {  	[timem:s3], [sflag:s2] =	dma.local @!p0 [hbm:s0], s1  }
0x2d6: {  	s0 =	simm.s32 @!p0 $0x1  }
0x2d7: {  	_ =	swait.ge @!p0 [sflag:s0], s1  }
0x2d8: {  	s1 =	ssub.s32 @!p0 $0x0, s1;
	[sflag:s0] =	ssyncset.done @!p0 $0x0  }
0x2d9: {  	[sflag:s0] =	ssyncadd.s32 @!p0 s1  }
0x2da: {  	[bflag:$0x3] =	sbarrier.arrive $0xFFFF  }
0x2db: {  	_ =	shalt  }

</sc_bundles>
